<compile_context>
chip_gen: v7x
topology: tpu7x:2x2x1
jax: 0.10.2.dev20260603
libtpu: 0.0.44.dev20260713+nightly
codegen_flags: <defaults>
</compile_context>

<pallas_src>
import functools

import jax
import jax.numpy as jnp
from jax import lax
from jax.experimental import pallas as pl
from jax.experimental.pallas import tpu as pltpu
from jax.experimental.pallas import tpu_sc as plsc

_EPS = 1e-05
_MAX_VALUE = 1.0 / (1.0 + _EPS)

_NC = 2
_NS = 16
_NW = _NC * _NS

_R = 64
_DEPTH = 4


def _compute_chunk(in_v, out_v):
    lane = lax.iota(jnp.int32, 16)
    lane0 = lane == 0
    neg_inf = jnp.float32(-jnp.inf)

    def row_body(r, _):
        vs = [in_v[r, pl.ds(16 * k, 16)] for k in range(8)]
        m = jnp.where(lane0, neg_inf, vs[0])
        for k in range(1, 8):
            m = jnp.maximum(m, vs[k])
        for d in (8, 4, 2, 1):
            m = jnp.maximum(m, m.at[lane ^ d].get(mode="promise_in_bounds"))
        s = m * jnp.float32(127.0)
        scale = s / (s + jnp.float32(_EPS))
        c1 = jnp.float32(_MAX_VALUE) - m
        for k in range(8):
            o = jnp.maximum(vs[k] + c1, 0.0) * scale
            if k == 0:
                special = jnp.float32(_EPS) * (
                    jnp.maximum(vs[0] + jnp.float32(_MAX_VALUE), 0.0) + 1.0
                )
                o = jnp.where(lane0, special, o)
            out_v[r, pl.ds(16 * k, 16)] = o
        return 0

    lax.fori_loop(0, _R, row_body, 0)


def _sc_body(x_hbm, out_hbm, *scratch, rows_per_worker):
    ins = scratch[:_DEPTH]
    outs = scratch[_DEPTH:2 * _DEPTH]
    sem_is = scratch[2 * _DEPTH:3 * _DEPTH]
    sem_os = scratch[3 * _DEPTH:4 * _DEPTH]

    wid = lax.axis_index("s") * _NC + lax.axis_index("c")
    base = wid * rows_per_worker
    n_chunks = rows_per_worker // _R
    n_groups = n_chunks // _DEPTH

    def src_at(c):
        return x_hbm.at[pl.ds(base + c * _R, _R), :]

    def dst_at(c):
        return out_hbm.at[pl.ds(base + c * _R, _R), :]

    def wait_in(b):
        pltpu.make_async_copy(src_at(0), ins[b], sem_is[b]).wait()

    def wait_out(b):
        pltpu.make_async_copy(outs[b], dst_at(0), sem_os[b]).wait()

    for b in range(_DEPTH):
        pltpu.async_copy(src_at(b), ins[b], sem_is[b])

    def step(c, b, prefetch, first):
        wait_in(b)
        if not first:
            wait_out(b)
        _compute_chunk(ins[b], outs[b])
        pltpu.async_copy(outs[b], dst_at(c), sem_os[b])
        if prefetch:
            pltpu.async_copy(src_at(c + _DEPTH), ins[b], sem_is[b])

    def group_body(j, _):
        for b in range(_DEPTH):
            step(j * _DEPTH + b, b, True, False)
        return 0

    for b in range(_DEPTH):
        step(b, b, True, True)
    lax.fori_loop(1, n_groups - 1, group_body, 0)
    for b in range(_DEPTH):
        step((n_groups - 1) * _DEPTH + b, b, False, False)
    for b in range(_DEPTH):
        wait_out(b)


def kernel(X):
    N, L = X.shape
    rows_per_worker = N // _NW
    mesh = plsc.VectorSubcoreMesh(core_axis_name="c", subcore_axis_name="s")
    f = pl.kernel(
        functools.partial(_sc_body, rows_per_worker=rows_per_worker),
        mesh=mesh,
        out_type=jax.ShapeDtypeStruct((N, L), jnp.float32),
        scratch_types=(
            [pltpu.VMEM((_R, L), jnp.float32) for _ in range(2 * _DEPTH)]
            + [pltpu.SemaphoreType.DMA for _ in range(2 * _DEPTH)]
        ),
    )
    return f(X)

# --- scband reference (transcript-rebuilt; emitter-appended) ---
"""Pipeline reference for scband-weighted-lcanet-48146583388994 (READ-ONLY COPY).

The authoritative reference and input builder live on the scoring server;
editing this copy changes nothing except your own understanding.
"""

import jax, jax.numpy as jnp
import numpy as np

EPS = 1e-05
MAX_VALUE = 1.0 / (1.0 + EPS)
PARENT_TO_CHILDREN = {}
LEAVES = list(range(128))
NODES = list(range(128))


def _postorder_traversal(nodes, root=1, order=None):
    if order is None:
        order = []
    if root in nodes:
        for child in nodes[root]:
            _postorder_traversal(nodes, root=child, order=order)
    order.append(root)
    return order


POSTORDER = _postorder_traversal(PARENT_TO_CHILDREN)


def setup_inputs(seed: int = 0) -> dict:
    key = jax.random.key(seed)
    X = jax.random.normal(key, (131072, 128), dtype=jnp.float32)
    return {"X": X}


def reference(X):
    N, L = X.shape
    row_maxes = jnp.max(X[:, 1:], axis=1)
    maxes_rep = jnp.repeat(row_maxes, L - 1).reshape(N, L - 1)
    sum_leaves = jnp.sum(maxes_rep, axis=1)
    Xmax_excl_unc = jnp.zeros_like(X).at[:, 1:].set(maxes_rep)
    Xr = jax.nn.relu(X - Xmax_excl_unc + MAX_VALUE)
    result = jnp.zeros((N, len(NODES)), dtype=X.dtype)
    scale = sum_leaves / (sum_leaves + EPS)
    for i, leaf in enumerate(LEAVES):
        if leaf != 0:
            result = result.at[:, leaf].set(Xr[:, i] * scale)
        else:
            result = result.at[:, leaf].set(EPS * (Xr[:, i] + 1.0))
    for node in POSTORDER:
        if node not in LEAVES:
            for child in PARENT_TO_CHILDREN[node]:
                result = result.at[:, node].add((1.0 - EPS) * result[:, child])
    return result

if __name__ == "__main__":
    import jax
    _d = setup_inputs()
    print(jax.jit(kernel)(*tuple(_d.values())))

</pallas_src>

<mosaic_0001>
#map = affine_map<(d0, d1) -> (0, 0)>
module attributes {stable_mosaic.version = 14 : i64} {
  func.func @_sc_body(%arg0: i32, %arg1: i32, %arg2: memref<131072x128xf32, #tpu.memory_space<hbm>>, %arg3: memref<131072x128xf32, #tpu.memory_space<hbm>>, %arg4: memref<64x128xf32, #tpu.memory_space<vmem>>, %arg5: memref<64x128xf32, #tpu.memory_space<vmem>>, %arg6: memref<64x128xf32, #tpu.memory_space<vmem>>, %arg7: memref<64x128xf32, #tpu.memory_space<vmem>>, %arg8: memref<64x128xf32, #tpu.memory_space<vmem>>, %arg9: memref<64x128xf32, #tpu.memory_space<vmem>>, %arg10: memref<64x128xf32, #tpu.memory_space<vmem>>, %arg11: memref<64x128xf32, #tpu.memory_space<vmem>>, %arg12: memref<!tpu.dma_semaphore, #tpu.memory_space<semaphore_mem>>, %arg13: memref<!tpu.dma_semaphore, #tpu.memory_space<semaphore_mem>>, %arg14: memref<!tpu.dma_semaphore, #tpu.memory_space<semaphore_mem>>, %arg15: memref<!tpu.dma_semaphore, #tpu.memory_space<semaphore_mem>>, %arg16: memref<!tpu.dma_semaphore, #tpu.memory_space<semaphore_mem>>, %arg17: memref<!tpu.dma_semaphore, #tpu.memory_space<semaphore_mem>>, %arg18: memref<!tpu.dma_semaphore, #tpu.memory_space<semaphore_mem>>, %arg19: memref<!tpu.dma_semaphore, #tpu.memory_space<semaphore_mem>>) attributes {dimension_semantics = [#tpu.dimension_semantics<core_parallel>, #tpu.dimension_semantics<subcore_parallel>], iteration_bounds = array<i64: 2, 16>, scalar_prefetch = 0 : i64, scratch_operands = 16 : i64, tpu.core_type = #tpu.core_type<sc_vector_subcore>, window_params = [{transform_indices = #map}, {transform_indices = #map}]} {
    %mul3A = arith.constant 2 : i32
    %mul3A_0 = arith.muli %arg1, %mul3A : i32
    %add3A = arith.addi %mul3A_0, %arg0 : i32
    %mul3A_1 = arith.constant 4096 : i32
    %mul3A_2 = arith.muli %add3A, %mul3A_1 : i32
    %add3A_3 = arith.constant 0 : i32
    %add3A_4 = arith.addi %mul3A_2, %add3A_3 : i32
    %dma_start3A = arith.constant 0 : i32
    %dma_start3A_5 = tpu.memref_slice %arg2[%add3A_4, %dma_start3A] : memref<131072x128xf32, #tpu.memory_space<hbm>> -> memref<64x128xf32, #tpu.memory_space<hbm>>
    %dma_start3A_6 = arith.constant 0 : i32
    %dma_start3A_7 = tpu.memref_slice %arg2[%add3A_4, %dma_start3A_6] : memref<131072x128xf32, #tpu.memory_space<hbm>> -> memref<64x128xf32, #tpu.memory_space<hbm>>
    tpu.enqueue_dma source(%dma_start3A_7 : memref<64x128xf32, #tpu.memory_space<hbm>>) target(%arg4 : memref<64x128xf32, #tpu.memory_space<vmem>>) target_semaphore(%arg12 : memref<!tpu.dma_semaphore, #tpu.memory_space<semaphore_mem>>)
    %add3A_8 = arith.constant 64 : i32
    %add3A_9 = arith.addi %mul3A_2, %add3A_8 : i32
    %dma_start3A_10 = arith.constant 0 : i32
    %dma_start3A_11 = tpu.memref_slice %arg2[%add3A_9, %dma_start3A_10] : memref<131072x128xf32, #tpu.memory_space<hbm>> -> memref<64x128xf32, #tpu.memory_space<hbm>>
    %dma_start3A_12 = arith.constant 0 : i32
    %dma_start3A_13 = tpu.memref_slice %arg2[%add3A_9, %dma_start3A_12] : memref<131072x128xf32, #tpu.memory_space<hbm>> -> memref<64x128xf32, #tpu.memory_space<hbm>>
    tpu.enqueue_dma source(%dma_start3A_13 : memref<64x128xf32, #tpu.memory_space<hbm>>) target(%arg5 : memref<64x128xf32, #tpu.memory_space<vmem>>) target_semaphore(%arg13 : memref<!tpu.dma_semaphore, #tpu.memory_space<semaphore_mem>>)
    %add3A_14 = arith.constant 128 : i32
    %add3A_15 = arith.addi %mul3A_2, %add3A_14 : i32
    %dma_start3A_16 = arith.constant 0 : i32
    %dma_start3A_17 = tpu.memref_slice %arg2[%add3A_15, %dma_start3A_16] : memref<131072x128xf32, #tpu.memory_space<hbm>> -> memref<64x128xf32, #tpu.memory_space<hbm>>
    %dma_start3A_18 = arith.constant 0 : i32
    %dma_start3A_19 = tpu.memref_slice %arg2[%add3A_15, %dma_start3A_18] : memref<131072x128xf32, #tpu.memory_space<hbm>> -> memref<64x128xf32, #tpu.memory_space<hbm>>
    tpu.enqueue_dma source(%dma_start3A_19 : memref<64x128xf32, #tpu.memory_space<hbm>>) target(%arg6 : memref<64x128xf32, #tpu.memory_space<vmem>>) target_semaphore(%arg14 : memref<!tpu.dma_semaphore, #tpu.memory_space<semaphore_mem>>)
    %add3A_20 = arith.constant 192 : i32
    %add3A_21 = arith.addi %mul3A_2, %add3A_20 : i32
    %dma_start3A_22 = arith.constant 0 : i32
    %dma_start3A_23 = tpu.memref_slice %arg2[%add3A_21, %dma_start3A_22] : memref<131072x128xf32, #tpu.memory_space<hbm>> -> memref<64x128xf32, #tpu.memory_space<hbm>>
    %dma_start3A_24 = arith.constant 0 : i32
    %dma_start3A_25 = tpu.memref_slice %arg2[%add3A_21, %dma_start3A_24] : memref<131072x128xf32, #tpu.memory_space<hbm>> -> memref<64x128xf32, #tpu.memory_space<hbm>>
    tpu.enqueue_dma source(%dma_start3A_25 : memref<64x128xf32, #tpu.memory_space<hbm>>) target(%arg7 : memref<64x128xf32, #tpu.memory_space<vmem>>) target_semaphore(%arg15 : memref<!tpu.dma_semaphore, #tpu.memory_space<semaphore_mem>>)
    %add3A_26 = arith.constant 0 : i32
    %add3A_27 = arith.addi %mul3A_2, %add3A_26 : i32
    %dma_wait3A = arith.constant 0 : i32
    %dma_wait3A_28 = tpu.memref_slice %arg2[%add3A_27, %dma_wait3A] : memref<131072x128xf32, #tpu.memory_space<hbm>> -> memref<64x128xf32, #tpu.memory_space<hbm>>
    %dma_wait3A_29 = arith.constant 0 : i32
    %dma_wait3A_30 = tpu.memref_slice %arg2[%add3A_27, %dma_wait3A_29] : memref<131072x128xf32, #tpu.memory_space<hbm>> -> memref<64x128xf32, #tpu.memory_space<hbm>>
    tpu.wait_dma2 semaphore(%arg12 : memref<!tpu.dma_semaphore, #tpu.memory_space<semaphore_mem>>) src(%dma_wait3A_30 : memref<64x128xf32, #tpu.memory_space<hbm>>) dst(%arg4 : memref<64x128xf32, #tpu.memory_space<vmem>>)
    %iota3A = tpu.iota {dimensions = array<i32: 0>} : vector<16xi32>
    %eq3A = arith.constant 0 : i32
    %eq3A_31 = vector.broadcast %eq3A : i32 to vector<16xi32>
    %eq3A_32 = arith.cmpi eq, %iota3A, %eq3A_31 : vector<16xi32>
    %scan3A = arith.constant 0xFF800000 : f32
    %scan3A_33 = arith.constant 0 : i32
    %scan3A_34 = arith.constant 0 : i32
    %scan3A_35 = arith.constant 64 : i32
    %scan3A_36 = arith.addi %scan3A_34, %scan3A_35 : i32
    %scan3A_37 = arith.constant 1 : i32
    %scan3A_38 = scf.for %scan3A_293 = %scan3A_34 to %scan3A_36 step %scan3A_37 iter_args(%scan3A_294 = %scan3A_33) -> (i32)  : i32 {
      %get3A = arith.index_cast %scan3A_293 : i32 to index
      %get3A_295 = arith.constant 0 : index
      %get3A_296 = tpu.vector_load %arg4[%get3A, %get3A_295] {strides = array<i32>} : memref<64x128xf32, #tpu.memory_space<vmem>>, vector<1x16xf32>,
      %get3A_297 = vector.shape_cast %get3A_296 : vector<1x16xf32> to vector<16xf32>
      %get3A_298 = arith.index_cast %scan3A_293 : i32 to index
      %get3A_299 = arith.constant 16 : index
      %get3A_300 = tpu.vector_load %arg4[%get3A_298, %get3A_299] {strides = array<i32>} : memref<64x128xf32, #tpu.memory_space<vmem>>, vector<1x16xf32>,
      %get3A_301 = vector.shape_cast %get3A_300 : vector<1x16xf32> to vector<16xf32>
      %get3A_302 = arith.index_cast %scan3A_293 : i32 to index
      %get3A_303 = arith.constant 32 : index
      %get3A_304 = tpu.vector_load %arg4[%get3A_302, %get3A_303] {strides = array<i32>} : memref<64x128xf32, #tpu.memory_space<vmem>>, vector<1x16xf32>,
      %get3A_305 = vector.shape_cast %get3A_304 : vector<1x16xf32> to vector<16xf32>
      %get3A_306 = arith.index_cast %scan3A_293 : i32 to index
      %get3A_307 = arith.constant 48 : index
      %get3A_308 = tpu.vector_load %arg4[%get3A_306, %get3A_307] {strides = array<i32>} : memref<64x128xf32, #tpu.memory_space<vmem>>, vector<1x16xf32>,
      %get3A_309 = vector.shape_cast %get3A_308 : vector<1x16xf32> to vector<16xf32>
      %get3A_310 = arith.index_cast %scan3A_293 : i32 to index
      %get3A_311 = arith.constant 64 : index
      %get3A_312 = tpu.vector_load %arg4[%get3A_310, %get3A_311] {strides = array<i32>} : memref<64x128xf32, #tpu.memory_space<vmem>>, vector<1x16xf32>,
      %get3A_313 = vector.shape_cast %get3A_312 : vector<1x16xf32> to vector<16xf32>
      %get3A_314 = arith.index_cast %scan3A_293 : i32 to index
      %get3A_315 = arith.constant 80 : index
      %get3A_316 = tpu.vector_load %arg4[%get3A_314, %get3A_315] {strides = array<i32>} : memref<64x128xf32, #tpu.memory_space<vmem>>, vector<1x16xf32>,
      %get3A_317 = vector.shape_cast %get3A_316 : vector<1x16xf32> to vector<16xf32>
      %get3A_318 = arith.index_cast %scan3A_293 : i32 to index
      %get3A_319 = arith.constant 96 : index
      %get3A_320 = tpu.vector_load %arg4[%get3A_318, %get3A_319] {strides = array<i32>} : memref<64x128xf32, #tpu.memory_space<vmem>>, vector<1x16xf32>,
      %get3A_321 = vector.shape_cast %get3A_320 : vector<1x16xf32> to vector<16xf32>
      %get3A_322 = arith.index_cast %scan3A_293 : i32 to index
      %get3A_323 = arith.constant 112 : index
      %get3A_324 = tpu.vector_load %arg4[%get3A_322, %get3A_323] {strides = array<i32>} : memref<64x128xf32, #tpu.memory_space<vmem>>, vector<1x16xf32>,
      %get3A_325 = vector.shape_cast %get3A_324 : vector<1x16xf32> to vector<16xf32>
      %broadcast_in_dim3A = vector.broadcast %scan3A : f32 to vector<16xf32>
      %select_n3A = arith.select %eq3A_32, %broadcast_in_dim3A, %get3A_297 : vector<16xi1>, vector<16xf32>
      %max3A = arith.maximumf %select_n3A, %get3A_301 : vector<16xf32>
      %max3A_326 = arith.maximumf %max3A, %get3A_305 : vector<16xf32>
      %max3A_327 = arith.maximumf %max3A_326, %get3A_309 : vector<16xf32>
      %max3A_328 = arith.maximumf %max3A_327, %get3A_313 : vector<16xf32>
      %max3A_329 = arith.maximumf %max3A_328, %get3A_317 : vector<16xf32>
      %max3A_330 = arith.maximumf %max3A_329, %get3A_321 : vector<16xf32>
      %max3A_331 = arith.maximumf %max3A_330, %get3A_325 : vector<16xf32>
      %xor3A = arith.constant 8 : i32
      %xor3A_332 = vector.broadcast %xor3A : i32 to vector<16xi32>
      %xor3A_333 = arith.xori %iota3A, %xor3A_332 : vector<16xi32>
      %lt3A = arith.constant 0 : i32
      %lt3A_334 = vector.broadcast %lt3A : i32 to vector<16xi32>
      %lt3A_335 = arith.cmpi slt, %xor3A_333, %lt3A_334 : vector<16xi32>
      %add3A_336 = arith.constant 16 : i32
      %add3A_337 = vector.broadcast %add3A_336 : i32 to vector<16xi32>
      %add3A_338 = arith.addi %xor3A_333, %add3A_337 : vector<16xi32>
      %select_n3A_339 = arith.select %lt3A_335, %add3A_338, %xor3A_333 : vector<16xi1>, vector<16xi32>
      %broadcast_in_dim3A_340 = vector.shape_cast %select_n3A_339 : vector<16xi32> to vector<16x1xi32>
      %gather3A = vector.shape_cast %broadcast_in_dim3A_340 : vector<16x1xi32> to vector<16xi32>
      %gather3A_341 = tpu.dynamic_gather %max3A_331[%gather3A] in [0] : vector<16xf32>, vector<16xi32> -> vector<16xf32>
      %max3A_342 = arith.maximumf %max3A_331, %gather3A_341 : vector<16xf32>
      %xor3A_343 = arith.constant 4 : i32
      %xor3A_344 = vector.broadcast %xor3A_343 : i32 to vector<16xi32>
      %xor3A_345 = arith.xori %iota3A, %xor3A_344 : vector<16xi32>
      %lt3A_346 = arith.constant 0 : i32
      %lt3A_347 = vector.broadcast %lt3A_346 : i32 to vector<16xi32>
      %lt3A_348 = arith.cmpi slt, %xor3A_345, %lt3A_347 : vector<16xi32>
      %add3A_349 = arith.constant 16 : i32
      %add3A_350 = vector.broadcast %add3A_349 : i32 to vector<16xi32>
      %add3A_351 = arith.addi %xor3A_345, %add3A_350 : vector<16xi32>
      %select_n3A_352 = arith.select %lt3A_348, %add3A_351, %xor3A_345 : vector<16xi1>, vector<16xi32>
      %broadcast_in_dim3A_353 = vector.shape_cast %select_n3A_352 : vector<16xi32> to vector<16x1xi32>
      %gather3A_354 = vector.shape_cast %broadcast_in_dim3A_353 : vector<16x1xi32> to vector<16xi32>
      %gather3A_355 = tpu.dynamic_gather %max3A_342[%gather3A_354] in [0] : vector<16xf32>, vector<16xi32> -> vector<16xf32>
      %max3A_356 = arith.maximumf %max3A_342, %gather3A_355 : vector<16xf32>
      %xor3A_357 = arith.constant 2 : i32
      %xor3A_358 = vector.broadcast %xor3A_357 : i32 to vector<16xi32>
      %xor3A_359 = arith.xori %iota3A, %xor3A_358 : vector<16xi32>
      %lt3A_360 = arith.constant 0 : i32
      %lt3A_361 = vector.broadcast %lt3A_360 : i32 to vector<16xi32>
      %lt3A_362 = arith.cmpi slt, %xor3A_359, %lt3A_361 : vector<16xi32>
      %add3A_363 = arith.constant 16 : i32
      %add3A_364 = vector.broadcast %add3A_363 : i32 to vector<16xi32>
      %add3A_365 = arith.addi %xor3A_359, %add3A_364 : vector<16xi32>
      %select_n3A_366 = arith.select %lt3A_362, %add3A_365, %xor3A_359 : vector<16xi1>, vector<16xi32>
      %broadcast_in_dim3A_367 = vector.shape_cast %select_n3A_366 : vector<16xi32> to vector<16x1xi32>
      %gather3A_368 = vector.shape_cast %broadcast_in_dim3A_367 : vector<16x1xi32> to vector<16xi32>
      %gather3A_369 = tpu.dynamic_gather %max3A_356[%gather3A_368] in [0] : vector<16xf32>, vector<16xi32> -> vector<16xf32>
      %max3A_370 = arith.maximumf %max3A_356, %gather3A_369 : vector<16xf32>
      %xor3A_371 = arith.constant 1 : i32
      %xor3A_372 = vector.broadcast %xor3A_371 : i32 to vector<16xi32>
      %xor3A_373 = arith.xori %iota3A, %xor3A_372 : vector<16xi32>
      %lt3A_374 = arith.constant 0 : i32
      %lt3A_375 = vector.broadcast %lt3A_374 : i32 to vector<16xi32>
      %lt3A_376 = arith.cmpi slt, %xor3A_373, %lt3A_375 : vector<16xi32>
      %add3A_377 = arith.constant 16 : i32
      %add3A_378 = vector.broadcast %add3A_377 : i32 to vector<16xi32>
      %add3A_379 = arith.addi %xor3A_373, %add3A_378 : vector<16xi32>
      %select_n3A_380 = arith.select %lt3A_376, %add3A_379, %xor3A_373 : vector<16xi1>, vector<16xi32>
      %broadcast_in_dim3A_381 = vector.shape_cast %select_n3A_380 : vector<16xi32> to vector<16x1xi32>
      %gather3A_382 = vector.shape_cast %broadcast_in_dim3A_381 : vector<16x1xi32> to vector<16xi32>
      %gather3A_383 = tpu.dynamic_gather %max3A_370[%gather3A_382] in [0] : vector<16xf32>, vector<16xi32> -> vector<16xf32>
      %max3A_384 = arith.maximumf %max3A_370, %gather3A_383 : vector<16xf32>
      %mul3A_385 = arith.constant 1.270000e+02 : f32
      %mul3A_386 = vector.broadcast %mul3A_385 : f32 to vector<16xf32>
      %mul3A_387 = arith.mulf %max3A_384, %mul3A_386 : vector<16xf32>
      %add3A_388 = arith.constant 9.99999974E-6 : f32
      %add3A_389 = vector.broadcast %add3A_388 : f32 to vector<16xf32>
      %add3A_390 = arith.addf %mul3A_387, %add3A_389 : vector<16xf32>
      %div3A = arith.divf %mul3A_387, %add3A_390 : vector<16xf32>
      %sub3A = arith.constant 0.999989986 : f32
      %sub3A_391 = vector.broadcast %sub3A : f32 to vector<16xf32>
      %sub3A_392 = arith.subf %sub3A_391, %max3A_384 : vector<16xf32>
      %add3A_393 = arith.addf %get3A_297, %sub3A_392 : vector<16xf32>
      %max3A_394 = arith.constant 0.000000e+00 : f32
      %max3A_395 = vector.broadcast %max3A_394 : f32 to vector<16xf32>
      %max3A_396 = arith.maximumf %add3A_393, %max3A_395 : vector<16xf32>
      %mul3A_397 = arith.mulf %max3A_396, %div3A : vector<16xf32>
      %add3A_398 = arith.constant 0.999989986 : f32
      %add3A_399 = vector.broadcast %add3A_398 : f32 to vector<16xf32>
      %add3A_400 = arith.addf %get3A_297, %add3A_399 : vector<16xf32>
      %max3A_401 = arith.constant 0.000000e+00 : f32
      %max3A_402 = vector.broadcast %max3A_401 : f32 to vector<16xf32>
      %max3A_403 = arith.maximumf %add3A_400, %max3A_402 : vector<16xf32>
      %add3A_404 = arith.constant 1.000000e+00 : f32
      %add3A_405 = vector.broadcast %add3A_404 : f32 to vector<16xf32>
      %add3A_406 = arith.addf %max3A_403, %add3A_405 : vector<16xf32>
      %mul3A_407 = arith.constant 9.99999974E-6 : f32
      %mul3A_408 = vector.broadcast %mul3A_407 : f32 to vector<16xf32>
      %mul3A_409 = arith.mulf %mul3A_408, %add3A_406 : vector<16xf32>
      %select_n3A_410 = arith.select %eq3A_32, %mul3A_409, %mul3A_397 : vector<16xi1>, vector<16xf32>
      %swap3A = arith.index_cast %scan3A_293 : i32 to index
      %swap3A_411 = arith.constant 0 : index
      %swap3A_412 = tpu.vector_load %arg8[%swap3A, %swap3A_411] {strides = array<i32>} : memref<64x128xf32, #tpu.memory_space<vmem>>, vector<1x16xf32>,
      %swap3A_413 = vector.shape_cast %swap3A_412 : vector<1x16xf32> to vector<16xf32>
      %swap3A_414 = vector.shape_cast %select_n3A_410 : vector<16xf32> to vector<1x16xf32>
      tpu.vector_store %arg8[%swap3A, %swap3A_411], %swap3A_414 {strides = array<i32>} : memref<64x128xf32, #tpu.memory_space<vmem>>, vector<1x16xf32>,
      %add3A_415 = arith.addf %get3A_301, %sub3A_392 : vector<16xf32>
      %max3A_416 = arith.constant 0.000000e+00 : f32
      %max3A_417 = vector.broadcast %max3A_416 : f32 to vector<16xf32>
      %max3A_418 = arith.maximumf %add3A_415, %max3A_417 : vector<16xf32>
      %mul3A_419 = arith.mulf %max3A_418, %div3A : vector<16xf32>
      %swap3A_420 = arith.index_cast %scan3A_293 : i32 to index
      %swap3A_421 = arith.constant 16 : index
      %swap3A_422 = tpu.vector_load %arg8[%swap3A_420, %swap3A_421] {strides = array<i32>} : memref<64x128xf32, #tpu.memory_space<vmem>>, vector<1x16xf32>,
      %swap3A_423 = vector.shape_cast %swap3A_422 : vector<1x16xf32> to vector<16xf32>
      %swap3A_424 = vector.shape_cast %mul3A_419 : vector<16xf32> to vector<1x16xf32>
      tpu.vector_store %arg8[%swap3A_420, %swap3A_421], %swap3A_424 {strides = array<i32>} : memref<64x128xf32, #tpu.memory_space<vmem>>, vector<1x16xf32>,
      %add3A_425 = arith.addf %get3A_305, %sub3A_392 : vector<16xf32>
      %max3A_426 = arith.constant 0.000000e+00 : f32
      %max3A_427 = vector.broadcast %max3A_426 : f32 to vector<16xf32>
      %max3A_428 = arith.maximumf %add3A_425, %max3A_427 : vector<16xf32>
      %mul3A_429 = arith.mulf %max3A_428, %div3A : vector<16xf32>
      %swap3A_430 = arith.index_cast %scan3A_293 : i32 to index
      %swap3A_431 = arith.constant 32 : index
      %swap3A_432 = tpu.vector_load %arg8[%swap3A_430, %swap3A_431] {strides = array<i32>} : memref<64x128xf32, #tpu.memory_space<vmem>>, vector<1x16xf32>,
      %swap3A_433 = vector.shape_cast %swap3A_432 : vector<1x16xf32> to vector<16xf32>
      %swap3A_434 = vector.shape_cast %mul3A_429 : vector<16xf32> to vector<1x16xf32>
      tpu.vector_store %arg8[%swap3A_430, %swap3A_431], %swap3A_434 {strides = array<i32>} : memref<64x128xf32, #tpu.memory_space<vmem>>, vector<1x16xf32>,
      %add3A_435 = arith.addf %get3A_309, %sub3A_392 : vector<16xf32>
      %max3A_436 = arith.constant 0.000000e+00 : f32
      %max3A_437 = vector.broadcast %max3A_436 : f32 to vector<16xf32>
      %max3A_438 = arith.maximumf %add3A_435, %max3A_437 : vector<16xf32>
      %mul3A_439 = arith.mulf %max3A_438, %div3A : vector<16xf32>
      %swap3A_440 = arith.index_cast %scan3A_293 : i32 to index
      %swap3A_441 = arith.constant 48 : index
      %swap3A_442 = tpu.vector_load %arg8[%swap3A_440, %swap3A_441] {strides = array<i32>} : memref<64x128xf32, #tpu.memory_space<vmem>>, vector<1x16xf32>,
      %swap3A_443 = vector.shape_cast %swap3A_442 : vector<1x16xf32> to vector<16xf32>
      %swap3A_444 = vector.shape_cast %mul3A_439 : vector<16xf32> to vector<1x16xf32>
      tpu.vector_store %arg8[%swap3A_440, %swap3A_441], %swap3A_444 {strides = array<i32>} : memref<64x128xf32, #tpu.memory_space<vmem>>, vector<1x16xf32>,
      %add3A_445 = arith.addf %get3A_313, %sub3A_392 : vector<16xf32>
      %max3A_446 = arith.constant 0.000000e+00 : f32
      %max3A_447 = vector.broadcast %max3A_446 : f32 to vector<16xf32>
      %max3A_448 = arith.maximumf %add3A_445, %max3A_447 : vector<16xf32>
      %mul3A_449 = arith.mulf %max3A_448, %div3A : vector<16xf32>
      %swap3A_450 = arith.index_cast %scan3A_293 : i32 to index
      %swap3A_451 = arith.constant 64 : index
      %swap3A_452 = tpu.vector_load %arg8[%swap3A_450, %swap3A_451] {strides = array<i32>} : memref<64x128xf32, #tpu.memory_space<vmem>>, vector<1x16xf32>,
      %swap3A_453 = vector.shape_cast %swap3A_452 : vector<1x16xf32> to vector<16xf32>
      %swap3A_454 = vector.shape_cast %mul3A_449 : vector<16xf32> to vector<1x16xf32>
      tpu.vector_store %arg8[%swap3A_450, %swap3A_451], %swap3A_454 {strides = array<i32>} : memref<64x128xf32, #tpu.memory_space<vmem>>, vector<1x16xf32>,
      %add3A_455 = arith.addf %get3A_317, %sub3A_392 : vector<16xf32>
      %max3A_456 = arith.constant 0.000000e+00 : f32
      %max3A_457 = vector.broadcast %max3A_456 : f32 to vector<16xf32>
      %max3A_458 = arith.maximumf %add3A_455, %max3A_457 : vector<16xf32>
      %mul3A_459 = arith.mulf %max3A_458, %div3A : vector<16xf32>
      %swap3A_460 = arith.index_cast %scan3A_293 : i32 to index
      %swap3A_461 = arith.constant 80 : index
      %swap3A_462 = tpu.vector_load %arg8[%swap3A_460, %swap3A_461] {strides = array<i32>} : memref<64x128xf32, #tpu.memory_space<vmem>>, vector<1x16xf32>,
      %swap3A_463 = vector.shape_cast %swap3A_462 : vector<1x16xf32> to vector<16xf32>
      %swap3A_464 = vector.shape_cast %mul3A_459 : vector<16xf32> to vector<1x16xf32>
      tpu.vector_store %arg8[%swap3A_460, %swap3A_461], %swap3A_464 {strides = array<i32>} : memref<64x128xf32, #tpu.memory_space<vmem>>, vector<1x16xf32>,
      %add3A_465 = arith.addf %get3A_321, %sub3A_392 : vector<16xf32>
      %max3A_466 = arith.constant 0.000000e+00 : f32
      %max3A_467 = vector.broadcast %max3A_466 : f32 to vector<16xf32>
      %max3A_468 = arith.maximumf %add3A_465, %max3A_467 : vector<16xf32>
      %mul3A_469 = arith.mulf %max3A_468, %div3A : vector<16xf32>
      %swap3A_470 = arith.index_cast %scan3A_293 : i32 to index
      %swap3A_471 = arith.constant 96 : index
      %swap3A_472 = tpu.vector_load %arg8[%swap3A_470, %swap3A_471] {strides = array<i32>} : memref<64x128xf32, #tpu.memory_space<vmem>>, vector<1x16xf32>,
      %swap3A_473 = vector.shape_cast %swap3A_472 : vector<1x16xf32> to vector<16xf32>
      %swap3A_474 = vector.shape_cast %mul3A_469 : vector<16xf32> to vector<1x16xf32>
      tpu.vector_store %arg8[%swap3A_470, %swap3A_471], %swap3A_474 {strides = array<i32>} : memref<64x128xf32, #tpu.memory_space<vmem>>, vector<1x16xf32>,
      %add3A_475 = arith.addf %get3A_325, %sub3A_392 : vector<16xf32>
      %max3A_476 = arith.constant 0.000000e+00 : f32
      %max3A_477 = vector.broadcast %max3A_476 : f32 to vector<16xf32>
      %max3A_478 = arith.maximumf %add3A_475, %max3A_477 : vector<16xf32>
      %mul3A_479 = arith.mulf %max3A_478, %div3A : vector<16xf32>
      %swap3A_480 = arith.index_cast %scan3A_293 : i32 to index
      %swap3A_481 = arith.constant 112 : index
      %swap3A_482 = tpu.vector_load %arg8[%swap3A_480, %swap3A_481] {strides = array<i32>} : memref<64x128xf32, #tpu.memory_space<vmem>>, vector<1x16xf32>,
      %swap3A_483 = vector.shape_cast %swap3A_482 : vector<1x16xf32> to vector<16xf32>
      %swap3A_484 = vector.shape_cast %mul3A_479 : vector<16xf32> to vector<1x16xf32>
      tpu.vector_store %arg8[%swap3A_480, %swap3A_481], %swap3A_484 {strides = array<i32>} : memref<64x128xf32, #tpu.memory_space<vmem>>, vector<1x16xf32>,
      %scan3A_485 = arith.constant 0 : i32
      scf.yield %scan3A_485 : i32
    }
    %scan3A_39 = arith.constant 64 : i32
    %add3A_40 = arith.constant 0 : i32
    %add3A_41 = arith.addi %mul3A_2, %add3A_40 : i32
    %dma_start3A_42 = arith.constant 0 : i32
    %dma_start3A_43 = tpu.memref_slice %arg3[%add3A_41, %dma_start3A_42] : memref<131072x128xf32, #tpu.memory_space<hbm>> -> memref<64x128xf32, #tpu.memory_space<hbm>>
    %dma_start3A_44 = arith.constant 0 : i32
    %dma_start3A_45 = tpu.memref_slice %arg3[%add3A_41, %dma_start3A_44] : memref<131072x128xf32, #tpu.memory_space<hbm>> -> memref<64x128xf32, #tpu.memory_space<hbm>>
    tpu.enqueue_dma source(%arg8 : memref<64x128xf32, #tpu.memory_space<vmem>>) target(%dma_start3A_45 : memref<64x128xf32, #tpu.memory_space<hbm>>) target_semaphore(%arg16 : memref<!tpu.dma_semaphore, #tpu.memory_space<semaphore_mem>>)
    %add3A_46 = arith.constant 256 : i32
    %add3A_47 = arith.addi %mul3A_2, %add3A_46 : i32
    %dma_start3A_48 = arith.constant 0 : i32
    %dma_start3A_49 = tpu.memref_slice %arg2[%add3A_47, %dma_start3A_48] : memref<131072x128xf32, #tpu.memory_space<hbm>> -> memref<64x128xf32, #tpu.memory_space<hbm>>
    %dma_start3A_50 = arith.constant 0 : i32
    %dma_start3A_51 = tpu.memref_slice %arg2[%add3A_47, %dma_start3A_50] : memref<131072x128xf32, #tpu.memory_space<hbm>> -> memref<64x128xf32, #tpu.memory_space<hbm>>
    tpu.enqueue_dma source(%dma_start3A_51 : memref<64x128xf32, #tpu.memory_space<hbm>>) target(%arg4 : memref<64x128xf32, #tpu.memory_space<vmem>>) target_semaphore(%arg12 : memref<!tpu.dma_semaphore, #tpu.memory_space<semaphore_mem>>)
    %add3A_52 = arith.constant 0 : i32
    %add3A_53 = arith.addi %mul3A_2, %add3A_52 : i32
    %dma_wait3A_54 = arith.constant 0 : i32
    %dma_wait3A_55 = tpu.memref_slice %arg2[%add3A_53, %dma_wait3A_54] : memref<131072x128xf32, #tpu.memory_space<hbm>> -> memref<64x128xf32, #tpu.memory_space<hbm>>
    %dma_wait3A_56 = arith.constant 0 : i32
    %dma_wait3A_57 = tpu.memref_slice %arg2[%add3A_53, %dma_wait3A_56] : memref<131072x128xf32, #tpu.memory_space<hbm>> -> memref<64x128xf32, #tpu.memory_space<hbm>>
    tpu.wait_dma2 semaphore(%arg13 : memref<!tpu.dma_semaphore, #tpu.memory_space<semaphore_mem>>) src(%dma_wait3A_57 : memref<64x128xf32, #tpu.memory_space<hbm>>) dst(%arg5 : memref<64x128xf32, #tpu.memory_space<vmem>>)
    %iota3A_58 = tpu.iota {dimensions = array<i32: 0>} : vector<16xi32>
    %eq3A_59 = arith.constant 0 : i32
    %eq3A_60 = vector.broadcast %eq3A_59 : i32 to vector<16xi32>
    %eq3A_61 = arith.cmpi eq, %iota3A_58, %eq3A_60 : vector<16xi32>
    %scan3A_62 = arith.constant 0xFF800000 : f32
    %scan3A_63 = arith.constant 0 : i32
    %scan3A_64 = arith.constant 0 : i32
    %scan3A_65 = arith.constant 64 : i32
    %scan3A_66 = arith.addi %scan3A_64, %scan3A_65 : i32
    %scan3A_67 = arith.constant 1 : i32
    %scan3A_68 = scf.for %scan3A_293 = %scan3A_64 to %scan3A_66 step %scan3A_67 iter_args(%scan3A_294 = %scan3A_63) -> (i32)  : i32 {
      %get3A = arith.index_cast %scan3A_293 : i32 to index
      %get3A_295 = arith.constant 0 : index
      %get3A_296 = tpu.vector_load %arg5[%get3A, %get3A_295] {strides = array<i32>} : memref<64x128xf32, #tpu.memory_space<vmem>>, vector<1x16xf32>,
      %get3A_297 = vector.shape_cast %get3A_296 : vector<1x16xf32> to vector<16xf32>
      %get3A_298 = arith.index_cast %scan3A_293 : i32 to index
      %get3A_299 = arith.constant 16 : index
      %get3A_300 = tpu.vector_load %arg5[%get3A_298, %get3A_299] {strides = array<i32>} : memref<64x128xf32, #tpu.memory_space<vmem>>, vector<1x16xf32>,
      %get3A_301 = vector.shape_cast %get3A_300 : vector<1x16xf32> to vector<16xf32>
      %get3A_302 = arith.index_cast %scan3A_293 : i32 to index
      %get3A_303 = arith.constant 32 : index
      %get3A_304 = tpu.vector_load %arg5[%get3A_302, %get3A_303] {strides = array<i32>} : memref<64x128xf32, #tpu.memory_space<vmem>>, vector<1x16xf32>,
      %get3A_305 = vector.shape_cast %get3A_304 : vector<1x16xf32> to vector<16xf32>
      %get3A_306 = arith.index_cast %scan3A_293 : i32 to index
      %get3A_307 = arith.constant 48 : index
      %get3A_308 = tpu.vector_load %arg5[%get3A_306, %get3A_307] {strides = array<i32>} : memref<64x128xf32, #tpu.memory_space<vmem>>, vector<1x16xf32>,
      %get3A_309 = vector.shape_cast %get3A_308 : vector<1x16xf32> to vector<16xf32>
      %get3A_310 = arith.index_cast %scan3A_293 : i32 to index
      %get3A_311 = arith.constant 64 : index
      %get3A_312 = tpu.vector_load %arg5[%get3A_310, %get3A_311] {strides = array<i32>} : memref<64x128xf32, #tpu.memory_space<vmem>>, vector<1x16xf32>,
      %get3A_313 = vector.shape_cast %get3A_312 : vector<1x16xf32> to vector<16xf32>
      %get3A_314 = arith.index_cast %scan3A_293 : i32 to index
      %get3A_315 = arith.constant 80 : index
      %get3A_316 = tpu.vector_load %arg5[%get3A_314, %get3A_315] {strides = array<i32>} : memref<64x128xf32, #tpu.memory_space<vmem>>, vector<1x16xf32>,
      %get3A_317 = vector.shape_cast %get3A_316 : vector<1x16xf32> to vector<16xf32>
      %get3A_318 = arith.index_cast %scan3A_293 : i32 to index
      %get3A_319 = arith.constant 96 : index
      %get3A_320 = tpu.vector_load %arg5[%get3A_318, %get3A_319] {strides = array<i32>} : memref<64x128xf32, #tpu.memory_space<vmem>>, vector<1x16xf32>,
      %get3A_321 = vector.shape_cast %get3A_320 : vector<1x16xf32> to vector<16xf32>
      %get3A_322 = arith.index_cast %scan3A_293 : i32 to index
      %get3A_323 = arith.constant 112 : index
      %get3A_324 = tpu.vector_load %arg5[%get3A_322, %get3A_323] {strides = array<i32>} : memref<64x128xf32, #tpu.memory_space<vmem>>, vector<1x16xf32>,
      %get3A_325 = vector.shape_cast %get3A_324 : vector<1x16xf32> to vector<16xf32>
      %broadcast_in_dim3A = vector.broadcast %scan3A_62 : f32 to vector<16xf32>
      %select_n3A = arith.select %eq3A_61, %broadcast_in_dim3A, %get3A_297 : vector<16xi1>, vector<16xf32>
      %max3A = arith.maximumf %select_n3A, %get3A_301 : vector<16xf32>
      %max3A_326 = arith.maximumf %max3A, %get3A_305 : vector<16xf32>
      %max3A_327 = arith.maximumf %max3A_326, %get3A_309 : vector<16xf32>
      %max3A_328 = arith.maximumf %max3A_327, %get3A_313 : vector<16xf32>
      %max3A_329 = arith.maximumf %max3A_328, %get3A_317 : vector<16xf32>
      %max3A_330 = arith.maximumf %max3A_329, %get3A_321 : vector<16xf32>
      %max3A_331 = arith.maximumf %max3A_330, %get3A_325 : vector<16xf32>
      %xor3A = arith.constant 8 : i32
      %xor3A_332 = vector.broadcast %xor3A : i32 to vector<16xi32>
      %xor3A_333 = arith.xori %iota3A_58, %xor3A_332 : vector<16xi32>
      %lt3A = arith.constant 0 : i32
      %lt3A_334 = vector.broadcast %lt3A : i32 to vector<16xi32>
      %lt3A_335 = arith.cmpi slt, %xor3A_333, %lt3A_334 : vector<16xi32>
      %add3A_336 = arith.constant 16 : i32
      %add3A_337 = vector.broadcast %add3A_336 : i32 to vector<16xi32>
      %add3A_338 = arith.addi %xor3A_333, %add3A_337 : vector<16xi32>
      %select_n3A_339 = arith.select %lt3A_335, %add3A_338, %xor3A_333 : vector<16xi1>, vector<16xi32>
      %broadcast_in_dim3A_340 = vector.shape_cast %select_n3A_339 : vector<16xi32> to vector<16x1xi32>
      %gather3A = vector.shape_cast %broadcast_in_dim3A_340 : vector<16x1xi32> to vector<16xi32>
      %gather3A_341 = tpu.dynamic_gather %max3A_331[%gather3A] in [0] : vector<16xf32>, vector<16xi32> -> vector<16xf32>
      %max3A_342 = arith.maximumf %max3A_331, %gather3A_341 : vector<16xf32>
      %xor3A_343 = arith.constant 4 : i32
      %xor3A_344 = vector.broadcast %xor3A_343 : i32 to vector<16xi32>
      %xor3A_345 = arith.xori %iota3A_58, %xor3A_344 : vector<16xi32>
      %lt3A_346 = arith.constant 0 : i32
      %lt3A_347 = vector.broadcast %lt3A_346 : i32 to vector<16xi32>
      %lt3A_348 = arith.cmpi slt, %xor3A_345, %lt3A_347 : vector<16xi32>
      %add3A_349 = arith.constant 16 : i32
      %add3A_350 = vector.broadcast %add3A_349 : i32 to vector<16xi32>
      %add3A_351 = arith.addi %xor3A_345, %add3A_350 : vector<16xi32>
      %select_n3A_352 = arith.select %lt3A_348, %add3A_351, %xor3A_345 : vector<16xi1>, vector<16xi32>
      %broadcast_in_dim3A_353 = vector.shape_cast %select_n3A_352 : vector<16xi32> to vector<16x1xi32>
      %gather3A_354 = vector.shape_cast %broadcast_in_dim3A_353 : vector<16x1xi32> to vector<16xi32>
      %gather3A_355 = tpu.dynamic_gather %max3A_342[%gather3A_354] in [0] : vector<16xf32>, vector<16xi32> -> vector<16xf32>
      %max3A_356 = arith.maximumf %max3A_342, %gather3A_355 : vector<16xf32>
      %xor3A_357 = arith.constant 2 : i32
      %xor3A_358 = vector.broadcast %xor3A_357 : i32 to vector<16xi32>
      %xor3A_359 = arith.xori %iota3A_58, %xor3A_358 : vector<16xi32>
      %lt3A_360 = arith.constant 0 : i32
      %lt3A_361 = vector.broadcast %lt3A_360 : i32 to vector<16xi32>
      %lt3A_362 = arith.cmpi slt, %xor3A_359, %lt3A_361 : vector<16xi32>
      %add3A_363 = arith.constant 16 : i32
      %add3A_364 = vector.broadcast %add3A_363 : i32 to vector<16xi32>
      %add3A_365 = arith.addi %xor3A_359, %add3A_364 : vector<16xi32>
      %select_n3A_366 = arith.select %lt3A_362, %add3A_365, %xor3A_359 : vector<16xi1>, vector<16xi32>
      %broadcast_in_dim3A_367 = vector.shape_cast %select_n3A_366 : vector<16xi32> to vector<16x1xi32>
      %gather3A_368 = vector.shape_cast %broadcast_in_dim3A_367 : vector<16x1xi32> to vector<16xi32>
      %gather3A_369 = tpu.dynamic_gather %max3A_356[%gather3A_368] in [0] : vector<16xf32>, vector<16xi32> -> vector<16xf32>
      %max3A_370 = arith.maximumf %max3A_356, %gather3A_369 : vector<16xf32>
      %xor3A_371 = arith.constant 1 : i32
      %xor3A_372 = vector.broadcast %xor3A_371 : i32 to vector<16xi32>
      %xor3A_373 = arith.xori %iota3A_58, %xor3A_372 : vector<16xi32>
      %lt3A_374 = arith.constant 0 : i32
      %lt3A_375 = vector.broadcast %lt3A_374 : i32 to vector<16xi32>
      %lt3A_376 = arith.cmpi slt, %xor3A_373, %lt3A_375 : vector<16xi32>
      %add3A_377 = arith.constant 16 : i32
      %add3A_378 = vector.broadcast %add3A_377 : i32 to vector<16xi32>
      %add3A_379 = arith.addi %xor3A_373, %add3A_378 : vector<16xi32>
      %select_n3A_380 = arith.select %lt3A_376, %add3A_379, %xor3A_373 : vector<16xi1>, vector<16xi32>
      %broadcast_in_dim3A_381 = vector.shape_cast %select_n3A_380 : vector<16xi32> to vector<16x1xi32>
      %gather3A_382 = vector.shape_cast %broadcast_in_dim3A_381 : vector<16x1xi32> to vector<16xi32>
      %gather3A_383 = tpu.dynamic_gather %max3A_370[%gather3A_382] in [0] : vector<16xf32>, vector<16xi32> -> vector<16xf32>
      %max3A_384 = arith.maximumf %max3A_370, %gather3A_383 : vector<16xf32>
      %mul3A_385 = arith.constant 1.270000e+02 : f32
      %mul3A_386 = vector.broadcast %mul3A_385 : f32 to vector<16xf32>
      %mul3A_387 = arith.mulf %max3A_384, %mul3A_386 : vector<16xf32>
      %add3A_388 = arith.constant 9.99999974E-6 : f32
      %add3A_389 = vector.broadcast %add3A_388 : f32 to vector<16xf32>
      %add3A_390 = arith.addf %mul3A_387, %add3A_389 : vector<16xf32>
      %div3A = arith.divf %mul3A_387, %add3A_390 : vector<16xf32>
      %sub3A = arith.constant 0.999989986 : f32
      %sub3A_391 = vector.broadcast %sub3A : f32 to vector<16xf32>
      %sub3A_392 = arith.subf %sub3A_391, %max3A_384 : vector<16xf32>
      %add3A_393 = arith.addf %get3A_297, %sub3A_392 : vector<16xf32>
      %max3A_394 = arith.constant 0.000000e+00 : f32
      %max3A_395 = vector.broadcast %max3A_394 : f32 to vector<16xf32>
      %max3A_396 = arith.maximumf %add3A_393, %max3A_395 : vector<16xf32>
      %mul3A_397 = arith.mulf %max3A_396, %div3A : vector<16xf32>
      %add3A_398 = arith.constant 0.999989986 : f32
      %add3A_399 = vector.broadcast %add3A_398 : f32 to vector<16xf32>
      %add3A_400 = arith.addf %get3A_297, %add3A_399 : vector<16xf32>
      %max3A_401 = arith.constant 0.000000e+00 : f32
      %max3A_402 = vector.broadcast %max3A_401 : f32 to vector<16xf32>
      %max3A_403 = arith.maximumf %add3A_400, %max3A_402 : vector<16xf32>
      %add3A_404 = arith.constant 1.000000e+00 : f32
      %add3A_405 = vector.broadcast %add3A_404 : f32 to vector<16xf32>
      %add3A_406 = arith.addf %max3A_403, %add3A_405 : vector<16xf32>
      %mul3A_407 = arith.constant 9.99999974E-6 : f32
      %mul3A_408 = vector.broadcast %mul3A_407 : f32 to vector<16xf32>
      %mul3A_409 = arith.mulf %mul3A_408, %add3A_406 : vector<16xf32>
      %select_n3A_410 = arith.select %eq3A_61, %mul3A_409, %mul3A_397 : vector<16xi1>, vector<16xf32>
      %swap3A = arith.index_cast %scan3A_293 : i32 to index
      %swap3A_411 = arith.constant 0 : index
      %swap3A_412 = tpu.vector_load %arg9[%swap3A, %swap3A_411] {strides = array<i32>} : memref<64x128xf32, #tpu.memory_space<vmem>>, vector<1x16xf32>,
      %swap3A_413 = vector.shape_cast %swap3A_412 : vector<1x16xf32> to vector<16xf32>
      %swap3A_414 = vector.shape_cast %select_n3A_410 : vector<16xf32> to vector<1x16xf32>
      tpu.vector_store %arg9[%swap3A, %swap3A_411], %swap3A_414 {strides = array<i32>} : memref<64x128xf32, #tpu.memory_space<vmem>>, vector<1x16xf32>,
      %add3A_415 = arith.addf %get3A_301, %sub3A_392 : vector<16xf32>
      %max3A_416 = arith.constant 0.000000e+00 : f32
      %max3A_417 = vector.broadcast %max3A_416 : f32 to vector<16xf32>
      %max3A_418 = arith.maximumf %add3A_415, %max3A_417 : vector<16xf32>
      %mul3A_419 = arith.mulf %max3A_418, %div3A : vector<16xf32>
      %swap3A_420 = arith.index_cast %scan3A_293 : i32 to index
      %swap3A_421 = arith.constant 16 : index
      %swap3A_422 = tpu.vector_load %arg9[%swap3A_420, %swap3A_421] {strides = array<i32>} : memref<64x128xf32, #tpu.memory_space<vmem>>, vector<1x16xf32>,
      %swap3A_423 = vector.shape_cast %swap3A_422 : vector<1x16xf32> to vector<16xf32>
      %swap3A_424 = vector.shape_cast %mul3A_419 : vector<16xf32> to vector<1x16xf32>
      tpu.vector_store %arg9[%swap3A_420, %swap3A_421], %swap3A_424 {strides = array<i32>} : memref<64x128xf32, #tpu.memory_space<vmem>>, vector<1x16xf32>,
      %add3A_425 = arith.addf %get3A_305, %sub3A_392 : vector<16xf32>
      %max3A_426 = arith.constant 0.000000e+00 : f32
      %max3A_427 = vector.broadcast %max3A_426 : f32 to vector<16xf32>
      %max3A_428 = arith.maximumf %add3A_425, %max3A_427 : vector<16xf32>
      %mul3A_429 = arith.mulf %max3A_428, %div3A : vector<16xf32>
      %swap3A_430 = arith.index_cast %scan3A_293 : i32 to index
      %swap3A_431 = arith.constant 32 : index
      %swap3A_432 = tpu.vector_load %arg9[%swap3A_430, %swap3A_431] {strides = array<i32>} : memref<64x128xf32, #tpu.memory_space<vmem>>, vector<1x16xf32>,
      %swap3A_433 = vector.shape_cast %swap3A_432 : vector<1x16xf32> to vector<16xf32>
      %swap3A_434 = vector.shape_cast %mul3A_429 : vector<16xf32> to vector<1x16xf32>
      tpu.vector_store %arg9[%swap3A_430, %swap3A_431], %swap3A_434 {strides = array<i32>} : memref<64x128xf32, #tpu.memory_space<vmem>>, vector<1x16xf32>,
      %add3A_435 = arith.addf %get3A_309, %sub3A_392 : vector<16xf32>
      %max3A_436 = arith.constant 0.000000e+00 : f32
      %max3A_437 = vector.broadcast %max3A_436 : f32 to vector<16xf32>
      %max3A_438 = arith.maximumf %add3A_435, %max3A_437 : vector<16xf32>
      %mul3A_439 = arith.mulf %max3A_438, %div3A : vector<16xf32>
      %swap3A_440 = arith.index_cast %scan3A_293 : i32 to index
      %swap3A_441 = arith.constant 48 : index
      %swap3A_442 = tpu.vector_load %arg9[%swap3A_440, %swap3A_441] {strides = array<i32>} : memref<64x128xf32, #tpu.memory_space<vmem>>, vector<1x16xf32>,
      %swap3A_443 = vector.shape_cast %swap3A_442 : vector<1x16xf32> to vector<16xf32>
      %swap3A_444 = vector.shape_cast %mul3A_439 : vector<16xf32> to vector<1x16xf32>
      tpu.vector_store %arg9[%swap3A_440, %swap3A_441], %swap3A_444 {strides = array<i32>} : memref<64x128xf32, #tpu.memory_space<vmem>>, vector<1x16xf32>,
      %add3A_445 = arith.addf %get3A_313, %sub3A_392 : vector<16xf32>
      %max3A_446 = arith.constant 0.000000e+00 : f32
      %max3A_447 = vector.broadcast %max3A_446 : f32 to vector<16xf32>
      %max3A_448 = arith.maximumf %add3A_445, %max3A_447 : vector<16xf32>
      %mul3A_449 = arith.mulf %max3A_448, %div3A : vector<16xf32>
      %swap3A_450 = arith.index_cast %scan3A_293 : i32 to index
      %swap3A_451 = arith.constant 64 : index
      %swap3A_452 = tpu.vector_load %arg9[%swap3A_450, %swap3A_451] {strides = array<i32>} : memref<64x128xf32, #tpu.memory_space<vmem>>, vector<1x16xf32>,
      %swap3A_453 = vector.shape_cast %swap3A_452 : vector<1x16xf32> to vector<16xf32>
      %swap3A_454 = vector.shape_cast %mul3A_449 : vector<16xf32> to vector<1x16xf32>
      tpu.vector_store %arg9[%swap3A_450, %swap3A_451], %swap3A_454 {strides = array<i32>} : memref<64x128xf32, #tpu.memory_space<vmem>>, vector<1x16xf32>,
      %add3A_455 = arith.addf %get3A_317, %sub3A_392 : vector<16xf32>
      %max3A_456 = arith.constant 0.000000e+00 : f32
      %max3A_457 = vector.broadcast %max3A_456 : f32 to vector<16xf32>
      %max3A_458 = arith.maximumf %add3A_455, %max3A_457 : vector<16xf32>
      %mul3A_459 = arith.mulf %max3A_458, %div3A : vector<16xf32>
      %swap3A_460 = arith.index_cast %scan3A_293 : i32 to index
      %swap3A_461 = arith.constant 80 : index
      %swap3A_462 = tpu.vector_load %arg9[%swap3A_460, %swap3A_461] {strides = array<i32>} : memref<64x128xf32, #tpu.memory_space<vmem>>, vector<1x16xf32>,
      %swap3A_463 = vector.shape_cast %swap3A_462 : vector<1x16xf32> to vector<16xf32>
      %swap3A_464 = vector.shape_cast %mul3A_459 : vector<16xf32> to vector<1x16xf32>
      tpu.vector_store %arg9[%swap3A_460, %swap3A_461], %swap3A_464 {strides = array<i32>} : memref<64x128xf32, #tpu.memory_space<vmem>>, vector<1x16xf32>,
      %add3A_465 = arith.addf %get3A_321, %sub3A_392 : vector<16xf32>
      %max3A_466 = arith.constant 0.000000e+00 : f32
      %max3A_467 = vector.broadcast %max3A_466 : f32 to vector<16xf32>
      %max3A_468 = arith.maximumf %add3A_465, %max3A_467 : vector<16xf32>
      %mul3A_469 = arith.mulf %max3A_468, %div3A : vector<16xf32>
      %swap3A_470 = arith.index_cast %scan3A_293 : i32 to index
      %swap3A_471 = arith.constant 96 : index
      %swap3A_472 = tpu.vector_load %arg9[%swap3A_470, %swap3A_471] {strides = array<i32>} : memref<64x128xf32, #tpu.memory_space<vmem>>, vector<1x16xf32>,
      %swap3A_473 = vector.shape_cast %swap3A_472 : vector<1x16xf32> to vector<16xf32>
      %swap3A_474 = vector.shape_cast %mul3A_469 : vector<16xf32> to vector<1x16xf32>
      tpu.vector_store %arg9[%swap3A_470, %swap3A_471], %swap3A_474 {strides = array<i32>} : memref<64x128xf32, #tpu.memory_space<vmem>>, vector<1x16xf32>,
      %add3A_475 = arith.addf %get3A_325, %sub3A_392 : vector<16xf32>
      %max3A_476 = arith.constant 0.000000e+00 : f32
      %max3A_477 = vector.broadcast %max3A_476 : f32 to vector<16xf32>
      %max3A_478 = arith.maximumf %add3A_475, %max3A_477 : vector<16xf32>
      %mul3A_479 = arith.mulf %max3A_478, %div3A : vector<16xf32>
      %swap3A_480 = arith.index_cast %scan3A_293 : i32 to index
      %swap3A_481 = arith.constant 112 : index
      %swap3A_482 = tpu.vector_load %arg9[%swap3A_480, %swap3A_481] {strides = array<i32>} : memref<64x128xf32, #tpu.memory_space<vmem>>, vector<1x16xf32>,
      %swap3A_483 = vector.shape_cast %swap3A_482 : vector<1x16xf32> to vector<16xf32>
      %swap3A_484 = vector.shape_cast %mul3A_479 : vector<16xf32> to vector<1x16xf32>
      tpu.vector_store %arg9[%swap3A_480, %swap3A_481], %swap3A_484 {strides = array<i32>} : memref<64x128xf32, #tpu.memory_space<vmem>>, vector<1x16xf32>,
      %scan3A_485 = arith.constant 0 : i32
      scf.yield %scan3A_485 : i32
    }
    %scan3A_69 = arith.constant 64 : i32
    %add3A_70 = arith.constant 64 : i32
    %add3A_71 = arith.addi %mul3A_2, %add3A_70 : i32
    %dma_start3A_72 = arith.constant 0 : i32
    %dma_start3A_73 = tpu.memref_slice %arg3[%add3A_71, %dma_start3A_72] : memref<131072x128xf32, #tpu.memory_space<hbm>> -> memref<64x128xf32, #tpu.memory_space<hbm>>
    %dma_start3A_74 = arith.constant 0 : i32
    %dma_start3A_75 = tpu.memref_slice %arg3[%add3A_71, %dma_start3A_74] : memref<131072x128xf32, #tpu.memory_space<hbm>> -> memref<64x128xf32, #tpu.memory_space<hbm>>
    tpu.enqueue_dma source(%arg9 : memref<64x128xf32, #tpu.memory_space<vmem>>) target(%dma_start3A_75 : memref<64x128xf32, #tpu.memory_space<hbm>>) target_semaphore(%arg17 : memref<!tpu.dma_semaphore, #tpu.memory_space<semaphore_mem>>)
    %add3A_76 = arith.constant 320 : i32
    %add3A_77 = arith.addi %mul3A_2, %add3A_76 : i32
    %dma_start3A_78 = arith.constant 0 : i32
    %dma_start3A_79 = tpu.memref_slice %arg2[%add3A_77, %dma_start3A_78] : memref<131072x128xf32, #tpu.memory_space<hbm>> -> memref<64x128xf32, #tpu.memory_space<hbm>>
    %dma_start3A_80 = arith.constant 0 : i32
    %dma_start3A_81 = tpu.memref_slice %arg2[%add3A_77, %dma_start3A_80] : memref<131072x128xf32, #tpu.memory_space<hbm>> -> memref<64x128xf32, #tpu.memory_space<hbm>>
    tpu.enqueue_dma source(%dma_start3A_81 : memref<64x128xf32, #tpu.memory_space<hbm>>) target(%arg5 : memref<64x128xf32, #tpu.memory_space<vmem>>) target_semaphore(%arg13 : memref<!tpu.dma_semaphore, #tpu.memory_space<semaphore_mem>>)
    %add3A_82 = arith.constant 0 : i32
    %add3A_83 = arith.addi %mul3A_2, %add3A_82 : i32
    %dma_wait3A_84 = arith.constant 0 : i32
    %dma_wait3A_85 = tpu.memref_slice %arg2[%add3A_83, %dma_wait3A_84] : memref<131072x128xf32, #tpu.memory_space<hbm>> -> memref<64x128xf32, #tpu.memory_space<hbm>>
    %dma_wait3A_86 = arith.constant 0 : i32
    %dma_wait3A_87 = tpu.memref_slice %arg2[%add3A_83, %dma_wait3A_86] : memref<131072x128xf32, #tpu.memory_space<hbm>> -> memref<64x128xf32, #tpu.memory_space<hbm>>
    tpu.wait_dma2 semaphore(%arg14 : memref<!tpu.dma_semaphore, #tpu.memory_space<semaphore_mem>>) src(%dma_wait3A_87 : memref<64x128xf32, #tpu.memory_space<hbm>>) dst(%arg6 : memref<64x128xf32, #tpu.memory_space<vmem>>)
    %iota3A_88 = tpu.iota {dimensions = array<i32: 0>} : vector<16xi32>
    %eq3A_89 = arith.constant 0 : i32
    %eq3A_90 = vector.broadcast %eq3A_89 : i32 to vector<16xi32>
    %eq3A_91 = arith.cmpi eq, %iota3A_88, %eq3A_90 : vector<16xi32>
    %scan3A_92 = arith.constant 0xFF800000 : f32
    %scan3A_93 = arith.constant 0 : i32
    %scan3A_94 = arith.constant 0 : i32
    %scan3A_95 = arith.constant 64 : i32
    %scan3A_96 = arith.addi %scan3A_94, %scan3A_95 : i32
    %scan3A_97 = arith.constant 1 : i32
    %scan3A_98 = scf.for %scan3A_293 = %scan3A_94 to %scan3A_96 step %scan3A_97 iter_args(%scan3A_294 = %scan3A_93) -> (i32)  : i32 {
      %get3A = arith.index_cast %scan3A_293 : i32 to index
      %get3A_295 = arith.constant 0 : index
      %get3A_296 = tpu.vector_load %arg6[%get3A, %get3A_295] {strides = array<i32>} : memref<64x128xf32, #tpu.memory_space<vmem>>, vector<1x16xf32>,
      %get3A_297 = vector.shape_cast %get3A_296 : vector<1x16xf32> to vector<16xf32>
      %get3A_298 = arith.index_cast %scan3A_293 : i32 to index
      %get3A_299 = arith.constant 16 : index
      %get3A_300 = tpu.vector_load %arg6[%get3A_298, %get3A_299] {strides = array<i32>} : memref<64x128xf32, #tpu.memory_space<vmem>>, vector<1x16xf32>,
      %get3A_301 = vector.shape_cast %get3A_300 : vector<1x16xf32> to vector<16xf32>
      %get3A_302 = arith.index_cast %scan3A_293 : i32 to index
      %get3A_303 = arith.constant 32 : index
      %get3A_304 = tpu.vector_load %arg6[%get3A_302, %get3A_303] {strides = array<i32>} : memref<64x128xf32, #tpu.memory_space<vmem>>, vector<1x16xf32>,
      %get3A_305 = vector.shape_cast %get3A_304 : vector<1x16xf32> to vector<16xf32>
      %get3A_306 = arith.index_cast %scan3A_293 : i32 to index
      %get3A_307 = arith.constant 48 : index
      %get3A_308 = tpu.vector_load %arg6[%get3A_306, %get3A_307] {strides = array<i32>} : memref<64x128xf32, #tpu.memory_space<vmem>>, vector<1x16xf32>,
      %get3A_309 = vector.shape_cast %get3A_308 : vector<1x16xf32> to vector<16xf32>
      %get3A_310 = arith.index_cast %scan3A_293 : i32 to index
      %get3A_311 = arith.constant 64 : index
      %get3A_312 = tpu.vector_load %arg6[%get3A_310, %get3A_311] {strides = array<i32>} : memref<64x128xf32, #tpu.memory_space<vmem>>, vector<1x16xf32>,
      %get3A_313 = vector.shape_cast %get3A_312 : vector<1x16xf32> to vector<16xf32>
      %get3A_314 = arith.index_cast %scan3A_293 : i32 to index
      %get3A_315 = arith.constant 80 : index
      %get3A_316 = tpu.vector_load %arg6[%get3A_314, %get3A_315] {strides = array<i32>} : memref<64x128xf32, #tpu.memory_space<vmem>>, vector<1x16xf32>,
      %get3A_317 = vector.shape_cast %get3A_316 : vector<1x16xf32> to vector<16xf32>
      %get3A_318 = arith.index_cast %scan3A_293 : i32 to index
      %get3A_319 = arith.constant 96 : index
      %get3A_320 = tpu.vector_load %arg6[%get3A_318, %get3A_319] {strides = array<i32>} : memref<64x128xf32, #tpu.memory_space<vmem>>, vector<1x16xf32>,
      %get3A_321 = vector.shape_cast %get3A_320 : vector<1x16xf32> to vector<16xf32>
      %get3A_322 = arith.index_cast %scan3A_293 : i32 to index
      %get3A_323 = arith.constant 112 : index
      %get3A_324 = tpu.vector_load %arg6[%get3A_322, %get3A_323] {strides = array<i32>} : memref<64x128xf32, #tpu.memory_space<vmem>>, vector<1x16xf32>,
      %get3A_325 = vector.shape_cast %get3A_324 : vector<1x16xf32> to vector<16xf32>
      %broadcast_in_dim3A = vector.broadcast %scan3A_92 : f32 to vector<16xf32>
      %select_n3A = arith.select %eq3A_91, %broadcast_in_dim3A, %get3A_297 : vector<16xi1>, vector<16xf32>
      %max3A = arith.maximumf %select_n3A, %get3A_301 : vector<16xf32>
      %max3A_326 = arith.maximumf %max3A, %get3A_305 : vector<16xf32>
      %max3A_327 = arith.maximumf %max3A_326, %get3A_309 : vector<16xf32>
      %max3A_328 = arith.maximumf %max3A_327, %get3A_313 : vector<16xf32>
      %max3A_329 = arith.maximumf %max3A_328, %get3A_317 : vector<16xf32>
      %max3A_330 = arith.maximumf %max3A_329, %get3A_321 : vector<16xf32>
      %max3A_331 = arith.maximumf %max3A_330, %get3A_325 : vector<16xf32>
      %xor3A = arith.constant 8 : i32
      %xor3A_332 = vector.broadcast %xor3A : i32 to vector<16xi32>
      %xor3A_333 = arith.xori %iota3A_88, %xor3A_332 : vector<16xi32>
      %lt3A = arith.constant 0 : i32
      %lt3A_334 = vector.broadcast %lt3A : i32 to vector<16xi32>
      %lt3A_335 = arith.cmpi slt, %xor3A_333, %lt3A_334 : vector<16xi32>
      %add3A_336 = arith.constant 16 : i32
      %add3A_337 = vector.broadcast %add3A_336 : i32 to vector<16xi32>
      %add3A_338 = arith.addi %xor3A_333, %add3A_337 : vector<16xi32>
      %select_n3A_339 = arith.select %lt3A_335, %add3A_338, %xor3A_333 : vector<16xi1>, vector<16xi32>
      %broadcast_in_dim3A_340 = vector.shape_cast %select_n3A_339 : vector<16xi32> to vector<16x1xi32>
      %gather3A = vector.shape_cast %broadcast_in_dim3A_340 : vector<16x1xi32> to vector<16xi32>
      %gather3A_341 = tpu.dynamic_gather %max3A_331[%gather3A] in [0] : vector<16xf32>, vector<16xi32> -> vector<16xf32>
      %max3A_342 = arith.maximumf %max3A_331, %gather3A_341 : vector<16xf32>
      %xor3A_343 = arith.constant 4 : i32
      %xor3A_344 = vector.broadcast %xor3A_343 : i32 to vector<16xi32>
      %xor3A_345 = arith.xori %iota3A_88, %xor3A_344 : vector<16xi32>
      %lt3A_346 = arith.constant 0 : i32
      %lt3A_347 = vector.broadcast %lt3A_346 : i32 to vector<16xi32>
      %lt3A_348 = arith.cmpi slt, %xor3A_345, %lt3A_347 : vector<16xi32>
      %add3A_349 = arith.constant 16 : i32
      %add3A_350 = vector.broadcast %add3A_349 : i32 to vector<16xi32>
      %add3A_351 = arith.addi %xor3A_345, %add3A_350 : vector<16xi32>
      %select_n3A_352 = arith.select %lt3A_348, %add3A_351, %xor3A_345 : vector<16xi1>, vector<16xi32>
      %broadcast_in_dim3A_353 = vector.shape_cast %select_n3A_352 : vector<16xi32> to vector<16x1xi32>
      %gather3A_354 = vector.shape_cast %broadcast_in_dim3A_353 : vector<16x1xi32> to vector<16xi32>
      %gather3A_355 = tpu.dynamic_gather %max3A_342[%gather3A_354] in [0] : vector<16xf32>, vector<16xi32> -> vector<16xf32>
      %max3A_356 = arith.maximumf %max3A_342, %gather3A_355 : vector<16xf32>
      %xor3A_357 = arith.constant 2 : i32
      %xor3A_358 = vector.broadcast %xor3A_357 : i32 to vector<16xi32>
      %xor3A_359 = arith.xori %iota3A_88, %xor3A_358 : vector<16xi32>
      %lt3A_360 = arith.constant 0 : i32
      %lt3A_361 = vector.broadcast %lt3A_360 : i32 to vector<16xi32>
      %lt3A_362 = arith.cmpi slt, %xor3A_359, %lt3A_361 : vector<16xi32>
      %add3A_363 = arith.constant 16 : i32
      %add3A_364 = vector.broadcast %add3A_363 : i32 to vector<16xi32>
      %add3A_365 = arith.addi %xor3A_359, %add3A_364 : vector<16xi32>
      %select_n3A_366 = arith.select %lt3A_362, %add3A_365, %xor3A_359 : vector<16xi1>, vector<16xi32>
      %broadcast_in_dim3A_367 = vector.shape_cast %select_n3A_366 : vector<16xi32> to vector<16x1xi32>
      %gather3A_368 = vector.shape_cast %broadcast_in_dim3A_367 : vector<16x1xi32> to vector<16xi32>
      %gather3A_369 = tpu.dynamic_gather %max3A_356[%gather3A_368] in [0] : vector<16xf32>, vector<16xi32> -> vector<16xf32>
      %max3A_370 = arith.maximumf %max3A_356, %gather3A_369 : vector<16xf32>
      %xor3A_371 = arith.constant 1 : i32
      %xor3A_372 = vector.broadcast %xor3A_371 : i32 to vector<16xi32>
      %xor3A_373 = arith.xori %iota3A_88, %xor3A_372 : vector<16xi32>
      %lt3A_374 = arith.constant 0 : i32
      %lt3A_375 = vector.broadcast %lt3A_374 : i32 to vector<16xi32>
      %lt3A_376 = arith.cmpi slt, %xor3A_373, %lt3A_375 : vector<16xi32>
      %add3A_377 = arith.constant 16 : i32
      %add3A_378 = vector.broadcast %add3A_377 : i32 to vector<16xi32>
      %add3A_379 = arith.addi %xor3A_373, %add3A_378 : vector<16xi32>
      %select_n3A_380 = arith.select %lt3A_376, %add3A_379, %xor3A_373 : vector<16xi1>, vector<16xi32>
      %broadcast_in_dim3A_381 = vector.shape_cast %select_n3A_380 : vector<16xi32> to vector<16x1xi32>
      %gather3A_382 = vector.shape_cast %broadcast_in_dim3A_381 : vector<16x1xi32> to vector<16xi32>
      %gather3A_383 = tpu.dynamic_gather %max3A_370[%gather3A_382] in [0] : vector<16xf32>, vector<16xi32> -> vector<16xf32>
      %max3A_384 = arith.maximumf %max3A_370, %gather3A_383 : vector<16xf32>
      %mul3A_385 = arith.constant 1.270000e+02 : f32
      %mul3A_386 = vector.broadcast %mul3A_385 : f32 to vector<16xf32>
      %mul3A_387 = arith.mulf %max3A_384, %mul3A_386 : vector<16xf32>
      %add3A_388 = arith.constant 9.99999974E-6 : f32
      %add3A_389 = vector.broadcast %add3A_388 : f32 to vector<16xf32>
      %add3A_390 = arith.addf %mul3A_387, %add3A_389 : vector<16xf32>
      %div3A = arith.divf %mul3A_387, %add3A_390 : vector<16xf32>
      %sub3A = arith.constant 0.999989986 : f32
      %sub3A_391 = vector.broadcast %sub3A : f32 to vector<16xf32>
      %sub3A_392 = arith.subf %sub3A_391, %max3A_384 : vector<16xf32>
      %add3A_393 = arith.addf %get3A_297, %sub3A_392 : vector<16xf32>
      %max3A_394 = arith.constant 0.000000e+00 : f32
      %max3A_395 = vector.broadcast %max3A_394 : f32 to vector<16xf32>
      %max3A_396 = arith.maximumf %add3A_393, %max3A_395 : vector<16xf32>
      %mul3A_397 = arith.mulf %max3A_396, %div3A : vector<16xf32>
      %add3A_398 = arith.constant 0.999989986 : f32
      %add3A_399 = vector.broadcast %add3A_398 : f32 to vector<16xf32>
      %add3A_400 = arith.addf %get3A_297, %add3A_399 : vector<16xf32>
      %max3A_401 = arith.constant 0.000000e+00 : f32
      %max3A_402 = vector.broadcast %max3A_401 : f32 to vector<16xf32>
      %max3A_403 = arith.maximumf %add3A_400, %max3A_402 : vector<16xf32>
      %add3A_404 = arith.constant 1.000000e+00 : f32
      %add3A_405 = vector.broadcast %add3A_404 : f32 to vector<16xf32>
      %add3A_406 = arith.addf %max3A_403, %add3A_405 : vector<16xf32>
      %mul3A_407 = arith.constant 9.99999974E-6 : f32
      %mul3A_408 = vector.broadcast %mul3A_407 : f32 to vector<16xf32>
      %mul3A_409 = arith.mulf %mul3A_408, %add3A_406 : vector<16xf32>
      %select_n3A_410 = arith.select %eq3A_91, %mul3A_409, %mul3A_397 : vector<16xi1>, vector<16xf32>
      %swap3A = arith.index_cast %scan3A_293 : i32 to index
      %swap3A_411 = arith.constant 0 : index
      %swap3A_412 = tpu.vector_load %arg10[%swap3A, %swap3A_411] {strides = array<i32>} : memref<64x128xf32, #tpu.memory_space<vmem>>, vector<1x16xf32>,
      %swap3A_413 = vector.shape_cast %swap3A_412 : vector<1x16xf32> to vector<16xf32>
      %swap3A_414 = vector.shape_cast %select_n3A_410 : vector<16xf32> to vector<1x16xf32>
      tpu.vector_store %arg10[%swap3A, %swap3A_411], %swap3A_414 {strides = array<i32>} : memref<64x128xf32, #tpu.memory_space<vmem>>, vector<1x16xf32>,
      %add3A_415 = arith.addf %get3A_301, %sub3A_392 : vector<16xf32>
      %max3A_416 = arith.constant 0.000000e+00 : f32
      %max3A_417 = vector.broadcast %max3A_416 : f32 to vector<16xf32>
      %max3A_418 = arith.maximumf %add3A_415, %max3A_417 : vector<16xf32>
      %mul3A_419 = arith.mulf %max3A_418, %div3A : vector<16xf32>
      %swap3A_420 = arith.index_cast %scan3A_293 : i32 to index
      %swap3A_421 = arith.constant 16 : index
      %swap3A_422 = tpu.vector_load %arg10[%swap3A_420, %swap3A_421] {strides = array<i32>} : memref<64x128xf32, #tpu.memory_space<vmem>>, vector<1x16xf32>,
      %swap3A_423 = vector.shape_cast %swap3A_422 : vector<1x16xf32> to vector<16xf32>
      %swap3A_424 = vector.shape_cast %mul3A_419 : vector<16xf32> to vector<1x16xf32>
      tpu.vector_store %arg10[%swap3A_420, %swap3A_421], %swap3A_424 {strides = array<i32>} : memref<64x128xf32, #tpu.memory_space<vmem>>, vector<1x16xf32>,
      %add3A_425 = arith.addf %get3A_305, %sub3A_392 : vector<16xf32>
      %max3A_426 = arith.constant 0.000000e+00 : f32
      %max3A_427 = vector.broadcast %max3A_426 : f32 to vector<16xf32>
      %max3A_428 = arith.maximumf %add3A_425, %max3A_427 : vector<16xf32>
      %mul3A_429 = arith.mulf %max3A_428, %div3A : vector<16xf32>
      %swap3A_430 = arith.index_cast %scan3A_293 : i32 to index
      %swap3A_431 = arith.constant 32 : index
      %swap3A_432 = tpu.vector_load %arg10[%swap3A_430, %swap3A_431] {strides = array<i32>} : memref<64x128xf32, #tpu.memory_space<vmem>>, vector<1x16xf32>,
      %swap3A_433 = vector.shape_cast %swap3A_432 : vector<1x16xf32> to vector<16xf32>
      %swap3A_434 = vector.shape_cast %mul3A_429 : vector<16xf32> to vector<1x16xf32>
      tpu.vector_store %arg10[%swap3A_430, %swap3A_431], %swap3A_434 {strides = array<i32>} : memref<64x128xf32, #tpu.memory_space<vmem>>, vector<1x16xf32>,
      %add3A_435 = arith.addf %get3A_309, %sub3A_392 : vector<16xf32>
      %max3A_436 = arith.constant 0.000000e+00 : f32
      %max3A_437 = vector.broadcast %max3A_436 : f32 to vector<16xf32>
      %max3A_438 = arith.maximumf %add3A_435, %max3A_437 : vector<16xf32>
      %mul3A_439 = arith.mulf %max3A_438, %div3A : vector<16xf32>
      %swap3A_440 = arith.index_cast %scan3A_293 : i32 to index
      %swap3A_441 = arith.constant 48 : index
      %swap3A_442 = tpu.vector_load %arg10[%swap3A_440, %swap3A_441] {strides = array<i32>} : memref<64x128xf32, #tpu.memory_space<vmem>>, vector<1x16xf32>,
      %swap3A_443 = vector.shape_cast %swap3A_442 : vector<1x16xf32> to vector<16xf32>
      %swap3A_444 = vector.shape_cast %mul3A_439 : vector<16xf32> to vector<1x16xf32>
      tpu.vector_store %arg10[%swap3A_440, %swap3A_441], %swap3A_444 {strides = array<i32>} : memref<64x128xf32, #tpu.memory_space<vmem>>, vector<1x16xf32>,
      %add3A_445 = arith.addf %get3A_313, %sub3A_392 : vector<16xf32>
      %max3A_446 = arith.constant 0.000000e+00 : f32
      %max3A_447 = vector.broadcast %max3A_446 : f32 to vector<16xf32>
      %max3A_448 = arith.maximumf %add3A_445, %max3A_447 : vector<16xf32>
      %mul3A_449 = arith.mulf %max3A_448, %div3A : vector<16xf32>
      %swap3A_450 = arith.index_cast %scan3A_293 : i32 to index
      %swap3A_451 = arith.constant 64 : index
      %swap3A_452 = tpu.vector_load %arg10[%swap3A_450, %swap3A_451] {strides = array<i32>} : memref<64x128xf32, #tpu.memory_space<vmem>>, vector<1x16xf32>,
      %swap3A_453 = vector.shape_cast %swap3A_452 : vector<1x16xf32> to vector<16xf32>
      %swap3A_454 = vector.shape_cast %mul3A_449 : vector<16xf32> to vector<1x16xf32>
      tpu.vector_store %arg10[%swap3A_450, %swap3A_451], %swap3A_454 {strides = array<i32>} : memref<64x128xf32, #tpu.memory_space<vmem>>, vector<1x16xf32>,
      %add3A_455 = arith.addf %get3A_317, %sub3A_392 : vector<16xf32>
      %max3A_456 = arith.constant 0.000000e+00 : f32
      %max3A_457 = vector.broadcast %max3A_456 : f32 to vector<16xf32>
      %max3A_458 = arith.maximumf %add3A_455, %max3A_457 : vector<16xf32>
      %mul3A_459 = arith.mulf %max3A_458, %div3A : vector<16xf32>
      %swap3A_460 = arith.index_cast %scan3A_293 : i32 to index
      %swap3A_461 = arith.constant 80 : index
      %swap3A_462 = tpu.vector_load %arg10[%swap3A_460, %swap3A_461] {strides = array<i32>} : memref<64x128xf32, #tpu.memory_space<vmem>>, vector<1x16xf32>,
      %swap3A_463 = vector.shape_cast %swap3A_462 : vector<1x16xf32> to vector<16xf32>
      %swap3A_464 = vector.shape_cast %mul3A_459 : vector<16xf32> to vector<1x16xf32>
      tpu.vector_store %arg10[%swap3A_460, %swap3A_461], %swap3A_464 {strides = array<i32>} : memref<64x128xf32, #tpu.memory_space<vmem>>, vector<1x16xf32>,
      %add3A_465 = arith.addf %get3A_321, %sub3A_392 : vector<16xf32>
      %max3A_466 = arith.constant 0.000000e+00 : f32
      %max3A_467 = vector.broadcast %max3A_466 : f32 to vector<16xf32>
      %max3A_468 = arith.maximumf %add3A_465, %max3A_467 : vector<16xf32>
      %mul3A_469 = arith.mulf %max3A_468, %div3A : vector<16xf32>
      %swap3A_470 = arith.index_cast %scan3A_293 : i32 to index
      %swap3A_471 = arith.constant 96 : index
      %swap3A_472 = tpu.vector_load %arg10[%swap3A_470, %swap3A_471] {strides = array<i32>} : memref<64x128xf32, #tpu.memory_space<vmem>>, vector<1x16xf32>,
      %swap3A_473 = vector.shape_cast %swap3A_472 : vector<1x16xf32> to vector<16xf32>
      %swap3A_474 = vector.shape_cast %mul3A_469 : vector<16xf32> to vector<1x16xf32>
      tpu.vector_store %arg10[%swap3A_470, %swap3A_471], %swap3A_474 {strides = array<i32>} : memref<64x128xf32, #tpu.memory_space<vmem>>, vector<1x16xf32>,
      %add3A_475 = arith.addf %get3A_325, %sub3A_392 : vector<16xf32>
      %max3A_476 = arith.constant 0.000000e+00 : f32
      %max3A_477 = vector.broadcast %max3A_476 : f32 to vector<16xf32>
      %max3A_478 = arith.maximumf %add3A_475, %max3A_477 : vector<16xf32>
      %mul3A_479 = arith.mulf %max3A_478, %div3A : vector<16xf32>
      %swap3A_480 = arith.index_cast %scan3A_293 : i32 to index
      %swap3A_481 = arith.constant 112 : index
      %swap3A_482 = tpu.vector_load %arg10[%swap3A_480, %swap3A_481] {strides = array<i32>} : memref<64x128xf32, #tpu.memory_space<vmem>>, vector<1x16xf32>,
      %swap3A_483 = vector.shape_cast %swap3A_482 : vector<1x16xf32> to vector<16xf32>
      %swap3A_484 = vector.shape_cast %mul3A_479 : vector<16xf32> to vector<1x16xf32>
      tpu.vector_store %arg10[%swap3A_480, %swap3A_481], %swap3A_484 {strides = array<i32>} : memref<64x128xf32, #tpu.memory_space<vmem>>, vector<1x16xf32>,
      %scan3A_485 = arith.constant 0 : i32
      scf.yield %scan3A_485 : i32
    }
    %scan3A_99 = arith.constant 64 : i32
    %add3A_100 = arith.constant 128 : i32
    %add3A_101 = arith.addi %mul3A_2, %add3A_100 : i32
    %dma_start3A_102 = arith.constant 0 : i32
    %dma_start3A_103 = tpu.memref_slice %arg3[%add3A_101, %dma_start3A_102] : memref<131072x128xf32, #tpu.memory_space<hbm>> -> memref<64x128xf32, #tpu.memory_space<hbm>>
    %dma_start3A_104 = arith.constant 0 : i32
    %dma_start3A_105 = tpu.memref_slice %arg3[%add3A_101, %dma_start3A_104] : memref<131072x128xf32, #tpu.memory_space<hbm>> -> memref<64x128xf32, #tpu.memory_space<hbm>>
    tpu.enqueue_dma source(%arg10 : memref<64x128xf32, #tpu.memory_space<vmem>>) target(%dma_start3A_105 : memref<64x128xf32, #tpu.memory_space<hbm>>) target_semaphore(%arg18 : memref<!tpu.dma_semaphore, #tpu.memory_space<semaphore_mem>>)
    %add3A_106 = arith.constant 384 : i32
    %add3A_107 = arith.addi %mul3A_2, %add3A_106 : i32
    %dma_start3A_108 = arith.constant 0 : i32
    %dma_start3A_109 = tpu.memref_slice %arg2[%add3A_107, %dma_start3A_108] : memref<131072x128xf32, #tpu.memory_space<hbm>> -> memref<64x128xf32, #tpu.memory_space<hbm>>
    %dma_start3A_110 = arith.constant 0 : i32
    %dma_start3A_111 = tpu.memref_slice %arg2[%add3A_107, %dma_start3A_110] : memref<131072x128xf32, #tpu.memory_space<hbm>> -> memref<64x128xf32, #tpu.memory_space<hbm>>
    tpu.enqueue_dma source(%dma_start3A_111 : memref<64x128xf32, #tpu.memory_space<hbm>>) target(%arg6 : memref<64x128xf32, #tpu.memory_space<vmem>>) target_semaphore(%arg14 : memref<!tpu.dma_semaphore, #tpu.memory_space<semaphore_mem>>)
    %add3A_112 = arith.constant 0 : i32
    %add3A_113 = arith.addi %mul3A_2, %add3A_112 : i32
    %dma_wait3A_114 = arith.constant 0 : i32
    %dma_wait3A_115 = tpu.memref_slice %arg2[%add3A_113, %dma_wait3A_114] : memref<131072x128xf32, #tpu.memory_space<hbm>> -> memref<64x128xf32, #tpu.memory_space<hbm>>
    %dma_wait3A_116 = arith.constant 0 : i32
    %dma_wait3A_117 = tpu.memref_slice %arg2[%add3A_113, %dma_wait3A_116] : memref<131072x128xf32, #tpu.memory_space<hbm>> -> memref<64x128xf32, #tpu.memory_space<hbm>>
    tpu.wait_dma2 semaphore(%arg15 : memref<!tpu.dma_semaphore, #tpu.memory_space<semaphore_mem>>) src(%dma_wait3A_117 : memref<64x128xf32, #tpu.memory_space<hbm>>) dst(%arg7 : memref<64x128xf32, #tpu.memory_space<vmem>>)
    %iota3A_118 = tpu.iota {dimensions = array<i32: 0>} : vector<16xi32>
    %eq3A_119 = arith.constant 0 : i32
    %eq3A_120 = vector.broadcast %eq3A_119 : i32 to vector<16xi32>
    %eq3A_121 = arith.cmpi eq, %iota3A_118, %eq3A_120 : vector<16xi32>
    %scan3A_122 = arith.constant 0xFF800000 : f32
    %scan3A_123 = arith.constant 0 : i32
    %scan3A_124 = arith.constant 0 : i32
    %scan3A_125 = arith.constant 64 : i32
    %scan3A_126 = arith.addi %scan3A_124, %scan3A_125 : i32
    %scan3A_127 = arith.constant 1 : i32
    %scan3A_128 = scf.for %scan3A_293 = %scan3A_124 to %scan3A_126 step %scan3A_127 iter_args(%scan3A_294 = %scan3A_123) -> (i32)  : i32 {
      %get3A = arith.index_cast %scan3A_293 : i32 to index
      %get3A_295 = arith.constant 0 : index
      %get3A_296 = tpu.vector_load %arg7[%get3A, %get3A_295] {strides = array<i32>} : memref<64x128xf32, #tpu.memory_space<vmem>>, vector<1x16xf32>,
      %get3A_297 = vector.shape_cast %get3A_296 : vector<1x16xf32> to vector<16xf32>
      %get3A_298 = arith.index_cast %scan3A_293 : i32 to index
      %get3A_299 = arith.constant 16 : index
      %get3A_300 = tpu.vector_load %arg7[%get3A_298, %get3A_299] {strides = array<i32>} : memref<64x128xf32, #tpu.memory_space<vmem>>, vector<1x16xf32>,
      %get3A_301 = vector.shape_cast %get3A_300 : vector<1x16xf32> to vector<16xf32>
      %get3A_302 = arith.index_cast %scan3A_293 : i32 to index
      %get3A_303 = arith.constant 32 : index
      %get3A_304 = tpu.vector_load %arg7[%get3A_302, %get3A_303] {strides = array<i32>} : memref<64x128xf32, #tpu.memory_space<vmem>>, vector<1x16xf32>,
      %get3A_305 = vector.shape_cast %get3A_304 : vector<1x16xf32> to vector<16xf32>
      %get3A_306 = arith.index_cast %scan3A_293 : i32 to index
      %get3A_307 = arith.constant 48 : index
      %get3A_308 = tpu.vector_load %arg7[%get3A_306, %get3A_307] {strides = array<i32>} : memref<64x128xf32, #tpu.memory_space<vmem>>, vector<1x16xf32>,
      %get3A_309 = vector.shape_cast %get3A_308 : vector<1x16xf32> to vector<16xf32>
      %get3A_310 = arith.index_cast %scan3A_293 : i32 to index
      %get3A_311 = arith.constant 64 : index
      %get3A_312 = tpu.vector_load %arg7[%get3A_310, %get3A_311] {strides = array<i32>} : memref<64x128xf32, #tpu.memory_space<vmem>>, vector<1x16xf32>,
      %get3A_313 = vector.shape_cast %get3A_312 : vector<1x16xf32> to vector<16xf32>
      %get3A_314 = arith.index_cast %scan3A_293 : i32 to index
      %get3A_315 = arith.constant 80 : index
      %get3A_316 = tpu.vector_load %arg7[%get3A_314, %get3A_315] {strides = array<i32>} : memref<64x128xf32, #tpu.memory_space<vmem>>, vector<1x16xf32>,
      %get3A_317 = vector.shape_cast %get3A_316 : vector<1x16xf32> to vector<16xf32>
      %get3A_318 = arith.index_cast %scan3A_293 : i32 to index
      %get3A_319 = arith.constant 96 : index
      %get3A_320 = tpu.vector_load %arg7[%get3A_318, %get3A_319] {strides = array<i32>} : memref<64x128xf32, #tpu.memory_space<vmem>>, vector<1x16xf32>,
      %get3A_321 = vector.shape_cast %get3A_320 : vector<1x16xf32> to vector<16xf32>
      %get3A_322 = arith.index_cast %scan3A_293 : i32 to index
      %get3A_323 = arith.constant 112 : index
      %get3A_324 = tpu.vector_load %arg7[%get3A_322, %get3A_323] {strides = array<i32>} : memref<64x128xf32, #tpu.memory_space<vmem>>, vector<1x16xf32>,
      %get3A_325 = vector.shape_cast %get3A_324 : vector<1x16xf32> to vector<16xf32>
      %broadcast_in_dim3A = vector.broadcast %scan3A_122 : f32 to vector<16xf32>
      %select_n3A = arith.select %eq3A_121, %broadcast_in_dim3A, %get3A_297 : vector<16xi1>, vector<16xf32>
      %max3A = arith.maximumf %select_n3A, %get3A_301 : vector<16xf32>
      %max3A_326 = arith.maximumf %max3A, %get3A_305 : vector<16xf32>
      %max3A_327 = arith.maximumf %max3A_326, %get3A_309 : vector<16xf32>
      %max3A_328 = arith.maximumf %max3A_327, %get3A_313 : vector<16xf32>
      %max3A_329 = arith.maximumf %max3A_328, %get3A_317 : vector<16xf32>
      %max3A_330 = arith.maximumf %max3A_329, %get3A_321 : vector<16xf32>
      %max3A_331 = arith.maximumf %max3A_330, %get3A_325 : vector<16xf32>
      %xor3A = arith.constant 8 : i32
      %xor3A_332 = vector.broadcast %xor3A : i32 to vector<16xi32>
      %xor3A_333 = arith.xori %iota3A_118, %xor3A_332 : vector<16xi32>
      %lt3A = arith.constant 0 : i32
      %lt3A_334 = vector.broadcast %lt3A : i32 to vector<16xi32>
      %lt3A_335 = arith.cmpi slt, %xor3A_333, %lt3A_334 : vector<16xi32>
      %add3A_336 = arith.constant 16 : i32
      %add3A_337 = vector.broadcast %add3A_336 : i32 to vector<16xi32>
      %add3A_338 = arith.addi %xor3A_333, %add3A_337 : vector<16xi32>
      %select_n3A_339 = arith.select %lt3A_335, %add3A_338, %xor3A_333 : vector<16xi1>, vector<16xi32>
      %broadcast_in_dim3A_340 = vector.shape_cast %select_n3A_339 : vector<16xi32> to vector<16x1xi32>
      %gather3A = vector.shape_cast %broadcast_in_dim3A_340 : vector<16x1xi32> to vector<16xi32>
      %gather3A_341 = tpu.dynamic_gather %max3A_331[%gather3A] in [0] : vector<16xf32>, vector<16xi32> -> vector<16xf32>
      %max3A_342 = arith.maximumf %max3A_331, %gather3A_341 : vector<16xf32>
      %xor3A_343 = arith.constant 4 : i32
      %xor3A_344 = vector.broadcast %xor3A_343 : i32 to vector<16xi32>
      %xor3A_345 = arith.xori %iota3A_118, %xor3A_344 : vector<16xi32>
      %lt3A_346 = arith.constant 0 : i32
      %lt3A_347 = vector.broadcast %lt3A_346 : i32 to vector<16xi32>
      %lt3A_348 = arith.cmpi slt, %xor3A_345, %lt3A_347 : vector<16xi32>
      %add3A_349 = arith.constant 16 : i32
      %add3A_350 = vector.broadcast %add3A_349 : i32 to vector<16xi32>
      %add3A_351 = arith.addi %xor3A_345, %add3A_350 : vector<16xi32>
      %select_n3A_352 = arith.select %lt3A_348, %add3A_351, %xor3A_345 : vector<16xi1>, vector<16xi32>
      %broadcast_in_dim3A_353 = vector.shape_cast %select_n3A_352 : vector<16xi32> to vector<16x1xi32>
      %gather3A_354 = vector.shape_cast %broadcast_in_dim3A_353 : vector<16x1xi32> to vector<16xi32>
      %gather3A_355 = tpu.dynamic_gather %max3A_342[%gather3A_354] in [0] : vector<16xf32>, vector<16xi32> -> vector<16xf32>
      %max3A_356 = arith.maximumf %max3A_342, %gather3A_355 : vector<16xf32>
      %xor3A_357 = arith.constant 2 : i32
      %xor3A_358 = vector.broadcast %xor3A_357 : i32 to vector<16xi32>
      %xor3A_359 = arith.xori %iota3A_118, %xor3A_358 : vector<16xi32>
      %lt3A_360 = arith.constant 0 : i32
      %lt3A_361 = vector.broadcast %lt3A_360 : i32 to vector<16xi32>
      %lt3A_362 = arith.cmpi slt, %xor3A_359, %lt3A_361 : vector<16xi32>
      %add3A_363 = arith.constant 16 : i32
      %add3A_364 = vector.broadcast %add3A_363 : i32 to vector<16xi32>
      %add3A_365 = arith.addi %xor3A_359, %add3A_364 : vector<16xi32>
      %select_n3A_366 = arith.select %lt3A_362, %add3A_365, %xor3A_359 : vector<16xi1>, vector<16xi32>
      %broadcast_in_dim3A_367 = vector.shape_cast %select_n3A_366 : vector<16xi32> to vector<16x1xi32>
      %gather3A_368 = vector.shape_cast %broadcast_in_dim3A_367 : vector<16x1xi32> to vector<16xi32>
      %gather3A_369 = tpu.dynamic_gather %max3A_356[%gather3A_368] in [0] : vector<16xf32>, vector<16xi32> -> vector<16xf32>
      %max3A_370 = arith.maximumf %max3A_356, %gather3A_369 : vector<16xf32>
      %xor3A_371 = arith.constant 1 : i32
      %xor3A_372 = vector.broadcast %xor3A_371 : i32 to vector<16xi32>
      %xor3A_373 = arith.xori %iota3A_118, %xor3A_372 : vector<16xi32>
      %lt3A_374 = arith.constant 0 : i32
      %lt3A_375 = vector.broadcast %lt3A_374 : i32 to vector<16xi32>
      %lt3A_376 = arith.cmpi slt, %xor3A_373, %lt3A_375 : vector<16xi32>
      %add3A_377 = arith.constant 16 : i32
      %add3A_378 = vector.broadcast %add3A_377 : i32 to vector<16xi32>
      %add3A_379 = arith.addi %xor3A_373, %add3A_378 : vector<16xi32>
      %select_n3A_380 = arith.select %lt3A_376, %add3A_379, %xor3A_373 : vector<16xi1>, vector<16xi32>
      %broadcast_in_dim3A_381 = vector.shape_cast %select_n3A_380 : vector<16xi32> to vector<16x1xi32>
      %gather3A_382 = vector.shape_cast %broadcast_in_dim3A_381 : vector<16x1xi32> to vector<16xi32>
      %gather3A_383 = tpu.dynamic_gather %max3A_370[%gather3A_382] in [0] : vector<16xf32>, vector<16xi32> -> vector<16xf32>
      %max3A_384 = arith.maximumf %max3A_370, %gather3A_383 : vector<16xf32>
      %mul3A_385 = arith.constant 1.270000e+02 : f32
      %mul3A_386 = vector.broadcast %mul3A_385 : f32 to vector<16xf32>
      %mul3A_387 = arith.mulf %max3A_384, %mul3A_386 : vector<16xf32>
      %add3A_388 = arith.constant 9.99999974E-6 : f32
      %add3A_389 = vector.broadcast %add3A_388 : f32 to vector<16xf32>
      %add3A_390 = arith.addf %mul3A_387, %add3A_389 : vector<16xf32>
      %div3A = arith.divf %mul3A_387, %add3A_390 : vector<16xf32>
      %sub3A = arith.constant 0.999989986 : f32
      %sub3A_391 = vector.broadcast %sub3A : f32 to vector<16xf32>
      %sub3A_392 = arith.subf %sub3A_391, %max3A_384 : vector<16xf32>
      %add3A_393 = arith.addf %get3A_297, %sub3A_392 : vector<16xf32>
      %max3A_394 = arith.constant 0.000000e+00 : f32
      %max3A_395 = vector.broadcast %max3A_394 : f32 to vector<16xf32>
      %max3A_396 = arith.maximumf %add3A_393, %max3A_395 : vector<16xf32>
      %mul3A_397 = arith.mulf %max3A_396, %div3A : vector<16xf32>
      %add3A_398 = arith.constant 0.999989986 : f32
      %add3A_399 = vector.broadcast %add3A_398 : f32 to vector<16xf32>
      %add3A_400 = arith.addf %get3A_297, %add3A_399 : vector<16xf32>
      %max3A_401 = arith.constant 0.000000e+00 : f32
      %max3A_402 = vector.broadcast %max3A_401 : f32 to vector<16xf32>
      %max3A_403 = arith.maximumf %add3A_400, %max3A_402 : vector<16xf32>
      %add3A_404 = arith.constant 1.000000e+00 : f32
      %add3A_405 = vector.broadcast %add3A_404 : f32 to vector<16xf32>
      %add3A_406 = arith.addf %max3A_403, %add3A_405 : vector<16xf32>
      %mul3A_407 = arith.constant 9.99999974E-6 : f32
      %mul3A_408 = vector.broadcast %mul3A_407 : f32 to vector<16xf32>
      %mul3A_409 = arith.mulf %mul3A_408, %add3A_406 : vector<16xf32>
      %select_n3A_410 = arith.select %eq3A_121, %mul3A_409, %mul3A_397 : vector<16xi1>, vector<16xf32>
      %swap3A = arith.index_cast %scan3A_293 : i32 to index
      %swap3A_411 = arith.constant 0 : index
      %swap3A_412 = tpu.vector_load %arg11[%swap3A, %swap3A_411] {strides = array<i32>} : memref<64x128xf32, #tpu.memory_space<vmem>>, vector<1x16xf32>,
      %swap3A_413 = vector.shape_cast %swap3A_412 : vector<1x16xf32> to vector<16xf32>
      %swap3A_414 = vector.shape_cast %select_n3A_410 : vector<16xf32> to vector<1x16xf32>
      tpu.vector_store %arg11[%swap3A, %swap3A_411], %swap3A_414 {strides = array<i32>} : memref<64x128xf32, #tpu.memory_space<vmem>>, vector<1x16xf32>,
      %add3A_415 = arith.addf %get3A_301, %sub3A_392 : vector<16xf32>
      %max3A_416 = arith.constant 0.000000e+00 : f32
      %max3A_417 = vector.broadcast %max3A_416 : f32 to vector<16xf32>
      %max3A_418 = arith.maximumf %add3A_415, %max3A_417 : vector<16xf32>
      %mul3A_419 = arith.mulf %max3A_418, %div3A : vector<16xf32>
      %swap3A_420 = arith.index_cast %scan3A_293 : i32 to index
      %swap3A_421 = arith.constant 16 : index
      %swap3A_422 = tpu.vector_load %arg11[%swap3A_420, %swap3A_421] {strides = array<i32>} : memref<64x128xf32, #tpu.memory_space<vmem>>, vector<1x16xf32>,
      %swap3A_423 = vector.shape_cast %swap3A_422 : vector<1x16xf32> to vector<16xf32>
      %swap3A_424 = vector.shape_cast %mul3A_419 : vector<16xf32> to vector<1x16xf32>
      tpu.vector_store %arg11[%swap3A_420, %swap3A_421], %swap3A_424 {strides = array<i32>} : memref<64x128xf32, #tpu.memory_space<vmem>>, vector<1x16xf32>,
      %add3A_425 = arith.addf %get3A_305, %sub3A_392 : vector<16xf32>
      %max3A_426 = arith.constant 0.000000e+00 : f32
      %max3A_427 = vector.broadcast %max3A_426 : f32 to vector<16xf32>
      %max3A_428 = arith.maximumf %add3A_425, %max3A_427 : vector<16xf32>
      %mul3A_429 = arith.mulf %max3A_428, %div3A : vector<16xf32>
      %swap3A_430 = arith.index_cast %scan3A_293 : i32 to index
      %swap3A_431 = arith.constant 32 : index
      %swap3A_432 = tpu.vector_load %arg11[%swap3A_430, %swap3A_431] {strides = array<i32>} : memref<64x128xf32, #tpu.memory_space<vmem>>, vector<1x16xf32>,
      %swap3A_433 = vector.shape_cast %swap3A_432 : vector<1x16xf32> to vector<16xf32>
      %swap3A_434 = vector.shape_cast %mul3A_429 : vector<16xf32> to vector<1x16xf32>
      tpu.vector_store %arg11[%swap3A_430, %swap3A_431], %swap3A_434 {strides = array<i32>} : memref<64x128xf32, #tpu.memory_space<vmem>>, vector<1x16xf32>,
      %add3A_435 = arith.addf %get3A_309, %sub3A_392 : vector<16xf32>
      %max3A_436 = arith.constant 0.000000e+00 : f32
      %max3A_437 = vector.broadcast %max3A_436 : f32 to vector<16xf32>
      %max3A_438 = arith.maximumf %add3A_435, %max3A_437 : vector<16xf32>
      %mul3A_439 = arith.mulf %max3A_438, %div3A : vector<16xf32>
      %swap3A_440 = arith.index_cast %scan3A_293 : i32 to index
      %swap3A_441 = arith.constant 48 : index
      %swap3A_442 = tpu.vector_load %arg11[%swap3A_440, %swap3A_441] {strides = array<i32>} : memref<64x128xf32, #tpu.memory_space<vmem>>, vector<1x16xf32>,
      %swap3A_443 = vector.shape_cast %swap3A_442 : vector<1x16xf32> to vector<16xf32>
      %swap3A_444 = vector.shape_cast %mul3A_439 : vector<16xf32> to vector<1x16xf32>
      tpu.vector_store %arg11[%swap3A_440, %swap3A_441], %swap3A_444 {strides = array<i32>} : memref<64x128xf32, #tpu.memory_space<vmem>>, vector<1x16xf32>,
      %add3A_445 = arith.addf %get3A_313, %sub3A_392 : vector<16xf32>
      %max3A_446 = arith.constant 0.000000e+00 : f32
      %max3A_447 = vector.broadcast %max3A_446 : f32 to vector<16xf32>
      %max3A_448 = arith.maximumf %add3A_445, %max3A_447 : vector<16xf32>
      %mul3A_449 = arith.mulf %max3A_448, %div3A : vector<16xf32>
      %swap3A_450 = arith.index_cast %scan3A_293 : i32 to index
      %swap3A_451 = arith.constant 64 : index
      %swap3A_452 = tpu.vector_load %arg11[%swap3A_450, %swap3A_451] {strides = array<i32>} : memref<64x128xf32, #tpu.memory_space<vmem>>, vector<1x16xf32>,
      %swap3A_453 = vector.shape_cast %swap3A_452 : vector<1x16xf32> to vector<16xf32>
      %swap3A_454 = vector.shape_cast %mul3A_449 : vector<16xf32> to vector<1x16xf32>
      tpu.vector_store %arg11[%swap3A_450, %swap3A_451], %swap3A_454 {strides = array<i32>} : memref<64x128xf32, #tpu.memory_space<vmem>>, vector<1x16xf32>,
      %add3A_455 = arith.addf %get3A_317, %sub3A_392 : vector<16xf32>
      %max3A_456 = arith.constant 0.000000e+00 : f32
      %max3A_457 = vector.broadcast %max3A_456 : f32 to vector<16xf32>
      %max3A_458 = arith.maximumf %add3A_455, %max3A_457 : vector<16xf32>
      %mul3A_459 = arith.mulf %max3A_458, %div3A : vector<16xf32>
      %swap3A_460 = arith.index_cast %scan3A_293 : i32 to index
      %swap3A_461 = arith.constant 80 : index
      %swap3A_462 = tpu.vector_load %arg11[%swap3A_460, %swap3A_461] {strides = array<i32>} : memref<64x128xf32, #tpu.memory_space<vmem>>, vector<1x16xf32>,
      %swap3A_463 = vector.shape_cast %swap3A_462 : vector<1x16xf32> to vector<16xf32>
      %swap3A_464 = vector.shape_cast %mul3A_459 : vector<16xf32> to vector<1x16xf32>
      tpu.vector_store %arg11[%swap3A_460, %swap3A_461], %swap3A_464 {strides = array<i32>} : memref<64x128xf32, #tpu.memory_space<vmem>>, vector<1x16xf32>,
      %add3A_465 = arith.addf %get3A_321, %sub3A_392 : vector<16xf32>
      %max3A_466 = arith.constant 0.000000e+00 : f32
      %max3A_467 = vector.broadcast %max3A_466 : f32 to vector<16xf32>
      %max3A_468 = arith.maximumf %add3A_465, %max3A_467 : vector<16xf32>
      %mul3A_469 = arith.mulf %max3A_468, %div3A : vector<16xf32>
      %swap3A_470 = arith.index_cast %scan3A_293 : i32 to index
      %swap3A_471 = arith.constant 96 : index
      %swap3A_472 = tpu.vector_load %arg11[%swap3A_470, %swap3A_471] {strides = array<i32>} : memref<64x128xf32, #tpu.memory_space<vmem>>, vector<1x16xf32>,
      %swap3A_473 = vector.shape_cast %swap3A_472 : vector<1x16xf32> to vector<16xf32>
      %swap3A_474 = vector.shape_cast %mul3A_469 : vector<16xf32> to vector<1x16xf32>
      tpu.vector_store %arg11[%swap3A_470, %swap3A_471], %swap3A_474 {strides = array<i32>} : memref<64x128xf32, #tpu.memory_space<vmem>>, vector<1x16xf32>,
      %add3A_475 = arith.addf %get3A_325, %sub3A_392 : vector<16xf32>
      %max3A_476 = arith.constant 0.000000e+00 : f32
      %max3A_477 = vector.broadcast %max3A_476 : f32 to vector<16xf32>
      %max3A_478 = arith.maximumf %add3A_475, %max3A_477 : vector<16xf32>
      %mul3A_479 = arith.mulf %max3A_478, %div3A : vector<16xf32>
      %swap3A_480 = arith.index_cast %scan3A_293 : i32 to index
      %swap3A_481 = arith.constant 112 : index
      %swap3A_482 = tpu.vector_load %arg11[%swap3A_480, %swap3A_481] {strides = array<i32>} : memref<64x128xf32, #tpu.memory_space<vmem>>, vector<1x16xf32>,
      %swap3A_483 = vector.shape_cast %swap3A_482 : vector<1x16xf32> to vector<16xf32>
      %swap3A_484 = vector.shape_cast %mul3A_479 : vector<16xf32> to vector<1x16xf32>
      tpu.vector_store %arg11[%swap3A_480, %swap3A_481], %swap3A_484 {strides = array<i32>} : memref<64x128xf32, #tpu.memory_space<vmem>>, vector<1x16xf32>,
      %scan3A_485 = arith.constant 0 : i32
      scf.yield %scan3A_485 : i32
    }
    %scan3A_129 = arith.constant 64 : i32
    %add3A_130 = arith.constant 192 : i32
    %add3A_131 = arith.addi %mul3A_2, %add3A_130 : i32
    %dma_start3A_132 = arith.constant 0 : i32
    %dma_start3A_133 = tpu.memref_slice %arg3[%add3A_131, %dma_start3A_132] : memref<131072x128xf32, #tpu.memory_space<hbm>> -> memref<64x128xf32, #tpu.memory_space<hbm>>
    %dma_start3A_134 = arith.constant 0 : i32
    %dma_start3A_135 = tpu.memref_slice %arg3[%add3A_131, %dma_start3A_134] : memref<131072x128xf32, #tpu.memory_space<hbm>> -> memref<64x128xf32, #tpu.memory_space<hbm>>
    tpu.enqueue_dma source(%arg11 : memref<64x128xf32, #tpu.memory_space<vmem>>) target(%dma_start3A_135 : memref<64x128xf32, #tpu.memory_space<hbm>>) target_semaphore(%arg19 : memref<!tpu.dma_semaphore, #tpu.memory_space<semaphore_mem>>)
    %add3A_136 = arith.constant 448 : i32
    %add3A_137 = arith.addi %mul3A_2, %add3A_136 : i32
    %dma_start3A_138 = arith.constant 0 : i32
    %dma_start3A_139 = tpu.memref_slice %arg2[%add3A_137, %dma_start3A_138] : memref<131072x128xf32, #tpu.memory_space<hbm>> -> memref<64x128xf32, #tpu.memory_space<hbm>>
    %dma_start3A_140 = arith.constant 0 : i32
    %dma_start3A_141 = tpu.memref_slice %arg2[%add3A_137, %dma_start3A_140] : memref<131072x128xf32, #tpu.memory_space<hbm>> -> memref<64x128xf32, #tpu.memory_space<hbm>>
    tpu.enqueue_dma source(%dma_start3A_141 : memref<64x128xf32, #tpu.memory_space<hbm>>) target(%arg7 : memref<64x128xf32, #tpu.memory_space<vmem>>) target_semaphore(%arg15 : memref<!tpu.dma_semaphore, #tpu.memory_space<semaphore_mem>>)
    %scan3A_142 = arith.constant 0 : i32
    %scan3A_143 = arith.constant 1 : i32
    %scan3A_144 = arith.constant 14 : i32
    %scan3A_145 = arith.addi %scan3A_143, %scan3A_144 : i32
    %scan3A_146 = arith.constant 1 : i32
    %scan3A_147 = scf.for %scan3A_293 = %scan3A_143 to %scan3A_145 step %scan3A_146 iter_args(%scan3A_294 = %scan3A_142) -> (i32)  : i32 {
      %mul3A_295 = arith.constant 4 : i32
      %mul3A_296 = arith.muli %scan3A_293, %mul3A_295 : i32
      %add3A_297 = arith.constant 0 : i32
      %add3A_298 = arith.addi %mul3A_296, %add3A_297 : i32
      %add3A_299 = arith.constant 0 : i32
      %add3A_300 = arith.addi %mul3A_2, %add3A_299 : i32
      %dma_wait3A_301 = arith.constant 0 : i32
      %dma_wait3A_302 = tpu.memref_slice %arg2[%add3A_300, %dma_wait3A_301] : memref<131072x128xf32, #tpu.memory_space<hbm>> -> memref<64x128xf32, #tpu.memory_space<hbm>>
      %dma_wait3A_303 = arith.constant 0 : i32
      %dma_wait3A_304 = tpu.memref_slice %arg2[%add3A_300, %dma_wait3A_303] : memref<131072x128xf32, #tpu.memory_space<hbm>> -> memref<64x128xf32, #tpu.memory_space<hbm>>
      tpu.wait_dma2 semaphore(%arg12 : memref<!tpu.dma_semaphore, #tpu.memory_space<semaphore_mem>>) src(%dma_wait3A_304 : memref<64x128xf32, #tpu.memory_space<hbm>>) dst(%arg4 : memref<64x128xf32, #tpu.memory_space<vmem>>)
      %add3A_305 = arith.constant 0 : i32
      %add3A_306 = arith.addi %mul3A_2, %add3A_305 : i32
      %dma_wait3A_307 = arith.constant 0 : i32
      %dma_wait3A_308 = tpu.memref_slice %arg3[%add3A_306, %dma_wait3A_307] : memref<131072x128xf32, #tpu.memory_space<hbm>> -> memref<64x128xf32, #tpu.memory_space<hbm>>
      %dma_wait3A_309 = arith.constant 0 : i32
      %dma_wait3A_310 = tpu.memref_slice %arg3[%add3A_306, %dma_wait3A_309] : memref<131072x128xf32, #tpu.memory_space<hbm>> -> memref<64x128xf32, #tpu.memory_space<hbm>>
      tpu.wait_dma2 semaphore(%arg16 : memref<!tpu.dma_semaphore, #tpu.memory_space<semaphore_mem>>) src(%arg8 : memref<64x128xf32, #tpu.memory_space<vmem>>) dst(%dma_wait3A_310 : memref<64x128xf32, #tpu.memory_space<hbm>>)
      %iota3A_311 = tpu.iota {dimensions = array<i32: 0>} : vector<16xi32>
      %eq3A_312 = arith.constant 0 : i32
      %eq3A_313 = vector.broadcast %eq3A_312 : i32 to vector<16xi32>
      %eq3A_314 = arith.cmpi eq, %iota3A_311, %eq3A_313 : vector<16xi32>
      %scan3A_315 = arith.constant 0xFF800000 : f32
      %scan3A_316 = arith.constant 0 : i32
      %scan3A_317 = arith.constant 0 : i32
      %scan3A_318 = arith.constant 64 : i32
      %scan3A_319 = arith.addi %scan3A_317, %scan3A_318 : i32
      %scan3A_320 = arith.constant 1 : i32
      %scan3A_321 = scf.for %scan3A_472 = %scan3A_317 to %scan3A_319 step %scan3A_320 iter_args(%scan3A_473 = %scan3A_316) -> (i32)  : i32 {
        %get3A = arith.index_cast %scan3A_472 : i32 to index
        %get3A_474 = arith.constant 0 : index
        %get3A_475 = tpu.vector_load %arg4[%get3A, %get3A_474] {strides = array<i32>} : memref<64x128xf32, #tpu.memory_space<vmem>>, vector<1x16xf32>,
        %get3A_476 = vector.shape_cast %get3A_475 : vector<1x16xf32> to vector<16xf32>
        %get3A_477 = arith.index_cast %scan3A_472 : i32 to index
        %get3A_478 = arith.constant 16 : index
        %get3A_479 = tpu.vector_load %arg4[%get3A_477, %get3A_478] {strides = array<i32>} : memref<64x128xf32, #tpu.memory_space<vmem>>, vector<1x16xf32>,
        %get3A_480 = vector.shape_cast %get3A_479 : vector<1x16xf32> to vector<16xf32>
        %get3A_481 = arith.index_cast %scan3A_472 : i32 to index
        %get3A_482 = arith.constant 32 : index
        %get3A_483 = tpu.vector_load %arg4[%get3A_481, %get3A_482] {strides = array<i32>} : memref<64x128xf32, #tpu.memory_space<vmem>>, vector<1x16xf32>,
        %get3A_484 = vector.shape_cast %get3A_483 : vector<1x16xf32> to vector<16xf32>
        %get3A_485 = arith.index_cast %scan3A_472 : i32 to index
        %get3A_486 = arith.constant 48 : index
        %get3A_487 = tpu.vector_load %arg4[%get3A_485, %get3A_486] {strides = array<i32>} : memref<64x128xf32, #tpu.memory_space<vmem>>, vector<1x16xf32>,
        %get3A_488 = vector.shape_cast %get3A_487 : vector<1x16xf32> to vector<16xf32>
        %get3A_489 = arith.index_cast %scan3A_472 : i32 to index
        %get3A_490 = arith.constant 64 : index
        %get3A_491 = tpu.vector_load %arg4[%get3A_489, %get3A_490] {strides = array<i32>} : memref<64x128xf32, #tpu.memory_space<vmem>>, vector<1x16xf32>,
        %get3A_492 = vector.shape_cast %get3A_491 : vector<1x16xf32> to vector<16xf32>
        %get3A_493 = arith.index_cast %scan3A_472 : i32 to index
        %get3A_494 = arith.constant 80 : index
        %get3A_495 = tpu.vector_load %arg4[%get3A_493, %get3A_494] {strides = array<i32>} : memref<64x128xf32, #tpu.memory_space<vmem>>, vector<1x16xf32>,
        %get3A_496 = vector.shape_cast %get3A_495 : vector<1x16xf32> to vector<16xf32>
        %get3A_497 = arith.index_cast %scan3A_472 : i32 to index
        %get3A_498 = arith.constant 96 : index
        %get3A_499 = tpu.vector_load %arg4[%get3A_497, %get3A_498] {strides = array<i32>} : memref<64x128xf32, #tpu.memory_space<vmem>>, vector<1x16xf32>,
        %get3A_500 = vector.shape_cast %get3A_499 : vector<1x16xf32> to vector<16xf32>
        %get3A_501 = arith.index_cast %scan3A_472 : i32 to index
        %get3A_502 = arith.constant 112 : index
        %get3A_503 = tpu.vector_load %arg4[%get3A_501, %get3A_502] {strides = array<i32>} : memref<64x128xf32, #tpu.memory_space<vmem>>, vector<1x16xf32>,
        %get3A_504 = vector.shape_cast %get3A_503 : vector<1x16xf32> to vector<16xf32>
        %broadcast_in_dim3A = vector.broadcast %scan3A_315 : f32 to vector<16xf32>
        %select_n3A = arith.select %eq3A_314, %broadcast_in_dim3A, %get3A_476 : vector<16xi1>, vector<16xf32>
        %max3A = arith.maximumf %select_n3A, %get3A_480 : vector<16xf32>
        %max3A_505 = arith.maximumf %max3A, %get3A_484 : vector<16xf32>
        %max3A_506 = arith.maximumf %max3A_505, %get3A_488 : vector<16xf32>
        %max3A_507 = arith.maximumf %max3A_506, %get3A_492 : vector<16xf32>
        %max3A_508 = arith.maximumf %max3A_507, %get3A_496 : vector<16xf32>
        %max3A_509 = arith.maximumf %max3A_508, %get3A_500 : vector<16xf32>
        %max3A_510 = arith.maximumf %max3A_509, %get3A_504 : vector<16xf32>
        %xor3A = arith.constant 8 : i32
        %xor3A_511 = vector.broadcast %xor3A : i32 to vector<16xi32>
        %xor3A_512 = arith.xori %iota3A_311, %xor3A_511 : vector<16xi32>
        %lt3A = arith.constant 0 : i32
        %lt3A_513 = vector.broadcast %lt3A : i32 to vector<16xi32>
        %lt3A_514 = arith.cmpi slt, %xor3A_512, %lt3A_513 : vector<16xi32>
        %add3A_515 = arith.constant 16 : i32
        %add3A_516 = vector.broadcast %add3A_515 : i32 to vector<16xi32>
        %add3A_517 = arith.addi %xor3A_512, %add3A_516 : vector<16xi32>
        %select_n3A_518 = arith.select %lt3A_514, %add3A_517, %xor3A_512 : vector<16xi1>, vector<16xi32>
        %broadcast_in_dim3A_519 = vector.shape_cast %select_n3A_518 : vector<16xi32> to vector<16x1xi32>
        %gather3A = vector.shape_cast %broadcast_in_dim3A_519 : vector<16x1xi32> to vector<16xi32>
        %gather3A_520 = tpu.dynamic_gather %max3A_510[%gather3A] in [0] : vector<16xf32>, vector<16xi32> -> vector<16xf32>
        %max3A_521 = arith.maximumf %max3A_510, %gather3A_520 : vector<16xf32>
        %xor3A_522 = arith.constant 4 : i32
        %xor3A_523 = vector.broadcast %xor3A_522 : i32 to vector<16xi32>
        %xor3A_524 = arith.xori %iota3A_311, %xor3A_523 : vector<16xi32>
        %lt3A_525 = arith.constant 0 : i32
        %lt3A_526 = vector.broadcast %lt3A_525 : i32 to vector<16xi32>
        %lt3A_527 = arith.cmpi slt, %xor3A_524, %lt3A_526 : vector<16xi32>
        %add3A_528 = arith.constant 16 : i32
        %add3A_529 = vector.broadcast %add3A_528 : i32 to vector<16xi32>
        %add3A_530 = arith.addi %xor3A_524, %add3A_529 : vector<16xi32>
        %select_n3A_531 = arith.select %lt3A_527, %add3A_530, %xor3A_524 : vector<16xi1>, vector<16xi32>
        %broadcast_in_dim3A_532 = vector.shape_cast %select_n3A_531 : vector<16xi32> to vector<16x1xi32>
        %gather3A_533 = vector.shape_cast %broadcast_in_dim3A_532 : vector<16x1xi32> to vector<16xi32>
        %gather3A_534 = tpu.dynamic_gather %max3A_521[%gather3A_533] in [0] : vector<16xf32>, vector<16xi32> -> vector<16xf32>
        %max3A_535 = arith.maximumf %max3A_521, %gather3A_534 : vector<16xf32>
        %xor3A_536 = arith.constant 2 : i32
        %xor3A_537 = vector.broadcast %xor3A_536 : i32 to vector<16xi32>
        %xor3A_538 = arith.xori %iota3A_311, %xor3A_537 : vector<16xi32>
        %lt3A_539 = arith.constant 0 : i32
        %lt3A_540 = vector.broadcast %lt3A_539 : i32 to vector<16xi32>
        %lt3A_541 = arith.cmpi slt, %xor3A_538, %lt3A_540 : vector<16xi32>
        %add3A_542 = arith.constant 16 : i32
        %add3A_543 = vector.broadcast %add3A_542 : i32 to vector<16xi32>
        %add3A_544 = arith.addi %xor3A_538, %add3A_543 : vector<16xi32>
        %select_n3A_545 = arith.select %lt3A_541, %add3A_544, %xor3A_538 : vector<16xi1>, vector<16xi32>
        %broadcast_in_dim3A_546 = vector.shape_cast %select_n3A_545 : vector<16xi32> to vector<16x1xi32>
        %gather3A_547 = vector.shape_cast %broadcast_in_dim3A_546 : vector<16x1xi32> to vector<16xi32>
        %gather3A_548 = tpu.dynamic_gather %max3A_535[%gather3A_547] in [0] : vector<16xf32>, vector<16xi32> -> vector<16xf32>
        %max3A_549 = arith.maximumf %max3A_535, %gather3A_548 : vector<16xf32>
        %xor3A_550 = arith.constant 1 : i32
        %xor3A_551 = vector.broadcast %xor3A_550 : i32 to vector<16xi32>
        %xor3A_552 = arith.xori %iota3A_311, %xor3A_551 : vector<16xi32>
        %lt3A_553 = arith.constant 0 : i32
        %lt3A_554 = vector.broadcast %lt3A_553 : i32 to vector<16xi32>
        %lt3A_555 = arith.cmpi slt, %xor3A_552, %lt3A_554 : vector<16xi32>
        %add3A_556 = arith.constant 16 : i32
        %add3A_557 = vector.broadcast %add3A_556 : i32 to vector<16xi32>
        %add3A_558 = arith.addi %xor3A_552, %add3A_557 : vector<16xi32>
        %select_n3A_559 = arith.select %lt3A_555, %add3A_558, %xor3A_552 : vector<16xi1>, vector<16xi32>
        %broadcast_in_dim3A_560 = vector.shape_cast %select_n3A_559 : vector<16xi32> to vector<16x1xi32>
        %gather3A_561 = vector.shape_cast %broadcast_in_dim3A_560 : vector<16x1xi32> to vector<16xi32>
        %gather3A_562 = tpu.dynamic_gather %max3A_549[%gather3A_561] in [0] : vector<16xf32>, vector<16xi32> -> vector<16xf32>
        %max3A_563 = arith.maximumf %max3A_549, %gather3A_562 : vector<16xf32>
        %mul3A_564 = arith.constant 1.270000e+02 : f32
        %mul3A_565 = vector.broadcast %mul3A_564 : f32 to vector<16xf32>
        %mul3A_566 = arith.mulf %max3A_563, %mul3A_565 : vector<16xf32>
        %add3A_567 = arith.constant 9.99999974E-6 : f32
        %add3A_568 = vector.broadcast %add3A_567 : f32 to vector<16xf32>
        %add3A_569 = arith.addf %mul3A_566, %add3A_568 : vector<16xf32>
        %div3A = arith.divf %mul3A_566, %add3A_569 : vector<16xf32>
        %sub3A = arith.constant 0.999989986 : f32
        %sub3A_570 = vector.broadcast %sub3A : f32 to vector<16xf32>
        %sub3A_571 = arith.subf %sub3A_570, %max3A_563 : vector<16xf32>
        %add3A_572 = arith.addf %get3A_476, %sub3A_571 : vector<16xf32>
        %max3A_573 = arith.constant 0.000000e+00 : f32
        %max3A_574 = vector.broadcast %max3A_573 : f32 to vector<16xf32>
        %max3A_575 = arith.maximumf %add3A_572, %max3A_574 : vector<16xf32>
        %mul3A_576 = arith.mulf %max3A_575, %div3A : vector<16xf32>
        %add3A_577 = arith.constant 0.999989986 : f32
        %add3A_578 = vector.broadcast %add3A_577 : f32 to vector<16xf32>
        %add3A_579 = arith.addf %get3A_476, %add3A_578 : vector<16xf32>
        %max3A_580 = arith.constant 0.000000e+00 : f32
        %max3A_581 = vector.broadcast %max3A_580 : f32 to vector<16xf32>
        %max3A_582 = arith.maximumf %add3A_579, %max3A_581 : vector<16xf32>
        %add3A_583 = arith.constant 1.000000e+00 : f32
        %add3A_584 = vector.broadcast %add3A_583 : f32 to vector<16xf32>
        %add3A_585 = arith.addf %max3A_582, %add3A_584 : vector<16xf32>
        %mul3A_586 = arith.constant 9.99999974E-6 : f32
        %mul3A_587 = vector.broadcast %mul3A_586 : f32 to vector<16xf32>
        %mul3A_588 = arith.mulf %mul3A_587, %add3A_585 : vector<16xf32>
        %select_n3A_589 = arith.select %eq3A_314, %mul3A_588, %mul3A_576 : vector<16xi1>, vector<16xf32>
        %swap3A = arith.index_cast %scan3A_472 : i32 to index
        %swap3A_590 = arith.constant 0 : index
        %swap3A_591 = tpu.vector_load %arg8[%swap3A, %swap3A_590] {strides = array<i32>} : memref<64x128xf32, #tpu.memory_space<vmem>>, vector<1x16xf32>,
        %swap3A_592 = vector.shape_cast %swap3A_591 : vector<1x16xf32> to vector<16xf32>
        %swap3A_593 = vector.shape_cast %select_n3A_589 : vector<16xf32> to vector<1x16xf32>
        tpu.vector_store %arg8[%swap3A, %swap3A_590], %swap3A_593 {strides = array<i32>} : memref<64x128xf32, #tpu.memory_space<vmem>>, vector<1x16xf32>,
        %add3A_594 = arith.addf %get3A_480, %sub3A_571 : vector<16xf32>
        %max3A_595 = arith.constant 0.000000e+00 : f32
        %max3A_596 = vector.broadcast %max3A_595 : f32 to vector<16xf32>
        %max3A_597 = arith.maximumf %add3A_594, %max3A_596 : vector<16xf32>
        %mul3A_598 = arith.mulf %max3A_597, %div3A : vector<16xf32>
        %swap3A_599 = arith.index_cast %scan3A_472 : i32 to index
        %swap3A_600 = arith.constant 16 : index
        %swap3A_601 = tpu.vector_load %arg8[%swap3A_599, %swap3A_600] {strides = array<i32>} : memref<64x128xf32, #tpu.memory_space<vmem>>, vector<1x16xf32>,
        %swap3A_602 = vector.shape_cast %swap3A_601 : vector<1x16xf32> to vector<16xf32>
        %swap3A_603 = vector.shape_cast %mul3A_598 : vector<16xf32> to vector<1x16xf32>
        tpu.vector_store %arg8[%swap3A_599, %swap3A_600], %swap3A_603 {strides = array<i32>} : memref<64x128xf32, #tpu.memory_space<vmem>>, vector<1x16xf32>,
        %add3A_604 = arith.addf %get3A_484, %sub3A_571 : vector<16xf32>
        %max3A_605 = arith.constant 0.000000e+00 : f32
        %max3A_606 = vector.broadcast %max3A_605 : f32 to vector<16xf32>
        %max3A_607 = arith.maximumf %add3A_604, %max3A_606 : vector<16xf32>
        %mul3A_608 = arith.mulf %max3A_607, %div3A : vector<16xf32>
        %swap3A_609 = arith.index_cast %scan3A_472 : i32 to index
        %swap3A_610 = arith.constant 32 : index
        %swap3A_611 = tpu.vector_load %arg8[%swap3A_609, %swap3A_610] {strides = array<i32>} : memref<64x128xf32, #tpu.memory_space<vmem>>, vector<1x16xf32>,
        %swap3A_612 = vector.shape_cast %swap3A_611 : vector<1x16xf32> to vector<16xf32>
        %swap3A_613 = vector.shape_cast %mul3A_608 : vector<16xf32> to vector<1x16xf32>
        tpu.vector_store %arg8[%swap3A_609, %swap3A_610], %swap3A_613 {strides = array<i32>} : memref<64x128xf32, #tpu.memory_space<vmem>>, vector<1x16xf32>,
        %add3A_614 = arith.addf %get3A_488, %sub3A_571 : vector<16xf32>
        %max3A_615 = arith.constant 0.000000e+00 : f32
        %max3A_616 = vector.broadcast %max3A_615 : f32 to vector<16xf32>
        %max3A_617 = arith.maximumf %add3A_614, %max3A_616 : vector<16xf32>
        %mul3A_618 = arith.mulf %max3A_617, %div3A : vector<16xf32>
        %swap3A_619 = arith.index_cast %scan3A_472 : i32 to index
        %swap3A_620 = arith.constant 48 : index
        %swap3A_621 = tpu.vector_load %arg8[%swap3A_619, %swap3A_620] {strides = array<i32>} : memref<64x128xf32, #tpu.memory_space<vmem>>, vector<1x16xf32>,
        %swap3A_622 = vector.shape_cast %swap3A_621 : vector<1x16xf32> to vector<16xf32>
        %swap3A_623 = vector.shape_cast %mul3A_618 : vector<16xf32> to vector<1x16xf32>
        tpu.vector_store %arg8[%swap3A_619, %swap3A_620], %swap3A_623 {strides = array<i32>} : memref<64x128xf32, #tpu.memory_space<vmem>>, vector<1x16xf32>,
        %add3A_624 = arith.addf %get3A_492, %sub3A_571 : vector<16xf32>
        %max3A_625 = arith.constant 0.000000e+00 : f32
        %max3A_626 = vector.broadcast %max3A_625 : f32 to vector<16xf32>
        %max3A_627 = arith.maximumf %add3A_624, %max3A_626 : vector<16xf32>
        %mul3A_628 = arith.mulf %max3A_627, %div3A : vector<16xf32>
        %swap3A_629 = arith.index_cast %scan3A_472 : i32 to index
        %swap3A_630 = arith.constant 64 : index
        %swap3A_631 = tpu.vector_load %arg8[%swap3A_629, %swap3A_630] {strides = array<i32>} : memref<64x128xf32, #tpu.memory_space<vmem>>, vector<1x16xf32>,
        %swap3A_632 = vector.shape_cast %swap3A_631 : vector<1x16xf32> to vector<16xf32>
        %swap3A_633 = vector.shape_cast %mul3A_628 : vector<16xf32> to vector<1x16xf32>
        tpu.vector_store %arg8[%swap3A_629, %swap3A_630], %swap3A_633 {strides = array<i32>} : memref<64x128xf32, #tpu.memory_space<vmem>>, vector<1x16xf32>,
        %add3A_634 = arith.addf %get3A_496, %sub3A_571 : vector<16xf32>
        %max3A_635 = arith.constant 0.000000e+00 : f32
        %max3A_636 = vector.broadcast %max3A_635 : f32 to vector<16xf32>
        %max3A_637 = arith.maximumf %add3A_634, %max3A_636 : vector<16xf32>
        %mul3A_638 = arith.mulf %max3A_637, %div3A : vector<16xf32>
        %swap3A_639 = arith.index_cast %scan3A_472 : i32 to index
        %swap3A_640 = arith.constant 80 : index
        %swap3A_641 = tpu.vector_load %arg8[%swap3A_639, %swap3A_640] {strides = array<i32>} : memref<64x128xf32, #tpu.memory_space<vmem>>, vector<1x16xf32>,
        %swap3A_642 = vector.shape_cast %swap3A_641 : vector<1x16xf32> to vector<16xf32>
        %swap3A_643 = vector.shape_cast %mul3A_638 : vector<16xf32> to vector<1x16xf32>
        tpu.vector_store %arg8[%swap3A_639, %swap3A_640], %swap3A_643 {strides = array<i32>} : memref<64x128xf32, #tpu.memory_space<vmem>>, vector<1x16xf32>,
        %add3A_644 = arith.addf %get3A_500, %sub3A_571 : vector<16xf32>
        %max3A_645 = arith.constant 0.000000e+00 : f32
        %max3A_646 = vector.broadcast %max3A_645 : f32 to vector<16xf32>
        %max3A_647 = arith.maximumf %add3A_644, %max3A_646 : vector<16xf32>
        %mul3A_648 = arith.mulf %max3A_647, %div3A : vector<16xf32>
        %swap3A_649 = arith.index_cast %scan3A_472 : i32 to index
        %swap3A_650 = arith.constant 96 : index
        %swap3A_651 = tpu.vector_load %arg8[%swap3A_649, %swap3A_650] {strides = array<i32>} : memref<64x128xf32, #tpu.memory_space<vmem>>, vector<1x16xf32>,
        %swap3A_652 = vector.shape_cast %swap3A_651 : vector<1x16xf32> to vector<16xf32>
        %swap3A_653 = vector.shape_cast %mul3A_648 : vector<16xf32> to vector<1x16xf32>
        tpu.vector_store %arg8[%swap3A_649, %swap3A_650], %swap3A_653 {strides = array<i32>} : memref<64x128xf32, #tpu.memory_space<vmem>>, vector<1x16xf32>,
        %add3A_654 = arith.addf %get3A_504, %sub3A_571 : vector<16xf32>
        %max3A_655 = arith.constant 0.000000e+00 : f32
        %max3A_656 = vector.broadcast %max3A_655 : f32 to vector<16xf32>
        %max3A_657 = arith.maximumf %add3A_654, %max3A_656 : vector<16xf32>
        %mul3A_658 = arith.mulf %max3A_657, %div3A : vector<16xf32>
        %swap3A_659 = arith.index_cast %scan3A_472 : i32 to index
        %swap3A_660 = arith.constant 112 : index
        %swap3A_661 = tpu.vector_load %arg8[%swap3A_659, %swap3A_660] {strides = array<i32>} : memref<64x128xf32, #tpu.memory_space<vmem>>, vector<1x16xf32>,
        %swap3A_662 = vector.shape_cast %swap3A_661 : vector<1x16xf32> to vector<16xf32>
        %swap3A_663 = vector.shape_cast %mul3A_658 : vector<16xf32> to vector<1x16xf32>
        tpu.vector_store %arg8[%swap3A_659, %swap3A_660], %swap3A_663 {strides = array<i32>} : memref<64x128xf32, #tpu.memory_space<vmem>>, vector<1x16xf32>,
        %scan3A_664 = arith.constant 0 : i32
        scf.yield %scan3A_664 : i32
      }
      %scan3A_322 = arith.constant 64 : i32
      %mul3A_323 = arith.constant 64 : i32
      %mul3A_324 = arith.muli %add3A_298, %mul3A_323 : i32
      %add3A_325 = arith.addi %mul3A_2, %mul3A_324 : i32
      %dma_start3A_326 = arith.constant 0 : i32
      %dma_start3A_327 = tpu.memref_slice %arg3[%add3A_325, %dma_start3A_326] : memref<131072x128xf32, #tpu.memory_space<hbm>> -> memref<64x128xf32, #tpu.memory_space<hbm>>
      %dma_start3A_328 = arith.constant 0 : i32
      %dma_start3A_329 = tpu.memref_slice %arg3[%add3A_325, %dma_start3A_328] : memref<131072x128xf32, #tpu.memory_space<hbm>> -> memref<64x128xf32, #tpu.memory_space<hbm>>
      tpu.enqueue_dma source(%arg8 : memref<64x128xf32, #tpu.memory_space<vmem>>) target(%dma_start3A_329 : memref<64x128xf32, #tpu.memory_space<hbm>>) target_semaphore(%arg16 : memref<!tpu.dma_semaphore, #tpu.memory_space<semaphore_mem>>)
      %add3A_330 = arith.constant 4 : i32
      %add3A_331 = arith.addi %add3A_298, %add3A_330 : i32
      %mul3A_332 = arith.constant 64 : i32
      %mul3A_333 = arith.muli %add3A_331, %mul3A_332 : i32
      %add3A_334 = arith.addi %mul3A_2, %mul3A_333 : i32
      %dma_start3A_335 = arith.constant 0 : i32
      %dma_start3A_336 = tpu.memref_slice %arg2[%add3A_334, %dma_start3A_335] : memref<131072x128xf32, #tpu.memory_space<hbm>> -> memref<64x128xf32, #tpu.memory_space<hbm>>
      %dma_start3A_337 = arith.constant 0 : i32
      %dma_start3A_338 = tpu.memref_slice %arg2[%add3A_334, %dma_start3A_337] : memref<131072x128xf32, #tpu.memory_space<hbm>> -> memref<64x128xf32, #tpu.memory_space<hbm>>
      tpu.enqueue_dma source(%dma_start3A_338 : memref<64x128xf32, #tpu.memory_space<hbm>>) target(%arg4 : memref<64x128xf32, #tpu.memory_space<vmem>>) target_semaphore(%arg12 : memref<!tpu.dma_semaphore, #tpu.memory_space<semaphore_mem>>)
      %mul3A_339 = arith.constant 4 : i32
      %mul3A_340 = arith.muli %scan3A_293, %mul3A_339 : i32
      %add3A_341 = arith.constant 1 : i32
      %add3A_342 = arith.addi %mul3A_340, %add3A_341 : i32
      %add3A_343 = arith.constant 0 : i32
      %add3A_344 = arith.addi %mul3A_2, %add3A_343 : i32
      %dma_wait3A_345 = arith.constant 0 : i32
      %dma_wait3A_346 = tpu.memref_slice %arg2[%add3A_344, %dma_wait3A_345] : memref<131072x128xf32, #tpu.memory_space<hbm>> -> memref<64x128xf32, #tpu.memory_space<hbm>>
      %dma_wait3A_347 = arith.constant 0 : i32
      %dma_wait3A_348 = tpu.memref_slice %arg2[%add3A_344, %dma_wait3A_347] : memref<131072x128xf32, #tpu.memory_space<hbm>> -> memref<64x128xf32, #tpu.memory_space<hbm>>
      tpu.wait_dma2 semaphore(%arg13 : memref<!tpu.dma_semaphore, #tpu.memory_space<semaphore_mem>>) src(%dma_wait3A_348 : memref<64x128xf32, #tpu.memory_space<hbm>>) dst(%arg5 : memref<64x128xf32, #tpu.memory_space<vmem>>)
      %add3A_349 = arith.constant 0 : i32
      %add3A_350 = arith.addi %mul3A_2, %add3A_349 : i32
      %dma_wait3A_351 = arith.constant 0 : i32
      %dma_wait3A_352 = tpu.memref_slice %arg3[%add3A_350, %dma_wait3A_351] : memref<131072x128xf32, #tpu.memory_space<hbm>> -> memref<64x128xf32, #tpu.memory_space<hbm>>
      %dma_wait3A_353 = arith.constant 0 : i32
      %dma_wait3A_354 = tpu.memref_slice %arg3[%add3A_350, %dma_wait3A_353] : memref<131072x128xf32, #tpu.memory_space<hbm>> -> memref<64x128xf32, #tpu.memory_space<hbm>>
      tpu.wait_dma2 semaphore(%arg17 : memref<!tpu.dma_semaphore, #tpu.memory_space<semaphore_mem>>) src(%arg9 : memref<64x128xf32, #tpu.memory_space<vmem>>) dst(%dma_wait3A_354 : memref<64x128xf32, #tpu.memory_space<hbm>>)
      %iota3A_355 = tpu.iota {dimensions = array<i32: 0>} : vector<16xi32>
      %eq3A_356 = arith.constant 0 : i32
      %eq3A_357 = vector.broadcast %eq3A_356 : i32 to vector<16xi32>
      %eq3A_358 = arith.cmpi eq, %iota3A_355, %eq3A_357 : vector<16xi32>
      %scan3A_359 = arith.constant 0xFF800000 : f32
      %scan3A_360 = arith.constant 0 : i32
      %scan3A_361 = arith.constant 0 : i32
      %scan3A_362 = arith.constant 64 : i32
      %scan3A_363 = arith.addi %scan3A_361, %scan3A_362 : i32
      %scan3A_364 = arith.constant 1 : i32
      %scan3A_365 = scf.for %scan3A_472 = %scan3A_361 to %scan3A_363 step %scan3A_364 iter_args(%scan3A_473 = %scan3A_360) -> (i32)  : i32 {
        %get3A = arith.index_cast %scan3A_472 : i32 to index
        %get3A_474 = arith.constant 0 : index
        %get3A_475 = tpu.vector_load %arg5[%get3A, %get3A_474] {strides = array<i32>} : memref<64x128xf32, #tpu.memory_space<vmem>>, vector<1x16xf32>,
        %get3A_476 = vector.shape_cast %get3A_475 : vector<1x16xf32> to vector<16xf32>
        %get3A_477 = arith.index_cast %scan3A_472 : i32 to index
        %get3A_478 = arith.constant 16 : index
        %get3A_479 = tpu.vector_load %arg5[%get3A_477, %get3A_478] {strides = array<i32>} : memref<64x128xf32, #tpu.memory_space<vmem>>, vector<1x16xf32>,
        %get3A_480 = vector.shape_cast %get3A_479 : vector<1x16xf32> to vector<16xf32>
        %get3A_481 = arith.index_cast %scan3A_472 : i32 to index
        %get3A_482 = arith.constant 32 : index
        %get3A_483 = tpu.vector_load %arg5[%get3A_481, %get3A_482] {strides = array<i32>} : memref<64x128xf32, #tpu.memory_space<vmem>>, vector<1x16xf32>,
        %get3A_484 = vector.shape_cast %get3A_483 : vector<1x16xf32> to vector<16xf32>
        %get3A_485 = arith.index_cast %scan3A_472 : i32 to index
        %get3A_486 = arith.constant 48 : index
        %get3A_487 = tpu.vector_load %arg5[%get3A_485, %get3A_486] {strides = array<i32>} : memref<64x128xf32, #tpu.memory_space<vmem>>, vector<1x16xf32>,
        %get3A_488 = vector.shape_cast %get3A_487 : vector<1x16xf32> to vector<16xf32>
        %get3A_489 = arith.index_cast %scan3A_472 : i32 to index
        %get3A_490 = arith.constant 64 : index
        %get3A_491 = tpu.vector_load %arg5[%get3A_489, %get3A_490] {strides = array<i32>} : memref<64x128xf32, #tpu.memory_space<vmem>>, vector<1x16xf32>,
        %get3A_492 = vector.shape_cast %get3A_491 : vector<1x16xf32> to vector<16xf32>
        %get3A_493 = arith.index_cast %scan3A_472 : i32 to index
        %get3A_494 = arith.constant 80 : index
        %get3A_495 = tpu.vector_load %arg5[%get3A_493, %get3A_494] {strides = array<i32>} : memref<64x128xf32, #tpu.memory_space<vmem>>, vector<1x16xf32>,
        %get3A_496 = vector.shape_cast %get3A_495 : vector<1x16xf32> to vector<16xf32>
        %get3A_497 = arith.index_cast %scan3A_472 : i32 to index
        %get3A_498 = arith.constant 96 : index
        %get3A_499 = tpu.vector_load %arg5[%get3A_497, %get3A_498] {strides = array<i32>} : memref<64x128xf32, #tpu.memory_space<vmem>>, vector<1x16xf32>,
        %get3A_500 = vector.shape_cast %get3A_499 : vector<1x16xf32> to vector<16xf32>
        %get3A_501 = arith.index_cast %scan3A_472 : i32 to index
        %get3A_502 = arith.constant 112 : index
        %get3A_503 = tpu.vector_load %arg5[%get3A_501, %get3A_502] {strides = array<i32>} : memref<64x128xf32, #tpu.memory_space<vmem>>, vector<1x16xf32>,
        %get3A_504 = vector.shape_cast %get3A_503 : vector<1x16xf32> to vector<16xf32>
        %broadcast_in_dim3A = vector.broadcast %scan3A_359 : f32 to vector<16xf32>
        %select_n3A = arith.select %eq3A_358, %broadcast_in_dim3A, %get3A_476 : vector<16xi1>, vector<16xf32>
        %max3A = arith.maximumf %select_n3A, %get3A_480 : vector<16xf32>
        %max3A_505 = arith.maximumf %max3A, %get3A_484 : vector<16xf32>
        %max3A_506 = arith.maximumf %max3A_505, %get3A_488 : vector<16xf32>
        %max3A_507 = arith.maximumf %max3A_506, %get3A_492 : vector<16xf32>
        %max3A_508 = arith.maximumf %max3A_507, %get3A_496 : vector<16xf32>
        %max3A_509 = arith.maximumf %max3A_508, %get3A_500 : vector<16xf32>
        %max3A_510 = arith.maximumf %max3A_509, %get3A_504 : vector<16xf32>
        %xor3A = arith.constant 8 : i32
        %xor3A_511 = vector.broadcast %xor3A : i32 to vector<16xi32>
        %xor3A_512 = arith.xori %iota3A_355, %xor3A_511 : vector<16xi32>
        %lt3A = arith.constant 0 : i32
        %lt3A_513 = vector.broadcast %lt3A : i32 to vector<16xi32>
        %lt3A_514 = arith.cmpi slt, %xor3A_512, %lt3A_513 : vector<16xi32>
        %add3A_515 = arith.constant 16 : i32
        %add3A_516 = vector.broadcast %add3A_515 : i32 to vector<16xi32>
        %add3A_517 = arith.addi %xor3A_512, %add3A_516 : vector<16xi32>
        %select_n3A_518 = arith.select %lt3A_514, %add3A_517, %xor3A_512 : vector<16xi1>, vector<16xi32>
        %broadcast_in_dim3A_519 = vector.shape_cast %select_n3A_518 : vector<16xi32> to vector<16x1xi32>
        %gather3A = vector.shape_cast %broadcast_in_dim3A_519 : vector<16x1xi32> to vector<16xi32>
        %gather3A_520 = tpu.dynamic_gather %max3A_510[%gather3A] in [0] : vector<16xf32>, vector<16xi32> -> vector<16xf32>
        %max3A_521 = arith.maximumf %max3A_510, %gather3A_520 : vector<16xf32>
        %xor3A_522 = arith.constant 4 : i32
        %xor3A_523 = vector.broadcast %xor3A_522 : i32 to vector<16xi32>
        %xor3A_524 = arith.xori %iota3A_355, %xor3A_523 : vector<16xi32>
        %lt3A_525 = arith.constant 0 : i32
        %lt3A_526 = vector.broadcast %lt3A_525 : i32 to vector<16xi32>
        %lt3A_527 = arith.cmpi slt, %xor3A_524, %lt3A_526 : vector<16xi32>
        %add3A_528 = arith.constant 16 : i32
        %add3A_529 = vector.broadcast %add3A_528 : i32 to vector<16xi32>
        %add3A_530 = arith.addi %xor3A_524, %add3A_529 : vector<16xi32>
        %select_n3A_531 = arith.select %lt3A_527, %add3A_530, %xor3A_524 : vector<16xi1>, vector<16xi32>
        %broadcast_in_dim3A_532 = vector.shape_cast %select_n3A_531 : vector<16xi32> to vector<16x1xi32>
        %gather3A_533 = vector.shape_cast %broadcast_in_dim3A_532 : vector<16x1xi32> to vector<16xi32>
        %gather3A_534 = tpu.dynamic_gather %max3A_521[%gather3A_533] in [0] : vector<16xf32>, vector<16xi32> -> vector<16xf32>
        %max3A_535 = arith.maximumf %max3A_521, %gather3A_534 : vector<16xf32>
        %xor3A_536 = arith.constant 2 : i32
        %xor3A_537 = vector.broadcast %xor3A_536 : i32 to vector<16xi32>
        %xor3A_538 = arith.xori %iota3A_355, %xor3A_537 : vector<16xi32>
        %lt3A_539 = arith.constant 0 : i32
        %lt3A_540 = vector.broadcast %lt3A_539 : i32 to vector<16xi32>
        %lt3A_541 = arith.cmpi slt, %xor3A_538, %lt3A_540 : vector<16xi32>
        %add3A_542 = arith.constant 16 : i32
        %add3A_543 = vector.broadcast %add3A_542 : i32 to vector<16xi32>
        %add3A_544 = arith.addi %xor3A_538, %add3A_543 : vector<16xi32>
        %select_n3A_545 = arith.select %lt3A_541, %add3A_544, %xor3A_538 : vector<16xi1>, vector<16xi32>
        %broadcast_in_dim3A_546 = vector.shape_cast %select_n3A_545 : vector<16xi32> to vector<16x1xi32>
        %gather3A_547 = vector.shape_cast %broadcast_in_dim3A_546 : vector<16x1xi32> to vector<16xi32>
        %gather3A_548 = tpu.dynamic_gather %max3A_535[%gather3A_547] in [0] : vector<16xf32>, vector<16xi32> -> vector<16xf32>
        %max3A_549 = arith.maximumf %max3A_535, %gather3A_548 : vector<16xf32>
        %xor3A_550 = arith.constant 1 : i32
        %xor3A_551 = vector.broadcast %xor3A_550 : i32 to vector<16xi32>
        %xor3A_552 = arith.xori %iota3A_355, %xor3A_551 : vector<16xi32>
        %lt3A_553 = arith.constant 0 : i32
        %lt3A_554 = vector.broadcast %lt3A_553 : i32 to vector<16xi32>
        %lt3A_555 = arith.cmpi slt, %xor3A_552, %lt3A_554 : vector<16xi32>
        %add3A_556 = arith.constant 16 : i32
        %add3A_557 = vector.broadcast %add3A_556 : i32 to vector<16xi32>
        %add3A_558 = arith.addi %xor3A_552, %add3A_557 : vector<16xi32>
        %select_n3A_559 = arith.select %lt3A_555, %add3A_558, %xor3A_552 : vector<16xi1>, vector<16xi32>
        %broadcast_in_dim3A_560 = vector.shape_cast %select_n3A_559 : vector<16xi32> to vector<16x1xi32>
        %gather3A_561 = vector.shape_cast %broadcast_in_dim3A_560 : vector<16x1xi32> to vector<16xi32>
        %gather3A_562 = tpu.dynamic_gather %max3A_549[%gather3A_561] in [0] : vector<16xf32>, vector<16xi32> -> vector<16xf32>
        %max3A_563 = arith.maximumf %max3A_549, %gather3A_562 : vector<16xf32>
        %mul3A_564 = arith.constant 1.270000e+02 : f32
        %mul3A_565 = vector.broadcast %mul3A_564 : f32 to vector<16xf32>
        %mul3A_566 = arith.mulf %max3A_563, %mul3A_565 : vector<16xf32>
        %add3A_567 = arith.constant 9.99999974E-6 : f32
        %add3A_568 = vector.broadcast %add3A_567 : f32 to vector<16xf32>
        %add3A_569 = arith.addf %mul3A_566, %add3A_568 : vector<16xf32>
        %div3A = arith.divf %mul3A_566, %add3A_569 : vector<16xf32>
        %sub3A = arith.constant 0.999989986 : f32
        %sub3A_570 = vector.broadcast %sub3A : f32 to vector<16xf32>
        %sub3A_571 = arith.subf %sub3A_570, %max3A_563 : vector<16xf32>
        %add3A_572 = arith.addf %get3A_476, %sub3A_571 : vector<16xf32>
        %max3A_573 = arith.constant 0.000000e+00 : f32
        %max3A_574 = vector.broadcast %max3A_573 : f32 to vector<16xf32>
        %max3A_575 = arith.maximumf %add3A_572, %max3A_574 : vector<16xf32>
        %mul3A_576 = arith.mulf %max3A_575, %div3A : vector<16xf32>
        %add3A_577 = arith.constant 0.999989986 : f32
        %add3A_578 = vector.broadcast %add3A_577 : f32 to vector<16xf32>
        %add3A_579 = arith.addf %get3A_476, %add3A_578 : vector<16xf32>
        %max3A_580 = arith.constant 0.000000e+00 : f32
        %max3A_581 = vector.broadcast %max3A_580 : f32 to vector<16xf32>
        %max3A_582 = arith.maximumf %add3A_579, %max3A_581 : vector<16xf32>
        %add3A_583 = arith.constant 1.000000e+00 : f32
        %add3A_584 = vector.broadcast %add3A_583 : f32 to vector<16xf32>
        %add3A_585 = arith.addf %max3A_582, %add3A_584 : vector<16xf32>
        %mul3A_586 = arith.constant 9.99999974E-6 : f32
        %mul3A_587 = vector.broadcast %mul3A_586 : f32 to vector<16xf32>
        %mul3A_588 = arith.mulf %mul3A_587, %add3A_585 : vector<16xf32>
        %select_n3A_589 = arith.select %eq3A_358, %mul3A_588, %mul3A_576 : vector<16xi1>, vector<16xf32>
        %swap3A = arith.index_cast %scan3A_472 : i32 to index
        %swap3A_590 = arith.constant 0 : index
        %swap3A_591 = tpu.vector_load %arg9[%swap3A, %swap3A_590] {strides = array<i32>} : memref<64x128xf32, #tpu.memory_space<vmem>>, vector<1x16xf32>,
        %swap3A_592 = vector.shape_cast %swap3A_591 : vector<1x16xf32> to vector<16xf32>
        %swap3A_593 = vector.shape_cast %select_n3A_589 : vector<16xf32> to vector<1x16xf32>
        tpu.vector_store %arg9[%swap3A, %swap3A_590], %swap3A_593 {strides = array<i32>} : memref<64x128xf32, #tpu.memory_space<vmem>>, vector<1x16xf32>,
        %add3A_594 = arith.addf %get3A_480, %sub3A_571 : vector<16xf32>
        %max3A_595 = arith.constant 0.000000e+00 : f32
        %max3A_596 = vector.broadcast %max3A_595 : f32 to vector<16xf32>
        %max3A_597 = arith.maximumf %add3A_594, %max3A_596 : vector<16xf32>
        %mul3A_598 = arith.mulf %max3A_597, %div3A : vector<16xf32>
        %swap3A_599 = arith.index_cast %scan3A_472 : i32 to index
        %swap3A_600 = arith.constant 16 : index
        %swap3A_601 = tpu.vector_load %arg9[%swap3A_599, %swap3A_600] {strides = array<i32>} : memref<64x128xf32, #tpu.memory_space<vmem>>, vector<1x16xf32>,
        %swap3A_602 = vector.shape_cast %swap3A_601 : vector<1x16xf32> to vector<16xf32>
        %swap3A_603 = vector.shape_cast %mul3A_598 : vector<16xf32> to vector<1x16xf32>
        tpu.vector_store %arg9[%swap3A_599, %swap3A_600], %swap3A_603 {strides = array<i32>} : memref<64x128xf32, #tpu.memory_space<vmem>>, vector<1x16xf32>,
        %add3A_604 = arith.addf %get3A_484, %sub3A_571 : vector<16xf32>
        %max3A_605 = arith.constant 0.000000e+00 : f32
        %max3A_606 = vector.broadcast %max3A_605 : f32 to vector<16xf32>
        %max3A_607 = arith.maximumf %add3A_604, %max3A_606 : vector<16xf32>
        %mul3A_608 = arith.mulf %max3A_607, %div3A : vector<16xf32>
        %swap3A_609 = arith.index_cast %scan3A_472 : i32 to index
        %swap3A_610 = arith.constant 32 : index
        %swap3A_611 = tpu.vector_load %arg9[%swap3A_609, %swap3A_610] {strides = array<i32>} : memref<64x128xf32, #tpu.memory_space<vmem>>, vector<1x16xf32>,
        %swap3A_612 = vector.shape_cast %swap3A_611 : vector<1x16xf32> to vector<16xf32>
        %swap3A_613 = vector.shape_cast %mul3A_608 : vector<16xf32> to vector<1x16xf32>
        tpu.vector_store %arg9[%swap3A_609, %swap3A_610], %swap3A_613 {strides = array<i32>} : memref<64x128xf32, #tpu.memory_space<vmem>>, vector<1x16xf32>,
        %add3A_614 = arith.addf %get3A_488, %sub3A_571 : vector<16xf32>
        %max3A_615 = arith.constant 0.000000e+00 : f32
        %max3A_616 = vector.broadcast %max3A_615 : f32 to vector<16xf32>
        %max3A_617 = arith.maximumf %add3A_614, %max3A_616 : vector<16xf32>
        %mul3A_618 = arith.mulf %max3A_617, %div3A : vector<16xf32>
        %swap3A_619 = arith.index_cast %scan3A_472 : i32 to index
        %swap3A_620 = arith.constant 48 : index
        %swap3A_621 = tpu.vector_load %arg9[%swap3A_619, %swap3A_620] {strides = array<i32>} : memref<64x128xf32, #tpu.memory_space<vmem>>, vector<1x16xf32>,
        %swap3A_622 = vector.shape_cast %swap3A_621 : vector<1x16xf32> to vector<16xf32>
        %swap3A_623 = vector.shape_cast %mul3A_618 : vector<16xf32> to vector<1x16xf32>
        tpu.vector_store %arg9[%swap3A_619, %swap3A_620], %swap3A_623 {strides = array<i32>} : memref<64x128xf32, #tpu.memory_space<vmem>>, vector<1x16xf32>,
        %add3A_624 = arith.addf %get3A_492, %sub3A_571 : vector<16xf32>
        %max3A_625 = arith.constant 0.000000e+00 : f32
        %max3A_626 = vector.broadcast %max3A_625 : f32 to vector<16xf32>
        %max3A_627 = arith.maximumf %add3A_624, %max3A_626 : vector<16xf32>
        %mul3A_628 = arith.mulf %max3A_627, %div3A : vector<16xf32>
        %swap3A_629 = arith.index_cast %scan3A_472 : i32 to index
        %swap3A_630 = arith.constant 64 : index
        %swap3A_631 = tpu.vector_load %arg9[%swap3A_629, %swap3A_630] {strides = array<i32>} : memref<64x128xf32, #tpu.memory_space<vmem>>, vector<1x16xf32>,
        %swap3A_632 = vector.shape_cast %swap3A_631 : vector<1x16xf32> to vector<16xf32>
        %swap3A_633 = vector.shape_cast %mul3A_628 : vector<16xf32> to vector<1x16xf32>
        tpu.vector_store %arg9[%swap3A_629, %swap3A_630], %swap3A_633 {strides = array<i32>} : memref<64x128xf32, #tpu.memory_space<vmem>>, vector<1x16xf32>,
        %add3A_634 = arith.addf %get3A_496, %sub3A_571 : vector<16xf32>
        %max3A_635 = arith.constant 0.000000e+00 : f32
        %max3A_636 = vector.broadcast %max3A_635 : f32 to vector<16xf32>
        %max3A_637 = arith.maximumf %add3A_634, %max3A_636 : vector<16xf32>
        %mul3A_638 = arith.mulf %max3A_637, %div3A : vector<16xf32>
        %swap3A_639 = arith.index_cast %scan3A_472 : i32 to index
        %swap3A_640 = arith.constant 80 : index
        %swap3A_641 = tpu.vector_load %arg9[%swap3A_639, %swap3A_640] {strides = array<i32>} : memref<64x128xf32, #tpu.memory_space<vmem>>, vector<1x16xf32>,
        %swap3A_642 = vector.shape_cast %swap3A_641 : vector<1x16xf32> to vector<16xf32>
        %swap3A_643 = vector.shape_cast %mul3A_638 : vector<16xf32> to vector<1x16xf32>
        tpu.vector_store %arg9[%swap3A_639, %swap3A_640], %swap3A_643 {strides = array<i32>} : memref<64x128xf32, #tpu.memory_space<vmem>>, vector<1x16xf32>,
        %add3A_644 = arith.addf %get3A_500, %sub3A_571 : vector<16xf32>
        %max3A_645 = arith.constant 0.000000e+00 : f32
        %max3A_646 = vector.broadcast %max3A_645 : f32 to vector<16xf32>
        %max3A_647 = arith.maximumf %add3A_644, %max3A_646 : vector<16xf32>
        %mul3A_648 = arith.mulf %max3A_647, %div3A : vector<16xf32>
        %swap3A_649 = arith.index_cast %scan3A_472 : i32 to index
        %swap3A_650 = arith.constant 96 : index
        %swap3A_651 = tpu.vector_load %arg9[%swap3A_649, %swap3A_650] {strides = array<i32>} : memref<64x128xf32, #tpu.memory_space<vmem>>, vector<1x16xf32>,
        %swap3A_652 = vector.shape_cast %swap3A_651 : vector<1x16xf32> to vector<16xf32>
        %swap3A_653 = vector.shape_cast %mul3A_648 : vector<16xf32> to vector<1x16xf32>
        tpu.vector_store %arg9[%swap3A_649, %swap3A_650], %swap3A_653 {strides = array<i32>} : memref<64x128xf32, #tpu.memory_space<vmem>>, vector<1x16xf32>,
        %add3A_654 = arith.addf %get3A_504, %sub3A_571 : vector<16xf32>
        %max3A_655 = arith.constant 0.000000e+00 : f32
        %max3A_656 = vector.broadcast %max3A_655 : f32 to vector<16xf32>
        %max3A_657 = arith.maximumf %add3A_654, %max3A_656 : vector<16xf32>
        %mul3A_658 = arith.mulf %max3A_657, %div3A : vector<16xf32>
        %swap3A_659 = arith.index_cast %scan3A_472 : i32 to index
        %swap3A_660 = arith.constant 112 : index
        %swap3A_661 = tpu.vector_load %arg9[%swap3A_659, %swap3A_660] {strides = array<i32>} : memref<64x128xf32, #tpu.memory_space<vmem>>, vector<1x16xf32>,
        %swap3A_662 = vector.shape_cast %swap3A_661 : vector<1x16xf32> to vector<16xf32>
        %swap3A_663 = vector.shape_cast %mul3A_658 : vector<16xf32> to vector<1x16xf32>
        tpu.vector_store %arg9[%swap3A_659, %swap3A_660], %swap3A_663 {strides = array<i32>} : memref<64x128xf32, #tpu.memory_space<vmem>>, vector<1x16xf32>,
        %scan3A_664 = arith.constant 0 : i32
        scf.yield %scan3A_664 : i32
      }
      %scan3A_366 = arith.constant 64 : i32
      %mul3A_367 = arith.constant 64 : i32
      %mul3A_368 = arith.muli %add3A_342, %mul3A_367 : i32
      %add3A_369 = arith.addi %mul3A_2, %mul3A_368 : i32
      %dma_start3A_370 = arith.constant 0 : i32
      %dma_start3A_371 = tpu.memref_slice %arg3[%add3A_369, %dma_start3A_370] : memref<131072x128xf32, #tpu.memory_space<hbm>> -> memref<64x128xf32, #tpu.memory_space<hbm>>
      %dma_start3A_372 = arith.constant 0 : i32
      %dma_start3A_373 = tpu.memref_slice %arg3[%add3A_369, %dma_start3A_372] : memref<131072x128xf32, #tpu.memory_space<hbm>> -> memref<64x128xf32, #tpu.memory_space<hbm>>
      tpu.enqueue_dma source(%arg9 : memref<64x128xf32, #tpu.memory_space<vmem>>) target(%dma_start3A_373 : memref<64x128xf32, #tpu.memory_space<hbm>>) target_semaphore(%arg17 : memref<!tpu.dma_semaphore, #tpu.memory_space<semaphore_mem>>)
      %add3A_374 = arith.constant 4 : i32
      %add3A_375 = arith.addi %add3A_342, %add3A_374 : i32
      %mul3A_376 = arith.constant 64 : i32
      %mul3A_377 = arith.muli %add3A_375, %mul3A_376 : i32
      %add3A_378 = arith.addi %mul3A_2, %mul3A_377 : i32
      %dma_start3A_379 = arith.constant 0 : i32
      %dma_start3A_380 = tpu.memref_slice %arg2[%add3A_378, %dma_start3A_379] : memref<131072x128xf32, #tpu.memory_space<hbm>> -> memref<64x128xf32, #tpu.memory_space<hbm>>
      %dma_start3A_381 = arith.constant 0 : i32
      %dma_start3A_382 = tpu.memref_slice %arg2[%add3A_378, %dma_start3A_381] : memref<131072x128xf32, #tpu.memory_space<hbm>> -> memref<64x128xf32, #tpu.memory_space<hbm>>
      tpu.enqueue_dma source(%dma_start3A_382 : memref<64x128xf32, #tpu.memory_space<hbm>>) target(%arg5 : memref<64x128xf32, #tpu.memory_space<vmem>>) target_semaphore(%arg13 : memref<!tpu.dma_semaphore, #tpu.memory_space<semaphore_mem>>)
      %mul3A_383 = arith.constant 4 : i32
      %mul3A_384 = arith.muli %scan3A_293, %mul3A_383 : i32
      %add3A_385 = arith.constant 2 : i32
      %add3A_386 = arith.addi %mul3A_384, %add3A_385 : i32
      %add3A_387 = arith.constant 0 : i32
      %add3A_388 = arith.addi %mul3A_2, %add3A_387 : i32
      %dma_wait3A_389 = arith.constant 0 : i32
      %dma_wait3A_390 = tpu.memref_slice %arg2[%add3A_388, %dma_wait3A_389] : memref<131072x128xf32, #tpu.memory_space<hbm>> -> memref<64x128xf32, #tpu.memory_space<hbm>>
      %dma_wait3A_391 = arith.constant 0 : i32
      %dma_wait3A_392 = tpu.memref_slice %arg2[%add3A_388, %dma_wait3A_391] : memref<131072x128xf32, #tpu.memory_space<hbm>> -> memref<64x128xf32, #tpu.memory_space<hbm>>
      tpu.wait_dma2 semaphore(%arg14 : memref<!tpu.dma_semaphore, #tpu.memory_space<semaphore_mem>>) src(%dma_wait3A_392 : memref<64x128xf32, #tpu.memory_space<hbm>>) dst(%arg6 : memref<64x128xf32, #tpu.memory_space<vmem>>)
      %add3A_393 = arith.constant 0 : i32
      %add3A_394 = arith.addi %mul3A_2, %add3A_393 : i32
      %dma_wait3A_395 = arith.constant 0 : i32
      %dma_wait3A_396 = tpu.memref_slice %arg3[%add3A_394, %dma_wait3A_395] : memref<131072x128xf32, #tpu.memory_space<hbm>> -> memref<64x128xf32, #tpu.memory_space<hbm>>
      %dma_wait3A_397 = arith.constant 0 : i32
      %dma_wait3A_398 = tpu.memref_slice %arg3[%add3A_394, %dma_wait3A_397] : memref<131072x128xf32, #tpu.memory_space<hbm>> -> memref<64x128xf32, #tpu.memory_space<hbm>>
      tpu.wait_dma2 semaphore(%arg18 : memref<!tpu.dma_semaphore, #tpu.memory_space<semaphore_mem>>) src(%arg10 : memref<64x128xf32, #tpu.memory_space<vmem>>) dst(%dma_wait3A_398 : memref<64x128xf32, #tpu.memory_space<hbm>>)
      %iota3A_399 = tpu.iota {dimensions = array<i32: 0>} : vector<16xi32>
      %eq3A_400 = arith.constant 0 : i32
      %eq3A_401 = vector.broadcast %eq3A_400 : i32 to vector<16xi32>
      %eq3A_402 = arith.cmpi eq, %iota3A_399, %eq3A_401 : vector<16xi32>
      %scan3A_403 = arith.constant 0xFF800000 : f32
      %scan3A_404 = arith.constant 0 : i32
      %scan3A_405 = arith.constant 0 : i32
      %scan3A_406 = arith.constant 64 : i32
      %scan3A_407 = arith.addi %scan3A_405, %scan3A_406 : i32
      %scan3A_408 = arith.constant 1 : i32
      %scan3A_409 = scf.for %scan3A_472 = %scan3A_405 to %scan3A_407 step %scan3A_408 iter_args(%scan3A_473 = %scan3A_404) -> (i32)  : i32 {
        %get3A = arith.index_cast %scan3A_472 : i32 to index
        %get3A_474 = arith.constant 0 : index
        %get3A_475 = tpu.vector_load %arg6[%get3A, %get3A_474] {strides = array<i32>} : memref<64x128xf32, #tpu.memory_space<vmem>>, vector<1x16xf32>,
        %get3A_476 = vector.shape_cast %get3A_475 : vector<1x16xf32> to vector<16xf32>
        %get3A_477 = arith.index_cast %scan3A_472 : i32 to index
        %get3A_478 = arith.constant 16 : index
        %get3A_479 = tpu.vector_load %arg6[%get3A_477, %get3A_478] {strides = array<i32>} : memref<64x128xf32, #tpu.memory_space<vmem>>, vector<1x16xf32>,
        %get3A_480 = vector.shape_cast %get3A_479 : vector<1x16xf32> to vector<16xf32>
        %get3A_481 = arith.index_cast %scan3A_472 : i32 to index
        %get3A_482 = arith.constant 32 : index
        %get3A_483 = tpu.vector_load %arg6[%get3A_481, %get3A_482] {strides = array<i32>} : memref<64x128xf32, #tpu.memory_space<vmem>>, vector<1x16xf32>,
        %get3A_484 = vector.shape_cast %get3A_483 : vector<1x16xf32> to vector<16xf32>
        %get3A_485 = arith.index_cast %scan3A_472 : i32 to index
        %get3A_486 = arith.constant 48 : index
        %get3A_487 = tpu.vector_load %arg6[%get3A_485, %get3A_486] {strides = array<i32>} : memref<64x128xf32, #tpu.memory_space<vmem>>, vector<1x16xf32>,
        %get3A_488 = vector.shape_cast %get3A_487 : vector<1x16xf32> to vector<16xf32>
        %get3A_489 = arith.index_cast %scan3A_472 : i32 to index
        %get3A_490 = arith.constant 64 : index
        %get3A_491 = tpu.vector_load %arg6[%get3A_489, %get3A_490] {strides = array<i32>} : memref<64x128xf32, #tpu.memory_space<vmem>>, vector<1x16xf32>,
        %get3A_492 = vector.shape_cast %get3A_491 : vector<1x16xf32> to vector<16xf32>
        %get3A_493 = arith.index_cast %scan3A_472 : i32 to index
        %get3A_494 = arith.constant 80 : index
        %get3A_495 = tpu.vector_load %arg6[%get3A_493, %get3A_494] {strides = array<i32>} : memref<64x128xf32, #tpu.memory_space<vmem>>, vector<1x16xf32>,
        %get3A_496 = vector.shape_cast %get3A_495 : vector<1x16xf32> to vector<16xf32>
        %get3A_497 = arith.index_cast %scan3A_472 : i32 to index
        %get3A_498 = arith.constant 96 : index
        %get3A_499 = tpu.vector_load %arg6[%get3A_497, %get3A_498] {strides = array<i32>} : memref<64x128xf32, #tpu.memory_space<vmem>>, vector<1x16xf32>,
        %get3A_500 = vector.shape_cast %get3A_499 : vector<1x16xf32> to vector<16xf32>
        %get3A_501 = arith.index_cast %scan3A_472 : i32 to index
        %get3A_502 = arith.constant 112 : index
        %get3A_503 = tpu.vector_load %arg6[%get3A_501, %get3A_502] {strides = array<i32>} : memref<64x128xf32, #tpu.memory_space<vmem>>, vector<1x16xf32>,
        %get3A_504 = vector.shape_cast %get3A_503 : vector<1x16xf32> to vector<16xf32>
        %broadcast_in_dim3A = vector.broadcast %scan3A_403 : f32 to vector<16xf32>
        %select_n3A = arith.select %eq3A_402, %broadcast_in_dim3A, %get3A_476 : vector<16xi1>, vector<16xf32>
        %max3A = arith.maximumf %select_n3A, %get3A_480 : vector<16xf32>
        %max3A_505 = arith.maximumf %max3A, %get3A_484 : vector<16xf32>
        %max3A_506 = arith.maximumf %max3A_505, %get3A_488 : vector<16xf32>
        %max3A_507 = arith.maximumf %max3A_506, %get3A_492 : vector<16xf32>
        %max3A_508 = arith.maximumf %max3A_507, %get3A_496 : vector<16xf32>
        %max3A_509 = arith.maximumf %max3A_508, %get3A_500 : vector<16xf32>
        %max3A_510 = arith.maximumf %max3A_509, %get3A_504 : vector<16xf32>
        %xor3A = arith.constant 8 : i32
        %xor3A_511 = vector.broadcast %xor3A : i32 to vector<16xi32>
        %xor3A_512 = arith.xori %iota3A_399, %xor3A_511 : vector<16xi32>
        %lt3A = arith.constant 0 : i32
        %lt3A_513 = vector.broadcast %lt3A : i32 to vector<16xi32>
        %lt3A_514 = arith.cmpi slt, %xor3A_512, %lt3A_513 : vector<16xi32>
        %add3A_515 = arith.constant 16 : i32
        %add3A_516 = vector.broadcast %add3A_515 : i32 to vector<16xi32>
        %add3A_517 = arith.addi %xor3A_512, %add3A_516 : vector<16xi32>
        %select_n3A_518 = arith.select %lt3A_514, %add3A_517, %xor3A_512 : vector<16xi1>, vector<16xi32>
        %broadcast_in_dim3A_519 = vector.shape_cast %select_n3A_518 : vector<16xi32> to vector<16x1xi32>
        %gather3A = vector.shape_cast %broadcast_in_dim3A_519 : vector<16x1xi32> to vector<16xi32>
        %gather3A_520 = tpu.dynamic_gather %max3A_510[%gather3A] in [0] : vector<16xf32>, vector<16xi32> -> vector<16xf32>
        %max3A_521 = arith.maximumf %max3A_510, %gather3A_520 : vector<16xf32>
        %xor3A_522 = arith.constant 4 : i32
        %xor3A_523 = vector.broadcast %xor3A_522 : i32 to vector<16xi32>
        %xor3A_524 = arith.xori %iota3A_399, %xor3A_523 : vector<16xi32>
        %lt3A_525 = arith.constant 0 : i32
        %lt3A_526 = vector.broadcast %lt3A_525 : i32 to vector<16xi32>
        %lt3A_527 = arith.cmpi slt, %xor3A_524, %lt3A_526 : vector<16xi32>
        %add3A_528 = arith.constant 16 : i32
        %add3A_529 = vector.broadcast %add3A_528 : i32 to vector<16xi32>
        %add3A_530 = arith.addi %xor3A_524, %add3A_529 : vector<16xi32>
        %select_n3A_531 = arith.select %lt3A_527, %add3A_530, %xor3A_524 : vector<16xi1>, vector<16xi32>
        %broadcast_in_dim3A_532 = vector.shape_cast %select_n3A_531 : vector<16xi32> to vector<16x1xi32>
        %gather3A_533 = vector.shape_cast %broadcast_in_dim3A_532 : vector<16x1xi32> to vector<16xi32>
        %gather3A_534 = tpu.dynamic_gather %max3A_521[%gather3A_533] in [0] : vector<16xf32>, vector<16xi32> -> vector<16xf32>
        %max3A_535 = arith.maximumf %max3A_521, %gather3A_534 : vector<16xf32>
        %xor3A_536 = arith.constant 2 : i32
        %xor3A_537 = vector.broadcast %xor3A_536 : i32 to vector<16xi32>
        %xor3A_538 = arith.xori %iota3A_399, %xor3A_537 : vector<16xi32>
        %lt3A_539 = arith.constant 0 : i32
        %lt3A_540 = vector.broadcast %lt3A_539 : i32 to vector<16xi32>
        %lt3A_541 = arith.cmpi slt, %xor3A_538, %lt3A_540 : vector<16xi32>
        %add3A_542 = arith.constant 16 : i32
        %add3A_543 = vector.broadcast %add3A_542 : i32 to vector<16xi32>
        %add3A_544 = arith.addi %xor3A_538, %add3A_543 : vector<16xi32>
        %select_n3A_545 = arith.select %lt3A_541, %add3A_544, %xor3A_538 : vector<16xi1>, vector<16xi32>
        %broadcast_in_dim3A_546 = vector.shape_cast %select_n3A_545 : vector<16xi32> to vector<16x1xi32>
        %gather3A_547 = vector.shape_cast %broadcast_in_dim3A_546 : vector<16x1xi32> to vector<16xi32>
        %gather3A_548 = tpu.dynamic_gather %max3A_535[%gather3A_547] in [0] : vector<16xf32>, vector<16xi32> -> vector<16xf32>
        %max3A_549 = arith.maximumf %max3A_535, %gather3A_548 : vector<16xf32>
        %xor3A_550 = arith.constant 1 : i32
        %xor3A_551 = vector.broadcast %xor3A_550 : i32 to vector<16xi32>
        %xor3A_552 = arith.xori %iota3A_399, %xor3A_551 : vector<16xi32>
        %lt3A_553 = arith.constant 0 : i32
        %lt3A_554 = vector.broadcast %lt3A_553 : i32 to vector<16xi32>
        %lt3A_555 = arith.cmpi slt, %xor3A_552, %lt3A_554 : vector<16xi32>
        %add3A_556 = arith.constant 16 : i32
        %add3A_557 = vector.broadcast %add3A_556 : i32 to vector<16xi32>
        %add3A_558 = arith.addi %xor3A_552, %add3A_557 : vector<16xi32>
        %select_n3A_559 = arith.select %lt3A_555, %add3A_558, %xor3A_552 : vector<16xi1>, vector<16xi32>
        %broadcast_in_dim3A_560 = vector.shape_cast %select_n3A_559 : vector<16xi32> to vector<16x1xi32>
        %gather3A_561 = vector.shape_cast %broadcast_in_dim3A_560 : vector<16x1xi32> to vector<16xi32>
        %gather3A_562 = tpu.dynamic_gather %max3A_549[%gather3A_561] in [0] : vector<16xf32>, vector<16xi32> -> vector<16xf32>
        %max3A_563 = arith.maximumf %max3A_549, %gather3A_562 : vector<16xf32>
        %mul3A_564 = arith.constant 1.270000e+02 : f32
        %mul3A_565 = vector.broadcast %mul3A_564 : f32 to vector<16xf32>
        %mul3A_566 = arith.mulf %max3A_563, %mul3A_565 : vector<16xf32>
        %add3A_567 = arith.constant 9.99999974E-6 : f32
        %add3A_568 = vector.broadcast %add3A_567 : f32 to vector<16xf32>
        %add3A_569 = arith.addf %mul3A_566, %add3A_568 : vector<16xf32>
        %div3A = arith.divf %mul3A_566, %add3A_569 : vector<16xf32>
        %sub3A = arith.constant 0.999989986 : f32
        %sub3A_570 = vector.broadcast %sub3A : f32 to vector<16xf32>
        %sub3A_571 = arith.subf %sub3A_570, %max3A_563 : vector<16xf32>
        %add3A_572 = arith.addf %get3A_476, %sub3A_571 : vector<16xf32>
        %max3A_573 = arith.constant 0.000000e+00 : f32
        %max3A_574 = vector.broadcast %max3A_573 : f32 to vector<16xf32>
        %max3A_575 = arith.maximumf %add3A_572, %max3A_574 : vector<16xf32>
        %mul3A_576 = arith.mulf %max3A_575, %div3A : vector<16xf32>
        %add3A_577 = arith.constant 0.999989986 : f32
        %add3A_578 = vector.broadcast %add3A_577 : f32 to vector<16xf32>
        %add3A_579 = arith.addf %get3A_476, %add3A_578 : vector<16xf32>
        %max3A_580 = arith.constant 0.000000e+00 : f32
        %max3A_581 = vector.broadcast %max3A_580 : f32 to vector<16xf32>
        %max3A_582 = arith.maximumf %add3A_579, %max3A_581 : vector<16xf32>
        %add3A_583 = arith.constant 1.000000e+00 : f32
        %add3A_584 = vector.broadcast %add3A_583 : f32 to vector<16xf32>
        %add3A_585 = arith.addf %max3A_582, %add3A_584 : vector<16xf32>
        %mul3A_586 = arith.constant 9.99999974E-6 : f32
        %mul3A_587 = vector.broadcast %mul3A_586 : f32 to vector<16xf32>
        %mul3A_588 = arith.mulf %mul3A_587, %add3A_585 : vector<16xf32>
        %select_n3A_589 = arith.select %eq3A_402, %mul3A_588, %mul3A_576 : vector<16xi1>, vector<16xf32>
        %swap3A = arith.index_cast %scan3A_472 : i32 to index
        %swap3A_590 = arith.constant 0 : index
        %swap3A_591 = tpu.vector_load %arg10[%swap3A, %swap3A_590] {strides = array<i32>} : memref<64x128xf32, #tpu.memory_space<vmem>>, vector<1x16xf32>,
        %swap3A_592 = vector.shape_cast %swap3A_591 : vector<1x16xf32> to vector<16xf32>
        %swap3A_593 = vector.shape_cast %select_n3A_589 : vector<16xf32> to vector<1x16xf32>
        tpu.vector_store %arg10[%swap3A, %swap3A_590], %swap3A_593 {strides = array<i32>} : memref<64x128xf32, #tpu.memory_space<vmem>>, vector<1x16xf32>,
        %add3A_594 = arith.addf %get3A_480, %sub3A_571 : vector<16xf32>
        %max3A_595 = arith.constant 0.000000e+00 : f32
        %max3A_596 = vector.broadcast %max3A_595 : f32 to vector<16xf32>
        %max3A_597 = arith.maximumf %add3A_594, %max3A_596 : vector<16xf32>
        %mul3A_598 = arith.mulf %max3A_597, %div3A : vector<16xf32>
        %swap3A_599 = arith.index_cast %scan3A_472 : i32 to index
        %swap3A_600 = arith.constant 16 : index
        %swap3A_601 = tpu.vector_load %arg10[%swap3A_599, %swap3A_600] {strides = array<i32>} : memref<64x128xf32, #tpu.memory_space<vmem>>, vector<1x16xf32>,
        %swap3A_602 = vector.shape_cast %swap3A_601 : vector<1x16xf32> to vector<16xf32>
        %swap3A_603 = vector.shape_cast %mul3A_598 : vector<16xf32> to vector<1x16xf32>
        tpu.vector_store %arg10[%swap3A_599, %swap3A_600], %swap3A_603 {strides = array<i32>} : memref<64x128xf32, #tpu.memory_space<vmem>>, vector<1x16xf32>,
        %add3A_604 = arith.addf %get3A_484, %sub3A_571 : vector<16xf32>
        %max3A_605 = arith.constant 0.000000e+00 : f32
        %max3A_606 = vector.broadcast %max3A_605 : f32 to vector<16xf32>
        %max3A_607 = arith.maximumf %add3A_604, %max3A_606 : vector<16xf32>
        %mul3A_608 = arith.mulf %max3A_607, %div3A : vector<16xf32>
        %swap3A_609 = arith.index_cast %scan3A_472 : i32 to index
        %swap3A_610 = arith.constant 32 : index
        %swap3A_611 = tpu.vector_load %arg10[%swap3A_609, %swap3A_610] {strides = array<i32>} : memref<64x128xf32, #tpu.memory_space<vmem>>, vector<1x16xf32>,
        %swap3A_612 = vector.shape_cast %swap3A_611 : vector<1x16xf32> to vector<16xf32>
        %swap3A_613 = vector.shape_cast %mul3A_608 : vector<16xf32> to vector<1x16xf32>
        tpu.vector_store %arg10[%swap3A_609, %swap3A_610], %swap3A_613 {strides = array<i32>} : memref<64x128xf32, #tpu.memory_space<vmem>>, vector<1x16xf32>,
        %add3A_614 = arith.addf %get3A_488, %sub3A_571 : vector<16xf32>
        %max3A_615 = arith.constant 0.000000e+00 : f32
        %max3A_616 = vector.broadcast %max3A_615 : f32 to vector<16xf32>
        %max3A_617 = arith.maximumf %add3A_614, %max3A_616 : vector<16xf32>
        %mul3A_618 = arith.mulf %max3A_617, %div3A : vector<16xf32>
        %swap3A_619 = arith.index_cast %scan3A_472 : i32 to index
        %swap3A_620 = arith.constant 48 : index
        %swap3A_621 = tpu.vector_load %arg10[%swap3A_619, %swap3A_620] {strides = array<i32>} : memref<64x128xf32, #tpu.memory_space<vmem>>, vector<1x16xf32>,
        %swap3A_622 = vector.shape_cast %swap3A_621 : vector<1x16xf32> to vector<16xf32>
        %swap3A_623 = vector.shape_cast %mul3A_618 : vector<16xf32> to vector<1x16xf32>
        tpu.vector_store %arg10[%swap3A_619, %swap3A_620], %swap3A_623 {strides = array<i32>} : memref<64x128xf32, #tpu.memory_space<vmem>>, vector<1x16xf32>,
        %add3A_624 = arith.addf %get3A_492, %sub3A_571 : vector<16xf32>
        %max3A_625 = arith.constant 0.000000e+00 : f32
        %max3A_626 = vector.broadcast %max3A_625 : f32 to vector<16xf32>
        %max3A_627 = arith.maximumf %add3A_624, %max3A_626 : vector<16xf32>
        %mul3A_628 = arith.mulf %max3A_627, %div3A : vector<16xf32>
        %swap3A_629 = arith.index_cast %scan3A_472 : i32 to index
        %swap3A_630 = arith.constant 64 : index
        %swap3A_631 = tpu.vector_load %arg10[%swap3A_629, %swap3A_630] {strides = array<i32>} : memref<64x128xf32, #tpu.memory_space<vmem>>, vector<1x16xf32>,
        %swap3A_632 = vector.shape_cast %swap3A_631 : vector<1x16xf32> to vector<16xf32>
        %swap3A_633 = vector.shape_cast %mul3A_628 : vector<16xf32> to vector<1x16xf32>
        tpu.vector_store %arg10[%swap3A_629, %swap3A_630], %swap3A_633 {strides = array<i32>} : memref<64x128xf32, #tpu.memory_space<vmem>>, vector<1x16xf32>,
        %add3A_634 = arith.addf %get3A_496, %sub3A_571 : vector<16xf32>
        %max3A_635 = arith.constant 0.000000e+00 : f32
        %max3A_636 = vector.broadcast %max3A_635 : f32 to vector<16xf32>
        %max3A_637 = arith.maximumf %add3A_634, %max3A_636 : vector<16xf32>
        %mul3A_638 = arith.mulf %max3A_637, %div3A : vector<16xf32>
        %swap3A_639 = arith.index_cast %scan3A_472 : i32 to index
        %swap3A_640 = arith.constant 80 : index
        %swap3A_641 = tpu.vector_load %arg10[%swap3A_639, %swap3A_640] {strides = array<i32>} : memref<64x128xf32, #tpu.memory_space<vmem>>, vector<1x16xf32>,
        %swap3A_642 = vector.shape_cast %swap3A_641 : vector<1x16xf32> to vector<16xf32>
        %swap3A_643 = vector.shape_cast %mul3A_638 : vector<16xf32> to vector<1x16xf32>
        tpu.vector_store %arg10[%swap3A_639, %swap3A_640], %swap3A_643 {strides = array<i32>} : memref<64x128xf32, #tpu.memory_space<vmem>>, vector<1x16xf32>,
        %add3A_644 = arith.addf %get3A_500, %sub3A_571 : vector<16xf32>
        %max3A_645 = arith.constant 0.000000e+00 : f32
        %max3A_646 = vector.broadcast %max3A_645 : f32 to vector<16xf32>
        %max3A_647 = arith.maximumf %add3A_644, %max3A_646 : vector<16xf32>
        %mul3A_648 = arith.mulf %max3A_647, %div3A : vector<16xf32>
        %swap3A_649 = arith.index_cast %scan3A_472 : i32 to index
        %swap3A_650 = arith.constant 96 : index
        %swap3A_651 = tpu.vector_load %arg10[%swap3A_649, %swap3A_650] {strides = array<i32>} : memref<64x128xf32, #tpu.memory_space<vmem>>, vector<1x16xf32>,
        %swap3A_652 = vector.shape_cast %swap3A_651 : vector<1x16xf32> to vector<16xf32>
        %swap3A_653 = vector.shape_cast %mul3A_648 : vector<16xf32> to vector<1x16xf32>
        tpu.vector_store %arg10[%swap3A_649, %swap3A_650], %swap3A_653 {strides = array<i32>} : memref<64x128xf32, #tpu.memory_space<vmem>>, vector<1x16xf32>,
        %add3A_654 = arith.addf %get3A_504, %sub3A_571 : vector<16xf32>
        %max3A_655 = arith.constant 0.000000e+00 : f32
        %max3A_656 = vector.broadcast %max3A_655 : f32 to vector<16xf32>
        %max3A_657 = arith.maximumf %add3A_654, %max3A_656 : vector<16xf32>
        %mul3A_658 = arith.mulf %max3A_657, %div3A : vector<16xf32>
        %swap3A_659 = arith.index_cast %scan3A_472 : i32 to index
        %swap3A_660 = arith.constant 112 : index
        %swap3A_661 = tpu.vector_load %arg10[%swap3A_659, %swap3A_660] {strides = array<i32>} : memref<64x128xf32, #tpu.memory_space<vmem>>, vector<1x16xf32>,
        %swap3A_662 = vector.shape_cast %swap3A_661 : vector<1x16xf32> to vector<16xf32>
        %swap3A_663 = vector.shape_cast %mul3A_658 : vector<16xf32> to vector<1x16xf32>
        tpu.vector_store %arg10[%swap3A_659, %swap3A_660], %swap3A_663 {strides = array<i32>} : memref<64x128xf32, #tpu.memory_space<vmem>>, vector<1x16xf32>,
        %scan3A_664 = arith.constant 0 : i32
        scf.yield %scan3A_664 : i32
      }
      %scan3A_410 = arith.constant 64 : i32
      %mul3A_411 = arith.constant 64 : i32
      %mul3A_412 = arith.muli %add3A_386, %mul3A_411 : i32
      %add3A_413 = arith.addi %mul3A_2, %mul3A_412 : i32
      %dma_start3A_414 = arith.constant 0 : i32
      %dma_start3A_415 = tpu.memref_slice %arg3[%add3A_413, %dma_start3A_414] : memref<131072x128xf32, #tpu.memory_space<hbm>> -> memref<64x128xf32, #tpu.memory_space<hbm>>
      %dma_start3A_416 = arith.constant 0 : i32
      %dma_start3A_417 = tpu.memref_slice %arg3[%add3A_413, %dma_start3A_416] : memref<131072x128xf32, #tpu.memory_space<hbm>> -> memref<64x128xf32, #tpu.memory_space<hbm>>
      tpu.enqueue_dma source(%arg10 : memref<64x128xf32, #tpu.memory_space<vmem>>) target(%dma_start3A_417 : memref<64x128xf32, #tpu.memory_space<hbm>>) target_semaphore(%arg18 : memref<!tpu.dma_semaphore, #tpu.memory_space<semaphore_mem>>)
      %add3A_418 = arith.constant 4 : i32
      %add3A_419 = arith.addi %add3A_386, %add3A_418 : i32
      %mul3A_420 = arith.constant 64 : i32
      %mul3A_421 = arith.muli %add3A_419, %mul3A_420 : i32
      %add3A_422 = arith.addi %mul3A_2, %mul3A_421 : i32
      %dma_start3A_423 = arith.constant 0 : i32
      %dma_start3A_424 = tpu.memref_slice %arg2[%add3A_422, %dma_start3A_423] : memref<131072x128xf32, #tpu.memory_space<hbm>> -> memref<64x128xf32, #tpu.memory_space<hbm>>
      %dma_start3A_425 = arith.constant 0 : i32
      %dma_start3A_426 = tpu.memref_slice %arg2[%add3A_422, %dma_start3A_425] : memref<131072x128xf32, #tpu.memory_space<hbm>> -> memref<64x128xf32, #tpu.memory_space<hbm>>
      tpu.enqueue_dma source(%dma_start3A_426 : memref<64x128xf32, #tpu.memory_space<hbm>>) target(%arg6 : memref<64x128xf32, #tpu.memory_space<vmem>>) target_semaphore(%arg14 : memref<!tpu.dma_semaphore, #tpu.memory_space<semaphore_mem>>)
      %mul3A_427 = arith.constant 4 : i32
      %mul3A_428 = arith.muli %scan3A_293, %mul3A_427 : i32
      %add3A_429 = arith.constant 3 : i32
      %add3A_430 = arith.addi %mul3A_428, %add3A_429 : i32
      %add3A_431 = arith.constant 0 : i32
      %add3A_432 = arith.addi %mul3A_2, %add3A_431 : i32
      %dma_wait3A_433 = arith.constant 0 : i32
      %dma_wait3A_434 = tpu.memref_slice %arg2[%add3A_432, %dma_wait3A_433] : memref<131072x128xf32, #tpu.memory_space<hbm>> -> memref<64x128xf32, #tpu.memory_space<hbm>>
      %dma_wait3A_435 = arith.constant 0 : i32
      %dma_wait3A_436 = tpu.memref_slice %arg2[%add3A_432, %dma_wait3A_435] : memref<131072x128xf32, #tpu.memory_space<hbm>> -> memref<64x128xf32, #tpu.memory_space<hbm>>
      tpu.wait_dma2 semaphore(%arg15 : memref<!tpu.dma_semaphore, #tpu.memory_space<semaphore_mem>>) src(%dma_wait3A_436 : memref<64x128xf32, #tpu.memory_space<hbm>>) dst(%arg7 : memref<64x128xf32, #tpu.memory_space<vmem>>)
      %add3A_437 = arith.constant 0 : i32
      %add3A_438 = arith.addi %mul3A_2, %add3A_437 : i32
      %dma_wait3A_439 = arith.constant 0 : i32
      %dma_wait3A_440 = tpu.memref_slice %arg3[%add3A_438, %dma_wait3A_439] : memref<131072x128xf32, #tpu.memory_space<hbm>> -> memref<64x128xf32, #tpu.memory_space<hbm>>
      %dma_wait3A_441 = arith.constant 0 : i32
      %dma_wait3A_442 = tpu.memref_slice %arg3[%add3A_438, %dma_wait3A_441] : memref<131072x128xf32, #tpu.memory_space<hbm>> -> memref<64x128xf32, #tpu.memory_space<hbm>>
      tpu.wait_dma2 semaphore(%arg19 : memref<!tpu.dma_semaphore, #tpu.memory_space<semaphore_mem>>) src(%arg11 : memref<64x128xf32, #tpu.memory_space<vmem>>) dst(%dma_wait3A_442 : memref<64x128xf32, #tpu.memory_space<hbm>>)
      %iota3A_443 = tpu.iota {dimensions = array<i32: 0>} : vector<16xi32>
      %eq3A_444 = arith.constant 0 : i32
      %eq3A_445 = vector.broadcast %eq3A_444 : i32 to vector<16xi32>
      %eq3A_446 = arith.cmpi eq, %iota3A_443, %eq3A_445 : vector<16xi32>
      %scan3A_447 = arith.constant 0xFF800000 : f32
      %scan3A_448 = arith.constant 0 : i32
      %scan3A_449 = arith.constant 0 : i32
      %scan3A_450 = arith.constant 64 : i32
      %scan3A_451 = arith.addi %scan3A_449, %scan3A_450 : i32
      %scan3A_452 = arith.constant 1 : i32
      %scan3A_453 = scf.for %scan3A_472 = %scan3A_449 to %scan3A_451 step %scan3A_452 iter_args(%scan3A_473 = %scan3A_448) -> (i32)  : i32 {
        %get3A = arith.index_cast %scan3A_472 : i32 to index
        %get3A_474 = arith.constant 0 : index
        %get3A_475 = tpu.vector_load %arg7[%get3A, %get3A_474] {strides = array<i32>} : memref<64x128xf32, #tpu.memory_space<vmem>>, vector<1x16xf32>,
        %get3A_476 = vector.shape_cast %get3A_475 : vector<1x16xf32> to vector<16xf32>
        %get3A_477 = arith.index_cast %scan3A_472 : i32 to index
        %get3A_478 = arith.constant 16 : index
        %get3A_479 = tpu.vector_load %arg7[%get3A_477, %get3A_478] {strides = array<i32>} : memref<64x128xf32, #tpu.memory_space<vmem>>, vector<1x16xf32>,
        %get3A_480 = vector.shape_cast %get3A_479 : vector<1x16xf32> to vector<16xf32>
        %get3A_481 = arith.index_cast %scan3A_472 : i32 to index
        %get3A_482 = arith.constant 32 : index
        %get3A_483 = tpu.vector_load %arg7[%get3A_481, %get3A_482] {strides = array<i32>} : memref<64x128xf32, #tpu.memory_space<vmem>>, vector<1x16xf32>,
        %get3A_484 = vector.shape_cast %get3A_483 : vector<1x16xf32> to vector<16xf32>
        %get3A_485 = arith.index_cast %scan3A_472 : i32 to index
        %get3A_486 = arith.constant 48 : index
        %get3A_487 = tpu.vector_load %arg7[%get3A_485, %get3A_486] {strides = array<i32>} : memref<64x128xf32, #tpu.memory_space<vmem>>, vector<1x16xf32>,
        %get3A_488 = vector.shape_cast %get3A_487 : vector<1x16xf32> to vector<16xf32>
        %get3A_489 = arith.index_cast %scan3A_472 : i32 to index
        %get3A_490 = arith.constant 64 : index
        %get3A_491 = tpu.vector_load %arg7[%get3A_489, %get3A_490] {strides = array<i32>} : memref<64x128xf32, #tpu.memory_space<vmem>>, vector<1x16xf32>,
        %get3A_492 = vector.shape_cast %get3A_491 : vector<1x16xf32> to vector<16xf32>
        %get3A_493 = arith.index_cast %scan3A_472 : i32 to index
        %get3A_494 = arith.constant 80 : index
        %get3A_495 = tpu.vector_load %arg7[%get3A_493, %get3A_494] {strides = array<i32>} : memref<64x128xf32, #tpu.memory_space<vmem>>, vector<1x16xf32>,
        %get3A_496 = vector.shape_cast %get3A_495 : vector<1x16xf32> to vector<16xf32>
        %get3A_497 = arith.index_cast %scan3A_472 : i32 to index
        %get3A_498 = arith.constant 96 : index
        %get3A_499 = tpu.vector_load %arg7[%get3A_497, %get3A_498] {strides = array<i32>} : memref<64x128xf32, #tpu.memory_space<vmem>>, vector<1x16xf32>,
        %get3A_500 = vector.shape_cast %get3A_499 : vector<1x16xf32> to vector<16xf32>
        %get3A_501 = arith.index_cast %scan3A_472 : i32 to index
        %get3A_502 = arith.constant 112 : index
        %get3A_503 = tpu.vector_load %arg7[%get3A_501, %get3A_502] {strides = array<i32>} : memref<64x128xf32, #tpu.memory_space<vmem>>, vector<1x16xf32>,
        %get3A_504 = vector.shape_cast %get3A_503 : vector<1x16xf32> to vector<16xf32>
        %broadcast_in_dim3A = vector.broadcast %scan3A_447 : f32 to vector<16xf32>
        %select_n3A = arith.select %eq3A_446, %broadcast_in_dim3A, %get3A_476 : vector<16xi1>, vector<16xf32>
        %max3A = arith.maximumf %select_n3A, %get3A_480 : vector<16xf32>
        %max3A_505 = arith.maximumf %max3A, %get3A_484 : vector<16xf32>
        %max3A_506 = arith.maximumf %max3A_505, %get3A_488 : vector<16xf32>
        %max3A_507 = arith.maximumf %max3A_506, %get3A_492 : vector<16xf32>
        %max3A_508 = arith.maximumf %max3A_507, %get3A_496 : vector<16xf32>
        %max3A_509 = arith.maximumf %max3A_508, %get3A_500 : vector<16xf32>
        %max3A_510 = arith.maximumf %max3A_509, %get3A_504 : vector<16xf32>
        %xor3A = arith.constant 8 : i32
        %xor3A_511 = vector.broadcast %xor3A : i32 to vector<16xi32>
        %xor3A_512 = arith.xori %iota3A_443, %xor3A_511 : vector<16xi32>
        %lt3A = arith.constant 0 : i32
        %lt3A_513 = vector.broadcast %lt3A : i32 to vector<16xi32>
        %lt3A_514 = arith.cmpi slt, %xor3A_512, %lt3A_513 : vector<16xi32>
        %add3A_515 = arith.constant 16 : i32
        %add3A_516 = vector.broadcast %add3A_515 : i32 to vector<16xi32>
        %add3A_517 = arith.addi %xor3A_512, %add3A_516 : vector<16xi32>
        %select_n3A_518 = arith.select %lt3A_514, %add3A_517, %xor3A_512 : vector<16xi1>, vector<16xi32>
        %broadcast_in_dim3A_519 = vector.shape_cast %select_n3A_518 : vector<16xi32> to vector<16x1xi32>
        %gather3A = vector.shape_cast %broadcast_in_dim3A_519 : vector<16x1xi32> to vector<16xi32>
        %gather3A_520 = tpu.dynamic_gather %max3A_510[%gather3A] in [0] : vector<16xf32>, vector<16xi32> -> vector<16xf32>
        %max3A_521 = arith.maximumf %max3A_510, %gather3A_520 : vector<16xf32>
        %xor3A_522 = arith.constant 4 : i32
        %xor3A_523 = vector.broadcast %xor3A_522 : i32 to vector<16xi32>
        %xor3A_524 = arith.xori %iota3A_443, %xor3A_523 : vector<16xi32>
        %lt3A_525 = arith.constant 0 : i32
        %lt3A_526 = vector.broadcast %lt3A_525 : i32 to vector<16xi32>
        %lt3A_527 = arith.cmpi slt, %xor3A_524, %lt3A_526 : vector<16xi32>
        %add3A_528 = arith.constant 16 : i32
        %add3A_529 = vector.broadcast %add3A_528 : i32 to vector<16xi32>
        %add3A_530 = arith.addi %xor3A_524, %add3A_529 : vector<16xi32>
        %select_n3A_531 = arith.select %lt3A_527, %add3A_530, %xor3A_524 : vector<16xi1>, vector<16xi32>
        %broadcast_in_dim3A_532 = vector.shape_cast %select_n3A_531 : vector<16xi32> to vector<16x1xi32>
        %gather3A_533 = vector.shape_cast %broadcast_in_dim3A_532 : vector<16x1xi32> to vector<16xi32>
        %gather3A_534 = tpu.dynamic_gather %max3A_521[%gather3A_533] in [0] : vector<16xf32>, vector<16xi32> -> vector<16xf32>
        %max3A_535 = arith.maximumf %max3A_521, %gather3A_534 : vector<16xf32>
        %xor3A_536 = arith.constant 2 : i32
        %xor3A_537 = vector.broadcast %xor3A_536 : i32 to vector<16xi32>
        %xor3A_538 = arith.xori %iota3A_443, %xor3A_537 : vector<16xi32>
        %lt3A_539 = arith.constant 0 : i32
        %lt3A_540 = vector.broadcast %lt3A_539 : i32 to vector<16xi32>
        %lt3A_541 = arith.cmpi slt, %xor3A_538, %lt3A_540 : vector<16xi32>
        %add3A_542 = arith.constant 16 : i32
        %add3A_543 = vector.broadcast %add3A_542 : i32 to vector<16xi32>
        %add3A_544 = arith.addi %xor3A_538, %add3A_543 : vector<16xi32>
        %select_n3A_545 = arith.select %lt3A_541, %add3A_544, %xor3A_538 : vector<16xi1>, vector<16xi32>
        %broadcast_in_dim3A_546 = vector.shape_cast %select_n3A_545 : vector<16xi32> to vector<16x1xi32>
        %gather3A_547 = vector.shape_cast %broadcast_in_dim3A_546 : vector<16x1xi32> to vector<16xi32>
        %gather3A_548 = tpu.dynamic_gather %max3A_535[%gather3A_547] in [0] : vector<16xf32>, vector<16xi32> -> vector<16xf32>
        %max3A_549 = arith.maximumf %max3A_535, %gather3A_548 : vector<16xf32>
        %xor3A_550 = arith.constant 1 : i32
        %xor3A_551 = vector.broadcast %xor3A_550 : i32 to vector<16xi32>
        %xor3A_552 = arith.xori %iota3A_443, %xor3A_551 : vector<16xi32>
        %lt3A_553 = arith.constant 0 : i32
        %lt3A_554 = vector.broadcast %lt3A_553 : i32 to vector<16xi32>
        %lt3A_555 = arith.cmpi slt, %xor3A_552, %lt3A_554 : vector<16xi32>
        %add3A_556 = arith.constant 16 : i32
        %add3A_557 = vector.broadcast %add3A_556 : i32 to vector<16xi32>
        %add3A_558 = arith.addi %xor3A_552, %add3A_557 : vector<16xi32>
        %select_n3A_559 = arith.select %lt3A_555, %add3A_558, %xor3A_552 : vector<16xi1>, vector<16xi32>
        %broadcast_in_dim3A_560 = vector.shape_cast %select_n3A_559 : vector<16xi32> to vector<16x1xi32>
        %gather3A_561 = vector.shape_cast %broadcast_in_dim3A_560 : vector<16x1xi32> to vector<16xi32>
        %gather3A_562 = tpu.dynamic_gather %max3A_549[%gather3A_561] in [0] : vector<16xf32>, vector<16xi32> -> vector<16xf32>
        %max3A_563 = arith.maximumf %max3A_549, %gather3A_562 : vector<16xf32>
        %mul3A_564 = arith.constant 1.270000e+02 : f32
        %mul3A_565 = vector.broadcast %mul3A_564 : f32 to vector<16xf32>
        %mul3A_566 = arith.mulf %max3A_563, %mul3A_565 : vector<16xf32>
        %add3A_567 = arith.constant 9.99999974E-6 : f32
        %add3A_568 = vector.broadcast %add3A_567 : f32 to vector<16xf32>
        %add3A_569 = arith.addf %mul3A_566, %add3A_568 : vector<16xf32>
        %div3A = arith.divf %mul3A_566, %add3A_569 : vector<16xf32>
        %sub3A = arith.constant 0.999989986 : f32
        %sub3A_570 = vector.broadcast %sub3A : f32 to vector<16xf32>
        %sub3A_571 = arith.subf %sub3A_570, %max3A_563 : vector<16xf32>
        %add3A_572 = arith.addf %get3A_476, %sub3A_571 : vector<16xf32>
        %max3A_573 = arith.constant 0.000000e+00 : f32
        %max3A_574 = vector.broadcast %max3A_573 : f32 to vector<16xf32>
        %max3A_575 = arith.maximumf %add3A_572, %max3A_574 : vector<16xf32>
        %mul3A_576 = arith.mulf %max3A_575, %div3A : vector<16xf32>
        %add3A_577 = arith.constant 0.999989986 : f32
        %add3A_578 = vector.broadcast %add3A_577 : f32 to vector<16xf32>
        %add3A_579 = arith.addf %get3A_476, %add3A_578 : vector<16xf32>
        %max3A_580 = arith.constant 0.000000e+00 : f32
        %max3A_581 = vector.broadcast %max3A_580 : f32 to vector<16xf32>
        %max3A_582 = arith.maximumf %add3A_579, %max3A_581 : vector<16xf32>
        %add3A_583 = arith.constant 1.000000e+00 : f32
        %add3A_584 = vector.broadcast %add3A_583 : f32 to vector<16xf32>
        %add3A_585 = arith.addf %max3A_582, %add3A_584 : vector<16xf32>
        %mul3A_586 = arith.constant 9.99999974E-6 : f32
        %mul3A_587 = vector.broadcast %mul3A_586 : f32 to vector<16xf32>
        %mul3A_588 = arith.mulf %mul3A_587, %add3A_585 : vector<16xf32>
        %select_n3A_589 = arith.select %eq3A_446, %mul3A_588, %mul3A_576 : vector<16xi1>, vector<16xf32>
        %swap3A = arith.index_cast %scan3A_472 : i32 to index
        %swap3A_590 = arith.constant 0 : index
        %swap3A_591 = tpu.vector_load %arg11[%swap3A, %swap3A_590] {strides = array<i32>} : memref<64x128xf32, #tpu.memory_space<vmem>>, vector<1x16xf32>,
        %swap3A_592 = vector.shape_cast %swap3A_591 : vector<1x16xf32> to vector<16xf32>
        %swap3A_593 = vector.shape_cast %select_n3A_589 : vector<16xf32> to vector<1x16xf32>
        tpu.vector_store %arg11[%swap3A, %swap3A_590], %swap3A_593 {strides = array<i32>} : memref<64x128xf32, #tpu.memory_space<vmem>>, vector<1x16xf32>,
        %add3A_594 = arith.addf %get3A_480, %sub3A_571 : vector<16xf32>
        %max3A_595 = arith.constant 0.000000e+00 : f32
        %max3A_596 = vector.broadcast %max3A_595 : f32 to vector<16xf32>
        %max3A_597 = arith.maximumf %add3A_594, %max3A_596 : vector<16xf32>
        %mul3A_598 = arith.mulf %max3A_597, %div3A : vector<16xf32>
        %swap3A_599 = arith.index_cast %scan3A_472 : i32 to index
        %swap3A_600 = arith.constant 16 : index
        %swap3A_601 = tpu.vector_load %arg11[%swap3A_599, %swap3A_600] {strides = array<i32>} : memref<64x128xf32, #tpu.memory_space<vmem>>, vector<1x16xf32>,
        %swap3A_602 = vector.shape_cast %swap3A_601 : vector<1x16xf32> to vector<16xf32>
        %swap3A_603 = vector.shape_cast %mul3A_598 : vector<16xf32> to vector<1x16xf32>
        tpu.vector_store %arg11[%swap3A_599, %swap3A_600], %swap3A_603 {strides = array<i32>} : memref<64x128xf32, #tpu.memory_space<vmem>>, vector<1x16xf32>,
        %add3A_604 = arith.addf %get3A_484, %sub3A_571 : vector<16xf32>
        %max3A_605 = arith.constant 0.000000e+00 : f32
        %max3A_606 = vector.broadcast %max3A_605 : f32 to vector<16xf32>
        %max3A_607 = arith.maximumf %add3A_604, %max3A_606 : vector<16xf32>
        %mul3A_608 = arith.mulf %max3A_607, %div3A : vector<16xf32>
        %swap3A_609 = arith.index_cast %scan3A_472 : i32 to index
        %swap3A_610 = arith.constant 32 : index
        %swap3A_611 = tpu.vector_load %arg11[%swap3A_609, %swap3A_610] {strides = array<i32>} : memref<64x128xf32, #tpu.memory_space<vmem>>, vector<1x16xf32>,
        %swap3A_612 = vector.shape_cast %swap3A_611 : vector<1x16xf32> to vector<16xf32>
        %swap3A_613 = vector.shape_cast %mul3A_608 : vector<16xf32> to vector<1x16xf32>
        tpu.vector_store %arg11[%swap3A_609, %swap3A_610], %swap3A_613 {strides = array<i32>} : memref<64x128xf32, #tpu.memory_space<vmem>>, vector<1x16xf32>,
        %add3A_614 = arith.addf %get3A_488, %sub3A_571 : vector<16xf32>
        %max3A_615 = arith.constant 0.000000e+00 : f32
        %max3A_616 = vector.broadcast %max3A_615 : f32 to vector<16xf32>
        %max3A_617 = arith.maximumf %add3A_614, %max3A_616 : vector<16xf32>
        %mul3A_618 = arith.mulf %max3A_617, %div3A : vector<16xf32>
        %swap3A_619 = arith.index_cast %scan3A_472 : i32 to index
        %swap3A_620 = arith.constant 48 : index
        %swap3A_621 = tpu.vector_load %arg11[%swap3A_619, %swap3A_620] {strides = array<i32>} : memref<64x128xf32, #tpu.memory_space<vmem>>, vector<1x16xf32>,
        %swap3A_622 = vector.shape_cast %swap3A_621 : vector<1x16xf32> to vector<16xf32>
        %swap3A_623 = vector.shape_cast %mul3A_618 : vector<16xf32> to vector<1x16xf32>
        tpu.vector_store %arg11[%swap3A_619, %swap3A_620], %swap3A_623 {strides = array<i32>} : memref<64x128xf32, #tpu.memory_space<vmem>>, vector<1x16xf32>,
        %add3A_624 = arith.addf %get3A_492, %sub3A_571 : vector<16xf32>
        %max3A_625 = arith.constant 0.000000e+00 : f32
        %max3A_626 = vector.broadcast %max3A_625 : f32 to vector<16xf32>
        %max3A_627 = arith.maximumf %add3A_624, %max3A_626 : vector<16xf32>
        %mul3A_628 = arith.mulf %max3A_627, %div3A : vector<16xf32>
        %swap3A_629 = arith.index_cast %scan3A_472 : i32 to index
        %swap3A_630 = arith.constant 64 : index
        %swap3A_631 = tpu.vector_load %arg11[%swap3A_629, %swap3A_630] {strides = array<i32>} : memref<64x128xf32, #tpu.memory_space<vmem>>, vector<1x16xf32>,
        %swap3A_632 = vector.shape_cast %swap3A_631 : vector<1x16xf32> to vector<16xf32>
        %swap3A_633 = vector.shape_cast %mul3A_628 : vector<16xf32> to vector<1x16xf32>
        tpu.vector_store %arg11[%swap3A_629, %swap3A_630], %swap3A_633 {strides = array<i32>} : memref<64x128xf32, #tpu.memory_space<vmem>>, vector<1x16xf32>,
        %add3A_634 = arith.addf %get3A_496, %sub3A_571 : vector<16xf32>
        %max3A_635 = arith.constant 0.000000e+00 : f32
        %max3A_636 = vector.broadcast %max3A_635 : f32 to vector<16xf32>
        %max3A_637 = arith.maximumf %add3A_634, %max3A_636 : vector<16xf32>
        %mul3A_638 = arith.mulf %max3A_637, %div3A : vector<16xf32>
        %swap3A_639 = arith.index_cast %scan3A_472 : i32 to index
        %swap3A_640 = arith.constant 80 : index
        %swap3A_641 = tpu.vector_load %arg11[%swap3A_639, %swap3A_640] {strides = array<i32>} : memref<64x128xf32, #tpu.memory_space<vmem>>, vector<1x16xf32>,
        %swap3A_642 = vector.shape_cast %swap3A_641 : vector<1x16xf32> to vector<16xf32>
        %swap3A_643 = vector.shape_cast %mul3A_638 : vector<16xf32> to vector<1x16xf32>
        tpu.vector_store %arg11[%swap3A_639, %swap3A_640], %swap3A_643 {strides = array<i32>} : memref<64x128xf32, #tpu.memory_space<vmem>>, vector<1x16xf32>,
        %add3A_644 = arith.addf %get3A_500, %sub3A_571 : vector<16xf32>
        %max3A_645 = arith.constant 0.000000e+00 : f32
        %max3A_646 = vector.broadcast %max3A_645 : f32 to vector<16xf32>
        %max3A_647 = arith.maximumf %add3A_644, %max3A_646 : vector<16xf32>
        %mul3A_648 = arith.mulf %max3A_647, %div3A : vector<16xf32>
        %swap3A_649 = arith.index_cast %scan3A_472 : i32 to index
        %swap3A_650 = arith.constant 96 : index
        %swap3A_651 = tpu.vector_load %arg11[%swap3A_649, %swap3A_650] {strides = array<i32>} : memref<64x128xf32, #tpu.memory_space<vmem>>, vector<1x16xf32>,
        %swap3A_652 = vector.shape_cast %swap3A_651 : vector<1x16xf32> to vector<16xf32>
        %swap3A_653 = vector.shape_cast %mul3A_648 : vector<16xf32> to vector<1x16xf32>
        tpu.vector_store %arg11[%swap3A_649, %swap3A_650], %swap3A_653 {strides = array<i32>} : memref<64x128xf32, #tpu.memory_space<vmem>>, vector<1x16xf32>,
        %add3A_654 = arith.addf %get3A_504, %sub3A_571 : vector<16xf32>
        %max3A_655 = arith.constant 0.000000e+00 : f32
        %max3A_656 = vector.broadcast %max3A_655 : f32 to vector<16xf32>
        %max3A_657 = arith.maximumf %add3A_654, %max3A_656 : vector<16xf32>
        %mul3A_658 = arith.mulf %max3A_657, %div3A : vector<16xf32>
        %swap3A_659 = arith.index_cast %scan3A_472 : i32 to index
        %swap3A_660 = arith.constant 112 : index
        %swap3A_661 = tpu.vector_load %arg11[%swap3A_659, %swap3A_660] {strides = array<i32>} : memref<64x128xf32, #tpu.memory_space<vmem>>, vector<1x16xf32>,
        %swap3A_662 = vector.shape_cast %swap3A_661 : vector<1x16xf32> to vector<16xf32>
        %swap3A_663 = vector.shape_cast %mul3A_658 : vector<16xf32> to vector<1x16xf32>
        tpu.vector_store %arg11[%swap3A_659, %swap3A_660], %swap3A_663 {strides = array<i32>} : memref<64x128xf32, #tpu.memory_space<vmem>>, vector<1x16xf32>,
        %scan3A_664 = arith.constant 0 : i32
        scf.yield %scan3A_664 : i32
      }
      %scan3A_454 = arith.constant 64 : i32
      %mul3A_455 = arith.constant 64 : i32
      %mul3A_456 = arith.muli %add3A_430, %mul3A_455 : i32
      %add3A_457 = arith.addi %mul3A_2, %mul3A_456 : i32
      %dma_start3A_458 = arith.constant 0 : i32
      %dma_start3A_459 = tpu.memref_slice %arg3[%add3A_457, %dma_start3A_458] : memref<131072x128xf32, #tpu.memory_space<hbm>> -> memref<64x128xf32, #tpu.memory_space<hbm>>
      %dma_start3A_460 = arith.constant 0 : i32
      %dma_start3A_461 = tpu.memref_slice %arg3[%add3A_457, %dma_start3A_460] : memref<131072x128xf32, #tpu.memory_space<hbm>> -> memref<64x128xf32, #tpu.memory_space<hbm>>
      tpu.enqueue_dma source(%arg11 : memref<64x128xf32, #tpu.memory_space<vmem>>) target(%dma_start3A_461 : memref<64x128xf32, #tpu.memory_space<hbm>>) target_semaphore(%arg19 : memref<!tpu.dma_semaphore, #tpu.memory_space<semaphore_mem>>)
      %add3A_462 = arith.constant 4 : i32
      %add3A_463 = arith.addi %add3A_430, %add3A_462 : i32
      %mul3A_464 = arith.constant 64 : i32
      %mul3A_465 = arith.muli %add3A_463, %mul3A_464 : i32
      %add3A_466 = arith.addi %mul3A_2, %mul3A_465 : i32
      %dma_start3A_467 = arith.constant 0 : i32
      %dma_start3A_468 = tpu.memref_slice %arg2[%add3A_466, %dma_start3A_467] : memref<131072x128xf32, #tpu.memory_space<hbm>> -> memref<64x128xf32, #tpu.memory_space<hbm>>
      %dma_start3A_469 = arith.constant 0 : i32
      %dma_start3A_470 = tpu.memref_slice %arg2[%add3A_466, %dma_start3A_469] : memref<131072x128xf32, #tpu.memory_space<hbm>> -> memref<64x128xf32, #tpu.memory_space<hbm>>
      tpu.enqueue_dma source(%dma_start3A_470 : memref<64x128xf32, #tpu.memory_space<hbm>>) target(%arg7 : memref<64x128xf32, #tpu.memory_space<vmem>>) target_semaphore(%arg15 : memref<!tpu.dma_semaphore, #tpu.memory_space<semaphore_mem>>)
      %scan3A_471 = arith.constant 0 : i32
      scf.yield %scan3A_471 : i32
    }
    %scan3A_148 = arith.constant 14 : i32
    %add3A_149 = arith.constant 0 : i32
    %add3A_150 = arith.addi %mul3A_2, %add3A_149 : i32
    %dma_wait3A_151 = arith.constant 0 : i32
    %dma_wait3A_152 = tpu.memref_slice %arg2[%add3A_150, %dma_wait3A_151] : memref<131072x128xf32, #tpu.memory_space<hbm>> -> memref<64x128xf32, #tpu.memory_space<hbm>>
    %dma_wait3A_153 = arith.constant 0 : i32
    %dma_wait3A_154 = tpu.memref_slice %arg2[%add3A_150, %dma_wait3A_153] : memref<131072x128xf32, #tpu.memory_space<hbm>> -> memref<64x128xf32, #tpu.memory_space<hbm>>
    tpu.wait_dma2 semaphore(%arg12 : memref<!tpu.dma_semaphore, #tpu.memory_space<semaphore_mem>>) src(%dma_wait3A_154 : memref<64x128xf32, #tpu.memory_space<hbm>>) dst(%arg4 : memref<64x128xf32, #tpu.memory_space<vmem>>)
    %add3A_155 = arith.constant 0 : i32
    %add3A_156 = arith.addi %mul3A_2, %add3A_155 : i32
    %dma_wait3A_157 = arith.constant 0 : i32
    %dma_wait3A_158 = tpu.memref_slice %arg3[%add3A_156, %dma_wait3A_157] : memref<131072x128xf32, #tpu.memory_space<hbm>> -> memref<64x128xf32, #tpu.memory_space<hbm>>
    %dma_wait3A_159 = arith.constant 0 : i32
    %dma_wait3A_160 = tpu.memref_slice %arg3[%add3A_156, %dma_wait3A_159] : memref<131072x128xf32, #tpu.memory_space<hbm>> -> memref<64x128xf32, #tpu.memory_space<hbm>>
    tpu.wait_dma2 semaphore(%arg16 : memref<!tpu.dma_semaphore, #tpu.memory_space<semaphore_mem>>) src(%arg8 : memref<64x128xf32, #tpu.memory_space<vmem>>) dst(%dma_wait3A_160 : memref<64x128xf32, #tpu.memory_space<hbm>>)
    %iota3A_161 = tpu.iota {dimensions = array<i32: 0>} : vector<16xi32>
    %eq3A_162 = arith.constant 0 : i32
    %eq3A_163 = vector.broadcast %eq3A_162 : i32 to vector<16xi32>
    %eq3A_164 = arith.cmpi eq, %iota3A_161, %eq3A_163 : vector<16xi32>
    %scan3A_165 = arith.constant 0xFF800000 : f32
    %scan3A_166 = arith.constant 0 : i32
    %scan3A_167 = arith.constant 0 : i32
    %scan3A_168 = arith.constant 64 : i32
    %scan3A_169 = arith.addi %scan3A_167, %scan3A_168 : i32
    %scan3A_170 = arith.constant 1 : i32
    %scan3A_171 = scf.for %scan3A_293 = %scan3A_167 to %scan3A_169 step %scan3A_170 iter_args(%scan3A_294 = %scan3A_166) -> (i32)  : i32 {
      %get3A = arith.index_cast %scan3A_293 : i32 to index
      %get3A_295 = arith.constant 0 : index
      %get3A_296 = tpu.vector_load %arg4[%get3A, %get3A_295] {strides = array<i32>} : memref<64x128xf32, #tpu.memory_space<vmem>>, vector<1x16xf32>,
      %get3A_297 = vector.shape_cast %get3A_296 : vector<1x16xf32> to vector<16xf32>
      %get3A_298 = arith.index_cast %scan3A_293 : i32 to index
      %get3A_299 = arith.constant 16 : index
      %get3A_300 = tpu.vector_load %arg4[%get3A_298, %get3A_299] {strides = array<i32>} : memref<64x128xf32, #tpu.memory_space<vmem>>, vector<1x16xf32>,
      %get3A_301 = vector.shape_cast %get3A_300 : vector<1x16xf32> to vector<16xf32>
      %get3A_302 = arith.index_cast %scan3A_293 : i32 to index
      %get3A_303 = arith.constant 32 : index
      %get3A_304 = tpu.vector_load %arg4[%get3A_302, %get3A_303] {strides = array<i32>} : memref<64x128xf32, #tpu.memory_space<vmem>>, vector<1x16xf32>,
      %get3A_305 = vector.shape_cast %get3A_304 : vector<1x16xf32> to vector<16xf32>
      %get3A_306 = arith.index_cast %scan3A_293 : i32 to index
      %get3A_307 = arith.constant 48 : index
      %get3A_308 = tpu.vector_load %arg4[%get3A_306, %get3A_307] {strides = array<i32>} : memref<64x128xf32, #tpu.memory_space<vmem>>, vector<1x16xf32>,
      %get3A_309 = vector.shape_cast %get3A_308 : vector<1x16xf32> to vector<16xf32>
      %get3A_310 = arith.index_cast %scan3A_293 : i32 to index
      %get3A_311 = arith.constant 64 : index
      %get3A_312 = tpu.vector_load %arg4[%get3A_310, %get3A_311] {strides = array<i32>} : memref<64x128xf32, #tpu.memory_space<vmem>>, vector<1x16xf32>,
      %get3A_313 = vector.shape_cast %get3A_312 : vector<1x16xf32> to vector<16xf32>
      %get3A_314 = arith.index_cast %scan3A_293 : i32 to index
      %get3A_315 = arith.constant 80 : index
      %get3A_316 = tpu.vector_load %arg4[%get3A_314, %get3A_315] {strides = array<i32>} : memref<64x128xf32, #tpu.memory_space<vmem>>, vector<1x16xf32>,
      %get3A_317 = vector.shape_cast %get3A_316 : vector<1x16xf32> to vector<16xf32>
      %get3A_318 = arith.index_cast %scan3A_293 : i32 to index
      %get3A_319 = arith.constant 96 : index
      %get3A_320 = tpu.vector_load %arg4[%get3A_318, %get3A_319] {strides = array<i32>} : memref<64x128xf32, #tpu.memory_space<vmem>>, vector<1x16xf32>,
      %get3A_321 = vector.shape_cast %get3A_320 : vector<1x16xf32> to vector<16xf32>
      %get3A_322 = arith.index_cast %scan3A_293 : i32 to index
      %get3A_323 = arith.constant 112 : index
      %get3A_324 = tpu.vector_load %arg4[%get3A_322, %get3A_323] {strides = array<i32>} : memref<64x128xf32, #tpu.memory_space<vmem>>, vector<1x16xf32>,
      %get3A_325 = vector.shape_cast %get3A_324 : vector<1x16xf32> to vector<16xf32>
      %broadcast_in_dim3A = vector.broadcast %scan3A_165 : f32 to vector<16xf32>
      %select_n3A = arith.select %eq3A_164, %broadcast_in_dim3A, %get3A_297 : vector<16xi1>, vector<16xf32>
      %max3A = arith.maximumf %select_n3A, %get3A_301 : vector<16xf32>
      %max3A_326 = arith.maximumf %max3A, %get3A_305 : vector<16xf32>
      %max3A_327 = arith.maximumf %max3A_326, %get3A_309 : vector<16xf32>
      %max3A_328 = arith.maximumf %max3A_327, %get3A_313 : vector<16xf32>
      %max3A_329 = arith.maximumf %max3A_328, %get3A_317 : vector<16xf32>
      %max3A_330 = arith.maximumf %max3A_329, %get3A_321 : vector<16xf32>
      %max3A_331 = arith.maximumf %max3A_330, %get3A_325 : vector<16xf32>
      %xor3A = arith.constant 8 : i32
      %xor3A_332 = vector.broadcast %xor3A : i32 to vector<16xi32>
      %xor3A_333 = arith.xori %iota3A_161, %xor3A_332 : vector<16xi32>
      %lt3A = arith.constant 0 : i32
      %lt3A_334 = vector.broadcast %lt3A : i32 to vector<16xi32>
      %lt3A_335 = arith.cmpi slt, %xor3A_333, %lt3A_334 : vector<16xi32>
      %add3A_336 = arith.constant 16 : i32
      %add3A_337 = vector.broadcast %add3A_336 : i32 to vector<16xi32>
      %add3A_338 = arith.addi %xor3A_333, %add3A_337 : vector<16xi32>
      %select_n3A_339 = arith.select %lt3A_335, %add3A_338, %xor3A_333 : vector<16xi1>, vector<16xi32>
      %broadcast_in_dim3A_340 = vector.shape_cast %select_n3A_339 : vector<16xi32> to vector<16x1xi32>
      %gather3A = vector.shape_cast %broadcast_in_dim3A_340 : vector<16x1xi32> to vector<16xi32>
      %gather3A_341 = tpu.dynamic_gather %max3A_331[%gather3A] in [0] : vector<16xf32>, vector<16xi32> -> vector<16xf32>
      %max3A_342 = arith.maximumf %max3A_331, %gather3A_341 : vector<16xf32>
      %xor3A_343 = arith.constant 4 : i32
      %xor3A_344 = vector.broadcast %xor3A_343 : i32 to vector<16xi32>
      %xor3A_345 = arith.xori %iota3A_161, %xor3A_344 : vector<16xi32>
      %lt3A_346 = arith.constant 0 : i32
      %lt3A_347 = vector.broadcast %lt3A_346 : i32 to vector<16xi32>
      %lt3A_348 = arith.cmpi slt, %xor3A_345, %lt3A_347 : vector<16xi32>
      %add3A_349 = arith.constant 16 : i32
      %add3A_350 = vector.broadcast %add3A_349 : i32 to vector<16xi32>
      %add3A_351 = arith.addi %xor3A_345, %add3A_350 : vector<16xi32>
      %select_n3A_352 = arith.select %lt3A_348, %add3A_351, %xor3A_345 : vector<16xi1>, vector<16xi32>
      %broadcast_in_dim3A_353 = vector.shape_cast %select_n3A_352 : vector<16xi32> to vector<16x1xi32>
      %gather3A_354 = vector.shape_cast %broadcast_in_dim3A_353 : vector<16x1xi32> to vector<16xi32>
      %gather3A_355 = tpu.dynamic_gather %max3A_342[%gather3A_354] in [0] : vector<16xf32>, vector<16xi32> -> vector<16xf32>
      %max3A_356 = arith.maximumf %max3A_342, %gather3A_355 : vector<16xf32>
      %xor3A_357 = arith.constant 2 : i32
      %xor3A_358 = vector.broadcast %xor3A_357 : i32 to vector<16xi32>
      %xor3A_359 = arith.xori %iota3A_161, %xor3A_358 : vector<16xi32>
      %lt3A_360 = arith.constant 0 : i32
      %lt3A_361 = vector.broadcast %lt3A_360 : i32 to vector<16xi32>
      %lt3A_362 = arith.cmpi slt, %xor3A_359, %lt3A_361 : vector<16xi32>
      %add3A_363 = arith.constant 16 : i32
      %add3A_364 = vector.broadcast %add3A_363 : i32 to vector<16xi32>
      %add3A_365 = arith.addi %xor3A_359, %add3A_364 : vector<16xi32>
      %select_n3A_366 = arith.select %lt3A_362, %add3A_365, %xor3A_359 : vector<16xi1>, vector<16xi32>
      %broadcast_in_dim3A_367 = vector.shape_cast %select_n3A_366 : vector<16xi32> to vector<16x1xi32>
      %gather3A_368 = vector.shape_cast %broadcast_in_dim3A_367 : vector<16x1xi32> to vector<16xi32>
      %gather3A_369 = tpu.dynamic_gather %max3A_356[%gather3A_368] in [0] : vector<16xf32>, vector<16xi32> -> vector<16xf32>
      %max3A_370 = arith.maximumf %max3A_356, %gather3A_369 : vector<16xf32>
      %xor3A_371 = arith.constant 1 : i32
      %xor3A_372 = vector.broadcast %xor3A_371 : i32 to vector<16xi32>
      %xor3A_373 = arith.xori %iota3A_161, %xor3A_372 : vector<16xi32>
      %lt3A_374 = arith.constant 0 : i32
      %lt3A_375 = vector.broadcast %lt3A_374 : i32 to vector<16xi32>
      %lt3A_376 = arith.cmpi slt, %xor3A_373, %lt3A_375 : vector<16xi32>
      %add3A_377 = arith.constant 16 : i32
      %add3A_378 = vector.broadcast %add3A_377 : i32 to vector<16xi32>
      %add3A_379 = arith.addi %xor3A_373, %add3A_378 : vector<16xi32>
      %select_n3A_380 = arith.select %lt3A_376, %add3A_379, %xor3A_373 : vector<16xi1>, vector<16xi32>
      %broadcast_in_dim3A_381 = vector.shape_cast %select_n3A_380 : vector<16xi32> to vector<16x1xi32>
      %gather3A_382 = vector.shape_cast %broadcast_in_dim3A_381 : vector<16x1xi32> to vector<16xi32>
      %gather3A_383 = tpu.dynamic_gather %max3A_370[%gather3A_382] in [0] : vector<16xf32>, vector<16xi32> -> vector<16xf32>
      %max3A_384 = arith.maximumf %max3A_370, %gather3A_383 : vector<16xf32>
      %mul3A_385 = arith.constant 1.270000e+02 : f32
      %mul3A_386 = vector.broadcast %mul3A_385 : f32 to vector<16xf32>
      %mul3A_387 = arith.mulf %max3A_384, %mul3A_386 : vector<16xf32>
      %add3A_388 = arith.constant 9.99999974E-6 : f32
      %add3A_389 = vector.broadcast %add3A_388 : f32 to vector<16xf32>
      %add3A_390 = arith.addf %mul3A_387, %add3A_389 : vector<16xf32>
      %div3A = arith.divf %mul3A_387, %add3A_390 : vector<16xf32>
      %sub3A = arith.constant 0.999989986 : f32
      %sub3A_391 = vector.broadcast %sub3A : f32 to vector<16xf32>
      %sub3A_392 = arith.subf %sub3A_391, %max3A_384 : vector<16xf32>
      %add3A_393 = arith.addf %get3A_297, %sub3A_392 : vector<16xf32>
      %max3A_394 = arith.constant 0.000000e+00 : f32
      %max3A_395 = vector.broadcast %max3A_394 : f32 to vector<16xf32>
      %max3A_396 = arith.maximumf %add3A_393, %max3A_395 : vector<16xf32>
      %mul3A_397 = arith.mulf %max3A_396, %div3A : vector<16xf32>
      %add3A_398 = arith.constant 0.999989986 : f32
      %add3A_399 = vector.broadcast %add3A_398 : f32 to vector<16xf32>
      %add3A_400 = arith.addf %get3A_297, %add3A_399 : vector<16xf32>
      %max3A_401 = arith.constant 0.000000e+00 : f32
      %max3A_402 = vector.broadcast %max3A_401 : f32 to vector<16xf32>
      %max3A_403 = arith.maximumf %add3A_400, %max3A_402 : vector<16xf32>
      %add3A_404 = arith.constant 1.000000e+00 : f32
      %add3A_405 = vector.broadcast %add3A_404 : f32 to vector<16xf32>
      %add3A_406 = arith.addf %max3A_403, %add3A_405 : vector<16xf32>
      %mul3A_407 = arith.constant 9.99999974E-6 : f32
      %mul3A_408 = vector.broadcast %mul3A_407 : f32 to vector<16xf32>
      %mul3A_409 = arith.mulf %mul3A_408, %add3A_406 : vector<16xf32>
      %select_n3A_410 = arith.select %eq3A_164, %mul3A_409, %mul3A_397 : vector<16xi1>, vector<16xf32>
      %swap3A = arith.index_cast %scan3A_293 : i32 to index
      %swap3A_411 = arith.constant 0 : index
      %swap3A_412 = tpu.vector_load %arg8[%swap3A, %swap3A_411] {strides = array<i32>} : memref<64x128xf32, #tpu.memory_space<vmem>>, vector<1x16xf32>,
      %swap3A_413 = vector.shape_cast %swap3A_412 : vector<1x16xf32> to vector<16xf32>
      %swap3A_414 = vector.shape_cast %select_n3A_410 : vector<16xf32> to vector<1x16xf32>
      tpu.vector_store %arg8[%swap3A, %swap3A_411], %swap3A_414 {strides = array<i32>} : memref<64x128xf32, #tpu.memory_space<vmem>>, vector<1x16xf32>,
      %add3A_415 = arith.addf %get3A_301, %sub3A_392 : vector<16xf32>
      %max3A_416 = arith.constant 0.000000e+00 : f32
      %max3A_417 = vector.broadcast %max3A_416 : f32 to vector<16xf32>
      %max3A_418 = arith.maximumf %add3A_415, %max3A_417 : vector<16xf32>
      %mul3A_419 = arith.mulf %max3A_418, %div3A : vector<16xf32>
      %swap3A_420 = arith.index_cast %scan3A_293 : i32 to index
      %swap3A_421 = arith.constant 16 : index
      %swap3A_422 = tpu.vector_load %arg8[%swap3A_420, %swap3A_421] {strides = array<i32>} : memref<64x128xf32, #tpu.memory_space<vmem>>, vector<1x16xf32>,
      %swap3A_423 = vector.shape_cast %swap3A_422 : vector<1x16xf32> to vector<16xf32>
      %swap3A_424 = vector.shape_cast %mul3A_419 : vector<16xf32> to vector<1x16xf32>
      tpu.vector_store %arg8[%swap3A_420, %swap3A_421], %swap3A_424 {strides = array<i32>} : memref<64x128xf32, #tpu.memory_space<vmem>>, vector<1x16xf32>,
      %add3A_425 = arith.addf %get3A_305, %sub3A_392 : vector<16xf32>
      %max3A_426 = arith.constant 0.000000e+00 : f32
      %max3A_427 = vector.broadcast %max3A_426 : f32 to vector<16xf32>
      %max3A_428 = arith.maximumf %add3A_425, %max3A_427 : vector<16xf32>
      %mul3A_429 = arith.mulf %max3A_428, %div3A : vector<16xf32>
      %swap3A_430 = arith.index_cast %scan3A_293 : i32 to index
      %swap3A_431 = arith.constant 32 : index
      %swap3A_432 = tpu.vector_load %arg8[%swap3A_430, %swap3A_431] {strides = array<i32>} : memref<64x128xf32, #tpu.memory_space<vmem>>, vector<1x16xf32>,
      %swap3A_433 = vector.shape_cast %swap3A_432 : vector<1x16xf32> to vector<16xf32>
      %swap3A_434 = vector.shape_cast %mul3A_429 : vector<16xf32> to vector<1x16xf32>
      tpu.vector_store %arg8[%swap3A_430, %swap3A_431], %swap3A_434 {strides = array<i32>} : memref<64x128xf32, #tpu.memory_space<vmem>>, vector<1x16xf32>,
      %add3A_435 = arith.addf %get3A_309, %sub3A_392 : vector<16xf32>
      %max3A_436 = arith.constant 0.000000e+00 : f32
      %max3A_437 = vector.broadcast %max3A_436 : f32 to vector<16xf32>
      %max3A_438 = arith.maximumf %add3A_435, %max3A_437 : vector<16xf32>
      %mul3A_439 = arith.mulf %max3A_438, %div3A : vector<16xf32>
      %swap3A_440 = arith.index_cast %scan3A_293 : i32 to index
      %swap3A_441 = arith.constant 48 : index
      %swap3A_442 = tpu.vector_load %arg8[%swap3A_440, %swap3A_441] {strides = array<i32>} : memref<64x128xf32, #tpu.memory_space<vmem>>, vector<1x16xf32>,
      %swap3A_443 = vector.shape_cast %swap3A_442 : vector<1x16xf32> to vector<16xf32>
      %swap3A_444 = vector.shape_cast %mul3A_439 : vector<16xf32> to vector<1x16xf32>
      tpu.vector_store %arg8[%swap3A_440, %swap3A_441], %swap3A_444 {strides = array<i32>} : memref<64x128xf32, #tpu.memory_space<vmem>>, vector<1x16xf32>,
      %add3A_445 = arith.addf %get3A_313, %sub3A_392 : vector<16xf32>
      %max3A_446 = arith.constant 0.000000e+00 : f32
      %max3A_447 = vector.broadcast %max3A_446 : f32 to vector<16xf32>
      %max3A_448 = arith.maximumf %add3A_445, %max3A_447 : vector<16xf32>
      %mul3A_449 = arith.mulf %max3A_448, %div3A : vector<16xf32>
      %swap3A_450 = arith.index_cast %scan3A_293 : i32 to index
      %swap3A_451 = arith.constant 64 : index
      %swap3A_452 = tpu.vector_load %arg8[%swap3A_450, %swap3A_451] {strides = array<i32>} : memref<64x128xf32, #tpu.memory_space<vmem>>, vector<1x16xf32>,
      %swap3A_453 = vector.shape_cast %swap3A_452 : vector<1x16xf32> to vector<16xf32>
      %swap3A_454 = vector.shape_cast %mul3A_449 : vector<16xf32> to vector<1x16xf32>
      tpu.vector_store %arg8[%swap3A_450, %swap3A_451], %swap3A_454 {strides = array<i32>} : memref<64x128xf32, #tpu.memory_space<vmem>>, vector<1x16xf32>,
      %add3A_455 = arith.addf %get3A_317, %sub3A_392 : vector<16xf32>
      %max3A_456 = arith.constant 0.000000e+00 : f32
      %max3A_457 = vector.broadcast %max3A_456 : f32 to vector<16xf32>
      %max3A_458 = arith.maximumf %add3A_455, %max3A_457 : vector<16xf32>
      %mul3A_459 = arith.mulf %max3A_458, %div3A : vector<16xf32>
      %swap3A_460 = arith.index_cast %scan3A_293 : i32 to index
      %swap3A_461 = arith.constant 80 : index
      %swap3A_462 = tpu.vector_load %arg8[%swap3A_460, %swap3A_461] {strides = array<i32>} : memref<64x128xf32, #tpu.memory_space<vmem>>, vector<1x16xf32>,
      %swap3A_463 = vector.shape_cast %swap3A_462 : vector<1x16xf32> to vector<16xf32>
      %swap3A_464 = vector.shape_cast %mul3A_459 : vector<16xf32> to vector<1x16xf32>
      tpu.vector_store %arg8[%swap3A_460, %swap3A_461], %swap3A_464 {strides = array<i32>} : memref<64x128xf32, #tpu.memory_space<vmem>>, vector<1x16xf32>,
      %add3A_465 = arith.addf %get3A_321, %sub3A_392 : vector<16xf32>
      %max3A_466 = arith.constant 0.000000e+00 : f32
      %max3A_467 = vector.broadcast %max3A_466 : f32 to vector<16xf32>
      %max3A_468 = arith.maximumf %add3A_465, %max3A_467 : vector<16xf32>
      %mul3A_469 = arith.mulf %max3A_468, %div3A : vector<16xf32>
      %swap3A_470 = arith.index_cast %scan3A_293 : i32 to index
      %swap3A_471 = arith.constant 96 : index
      %swap3A_472 = tpu.vector_load %arg8[%swap3A_470, %swap3A_471] {strides = array<i32>} : memref<64x128xf32, #tpu.memory_space<vmem>>, vector<1x16xf32>,
      %swap3A_473 = vector.shape_cast %swap3A_472 : vector<1x16xf32> to vector<16xf32>
      %swap3A_474 = vector.shape_cast %mul3A_469 : vector<16xf32> to vector<1x16xf32>
      tpu.vector_store %arg8[%swap3A_470, %swap3A_471], %swap3A_474 {strides = array<i32>} : memref<64x128xf32, #tpu.memory_space<vmem>>, vector<1x16xf32>,
      %add3A_475 = arith.addf %get3A_325, %sub3A_392 : vector<16xf32>
      %max3A_476 = arith.constant 0.000000e+00 : f32
      %max3A_477 = vector.broadcast %max3A_476 : f32 to vector<16xf32>
      %max3A_478 = arith.maximumf %add3A_475, %max3A_477 : vector<16xf32>
      %mul3A_479 = arith.mulf %max3A_478, %div3A : vector<16xf32>
      %swap3A_480 = arith.index_cast %scan3A_293 : i32 to index
      %swap3A_481 = arith.constant 112 : index
      %swap3A_482 = tpu.vector_load %arg8[%swap3A_480, %swap3A_481] {strides = array<i32>} : memref<64x128xf32, #tpu.memory_space<vmem>>, vector<1x16xf32>,
      %swap3A_483 = vector.shape_cast %swap3A_482 : vector<1x16xf32> to vector<16xf32>
      %swap3A_484 = vector.shape_cast %mul3A_479 : vector<16xf32> to vector<1x16xf32>
      tpu.vector_store %arg8[%swap3A_480, %swap3A_481], %swap3A_484 {strides = array<i32>} : memref<64x128xf32, #tpu.memory_space<vmem>>, vector<1x16xf32>,
      %scan3A_485 = arith.constant 0 : i32
      scf.yield %scan3A_485 : i32
    }
    %scan3A_172 = arith.constant 64 : i32
    %add3A_173 = arith.constant 3840 : i32
    %add3A_174 = arith.addi %mul3A_2, %add3A_173 : i32
    %dma_start3A_175 = arith.constant 0 : i32
    %dma_start3A_176 = tpu.memref_slice %arg3[%add3A_174, %dma_start3A_175] : memref<131072x128xf32, #tpu.memory_space<hbm>> -> memref<64x128xf32, #tpu.memory_space<hbm>>
    %dma_start3A_177 = arith.constant 0 : i32
    %dma_start3A_178 = tpu.memref_slice %arg3[%add3A_174, %dma_start3A_177] : memref<131072x128xf32, #tpu.memory_space<hbm>> -> memref<64x128xf32, #tpu.memory_space<hbm>>
    tpu.enqueue_dma source(%arg8 : memref<64x128xf32, #tpu.memory_space<vmem>>) target(%dma_start3A_178 : memref<64x128xf32, #tpu.memory_space<hbm>>) target_semaphore(%arg16 : memref<!tpu.dma_semaphore, #tpu.memory_space<semaphore_mem>>)
    %add3A_179 = arith.constant 0 : i32
    %add3A_180 = arith.addi %mul3A_2, %add3A_179 : i32
    %dma_wait3A_181 = arith.constant 0 : i32
    %dma_wait3A_182 = tpu.memref_slice %arg2[%add3A_180, %dma_wait3A_181] : memref<131072x128xf32, #tpu.memory_space<hbm>> -> memref<64x128xf32, #tpu.memory_space<hbm>>
    %dma_wait3A_183 = arith.constant 0 : i32
    %dma_wait3A_184 = tpu.memref_slice %arg2[%add3A_180, %dma_wait3A_183] : memref<131072x128xf32, #tpu.memory_space<hbm>> -> memref<64x128xf32, #tpu.memory_space<hbm>>
    tpu.wait_dma2 semaphore(%arg13 : memref<!tpu.dma_semaphore, #tpu.memory_space<semaphore_mem>>) src(%dma_wait3A_184 : memref<64x128xf32, #tpu.memory_space<hbm>>) dst(%arg5 : memref<64x128xf32, #tpu.memory_space<vmem>>)
    %add3A_185 = arith.constant 0 : i32
    %add3A_186 = arith.addi %mul3A_2, %add3A_185 : i32
    %dma_wait3A_187 = arith.constant 0 : i32
    %dma_wait3A_188 = tpu.memref_slice %arg3[%add3A_186, %dma_wait3A_187] : memref<131072x128xf32, #tpu.memory_space<hbm>> -> memref<64x128xf32, #tpu.memory_space<hbm>>
    %dma_wait3A_189 = arith.constant 0 : i32
    %dma_wait3A_190 = tpu.memref_slice %arg3[%add3A_186, %dma_wait3A_189] : memref<131072x128xf32, #tpu.memory_space<hbm>> -> memref<64x128xf32, #tpu.memory_space<hbm>>
    tpu.wait_dma2 semaphore(%arg17 : memref<!tpu.dma_semaphore, #tpu.memory_space<semaphore_mem>>) src(%arg9 : memref<64x128xf32, #tpu.memory_space<vmem>>) dst(%dma_wait3A_190 : memref<64x128xf32, #tpu.memory_space<hbm>>)
    %iota3A_191 = tpu.iota {dimensions = array<i32: 0>} : vector<16xi32>
    %eq3A_192 = arith.constant 0 : i32
    %eq3A_193 = vector.broadcast %eq3A_192 : i32 to vector<16xi32>
    %eq3A_194 = arith.cmpi eq, %iota3A_191, %eq3A_193 : vector<16xi32>
    %scan3A_195 = arith.constant 0xFF800000 : f32
    %scan3A_196 = arith.constant 0 : i32
    %scan3A_197 = arith.constant 0 : i32
    %scan3A_198 = arith.constant 64 : i32
    %scan3A_199 = arith.addi %scan3A_197, %scan3A_198 : i32
    %scan3A_200 = arith.constant 1 : i32
    %scan3A_201 = scf.for %scan3A_293 = %scan3A_197 to %scan3A_199 step %scan3A_200 iter_args(%scan3A_294 = %scan3A_196) -> (i32)  : i32 {
      %get3A = arith.index_cast %scan3A_293 : i32 to index
      %get3A_295 = arith.constant 0 : index
      %get3A_296 = tpu.vector_load %arg5[%get3A, %get3A_295] {strides = array<i32>} : memref<64x128xf32, #tpu.memory_space<vmem>>, vector<1x16xf32>,
      %get3A_297 = vector.shape_cast %get3A_296 : vector<1x16xf32> to vector<16xf32>
      %get3A_298 = arith.index_cast %scan3A_293 : i32 to index
      %get3A_299 = arith.constant 16 : index
      %get3A_300 = tpu.vector_load %arg5[%get3A_298, %get3A_299] {strides = array<i32>} : memref<64x128xf32, #tpu.memory_space<vmem>>, vector<1x16xf32>,
      %get3A_301 = vector.shape_cast %get3A_300 : vector<1x16xf32> to vector<16xf32>
      %get3A_302 = arith.index_cast %scan3A_293 : i32 to index
      %get3A_303 = arith.constant 32 : index
      %get3A_304 = tpu.vector_load %arg5[%get3A_302, %get3A_303] {strides = array<i32>} : memref<64x128xf32, #tpu.memory_space<vmem>>, vector<1x16xf32>,
      %get3A_305 = vector.shape_cast %get3A_304 : vector<1x16xf32> to vector<16xf32>
      %get3A_306 = arith.index_cast %scan3A_293 : i32 to index
      %get3A_307 = arith.constant 48 : index
      %get3A_308 = tpu.vector_load %arg5[%get3A_306, %get3A_307] {strides = array<i32>} : memref<64x128xf32, #tpu.memory_space<vmem>>, vector<1x16xf32>,
      %get3A_309 = vector.shape_cast %get3A_308 : vector<1x16xf32> to vector<16xf32>
      %get3A_310 = arith.index_cast %scan3A_293 : i32 to index
      %get3A_311 = arith.constant 64 : index
      %get3A_312 = tpu.vector_load %arg5[%get3A_310, %get3A_311] {strides = array<i32>} : memref<64x128xf32, #tpu.memory_space<vmem>>, vector<1x16xf32>,
      %get3A_313 = vector.shape_cast %get3A_312 : vector<1x16xf32> to vector<16xf32>
      %get3A_314 = arith.index_cast %scan3A_293 : i32 to index
      %get3A_315 = arith.constant 80 : index
      %get3A_316 = tpu.vector_load %arg5[%get3A_314, %get3A_315] {strides = array<i32>} : memref<64x128xf32, #tpu.memory_space<vmem>>, vector<1x16xf32>,
      %get3A_317 = vector.shape_cast %get3A_316 : vector<1x16xf32> to vector<16xf32>
      %get3A_318 = arith.index_cast %scan3A_293 : i32 to index
      %get3A_319 = arith.constant 96 : index
      %get3A_320 = tpu.vector_load %arg5[%get3A_318, %get3A_319] {strides = array<i32>} : memref<64x128xf32, #tpu.memory_space<vmem>>, vector<1x16xf32>,
      %get3A_321 = vector.shape_cast %get3A_320 : vector<1x16xf32> to vector<16xf32>
      %get3A_322 = arith.index_cast %scan3A_293 : i32 to index
      %get3A_323 = arith.constant 112 : index
      %get3A_324 = tpu.vector_load %arg5[%get3A_322, %get3A_323] {strides = array<i32>} : memref<64x128xf32, #tpu.memory_space<vmem>>, vector<1x16xf32>,
      %get3A_325 = vector.shape_cast %get3A_324 : vector<1x16xf32> to vector<16xf32>
      %broadcast_in_dim3A = vector.broadcast %scan3A_195 : f32 to vector<16xf32>
      %select_n3A = arith.select %eq3A_194, %broadcast_in_dim3A, %get3A_297 : vector<16xi1>, vector<16xf32>
      %max3A = arith.maximumf %select_n3A, %get3A_301 : vector<16xf32>
      %max3A_326 = arith.maximumf %max3A, %get3A_305 : vector<16xf32>
      %max3A_327 = arith.maximumf %max3A_326, %get3A_309 : vector<16xf32>
      %max3A_328 = arith.maximumf %max3A_327, %get3A_313 : vector<16xf32>
      %max3A_329 = arith.maximumf %max3A_328, %get3A_317 : vector<16xf32>
      %max3A_330 = arith.maximumf %max3A_329, %get3A_321 : vector<16xf32>
      %max3A_331 = arith.maximumf %max3A_330, %get3A_325 : vector<16xf32>
      %xor3A = arith.constant 8 : i32
      %xor3A_332 = vector.broadcast %xor3A : i32 to vector<16xi32>
      %xor3A_333 = arith.xori %iota3A_191, %xor3A_332 : vector<16xi32>
      %lt3A = arith.constant 0 : i32
      %lt3A_334 = vector.broadcast %lt3A : i32 to vector<16xi32>
      %lt3A_335 = arith.cmpi slt, %xor3A_333, %lt3A_334 : vector<16xi32>
      %add3A_336 = arith.constant 16 : i32
      %add3A_337 = vector.broadcast %add3A_336 : i32 to vector<16xi32>
      %add3A_338 = arith.addi %xor3A_333, %add3A_337 : vector<16xi32>
      %select_n3A_339 = arith.select %lt3A_335, %add3A_338, %xor3A_333 : vector<16xi1>, vector<16xi32>
      %broadcast_in_dim3A_340 = vector.shape_cast %select_n3A_339 : vector<16xi32> to vector<16x1xi32>
      %gather3A = vector.shape_cast %broadcast_in_dim3A_340 : vector<16x1xi32> to vector<16xi32>
      %gather3A_341 = tpu.dynamic_gather %max3A_331[%gather3A] in [0] : vector<16xf32>, vector<16xi32> -> vector<16xf32>
      %max3A_342 = arith.maximumf %max3A_331, %gather3A_341 : vector<16xf32>
      %xor3A_343 = arith.constant 4 : i32
      %xor3A_344 = vector.broadcast %xor3A_343 : i32 to vector<16xi32>
      %xor3A_345 = arith.xori %iota3A_191, %xor3A_344 : vector<16xi32>
      %lt3A_346 = arith.constant 0 : i32
      %lt3A_347 = vector.broadcast %lt3A_346 : i32 to vector<16xi32>
      %lt3A_348 = arith.cmpi slt, %xor3A_345, %lt3A_347 : vector<16xi32>
      %add3A_349 = arith.constant 16 : i32
      %add3A_350 = vector.broadcast %add3A_349 : i32 to vector<16xi32>
      %add3A_351 = arith.addi %xor3A_345, %add3A_350 : vector<16xi32>
      %select_n3A_352 = arith.select %lt3A_348, %add3A_351, %xor3A_345 : vector<16xi1>, vector<16xi32>
      %broadcast_in_dim3A_353 = vector.shape_cast %select_n3A_352 : vector<16xi32> to vector<16x1xi32>
      %gather3A_354 = vector.shape_cast %broadcast_in_dim3A_353 : vector<16x1xi32> to vector<16xi32>
      %gather3A_355 = tpu.dynamic_gather %max3A_342[%gather3A_354] in [0] : vector<16xf32>, vector<16xi32> -> vector<16xf32>
      %max3A_356 = arith.maximumf %max3A_342, %gather3A_355 : vector<16xf32>
      %xor3A_357 = arith.constant 2 : i32
      %xor3A_358 = vector.broadcast %xor3A_357 : i32 to vector<16xi32>
      %xor3A_359 = arith.xori %iota3A_191, %xor3A_358 : vector<16xi32>
      %lt3A_360 = arith.constant 0 : i32
      %lt3A_361 = vector.broadcast %lt3A_360 : i32 to vector<16xi32>
      %lt3A_362 = arith.cmpi slt, %xor3A_359, %lt3A_361 : vector<16xi32>
      %add3A_363 = arith.constant 16 : i32
      %add3A_364 = vector.broadcast %add3A_363 : i32 to vector<16xi32>
      %add3A_365 = arith.addi %xor3A_359, %add3A_364 : vector<16xi32>
      %select_n3A_366 = arith.select %lt3A_362, %add3A_365, %xor3A_359 : vector<16xi1>, vector<16xi32>
      %broadcast_in_dim3A_367 = vector.shape_cast %select_n3A_366 : vector<16xi32> to vector<16x1xi32>
      %gather3A_368 = vector.shape_cast %broadcast_in_dim3A_367 : vector<16x1xi32> to vector<16xi32>
      %gather3A_369 = tpu.dynamic_gather %max3A_356[%gather3A_368] in [0] : vector<16xf32>, vector<16xi32> -> vector<16xf32>
      %max3A_370 = arith.maximumf %max3A_356, %gather3A_369 : vector<16xf32>
      %xor3A_371 = arith.constant 1 : i32
      %xor3A_372 = vector.broadcast %xor3A_371 : i32 to vector<16xi32>
      %xor3A_373 = arith.xori %iota3A_191, %xor3A_372 : vector<16xi32>
      %lt3A_374 = arith.constant 0 : i32
      %lt3A_375 = vector.broadcast %lt3A_374 : i32 to vector<16xi32>
      %lt3A_376 = arith.cmpi slt, %xor3A_373, %lt3A_375 : vector<16xi32>
      %add3A_377 = arith.constant 16 : i32
      %add3A_378 = vector.broadcast %add3A_377 : i32 to vector<16xi32>
      %add3A_379 = arith.addi %xor3A_373, %add3A_378 : vector<16xi32>
      %select_n3A_380 = arith.select %lt3A_376, %add3A_379, %xor3A_373 : vector<16xi1>, vector<16xi32>
      %broadcast_in_dim3A_381 = vector.shape_cast %select_n3A_380 : vector<16xi32> to vector<16x1xi32>
      %gather3A_382 = vector.shape_cast %broadcast_in_dim3A_381 : vector<16x1xi32> to vector<16xi32>
      %gather3A_383 = tpu.dynamic_gather %max3A_370[%gather3A_382] in [0] : vector<16xf32>, vector<16xi32> -> vector<16xf32>
      %max3A_384 = arith.maximumf %max3A_370, %gather3A_383 : vector<16xf32>
      %mul3A_385 = arith.constant 1.270000e+02 : f32
      %mul3A_386 = vector.broadcast %mul3A_385 : f32 to vector<16xf32>
      %mul3A_387 = arith.mulf %max3A_384, %mul3A_386 : vector<16xf32>
      %add3A_388 = arith.constant 9.99999974E-6 : f32
      %add3A_389 = vector.broadcast %add3A_388 : f32 to vector<16xf32>
      %add3A_390 = arith.addf %mul3A_387, %add3A_389 : vector<16xf32>
      %div3A = arith.divf %mul3A_387, %add3A_390 : vector<16xf32>
      %sub3A = arith.constant 0.999989986 : f32
      %sub3A_391 = vector.broadcast %sub3A : f32 to vector<16xf32>
      %sub3A_392 = arith.subf %sub3A_391, %max3A_384 : vector<16xf32>
      %add3A_393 = arith.addf %get3A_297, %sub3A_392 : vector<16xf32>
      %max3A_394 = arith.constant 0.000000e+00 : f32
      %max3A_395 = vector.broadcast %max3A_394 : f32 to vector<16xf32>
      %max3A_396 = arith.maximumf %add3A_393, %max3A_395 : vector<16xf32>
      %mul3A_397 = arith.mulf %max3A_396, %div3A : vector<16xf32>
      %add3A_398 = arith.constant 0.999989986 : f32
      %add3A_399 = vector.broadcast %add3A_398 : f32 to vector<16xf32>
      %add3A_400 = arith.addf %get3A_297, %add3A_399 : vector<16xf32>
      %max3A_401 = arith.constant 0.000000e+00 : f32
      %max3A_402 = vector.broadcast %max3A_401 : f32 to vector<16xf32>
      %max3A_403 = arith.maximumf %add3A_400, %max3A_402 : vector<16xf32>
      %add3A_404 = arith.constant 1.000000e+00 : f32
      %add3A_405 = vector.broadcast %add3A_404 : f32 to vector<16xf32>
      %add3A_406 = arith.addf %max3A_403, %add3A_405 : vector<16xf32>
      %mul3A_407 = arith.constant 9.99999974E-6 : f32
      %mul3A_408 = vector.broadcast %mul3A_407 : f32 to vector<16xf32>
      %mul3A_409 = arith.mulf %mul3A_408, %add3A_406 : vector<16xf32>
      %select_n3A_410 = arith.select %eq3A_194, %mul3A_409, %mul3A_397 : vector<16xi1>, vector<16xf32>
      %swap3A = arith.index_cast %scan3A_293 : i32 to index
      %swap3A_411 = arith.constant 0 : index
      %swap3A_412 = tpu.vector_load %arg9[%swap3A, %swap3A_411] {strides = array<i32>} : memref<64x128xf32, #tpu.memory_space<vmem>>, vector<1x16xf32>,
      %swap3A_413 = vector.shape_cast %swap3A_412 : vector<1x16xf32> to vector<16xf32>
      %swap3A_414 = vector.shape_cast %select_n3A_410 : vector<16xf32> to vector<1x16xf32>
      tpu.vector_store %arg9[%swap3A, %swap3A_411], %swap3A_414 {strides = array<i32>} : memref<64x128xf32, #tpu.memory_space<vmem>>, vector<1x16xf32>,
      %add3A_415 = arith.addf %get3A_301, %sub3A_392 : vector<16xf32>
      %max3A_416 = arith.constant 0.000000e+00 : f32
      %max3A_417 = vector.broadcast %max3A_416 : f32 to vector<16xf32>
      %max3A_418 = arith.maximumf %add3A_415, %max3A_417 : vector<16xf32>
      %mul3A_419 = arith.mulf %max3A_418, %div3A : vector<16xf32>
      %swap3A_420 = arith.index_cast %scan3A_293 : i32 to index
      %swap3A_421 = arith.constant 16 : index
      %swap3A_422 = tpu.vector_load %arg9[%swap3A_420, %swap3A_421] {strides = array<i32>} : memref<64x128xf32, #tpu.memory_space<vmem>>, vector<1x16xf32>,
      %swap3A_423 = vector.shape_cast %swap3A_422 : vector<1x16xf32> to vector<16xf32>
      %swap3A_424 = vector.shape_cast %mul3A_419 : vector<16xf32> to vector<1x16xf32>
      tpu.vector_store %arg9[%swap3A_420, %swap3A_421], %swap3A_424 {strides = array<i32>} : memref<64x128xf32, #tpu.memory_space<vmem>>, vector<1x16xf32>,
      %add3A_425 = arith.addf %get3A_305, %sub3A_392 : vector<16xf32>
      %max3A_426 = arith.constant 0.000000e+00 : f32
      %max3A_427 = vector.broadcast %max3A_426 : f32 to vector<16xf32>
      %max3A_428 = arith.maximumf %add3A_425, %max3A_427 : vector<16xf32>
      %mul3A_429 = arith.mulf %max3A_428, %div3A : vector<16xf32>
      %swap3A_430 = arith.index_cast %scan3A_293 : i32 to index
      %swap3A_431 = arith.constant 32 : index
      %swap3A_432 = tpu.vector_load %arg9[%swap3A_430, %swap3A_431] {strides = array<i32>} : memref<64x128xf32, #tpu.memory_space<vmem>>, vector<1x16xf32>,
      %swap3A_433 = vector.shape_cast %swap3A_432 : vector<1x16xf32> to vector<16xf32>
      %swap3A_434 = vector.shape_cast %mul3A_429 : vector<16xf32> to vector<1x16xf32>
      tpu.vector_store %arg9[%swap3A_430, %swap3A_431], %swap3A_434 {strides = array<i32>} : memref<64x128xf32, #tpu.memory_space<vmem>>, vector<1x16xf32>,
      %add3A_435 = arith.addf %get3A_309, %sub3A_392 : vector<16xf32>
      %max3A_436 = arith.constant 0.000000e+00 : f32
      %max3A_437 = vector.broadcast %max3A_436 : f32 to vector<16xf32>
      %max3A_438 = arith.maximumf %add3A_435, %max3A_437 : vector<16xf32>
      %mul3A_439 = arith.mulf %max3A_438, %div3A : vector<16xf32>
      %swap3A_440 = arith.index_cast %scan3A_293 : i32 to index
      %swap3A_441 = arith.constant 48 : index
      %swap3A_442 = tpu.vector_load %arg9[%swap3A_440, %swap3A_441] {strides = array<i32>} : memref<64x128xf32, #tpu.memory_space<vmem>>, vector<1x16xf32>,
      %swap3A_443 = vector.shape_cast %swap3A_442 : vector<1x16xf32> to vector<16xf32>
      %swap3A_444 = vector.shape_cast %mul3A_439 : vector<16xf32> to vector<1x16xf32>
      tpu.vector_store %arg9[%swap3A_440, %swap3A_441], %swap3A_444 {strides = array<i32>} : memref<64x128xf32, #tpu.memory_space<vmem>>, vector<1x16xf32>,
      %add3A_445 = arith.addf %get3A_313, %sub3A_392 : vector<16xf32>
      %max3A_446 = arith.constant 0.000000e+00 : f32
      %max3A_447 = vector.broadcast %max3A_446 : f32 to vector<16xf32>
      %max3A_448 = arith.maximumf %add3A_445, %max3A_447 : vector<16xf32>
      %mul3A_449 = arith.mulf %max3A_448, %div3A : vector<16xf32>
      %swap3A_450 = arith.index_cast %scan3A_293 : i32 to index
      %swap3A_451 = arith.constant 64 : index
      %swap3A_452 = tpu.vector_load %arg9[%swap3A_450, %swap3A_451] {strides = array<i32>} : memref<64x128xf32, #tpu.memory_space<vmem>>, vector<1x16xf32>,
      %swap3A_453 = vector.shape_cast %swap3A_452 : vector<1x16xf32> to vector<16xf32>
      %swap3A_454 = vector.shape_cast %mul3A_449 : vector<16xf32> to vector<1x16xf32>
      tpu.vector_store %arg9[%swap3A_450, %swap3A_451], %swap3A_454 {strides = array<i32>} : memref<64x128xf32, #tpu.memory_space<vmem>>, vector<1x16xf32>,
      %add3A_455 = arith.addf %get3A_317, %sub3A_392 : vector<16xf32>
      %max3A_456 = arith.constant 0.000000e+00 : f32
      %max3A_457 = vector.broadcast %max3A_456 : f32 to vector<16xf32>
      %max3A_458 = arith.maximumf %add3A_455, %max3A_457 : vector<16xf32>
      %mul3A_459 = arith.mulf %max3A_458, %div3A : vector<16xf32>
      %swap3A_460 = arith.index_cast %scan3A_293 : i32 to index
      %swap3A_461 = arith.constant 80 : index
      %swap3A_462 = tpu.vector_load %arg9[%swap3A_460, %swap3A_461] {strides = array<i32>} : memref<64x128xf32, #tpu.memory_space<vmem>>, vector<1x16xf32>,
      %swap3A_463 = vector.shape_cast %swap3A_462 : vector<1x16xf32> to vector<16xf32>
      %swap3A_464 = vector.shape_cast %mul3A_459 : vector<16xf32> to vector<1x16xf32>
      tpu.vector_store %arg9[%swap3A_460, %swap3A_461], %swap3A_464 {strides = array<i32>} : memref<64x128xf32, #tpu.memory_space<vmem>>, vector<1x16xf32>,
      %add3A_465 = arith.addf %get3A_321, %sub3A_392 : vector<16xf32>
      %max3A_466 = arith.constant 0.000000e+00 : f32
      %max3A_467 = vector.broadcast %max3A_466 : f32 to vector<16xf32>
      %max3A_468 = arith.maximumf %add3A_465, %max3A_467 : vector<16xf32>
      %mul3A_469 = arith.mulf %max3A_468, %div3A : vector<16xf32>
      %swap3A_470 = arith.index_cast %scan3A_293 : i32 to index
      %swap3A_471 = arith.constant 96 : index
      %swap3A_472 = tpu.vector_load %arg9[%swap3A_470, %swap3A_471] {strides = array<i32>} : memref<64x128xf32, #tpu.memory_space<vmem>>, vector<1x16xf32>,
      %swap3A_473 = vector.shape_cast %swap3A_472 : vector<1x16xf32> to vector<16xf32>
      %swap3A_474 = vector.shape_cast %mul3A_469 : vector<16xf32> to vector<1x16xf32>
      tpu.vector_store %arg9[%swap3A_470, %swap3A_471], %swap3A_474 {strides = array<i32>} : memref<64x128xf32, #tpu.memory_space<vmem>>, vector<1x16xf32>,
      %add3A_475 = arith.addf %get3A_325, %sub3A_392 : vector<16xf32>
      %max3A_476 = arith.constant 0.000000e+00 : f32
      %max3A_477 = vector.broadcast %max3A_476 : f32 to vector<16xf32>
      %max3A_478 = arith.maximumf %add3A_475, %max3A_477 : vector<16xf32>
      %mul3A_479 = arith.mulf %max3A_478, %div3A : vector<16xf32>
      %swap3A_480 = arith.index_cast %scan3A_293 : i32 to index
      %swap3A_481 = arith.constant 112 : index
      %swap3A_482 = tpu.vector_load %arg9[%swap3A_480, %swap3A_481] {strides = array<i32>} : memref<64x128xf32, #tpu.memory_space<vmem>>, vector<1x16xf32>,
      %swap3A_483 = vector.shape_cast %swap3A_482 : vector<1x16xf32> to vector<16xf32>
      %swap3A_484 = vector.shape_cast %mul3A_479 : vector<16xf32> to vector<1x16xf32>
      tpu.vector_store %arg9[%swap3A_480, %swap3A_481], %swap3A_484 {strides = array<i32>} : memref<64x128xf32, #tpu.memory_space<vmem>>, vector<1x16xf32>,
      %scan3A_485 = arith.constant 0 : i32
      scf.yield %scan3A_485 : i32
    }
    %scan3A_202 = arith.constant 64 : i32
    %add3A_203 = arith.constant 3904 : i32
    %add3A_204 = arith.addi %mul3A_2, %add3A_203 : i32
    %dma_start3A_205 = arith.constant 0 : i32
    %dma_start3A_206 = tpu.memref_slice %arg3[%add3A_204, %dma_start3A_205] : memref<131072x128xf32, #tpu.memory_space<hbm>> -> memref<64x128xf32, #tpu.memory_space<hbm>>
    %dma_start3A_207 = arith.constant 0 : i32
    %dma_start3A_208 = tpu.memref_slice %arg3[%add3A_204, %dma_start3A_207] : memref<131072x128xf32, #tpu.memory_space<hbm>> -> memref<64x128xf32, #tpu.memory_space<hbm>>
    tpu.enqueue_dma source(%arg9 : memref<64x128xf32, #tpu.memory_space<vmem>>) target(%dma_start3A_208 : memref<64x128xf32, #tpu.memory_space<hbm>>) target_semaphore(%arg17 : memref<!tpu.dma_semaphore, #tpu.memory_space<semaphore_mem>>)
    %add3A_209 = arith.constant 0 : i32
    %add3A_210 = arith.addi %mul3A_2, %add3A_209 : i32
    %dma_wait3A_211 = arith.constant 0 : i32
    %dma_wait3A_212 = tpu.memref_slice %arg2[%add3A_210, %dma_wait3A_211] : memref<131072x128xf32, #tpu.memory_space<hbm>> -> memref<64x128xf32, #tpu.memory_space<hbm>>
    %dma_wait3A_213 = arith.constant 0 : i32
    %dma_wait3A_214 = tpu.memref_slice %arg2[%add3A_210, %dma_wait3A_213] : memref<131072x128xf32, #tpu.memory_space<hbm>> -> memref<64x128xf32, #tpu.memory_space<hbm>>
    tpu.wait_dma2 semaphore(%arg14 : memref<!tpu.dma_semaphore, #tpu.memory_space<semaphore_mem>>) src(%dma_wait3A_214 : memref<64x128xf32, #tpu.memory_space<hbm>>) dst(%arg6 : memref<64x128xf32, #tpu.memory_space<vmem>>)
    %add3A_215 = arith.constant 0 : i32
    %add3A_216 = arith.addi %mul3A_2, %add3A_215 : i32
    %dma_wait3A_217 = arith.constant 0 : i32
    %dma_wait3A_218 = tpu.memref_slice %arg3[%add3A_216, %dma_wait3A_217] : memref<131072x128xf32, #tpu.memory_space<hbm>> -> memref<64x128xf32, #tpu.memory_space<hbm>>
    %dma_wait3A_219 = arith.constant 0 : i32
    %dma_wait3A_220 = tpu.memref_slice %arg3[%add3A_216, %dma_wait3A_219] : memref<131072x128xf32, #tpu.memory_space<hbm>> -> memref<64x128xf32, #tpu.memory_space<hbm>>
    tpu.wait_dma2 semaphore(%arg18 : memref<!tpu.dma_semaphore, #tpu.memory_space<semaphore_mem>>) src(%arg10 : memref<64x128xf32, #tpu.memory_space<vmem>>) dst(%dma_wait3A_220 : memref<64x128xf32, #tpu.memory_space<hbm>>)
    %iota3A_221 = tpu.iota {dimensions = array<i32: 0>} : vector<16xi32>
    %eq3A_222 = arith.constant 0 : i32
    %eq3A_223 = vector.broadcast %eq3A_222 : i32 to vector<16xi32>
    %eq3A_224 = arith.cmpi eq, %iota3A_221, %eq3A_223 : vector<16xi32>
    %scan3A_225 = arith.constant 0xFF800000 : f32
    %scan3A_226 = arith.constant 0 : i32
    %scan3A_227 = arith.constant 0 : i32
    %scan3A_228 = arith.constant 64 : i32
    %scan3A_229 = arith.addi %scan3A_227, %scan3A_228 : i32
    %scan3A_230 = arith.constant 1 : i32
    %scan3A_231 = scf.for %scan3A_293 = %scan3A_227 to %scan3A_229 step %scan3A_230 iter_args(%scan3A_294 = %scan3A_226) -> (i32)  : i32 {
      %get3A = arith.index_cast %scan3A_293 : i32 to index
      %get3A_295 = arith.constant 0 : index
      %get3A_296 = tpu.vector_load %arg6[%get3A, %get3A_295] {strides = array<i32>} : memref<64x128xf32, #tpu.memory_space<vmem>>, vector<1x16xf32>,
      %get3A_297 = vector.shape_cast %get3A_296 : vector<1x16xf32> to vector<16xf32>
      %get3A_298 = arith.index_cast %scan3A_293 : i32 to index
      %get3A_299 = arith.constant 16 : index
      %get3A_300 = tpu.vector_load %arg6[%get3A_298, %get3A_299] {strides = array<i32>} : memref<64x128xf32, #tpu.memory_space<vmem>>, vector<1x16xf32>,
      %get3A_301 = vector.shape_cast %get3A_300 : vector<1x16xf32> to vector<16xf32>
      %get3A_302 = arith.index_cast %scan3A_293 : i32 to index
      %get3A_303 = arith.constant 32 : index
      %get3A_304 = tpu.vector_load %arg6[%get3A_302, %get3A_303] {strides = array<i32>} : memref<64x128xf32, #tpu.memory_space<vmem>>, vector<1x16xf32>,
      %get3A_305 = vector.shape_cast %get3A_304 : vector<1x16xf32> to vector<16xf32>
      %get3A_306 = arith.index_cast %scan3A_293 : i32 to index
      %get3A_307 = arith.constant 48 : index
      %get3A_308 = tpu.vector_load %arg6[%get3A_306, %get3A_307] {strides = array<i32>} : memref<64x128xf32, #tpu.memory_space<vmem>>, vector<1x16xf32>,
      %get3A_309 = vector.shape_cast %get3A_308 : vector<1x16xf32> to vector<16xf32>
      %get3A_310 = arith.index_cast %scan3A_293 : i32 to index
      %get3A_311 = arith.constant 64 : index
      %get3A_312 = tpu.vector_load %arg6[%get3A_310, %get3A_311] {strides = array<i32>} : memref<64x128xf32, #tpu.memory_space<vmem>>, vector<1x16xf32>,
      %get3A_313 = vector.shape_cast %get3A_312 : vector<1x16xf32> to vector<16xf32>
      %get3A_314 = arith.index_cast %scan3A_293 : i32 to index
      %get3A_315 = arith.constant 80 : index
      %get3A_316 = tpu.vector_load %arg6[%get3A_314, %get3A_315] {strides = array<i32>} : memref<64x128xf32, #tpu.memory_space<vmem>>, vector<1x16xf32>,
      %get3A_317 = vector.shape_cast %get3A_316 : vector<1x16xf32> to vector<16xf32>
      %get3A_318 = arith.index_cast %scan3A_293 : i32 to index
      %get3A_319 = arith.constant 96 : index
      %get3A_320 = tpu.vector_load %arg6[%get3A_318, %get3A_319] {strides = array<i32>} : memref<64x128xf32, #tpu.memory_space<vmem>>, vector<1x16xf32>,
      %get3A_321 = vector.shape_cast %get3A_320 : vector<1x16xf32> to vector<16xf32>
      %get3A_322 = arith.index_cast %scan3A_293 : i32 to index
      %get3A_323 = arith.constant 112 : index
      %get3A_324 = tpu.vector_load %arg6[%get3A_322, %get3A_323] {strides = array<i32>} : memref<64x128xf32, #tpu.memory_space<vmem>>, vector<1x16xf32>,
      %get3A_325 = vector.shape_cast %get3A_324 : vector<1x16xf32> to vector<16xf32>
      %broadcast_in_dim3A = vector.broadcast %scan3A_225 : f32 to vector<16xf32>
      %select_n3A = arith.select %eq3A_224, %broadcast_in_dim3A, %get3A_297 : vector<16xi1>, vector<16xf32>
      %max3A = arith.maximumf %select_n3A, %get3A_301 : vector<16xf32>
      %max3A_326 = arith.maximumf %max3A, %get3A_305 : vector<16xf32>
      %max3A_327 = arith.maximumf %max3A_326, %get3A_309 : vector<16xf32>
      %max3A_328 = arith.maximumf %max3A_327, %get3A_313 : vector<16xf32>
      %max3A_329 = arith.maximumf %max3A_328, %get3A_317 : vector<16xf32>
      %max3A_330 = arith.maximumf %max3A_329, %get3A_321 : vector<16xf32>
      %max3A_331 = arith.maximumf %max3A_330, %get3A_325 : vector<16xf32>
      %xor3A = arith.constant 8 : i32
      %xor3A_332 = vector.broadcast %xor3A : i32 to vector<16xi32>
      %xor3A_333 = arith.xori %iota3A_221, %xor3A_332 : vector<16xi32>
      %lt3A = arith.constant 0 : i32
      %lt3A_334 = vector.broadcast %lt3A : i32 to vector<16xi32>
      %lt3A_335 = arith.cmpi slt, %xor3A_333, %lt3A_334 : vector<16xi32>
      %add3A_336 = arith.constant 16 : i32
      %add3A_337 = vector.broadcast %add3A_336 : i32 to vector<16xi32>
      %add3A_338 = arith.addi %xor3A_333, %add3A_337 : vector<16xi32>
      %select_n3A_339 = arith.select %lt3A_335, %add3A_338, %xor3A_333 : vector<16xi1>, vector<16xi32>
      %broadcast_in_dim3A_340 = vector.shape_cast %select_n3A_339 : vector<16xi32> to vector<16x1xi32>
      %gather3A = vector.shape_cast %broadcast_in_dim3A_340 : vector<16x1xi32> to vector<16xi32>
      %gather3A_341 = tpu.dynamic_gather %max3A_331[%gather3A] in [0] : vector<16xf32>, vector<16xi32> -> vector<16xf32>
      %max3A_342 = arith.maximumf %max3A_331, %gather3A_341 : vector<16xf32>
      %xor3A_343 = arith.constant 4 : i32
      %xor3A_344 = vector.broadcast %xor3A_343 : i32 to vector<16xi32>
      %xor3A_345 = arith.xori %iota3A_221, %xor3A_344 : vector<16xi32>
      %lt3A_346 = arith.constant 0 : i32
      %lt3A_347 = vector.broadcast %lt3A_346 : i32 to vector<16xi32>
      %lt3A_348 = arith.cmpi slt, %xor3A_345, %lt3A_347 : vector<16xi32>
      %add3A_349 = arith.constant 16 : i32
      %add3A_350 = vector.broadcast %add3A_349 : i32 to vector<16xi32>
      %add3A_351 = arith.addi %xor3A_345, %add3A_350 : vector<16xi32>
      %select_n3A_352 = arith.select %lt3A_348, %add3A_351, %xor3A_345 : vector<16xi1>, vector<16xi32>
      %broadcast_in_dim3A_353 = vector.shape_cast %select_n3A_352 : vector<16xi32> to vector<16x1xi32>
      %gather3A_354 = vector.shape_cast %broadcast_in_dim3A_353 : vector<16x1xi32> to vector<16xi32>
      %gather3A_355 = tpu.dynamic_gather %max3A_342[%gather3A_354] in [0] : vector<16xf32>, vector<16xi32> -> vector<16xf32>
      %max3A_356 = arith.maximumf %max3A_342, %gather3A_355 : vector<16xf32>
      %xor3A_357 = arith.constant 2 : i32
      %xor3A_358 = vector.broadcast %xor3A_357 : i32 to vector<16xi32>
      %xor3A_359 = arith.xori %iota3A_221, %xor3A_358 : vector<16xi32>
      %lt3A_360 = arith.constant 0 : i32
      %lt3A_361 = vector.broadcast %lt3A_360 : i32 to vector<16xi32>
      %lt3A_362 = arith.cmpi slt, %xor3A_359, %lt3A_361 : vector<16xi32>
      %add3A_363 = arith.constant 16 : i32
      %add3A_364 = vector.broadcast %add3A_363 : i32 to vector<16xi32>
      %add3A_365 = arith.addi %xor3A_359, %add3A_364 : vector<16xi32>
      %select_n3A_366 = arith.select %lt3A_362, %add3A_365, %xor3A_359 : vector<16xi1>, vector<16xi32>
      %broadcast_in_dim3A_367 = vector.shape_cast %select_n3A_366 : vector<16xi32> to vector<16x1xi32>
      %gather3A_368 = vector.shape_cast %broadcast_in_dim3A_367 : vector<16x1xi32> to vector<16xi32>
      %gather3A_369 = tpu.dynamic_gather %max3A_356[%gather3A_368] in [0] : vector<16xf32>, vector<16xi32> -> vector<16xf32>
      %max3A_370 = arith.maximumf %max3A_356, %gather3A_369 : vector<16xf32>
      %xor3A_371 = arith.constant 1 : i32
      %xor3A_372 = vector.broadcast %xor3A_371 : i32 to vector<16xi32>
      %xor3A_373 = arith.xori %iota3A_221, %xor3A_372 : vector<16xi32>
      %lt3A_374 = arith.constant 0 : i32
      %lt3A_375 = vector.broadcast %lt3A_374 : i32 to vector<16xi32>
      %lt3A_376 = arith.cmpi slt, %xor3A_373, %lt3A_375 : vector<16xi32>
      %add3A_377 = arith.constant 16 : i32
      %add3A_378 = vector.broadcast %add3A_377 : i32 to vector<16xi32>
      %add3A_379 = arith.addi %xor3A_373, %add3A_378 : vector<16xi32>
      %select_n3A_380 = arith.select %lt3A_376, %add3A_379, %xor3A_373 : vector<16xi1>, vector<16xi32>
      %broadcast_in_dim3A_381 = vector.shape_cast %select_n3A_380 : vector<16xi32> to vector<16x1xi32>
      %gather3A_382 = vector.shape_cast %broadcast_in_dim3A_381 : vector<16x1xi32> to vector<16xi32>
      %gather3A_383 = tpu.dynamic_gather %max3A_370[%gather3A_382] in [0] : vector<16xf32>, vector<16xi32> -> vector<16xf32>
      %max3A_384 = arith.maximumf %max3A_370, %gather3A_383 : vector<16xf32>
      %mul3A_385 = arith.constant 1.270000e+02 : f32
      %mul3A_386 = vector.broadcast %mul3A_385 : f32 to vector<16xf32>
      %mul3A_387 = arith.mulf %max3A_384, %mul3A_386 : vector<16xf32>
      %add3A_388 = arith.constant 9.99999974E-6 : f32
      %add3A_389 = vector.broadcast %add3A_388 : f32 to vector<16xf32>
      %add3A_390 = arith.addf %mul3A_387, %add3A_389 : vector<16xf32>
      %div3A = arith.divf %mul3A_387, %add3A_390 : vector<16xf32>
      %sub3A = arith.constant 0.999989986 : f32
      %sub3A_391 = vector.broadcast %sub3A : f32 to vector<16xf32>
      %sub3A_392 = arith.subf %sub3A_391, %max3A_384 : vector<16xf32>
      %add3A_393 = arith.addf %get3A_297, %sub3A_392 : vector<16xf32>
      %max3A_394 = arith.constant 0.000000e+00 : f32
      %max3A_395 = vector.broadcast %max3A_394 : f32 to vector<16xf32>
      %max3A_396 = arith.maximumf %add3A_393, %max3A_395 : vector<16xf32>
      %mul3A_397 = arith.mulf %max3A_396, %div3A : vector<16xf32>
      %add3A_398 = arith.constant 0.999989986 : f32
      %add3A_399 = vector.broadcast %add3A_398 : f32 to vector<16xf32>
      %add3A_400 = arith.addf %get3A_297, %add3A_399 : vector<16xf32>
      %max3A_401 = arith.constant 0.000000e+00 : f32
      %max3A_402 = vector.broadcast %max3A_401 : f32 to vector<16xf32>
      %max3A_403 = arith.maximumf %add3A_400, %max3A_402 : vector<16xf32>
      %add3A_404 = arith.constant 1.000000e+00 : f32
      %add3A_405 = vector.broadcast %add3A_404 : f32 to vector<16xf32>
      %add3A_406 = arith.addf %max3A_403, %add3A_405 : vector<16xf32>
      %mul3A_407 = arith.constant 9.99999974E-6 : f32
      %mul3A_408 = vector.broadcast %mul3A_407 : f32 to vector<16xf32>
      %mul3A_409 = arith.mulf %mul3A_408, %add3A_406 : vector<16xf32>
      %select_n3A_410 = arith.select %eq3A_224, %mul3A_409, %mul3A_397 : vector<16xi1>, vector<16xf32>
      %swap3A = arith.index_cast %scan3A_293 : i32 to index
      %swap3A_411 = arith.constant 0 : index
      %swap3A_412 = tpu.vector_load %arg10[%swap3A, %swap3A_411] {strides = array<i32>} : memref<64x128xf32, #tpu.memory_space<vmem>>, vector<1x16xf32>,
      %swap3A_413 = vector.shape_cast %swap3A_412 : vector<1x16xf32> to vector<16xf32>
      %swap3A_414 = vector.shape_cast %select_n3A_410 : vector<16xf32> to vector<1x16xf32>
      tpu.vector_store %arg10[%swap3A, %swap3A_411], %swap3A_414 {strides = array<i32>} : memref<64x128xf32, #tpu.memory_space<vmem>>, vector<1x16xf32>,
      %add3A_415 = arith.addf %get3A_301, %sub3A_392 : vector<16xf32>
      %max3A_416 = arith.constant 0.000000e+00 : f32
      %max3A_417 = vector.broadcast %max3A_416 : f32 to vector<16xf32>
      %max3A_418 = arith.maximumf %add3A_415, %max3A_417 : vector<16xf32>
      %mul3A_419 = arith.mulf %max3A_418, %div3A : vector<16xf32>
      %swap3A_420 = arith.index_cast %scan3A_293 : i32 to index
      %swap3A_421 = arith.constant 16 : index
      %swap3A_422 = tpu.vector_load %arg10[%swap3A_420, %swap3A_421] {strides = array<i32>} : memref<64x128xf32, #tpu.memory_space<vmem>>, vector<1x16xf32>,
      %swap3A_423 = vector.shape_cast %swap3A_422 : vector<1x16xf32> to vector<16xf32>
      %swap3A_424 = vector.shape_cast %mul3A_419 : vector<16xf32> to vector<1x16xf32>
      tpu.vector_store %arg10[%swap3A_420, %swap3A_421], %swap3A_424 {strides = array<i32>} : memref<64x128xf32, #tpu.memory_space<vmem>>, vector<1x16xf32>,
      %add3A_425 = arith.addf %get3A_305, %sub3A_392 : vector<16xf32>
      %max3A_426 = arith.constant 0.000000e+00 : f32
      %max3A_427 = vector.broadcast %max3A_426 : f32 to vector<16xf32>
      %max3A_428 = arith.maximumf %add3A_425, %max3A_427 : vector<16xf32>
      %mul3A_429 = arith.mulf %max3A_428, %div3A : vector<16xf32>
      %swap3A_430 = arith.index_cast %scan3A_293 : i32 to index
      %swap3A_431 = arith.constant 32 : index
      %swap3A_432 = tpu.vector_load %arg10[%swap3A_430, %swap3A_431] {strides = array<i32>} : memref<64x128xf32, #tpu.memory_space<vmem>>, vector<1x16xf32>,
      %swap3A_433 = vector.shape_cast %swap3A_432 : vector<1x16xf32> to vector<16xf32>
      %swap3A_434 = vector.shape_cast %mul3A_429 : vector<16xf32> to vector<1x16xf32>
      tpu.vector_store %arg10[%swap3A_430, %swap3A_431], %swap3A_434 {strides = array<i32>} : memref<64x128xf32, #tpu.memory_space<vmem>>, vector<1x16xf32>,
      %add3A_435 = arith.addf %get3A_309, %sub3A_392 : vector<16xf32>
      %max3A_436 = arith.constant 0.000000e+00 : f32
      %max3A_437 = vector.broadcast %max3A_436 : f32 to vector<16xf32>
      %max3A_438 = arith.maximumf %add3A_435, %max3A_437 : vector<16xf32>
      %mul3A_439 = arith.mulf %max3A_438, %div3A : vector<16xf32>
      %swap3A_440 = arith.index_cast %scan3A_293 : i32 to index
      %swap3A_441 = arith.constant 48 : index
      %swap3A_442 = tpu.vector_load %arg10[%swap3A_440, %swap3A_441] {strides = array<i32>} : memref<64x128xf32, #tpu.memory_space<vmem>>, vector<1x16xf32>,
      %swap3A_443 = vector.shape_cast %swap3A_442 : vector<1x16xf32> to vector<16xf32>
      %swap3A_444 = vector.shape_cast %mul3A_439 : vector<16xf32> to vector<1x16xf32>
      tpu.vector_store %arg10[%swap3A_440, %swap3A_441], %swap3A_444 {strides = array<i32>} : memref<64x128xf32, #tpu.memory_space<vmem>>, vector<1x16xf32>,
      %add3A_445 = arith.addf %get3A_313, %sub3A_392 : vector<16xf32>
      %max3A_446 = arith.constant 0.000000e+00 : f32
      %max3A_447 = vector.broadcast %max3A_446 : f32 to vector<16xf32>
      %max3A_448 = arith.maximumf %add3A_445, %max3A_447 : vector<16xf32>
      %mul3A_449 = arith.mulf %max3A_448, %div3A : vector<16xf32>
      %swap3A_450 = arith.index_cast %scan3A_293 : i32 to index
      %swap3A_451 = arith.constant 64 : index
      %swap3A_452 = tpu.vector_load %arg10[%swap3A_450, %swap3A_451] {strides = array<i32>} : memref<64x128xf32, #tpu.memory_space<vmem>>, vector<1x16xf32>,
      %swap3A_453 = vector.shape_cast %swap3A_452 : vector<1x16xf32> to vector<16xf32>
      %swap3A_454 = vector.shape_cast %mul3A_449 : vector<16xf32> to vector<1x16xf32>
      tpu.vector_store %arg10[%swap3A_450, %swap3A_451], %swap3A_454 {strides = array<i32>} : memref<64x128xf32, #tpu.memory_space<vmem>>, vector<1x16xf32>,
      %add3A_455 = arith.addf %get3A_317, %sub3A_392 : vector<16xf32>
      %max3A_456 = arith.constant 0.000000e+00 : f32
      %max3A_457 = vector.broadcast %max3A_456 : f32 to vector<16xf32>
      %max3A_458 = arith.maximumf %add3A_455, %max3A_457 : vector<16xf32>
      %mul3A_459 = arith.mulf %max3A_458, %div3A : vector<16xf32>
      %swap3A_460 = arith.index_cast %scan3A_293 : i32 to index
      %swap3A_461 = arith.constant 80 : index
      %swap3A_462 = tpu.vector_load %arg10[%swap3A_460, %swap3A_461] {strides = array<i32>} : memref<64x128xf32, #tpu.memory_space<vmem>>, vector<1x16xf32>,
      %swap3A_463 = vector.shape_cast %swap3A_462 : vector<1x16xf32> to vector<16xf32>
      %swap3A_464 = vector.shape_cast %mul3A_459 : vector<16xf32> to vector<1x16xf32>
      tpu.vector_store %arg10[%swap3A_460, %swap3A_461], %swap3A_464 {strides = array<i32>} : memref<64x128xf32, #tpu.memory_space<vmem>>, vector<1x16xf32>,
      %add3A_465 = arith.addf %get3A_321, %sub3A_392 : vector<16xf32>
      %max3A_466 = arith.constant 0.000000e+00 : f32
      %max3A_467 = vector.broadcast %max3A_466 : f32 to vector<16xf32>
      %max3A_468 = arith.maximumf %add3A_465, %max3A_467 : vector<16xf32>
      %mul3A_469 = arith.mulf %max3A_468, %div3A : vector<16xf32>
      %swap3A_470 = arith.index_cast %scan3A_293 : i32 to index
      %swap3A_471 = arith.constant 96 : index
      %swap3A_472 = tpu.vector_load %arg10[%swap3A_470, %swap3A_471] {strides = array<i32>} : memref<64x128xf32, #tpu.memory_space<vmem>>, vector<1x16xf32>,
      %swap3A_473 = vector.shape_cast %swap3A_472 : vector<1x16xf32> to vector<16xf32>
      %swap3A_474 = vector.shape_cast %mul3A_469 : vector<16xf32> to vector<1x16xf32>
      tpu.vector_store %arg10[%swap3A_470, %swap3A_471], %swap3A_474 {strides = array<i32>} : memref<64x128xf32, #tpu.memory_space<vmem>>, vector<1x16xf32>,
      %add3A_475 = arith.addf %get3A_325, %sub3A_392 : vector<16xf32>
      %max3A_476 = arith.constant 0.000000e+00 : f32
      %max3A_477 = vector.broadcast %max3A_476 : f32 to vector<16xf32>
      %max3A_478 = arith.maximumf %add3A_475, %max3A_477 : vector<16xf32>
      %mul3A_479 = arith.mulf %max3A_478, %div3A : vector<16xf32>
      %swap3A_480 = arith.index_cast %scan3A_293 : i32 to index
      %swap3A_481 = arith.constant 112 : index
      %swap3A_482 = tpu.vector_load %arg10[%swap3A_480, %swap3A_481] {strides = array<i32>} : memref<64x128xf32, #tpu.memory_space<vmem>>, vector<1x16xf32>,
      %swap3A_483 = vector.shape_cast %swap3A_482 : vector<1x16xf32> to vector<16xf32>
      %swap3A_484 = vector.shape_cast %mul3A_479 : vector<16xf32> to vector<1x16xf32>
      tpu.vector_store %arg10[%swap3A_480, %swap3A_481], %swap3A_484 {strides = array<i32>} : memref<64x128xf32, #tpu.memory_space<vmem>>, vector<1x16xf32>,
      %scan3A_485 = arith.constant 0 : i32
      scf.yield %scan3A_485 : i32
    }
    %scan3A_232 = arith.constant 64 : i32
    %add3A_233 = arith.constant 3968 : i32
    %add3A_234 = arith.addi %mul3A_2, %add3A_233 : i32
    %dma_start3A_235 = arith.constant 0 : i32
    %dma_start3A_236 = tpu.memref_slice %arg3[%add3A_234, %dma_start3A_235] : memref<131072x128xf32, #tpu.memory_space<hbm>> -> memref<64x128xf32, #tpu.memory_space<hbm>>
    %dma_start3A_237 = arith.constant 0 : i32
    %dma_start3A_238 = tpu.memref_slice %arg3[%add3A_234, %dma_start3A_237] : memref<131072x128xf32, #tpu.memory_space<hbm>> -> memref<64x128xf32, #tpu.memory_space<hbm>>
    tpu.enqueue_dma source(%arg10 : memref<64x128xf32, #tpu.memory_space<vmem>>) target(%dma_start3A_238 : memref<64x128xf32, #tpu.memory_space<hbm>>) target_semaphore(%arg18 : memref<!tpu.dma_semaphore, #tpu.memory_space<semaphore_mem>>)
    %add3A_239 = arith.constant 0 : i32
    %add3A_240 = arith.addi %mul3A_2, %add3A_239 : i32
    %dma_wait3A_241 = arith.constant 0 : i32
    %dma_wait3A_242 = tpu.memref_slice %arg2[%add3A_240, %dma_wait3A_241] : memref<131072x128xf32, #tpu.memory_space<hbm>> -> memref<64x128xf32, #tpu.memory_space<hbm>>
    %dma_wait3A_243 = arith.constant 0 : i32
    %dma_wait3A_244 = tpu.memref_slice %arg2[%add3A_240, %dma_wait3A_243] : memref<131072x128xf32, #tpu.memory_space<hbm>> -> memref<64x128xf32, #tpu.memory_space<hbm>>
    tpu.wait_dma2 semaphore(%arg15 : memref<!tpu.dma_semaphore, #tpu.memory_space<semaphore_mem>>) src(%dma_wait3A_244 : memref<64x128xf32, #tpu.memory_space<hbm>>) dst(%arg7 : memref<64x128xf32, #tpu.memory_space<vmem>>)
    %add3A_245 = arith.constant 0 : i32
    %add3A_246 = arith.addi %mul3A_2, %add3A_245 : i32
    %dma_wait3A_247 = arith.constant 0 : i32
    %dma_wait3A_248 = tpu.memref_slice %arg3[%add3A_246, %dma_wait3A_247] : memref<131072x128xf32, #tpu.memory_space<hbm>> -> memref<64x128xf32, #tpu.memory_space<hbm>>
    %dma_wait3A_249 = arith.constant 0 : i32
    %dma_wait3A_250 = tpu.memref_slice %arg3[%add3A_246, %dma_wait3A_249] : memref<131072x128xf32, #tpu.memory_space<hbm>> -> memref<64x128xf32, #tpu.memory_space<hbm>>
    tpu.wait_dma2 semaphore(%arg19 : memref<!tpu.dma_semaphore, #tpu.memory_space<semaphore_mem>>) src(%arg11 : memref<64x128xf32, #tpu.memory_space<vmem>>) dst(%dma_wait3A_250 : memref<64x128xf32, #tpu.memory_space<hbm>>)
    %iota3A_251 = tpu.iota {dimensions = array<i32: 0>} : vector<16xi32>
    %eq3A_252 = arith.constant 0 : i32
    %eq3A_253 = vector.broadcast %eq3A_252 : i32 to vector<16xi32>
    %eq3A_254 = arith.cmpi eq, %iota3A_251, %eq3A_253 : vector<16xi32>
    %scan3A_255 = arith.constant 0xFF800000 : f32
    %scan3A_256 = arith.constant 0 : i32
    %scan3A_257 = arith.constant 0 : i32
    %scan3A_258 = arith.constant 64 : i32
    %scan3A_259 = arith.addi %scan3A_257, %scan3A_258 : i32
    %scan3A_260 = arith.constant 1 : i32
    %scan3A_261 = scf.for %scan3A_293 = %scan3A_257 to %scan3A_259 step %scan3A_260 iter_args(%scan3A_294 = %scan3A_256) -> (i32)  : i32 {
      %get3A = arith.index_cast %scan3A_293 : i32 to index
      %get3A_295 = arith.constant 0 : index
      %get3A_296 = tpu.vector_load %arg7[%get3A, %get3A_295] {strides = array<i32>} : memref<64x128xf32, #tpu.memory_space<vmem>>, vector<1x16xf32>,
      %get3A_297 = vector.shape_cast %get3A_296 : vector<1x16xf32> to vector<16xf32>
      %get3A_298 = arith.index_cast %scan3A_293 : i32 to index
      %get3A_299 = arith.constant 16 : index
      %get3A_300 = tpu.vector_load %arg7[%get3A_298, %get3A_299] {strides = array<i32>} : memref<64x128xf32, #tpu.memory_space<vmem>>, vector<1x16xf32>,
      %get3A_301 = vector.shape_cast %get3A_300 : vector<1x16xf32> to vector<16xf32>
      %get3A_302 = arith.index_cast %scan3A_293 : i32 to index
      %get3A_303 = arith.constant 32 : index
      %get3A_304 = tpu.vector_load %arg7[%get3A_302, %get3A_303] {strides = array<i32>} : memref<64x128xf32, #tpu.memory_space<vmem>>, vector<1x16xf32>,
      %get3A_305 = vector.shape_cast %get3A_304 : vector<1x16xf32> to vector<16xf32>
      %get3A_306 = arith.index_cast %scan3A_293 : i32 to index
      %get3A_307 = arith.constant 48 : index
      %get3A_308 = tpu.vector_load %arg7[%get3A_306, %get3A_307] {strides = array<i32>} : memref<64x128xf32, #tpu.memory_space<vmem>>, vector<1x16xf32>,
      %get3A_309 = vector.shape_cast %get3A_308 : vector<1x16xf32> to vector<16xf32>
      %get3A_310 = arith.index_cast %scan3A_293 : i32 to index
      %get3A_311 = arith.constant 64 : index
      %get3A_312 = tpu.vector_load %arg7[%get3A_310, %get3A_311] {strides = array<i32>} : memref<64x128xf32, #tpu.memory_space<vmem>>, vector<1x16xf32>,
      %get3A_313 = vector.shape_cast %get3A_312 : vector<1x16xf32> to vector<16xf32>
      %get3A_314 = arith.index_cast %scan3A_293 : i32 to index
      %get3A_315 = arith.constant 80 : index
      %get3A_316 = tpu.vector_load %arg7[%get3A_314, %get3A_315] {strides = array<i32>} : memref<64x128xf32, #tpu.memory_space<vmem>>, vector<1x16xf32>,
      %get3A_317 = vector.shape_cast %get3A_316 : vector<1x16xf32> to vector<16xf32>
      %get3A_318 = arith.index_cast %scan3A_293 : i32 to index
      %get3A_319 = arith.constant 96 : index
      %get3A_320 = tpu.vector_load %arg7[%get3A_318, %get3A_319] {strides = array<i32>} : memref<64x128xf32, #tpu.memory_space<vmem>>, vector<1x16xf32>,
      %get3A_321 = vector.shape_cast %get3A_320 : vector<1x16xf32> to vector<16xf32>
      %get3A_322 = arith.index_cast %scan3A_293 : i32 to index
      %get3A_323 = arith.constant 112 : index
      %get3A_324 = tpu.vector_load %arg7[%get3A_322, %get3A_323] {strides = array<i32>} : memref<64x128xf32, #tpu.memory_space<vmem>>, vector<1x16xf32>,
      %get3A_325 = vector.shape_cast %get3A_324 : vector<1x16xf32> to vector<16xf32>
      %broadcast_in_dim3A = vector.broadcast %scan3A_255 : f32 to vector<16xf32>
      %select_n3A = arith.select %eq3A_254, %broadcast_in_dim3A, %get3A_297 : vector<16xi1>, vector<16xf32>
      %max3A = arith.maximumf %select_n3A, %get3A_301 : vector<16xf32>
      %max3A_326 = arith.maximumf %max3A, %get3A_305 : vector<16xf32>
      %max3A_327 = arith.maximumf %max3A_326, %get3A_309 : vector<16xf32>
      %max3A_328 = arith.maximumf %max3A_327, %get3A_313 : vector<16xf32>
      %max3A_329 = arith.maximumf %max3A_328, %get3A_317 : vector<16xf32>
      %max3A_330 = arith.maximumf %max3A_329, %get3A_321 : vector<16xf32>
      %max3A_331 = arith.maximumf %max3A_330, %get3A_325 : vector<16xf32>
      %xor3A = arith.constant 8 : i32
      %xor3A_332 = vector.broadcast %xor3A : i32 to vector<16xi32>
      %xor3A_333 = arith.xori %iota3A_251, %xor3A_332 : vector<16xi32>
      %lt3A = arith.constant 0 : i32
      %lt3A_334 = vector.broadcast %lt3A : i32 to vector<16xi32>
      %lt3A_335 = arith.cmpi slt, %xor3A_333, %lt3A_334 : vector<16xi32>
      %add3A_336 = arith.constant 16 : i32
      %add3A_337 = vector.broadcast %add3A_336 : i32 to vector<16xi32>
      %add3A_338 = arith.addi %xor3A_333, %add3A_337 : vector<16xi32>
      %select_n3A_339 = arith.select %lt3A_335, %add3A_338, %xor3A_333 : vector<16xi1>, vector<16xi32>
      %broadcast_in_dim3A_340 = vector.shape_cast %select_n3A_339 : vector<16xi32> to vector<16x1xi32>
      %gather3A = vector.shape_cast %broadcast_in_dim3A_340 : vector<16x1xi32> to vector<16xi32>
      %gather3A_341 = tpu.dynamic_gather %max3A_331[%gather3A] in [0] : vector<16xf32>, vector<16xi32> -> vector<16xf32>
      %max3A_342 = arith.maximumf %max3A_331, %gather3A_341 : vector<16xf32>
      %xor3A_343 = arith.constant 4 : i32
      %xor3A_344 = vector.broadcast %xor3A_343 : i32 to vector<16xi32>
      %xor3A_345 = arith.xori %iota3A_251, %xor3A_344 : vector<16xi32>
      %lt3A_346 = arith.constant 0 : i32
      %lt3A_347 = vector.broadcast %lt3A_346 : i32 to vector<16xi32>
      %lt3A_348 = arith.cmpi slt, %xor3A_345, %lt3A_347 : vector<16xi32>
      %add3A_349 = arith.constant 16 : i32
      %add3A_350 = vector.broadcast %add3A_349 : i32 to vector<16xi32>
      %add3A_351 = arith.addi %xor3A_345, %add3A_350 : vector<16xi32>
      %select_n3A_352 = arith.select %lt3A_348, %add3A_351, %xor3A_345 : vector<16xi1>, vector<16xi32>
      %broadcast_in_dim3A_353 = vector.shape_cast %select_n3A_352 : vector<16xi32> to vector<16x1xi32>
      %gather3A_354 = vector.shape_cast %broadcast_in_dim3A_353 : vector<16x1xi32> to vector<16xi32>
      %gather3A_355 = tpu.dynamic_gather %max3A_342[%gather3A_354] in [0] : vector<16xf32>, vector<16xi32> -> vector<16xf32>
      %max3A_356 = arith.maximumf %max3A_342, %gather3A_355 : vector<16xf32>
      %xor3A_357 = arith.constant 2 : i32
      %xor3A_358 = vector.broadcast %xor3A_357 : i32 to vector<16xi32>
      %xor3A_359 = arith.xori %iota3A_251, %xor3A_358 : vector<16xi32>
      %lt3A_360 = arith.constant 0 : i32
      %lt3A_361 = vector.broadcast %lt3A_360 : i32 to vector<16xi32>
      %lt3A_362 = arith.cmpi slt, %xor3A_359, %lt3A_361 : vector<16xi32>
      %add3A_363 = arith.constant 16 : i32
      %add3A_364 = vector.broadcast %add3A_363 : i32 to vector<16xi32>
      %add3A_365 = arith.addi %xor3A_359, %add3A_364 : vector<16xi32>
      %select_n3A_366 = arith.select %lt3A_362, %add3A_365, %xor3A_359 : vector<16xi1>, vector<16xi32>
      %broadcast_in_dim3A_367 = vector.shape_cast %select_n3A_366 : vector<16xi32> to vector<16x1xi32>
      %gather3A_368 = vector.shape_cast %broadcast_in_dim3A_367 : vector<16x1xi32> to vector<16xi32>
      %gather3A_369 = tpu.dynamic_gather %max3A_356[%gather3A_368] in [0] : vector<16xf32>, vector<16xi32> -> vector<16xf32>
      %max3A_370 = arith.maximumf %max3A_356, %gather3A_369 : vector<16xf32>
      %xor3A_371 = arith.constant 1 : i32
      %xor3A_372 = vector.broadcast %xor3A_371 : i32 to vector<16xi32>
      %xor3A_373 = arith.xori %iota3A_251, %xor3A_372 : vector<16xi32>
      %lt3A_374 = arith.constant 0 : i32
      %lt3A_375 = vector.broadcast %lt3A_374 : i32 to vector<16xi32>
      %lt3A_376 = arith.cmpi slt, %xor3A_373, %lt3A_375 : vector<16xi32>
      %add3A_377 = arith.constant 16 : i32
      %add3A_378 = vector.broadcast %add3A_377 : i32 to vector<16xi32>
      %add3A_379 = arith.addi %xor3A_373, %add3A_378 : vector<16xi32>
      %select_n3A_380 = arith.select %lt3A_376, %add3A_379, %xor3A_373 : vector<16xi1>, vector<16xi32>
      %broadcast_in_dim3A_381 = vector.shape_cast %select_n3A_380 : vector<16xi32> to vector<16x1xi32>
      %gather3A_382 = vector.shape_cast %broadcast_in_dim3A_381 : vector<16x1xi32> to vector<16xi32>
      %gather3A_383 = tpu.dynamic_gather %max3A_370[%gather3A_382] in [0] : vector<16xf32>, vector<16xi32> -> vector<16xf32>
      %max3A_384 = arith.maximumf %max3A_370, %gather3A_383 : vector<16xf32>
      %mul3A_385 = arith.constant 1.270000e+02 : f32
      %mul3A_386 = vector.broadcast %mul3A_385 : f32 to vector<16xf32>
      %mul3A_387 = arith.mulf %max3A_384, %mul3A_386 : vector<16xf32>
      %add3A_388 = arith.constant 9.99999974E-6 : f32
      %add3A_389 = vector.broadcast %add3A_388 : f32 to vector<16xf32>
      %add3A_390 = arith.addf %mul3A_387, %add3A_389 : vector<16xf32>
      %div3A = arith.divf %mul3A_387, %add3A_390 : vector<16xf32>
      %sub3A = arith.constant 0.999989986 : f32
      %sub3A_391 = vector.broadcast %sub3A : f32 to vector<16xf32>
      %sub3A_392 = arith.subf %sub3A_391, %max3A_384 : vector<16xf32>
      %add3A_393 = arith.addf %get3A_297, %sub3A_392 : vector<16xf32>
      %max3A_394 = arith.constant 0.000000e+00 : f32
      %max3A_395 = vector.broadcast %max3A_394 : f32 to vector<16xf32>
      %max3A_396 = arith.maximumf %add3A_393, %max3A_395 : vector<16xf32>
      %mul3A_397 = arith.mulf %max3A_396, %div3A : vector<16xf32>
      %add3A_398 = arith.constant 0.999989986 : f32
      %add3A_399 = vector.broadcast %add3A_398 : f32 to vector<16xf32>
      %add3A_400 = arith.addf %get3A_297, %add3A_399 : vector<16xf32>
      %max3A_401 = arith.constant 0.000000e+00 : f32
      %max3A_402 = vector.broadcast %max3A_401 : f32 to vector<16xf32>
      %max3A_403 = arith.maximumf %add3A_400, %max3A_402 : vector<16xf32>
      %add3A_404 = arith.constant 1.000000e+00 : f32
      %add3A_405 = vector.broadcast %add3A_404 : f32 to vector<16xf32>
      %add3A_406 = arith.addf %max3A_403, %add3A_405 : vector<16xf32>
      %mul3A_407 = arith.constant 9.99999974E-6 : f32
      %mul3A_408 = vector.broadcast %mul3A_407 : f32 to vector<16xf32>
      %mul3A_409 = arith.mulf %mul3A_408, %add3A_406 : vector<16xf32>
      %select_n3A_410 = arith.select %eq3A_254, %mul3A_409, %mul3A_397 : vector<16xi1>, vector<16xf32>
      %swap3A = arith.index_cast %scan3A_293 : i32 to index
      %swap3A_411 = arith.constant 0 : index
      %swap3A_412 = tpu.vector_load %arg11[%swap3A, %swap3A_411] {strides = array<i32>} : memref<64x128xf32, #tpu.memory_space<vmem>>, vector<1x16xf32>,
      %swap3A_413 = vector.shape_cast %swap3A_412 : vector<1x16xf32> to vector<16xf32>
      %swap3A_414 = vector.shape_cast %select_n3A_410 : vector<16xf32> to vector<1x16xf32>
      tpu.vector_store %arg11[%swap3A, %swap3A_411], %swap3A_414 {strides = array<i32>} : memref<64x128xf32, #tpu.memory_space<vmem>>, vector<1x16xf32>,
      %add3A_415 = arith.addf %get3A_301, %sub3A_392 : vector<16xf32>
      %max3A_416 = arith.constant 0.000000e+00 : f32
      %max3A_417 = vector.broadcast %max3A_416 : f32 to vector<16xf32>
      %max3A_418 = arith.maximumf %add3A_415, %max3A_417 : vector<16xf32>
      %mul3A_419 = arith.mulf %max3A_418, %div3A : vector<16xf32>
      %swap3A_420 = arith.index_cast %scan3A_293 : i32 to index
      %swap3A_421 = arith.constant 16 : index
      %swap3A_422 = tpu.vector_load %arg11[%swap3A_420, %swap3A_421] {strides = array<i32>} : memref<64x128xf32, #tpu.memory_space<vmem>>, vector<1x16xf32>,
      %swap3A_423 = vector.shape_cast %swap3A_422 : vector<1x16xf32> to vector<16xf32>
      %swap3A_424 = vector.shape_cast %mul3A_419 : vector<16xf32> to vector<1x16xf32>
      tpu.vector_store %arg11[%swap3A_420, %swap3A_421], %swap3A_424 {strides = array<i32>} : memref<64x128xf32, #tpu.memory_space<vmem>>, vector<1x16xf32>,
      %add3A_425 = arith.addf %get3A_305, %sub3A_392 : vector<16xf32>
      %max3A_426 = arith.constant 0.000000e+00 : f32
      %max3A_427 = vector.broadcast %max3A_426 : f32 to vector<16xf32>
      %max3A_428 = arith.maximumf %add3A_425, %max3A_427 : vector<16xf32>
      %mul3A_429 = arith.mulf %max3A_428, %div3A : vector<16xf32>
      %swap3A_430 = arith.index_cast %scan3A_293 : i32 to index
      %swap3A_431 = arith.constant 32 : index
      %swap3A_432 = tpu.vector_load %arg11[%swap3A_430, %swap3A_431] {strides = array<i32>} : memref<64x128xf32, #tpu.memory_space<vmem>>, vector<1x16xf32>,
      %swap3A_433 = vector.shape_cast %swap3A_432 : vector<1x16xf32> to vector<16xf32>
      %swap3A_434 = vector.shape_cast %mul3A_429 : vector<16xf32> to vector<1x16xf32>
      tpu.vector_store %arg11[%swap3A_430, %swap3A_431], %swap3A_434 {strides = array<i32>} : memref<64x128xf32, #tpu.memory_space<vmem>>, vector<1x16xf32>,
      %add3A_435 = arith.addf %get3A_309, %sub3A_392 : vector<16xf32>
      %max3A_436 = arith.constant 0.000000e+00 : f32
      %max3A_437 = vector.broadcast %max3A_436 : f32 to vector<16xf32>
      %max3A_438 = arith.maximumf %add3A_435, %max3A_437 : vector<16xf32>
      %mul3A_439 = arith.mulf %max3A_438, %div3A : vector<16xf32>
      %swap3A_440 = arith.index_cast %scan3A_293 : i32 to index
      %swap3A_441 = arith.constant 48 : index
      %swap3A_442 = tpu.vector_load %arg11[%swap3A_440, %swap3A_441] {strides = array<i32>} : memref<64x128xf32, #tpu.memory_space<vmem>>, vector<1x16xf32>,
      %swap3A_443 = vector.shape_cast %swap3A_442 : vector<1x16xf32> to vector<16xf32>
      %swap3A_444 = vector.shape_cast %mul3A_439 : vector<16xf32> to vector<1x16xf32>
      tpu.vector_store %arg11[%swap3A_440, %swap3A_441], %swap3A_444 {strides = array<i32>} : memref<64x128xf32, #tpu.memory_space<vmem>>, vector<1x16xf32>,
      %add3A_445 = arith.addf %get3A_313, %sub3A_392 : vector<16xf32>
      %max3A_446 = arith.constant 0.000000e+00 : f32
      %max3A_447 = vector.broadcast %max3A_446 : f32 to vector<16xf32>
      %max3A_448 = arith.maximumf %add3A_445, %max3A_447 : vector<16xf32>
      %mul3A_449 = arith.mulf %max3A_448, %div3A : vector<16xf32>
      %swap3A_450 = arith.index_cast %scan3A_293 : i32 to index
      %swap3A_451 = arith.constant 64 : index
      %swap3A_452 = tpu.vector_load %arg11[%swap3A_450, %swap3A_451] {strides = array<i32>} : memref<64x128xf32, #tpu.memory_space<vmem>>, vector<1x16xf32>,
      %swap3A_453 = vector.shape_cast %swap3A_452 : vector<1x16xf32> to vector<16xf32>
      %swap3A_454 = vector.shape_cast %mul3A_449 : vector<16xf32> to vector<1x16xf32>
      tpu.vector_store %arg11[%swap3A_450, %swap3A_451], %swap3A_454 {strides = array<i32>} : memref<64x128xf32, #tpu.memory_space<vmem>>, vector<1x16xf32>,
      %add3A_455 = arith.addf %get3A_317, %sub3A_392 : vector<16xf32>
      %max3A_456 = arith.constant 0.000000e+00 : f32
      %max3A_457 = vector.broadcast %max3A_456 : f32 to vector<16xf32>
      %max3A_458 = arith.maximumf %add3A_455, %max3A_457 : vector<16xf32>
      %mul3A_459 = arith.mulf %max3A_458, %div3A : vector<16xf32>
      %swap3A_460 = arith.index_cast %scan3A_293 : i32 to index
      %swap3A_461 = arith.constant 80 : index
      %swap3A_462 = tpu.vector_load %arg11[%swap3A_460, %swap3A_461] {strides = array<i32>} : memref<64x128xf32, #tpu.memory_space<vmem>>, vector<1x16xf32>,
      %swap3A_463 = vector.shape_cast %swap3A_462 : vector<1x16xf32> to vector<16xf32>
      %swap3A_464 = vector.shape_cast %mul3A_459 : vector<16xf32> to vector<1x16xf32>
      tpu.vector_store %arg11[%swap3A_460, %swap3A_461], %swap3A_464 {strides = array<i32>} : memref<64x128xf32, #tpu.memory_space<vmem>>, vector<1x16xf32>,
      %add3A_465 = arith.addf %get3A_321, %sub3A_392 : vector<16xf32>
      %max3A_466 = arith.constant 0.000000e+00 : f32
      %max3A_467 = vector.broadcast %max3A_466 : f32 to vector<16xf32>
      %max3A_468 = arith.maximumf %add3A_465, %max3A_467 : vector<16xf32>
      %mul3A_469 = arith.mulf %max3A_468, %div3A : vector<16xf32>
      %swap3A_470 = arith.index_cast %scan3A_293 : i32 to index
      %swap3A_471 = arith.constant 96 : index
      %swap3A_472 = tpu.vector_load %arg11[%swap3A_470, %swap3A_471] {strides = array<i32>} : memref<64x128xf32, #tpu.memory_space<vmem>>, vector<1x16xf32>,
      %swap3A_473 = vector.shape_cast %swap3A_472 : vector<1x16xf32> to vector<16xf32>
      %swap3A_474 = vector.shape_cast %mul3A_469 : vector<16xf32> to vector<1x16xf32>
      tpu.vector_store %arg11[%swap3A_470, %swap3A_471], %swap3A_474 {strides = array<i32>} : memref<64x128xf32, #tpu.memory_space<vmem>>, vector<1x16xf32>,
      %add3A_475 = arith.addf %get3A_325, %sub3A_392 : vector<16xf32>
      %max3A_476 = arith.constant 0.000000e+00 : f32
      %max3A_477 = vector.broadcast %max3A_476 : f32 to vector<16xf32>
      %max3A_478 = arith.maximumf %add3A_475, %max3A_477 : vector<16xf32>
      %mul3A_479 = arith.mulf %max3A_478, %div3A : vector<16xf32>
      %swap3A_480 = arith.index_cast %scan3A_293 : i32 to index
      %swap3A_481 = arith.constant 112 : index
      %swap3A_482 = tpu.vector_load %arg11[%swap3A_480, %swap3A_481] {strides = array<i32>} : memref<64x128xf32, #tpu.memory_space<vmem>>, vector<1x16xf32>,
      %swap3A_483 = vector.shape_cast %swap3A_482 : vector<1x16xf32> to vector<16xf32>
      %swap3A_484 = vector.shape_cast %mul3A_479 : vector<16xf32> to vector<1x16xf32>
      tpu.vector_store %arg11[%swap3A_480, %swap3A_481], %swap3A_484 {strides = array<i32>} : memref<64x128xf32, #tpu.memory_space<vmem>>, vector<1x16xf32>,
      %scan3A_485 = arith.constant 0 : i32
      scf.yield %scan3A_485 : i32
    }
    %scan3A_262 = arith.constant 64 : i32
    %add3A_263 = arith.constant 4032 : i32
    %add3A_264 = arith.addi %mul3A_2, %add3A_263 : i32
    %dma_start3A_265 = arith.constant 0 : i32
    %dma_start3A_266 = tpu.memref_slice %arg3[%add3A_264, %dma_start3A_265] : memref<131072x128xf32, #tpu.memory_space<hbm>> -> memref<64x128xf32, #tpu.memory_space<hbm>>
    %dma_start3A_267 = arith.constant 0 : i32
    %dma_start3A_268 = tpu.memref_slice %arg3[%add3A_264, %dma_start3A_267] : memref<131072x128xf32, #tpu.memory_space<hbm>> -> memref<64x128xf32, #tpu.memory_space<hbm>>
    tpu.enqueue_dma source(%arg11 : memref<64x128xf32, #tpu.memory_space<vmem>>) target(%dma_start3A_268 : memref<64x128xf32, #tpu.memory_space<hbm>>) target_semaphore(%arg19 : memref<!tpu.dma_semaphore, #tpu.memory_space<semaphore_mem>>)
    %add3A_269 = arith.constant 0 : i32
    %add3A_270 = arith.addi %mul3A_2, %add3A_269 : i32
    %dma_wait3A_271 = arith.constant 0 : i32
    %dma_wait3A_272 = tpu.memref_slice %arg3[%add3A_270, %dma_wait3A_271] : memref<131072x128xf32, #tpu.memory_space<hbm>> -> memref<64x128xf32, #tpu.memory_space<hbm>>
    %dma_wait3A_273 = arith.constant 0 : i32
    %dma_wait3A_274 = tpu.memref_slice %arg3[%add3A_270, %dma_wait3A_273] : memref<131072x128xf32, #tpu.memory_space<hbm>> -> memref<64x128xf32, #tpu.memory_space<hbm>>
    tpu.wait_dma2 semaphore(%arg16 : memref<!tpu.dma_semaphore, #tpu.memory_space<semaphore_mem>>) src(%arg8 : memref<64x128xf32, #tpu.memory_space<vmem>>) dst(%dma_wait3A_274 : memref<64x128xf32, #tpu.memory_space<hbm>>)
    %add3A_275 = arith.constant 0 : i32
    %add3A_276 = arith.addi %mul3A_2, %add3A_275 : i32
    %dma_wait3A_277 = arith.constant 0 : i32
    %dma_wait3A_278 = tpu.memref_slice %arg3[%add3A_276, %dma_wait3A_277] : memref<131072x128xf32, #tpu.memory_space<hbm>> -> memref<64x128xf32, #tpu.memory_space<hbm>>
    %dma_wait3A_279 = arith.constant 0 : i32
    %dma_wait3A_280 = tpu.memref_slice %arg3[%add3A_276, %dma_wait3A_279] : memref<131072x128xf32, #tpu.memory_space<hbm>> -> memref<64x128xf32, #tpu.memory_space<hbm>>
    tpu.wait_dma2 semaphore(%arg17 : memref<!tpu.dma_semaphore, #tpu.memory_space<semaphore_mem>>) src(%arg9 : memref<64x128xf32, #tpu.memory_space<vmem>>) dst(%dma_wait3A_280 : memref<64x128xf32, #tpu.memory_space<hbm>>)
    %add3A_281 = arith.constant 0 : i32
    %add3A_282 = arith.addi %mul3A_2, %add3A_281 : i32
    %dma_wait3A_283 = arith.constant 0 : i32
    %dma_wait3A_284 = tpu.memref_slice %arg3[%add3A_282, %dma_wait3A_283] : memref<131072x128xf32, #tpu.memory_space<hbm>> -> memref<64x128xf32, #tpu.memory_space<hbm>>
    %dma_wait3A_285 = arith.constant 0 : i32
    %dma_wait3A_286 = tpu.memref_slice %arg3[%add3A_282, %dma_wait3A_285] : memref<131072x128xf32, #tpu.memory_space<hbm>> -> memref<64x128xf32, #tpu.memory_space<hbm>>
    tpu.wait_dma2 semaphore(%arg18 : memref<!tpu.dma_semaphore, #tpu.memory_space<semaphore_mem>>) src(%arg10 : memref<64x128xf32, #tpu.memory_space<vmem>>) dst(%dma_wait3A_286 : memref<64x128xf32, #tpu.memory_space<hbm>>)
    %add3A_287 = arith.constant 0 : i32
    %add3A_288 = arith.addi %mul3A_2, %add3A_287 : i32
    %dma_wait3A_289 = arith.constant 0 : i32
    %dma_wait3A_290 = tpu.memref_slice %arg3[%add3A_288, %dma_wait3A_289] : memref<131072x128xf32, #tpu.memory_space<hbm>> -> memref<64x128xf32, #tpu.memory_space<hbm>>
    %dma_wait3A_291 = arith.constant 0 : i32
    %dma_wait3A_292 = tpu.memref_slice %arg3[%add3A_288, %dma_wait3A_291] : memref<131072x128xf32, #tpu.memory_space<hbm>> -> memref<64x128xf32, #tpu.memory_space<hbm>>
    tpu.wait_dma2 semaphore(%arg19 : memref<!tpu.dma_semaphore, #tpu.memory_space<semaphore_mem>>) src(%arg11 : memref<64x128xf32, #tpu.memory_space<vmem>>) dst(%dma_wait3A_292 : memref<64x128xf32, #tpu.memory_space<hbm>>)
    return
  }
}

</mosaic_0001>

<sc_bundles>
// kernel: kernel.3.cloned.1.call-start
scs
__scs_entry_jumppad:
0x0: {  	(pc) =	sbr.rel $0x88, $3  }
0x1: {  	(tag) =	ssettag $0x0;
	lr =	simm.s32 $0x1  }
0x2: {  	[smem:$0x3FA0] =	sst lr;
	_ =	strace $0xD0000000  }
0x3: {  	_ = 	snop  }
0x4: {  	_ = 	snop  }
0x5: {  	_ = 	snop  }
0x6: {  	_ = 	snop  }
0x7: {  	_ = 	snop  }
__scs_overlays_trampoline_lowered:
0x8: {  	[smem:$0x3FAF] =	sst s0  }
0x9: {  	[smem:$0x3FB0] =	sst s1  }
0xa: {  	[smem:$0x3FB1] =	sst s2  }
0xb: {  	[smem:$0x3FB2] =	sst s3  }
0xc: {  	[smem:$0x3FB3] =	sst s4  }
0xd: {  	[smem:$0x3FB4] =	sst s5  }
0xe: {  	[smem:$0x3FB5] =	sst s6  }
0xf: {  	[smem:$0x3FB6] =	sst s7  }
0x10: {  	[smem:$0x3FB7] =	sst s8  }
0x11: {  	[smem:$0x3FB8] =	sst s9;
	s0 =	simm.s32 @!p0 $0x0  }
0x12: {  	s1 =	sld [smem:$0x3F9E];
	s0 =	simm.s32 @p0 $0x1  }
0x13: {  	[smem:$0x3FB9] =	sst s0;
	s0 =	simm.s32 @!p1 $0x0  }
0x14: {  	s2 =	sld [smem:$0x3F9D];
	s0 =	simm.s32 @p1 $0x1  }
0x15: {  	[smem:$0x3FBA] =	sst s0;
	s0 =	simm.s32 @!p2 $0x0  }
0x16: {  	s3 =	sld [smem:$0x3FDB];
	s0 =	simm.s32 @p2 $0x1  }
0x17: {  	s4 =	simm.s32 $0x1BF5;
	[smem:$0x3FBC] =	sst s0  }
0x18: {  	s0 =	sld [smem:$0x3F9F];
	_ =	swait.ge [sflag:s4], $0x0  }
0x19: {  	s7 =	sld [smem:$0x3FA0]  }
0x1a: {  	s8 =	sadd.s32 $0xFFFFE003, lr  }
0x1b: {  	s9 =	sadd.s32 $0xFFFFFEF7, lr;
	s5 =	simm.s32 $0xFFFFFFFF;
	p2 =	slt.u32 s8, $0xFFFFF086  }
0x1c: {  	p1 =	slt.u32 s9, $0xF7A;
	s5 =	simm.s32 @!p2 $0x0  }
0x1d: {  	s5 =	simm.s32 @p1 $0x1;
	p0 =	seq.s32 s7, s2  }
0x1e: {  	s7 =	smul.u32 @!p0 $0xF7A, s2;
	p2 =	seq.s32 @!p0 s5, $0x0  }
0x1f: {  	s9 =	smul.u32 $0xF7A, s1;
	s8 =	simm.s32 @!p0 $0x1BF5;
	p2 =	por !p2, p0  }
0x20: {  	[sflag:s8] =	ssyncset.s32 @!p0 $0xFFFFF086;
	s6 =	sadd.s32 @!p0 s3, s7;
	s7 =	simm.s32 @!p0 $0x108  }
0x21: {  	s3 =	sadd.s32 s3, s9;
	s6 =	sadd.s32 @!p0 $0x88, s6;
	s7 =	simm.s32 @p2 $0x1082  }
0x22: {  	[simem:s7], [sflag:s8] =	dma.local @!p0 [hbm:s6], $0xF7A  }
0x23: {  	s9 =	sor.u32 $0xD0000000, s2;
	s6 =	simm.s32 $0x108;
	_ =	swait.ge @!p0 [sflag:s8], $0x0  }
0x24: {  	s3 =	sadd.s32 $0x88, s3;
	s6 =	simm.s32 @!p1 $0x1082;
	[sflag:s4] =	ssyncset.s32 $0xFFFFF086  }
0x25: {  	[simem:s6], [sflag:s4] =	dma.local [hbm:s3], $0xF7A  }
0x26: {  	[smem:$0x3FA0] =	sst s1;
	(tag) =	ssettag s2;
	_ =	strace s9  }
0x27: {  	s1 =	sld [smem:$0x3FB0]  }
0x28: {  	s2 =	sld [smem:$0x3FB1]  }
0x29: {  	s4 =	sld [smem:$0x3FB3]  }
0x2a: {  	p0 =	seq.s32 s5, $0x0;
	s5 =	sld [smem:$0x3FB4]  }
0x2b: {  	s6 =	sld [smem:$0x3FB5]  }
0x2c: {  	s7 =	sld [smem:$0x3FB6]  }
0x2d: {  	s3 =	simm.s32 $0x108;
	s8 =	sld [smem:$0x3FB7]  }
0x2e: {  	s3 =	simm.s32 @!p0 $0x1082;
	s9 =	sld [smem:$0x3FB8]  }
0x2f: {  	lr =	sadd.s32 s0, s3;
	s0 =	sld [smem:$0x3FAF]  }
0x30: {  	s3 =	sld [smem:$0x3FB2]  }
0x31: {  	[smem:$0x3FBB] =	sst s10  }
0x32: {  	s10 =	sld [smem:$0x3FB9];
	_ =	sdelay $0x3  }
0x33: {  	p0 =	seq.s32 s10, $0x1;
	s10 =	sld [smem:$0x3FBB];
	_ =	sdelay $0x3  }
0x34: {  	[smem:$0x3FBB] =	sst s10  }
0x35: {  	s10 =	sld [smem:$0x3FBA];
	_ =	sdelay $0x3  }
0x36: {  	p1 =	seq.s32 s10, $0x1;
	s10 =	sld [smem:$0x3FBB];
	_ =	sdelay $0x3  }
0x37: {  	[smem:$0x3FBB] =	sst s10  }
0x38: {  	s10 =	sld [smem:$0x3FBC]  }
0x39: {  	_ = 	snop;
	(pc) =	sbr.ind lr, $3  }
0x3a: {  	_ = 	snop  }
0x3b: {  	_ = 	snop  }
0x3c: {  	p2 =	seq.s32 s10, $0x1;
	s10 =	sld [smem:$0x3FBB]  }
0x3d: {  	_ =	shalt  }
0x3e: {  	_ =	shalt  }
0x3f: {  	_ =	shalt  }
0x40: {  	_ =	shalt  }
0x41: {  	_ =	shalt  }
0x42: {  	_ =	shalt  }
0x43: {  	_ =	shalt  }
0x44: {  	_ =	shalt  }
0x45: {  	_ =	shalt  }
0x46: {  	_ =	shalt  }
0x47: {  	_ =	shalt  }
0x48: {  	_ =	shalt  }
0x49: {  	_ =	shalt  }
0x4a: {  	_ =	shalt  }
0x4b: {  	_ =	shalt  }
0x4c: {  	_ =	shalt  }
0x4d: {  	_ =	shalt  }
0x4e: {  	_ =	shalt  }
0x4f: {  	_ =	shalt  }
0x50: {  	_ =	shalt  }
0x51: {  	_ =	shalt  }
0x52: {  	_ =	shalt  }
0x53: {  	_ =	shalt  }
0x54: {  	_ =	shalt  }
0x55: {  	_ =	shalt  }
0x56: {  	_ =	shalt  }
0x57: {  	_ =	shalt  }
0x58: {  	_ =	shalt  }
0x59: {  	_ =	shalt  }
0x5a: {  	_ =	shalt  }
0x5b: {  	_ =	shalt  }
0x5c: {  	_ =	shalt  }
0x5d: {  	_ =	shalt  }
0x5e: {  	_ =	shalt  }
0x5f: {  	_ =	shalt  }
0x60: {  	_ =	shalt  }
0x61: {  	_ =	shalt  }
0x62: {  	_ =	shalt  }
0x63: {  	_ =	shalt  }
0x64: {  	_ =	shalt  }
0x65: {  	_ =	shalt  }
0x66: {  	_ =	shalt  }
0x67: {  	_ =	shalt  }
0x68: {  	_ =	shalt  }
0x69: {  	_ =	shalt  }
0x6a: {  	_ =	shalt  }
0x6b: {  	_ =	shalt  }
0x6c: {  	_ =	shalt  }
0x6d: {  	_ =	shalt  }
0x6e: {  	_ =	shalt  }
0x6f: {  	_ =	shalt  }
0x70: {  	_ =	shalt  }
0x71: {  	_ =	shalt  }
0x72: {  	_ =	shalt  }
0x73: {  	_ =	shalt  }
0x74: {  	_ =	shalt  }
0x75: {  	_ =	shalt  }
0x76: {  	_ =	shalt  }
0x77: {  	_ =	shalt  }
0x78: {  	_ =	shalt  }
0x79: {  	_ =	shalt  }
0x7a: {  	_ =	shalt  }
0x7b: {  	_ =	shalt  }
0x7c: {  	_ =	shalt  }
0x7d: {  	_ =	shalt  }
0x7e: {  	_ =	shalt  }
0x7f: {  	_ =	shalt  }
0x80: {  	_ =	shalt  }
0x81: {  	_ =	shalt  }
0x82: {  	_ =	shalt  }
0x83: {  	_ =	shalt  }
0x84: {  	_ =	shalt  }
0x85: {  	_ =	shalt  }
0x86: {  	_ =	shalt  }
0x87: {  	_ =	shalt  }
.Lfunc_end0:
.L_simem_size_0:
called_computation_lowered:
.L_overlay_start_0:
0x88: {  	s2 =	sld [smem:$0x3FD9]  }
0x89: {  	s3 =	sld [smem:$0x3FFE];
	_ =	sdelay $0x1  }
0x8a: {  	s1 =	srdreg.scid  }
0x8b: {  	s0 =	sand.u32 $0x1, s1  }
0x8c: {  	s18 =	sshll.u32 s0, $0xA;
	s2 =	sadd.s32 s3, s2  }
0x8d: {  	s2 =	sadd.s32 s2, s18  }
0x8e: {  	[smem:$0x3FC7] =	sst s2  }
0x8f: {  	_ = 	snop  }
0x90: {  	s2 =	sld [smem:$0x3FC9]  }
0x91: {  	s19 =	sld [smem:$0x3FD0];
	(tm) =	ssettm $0x1  }
0x92: {  	s4 =	sld [smem:$0x3FFB];
	_ =	sdelay $0x3  }
0x93: {  	_ =	strace s4  }
0x94: {  	s4 =	sld [smem:$0x3FFC];
	_ =	sdelay $0x3  }
0x95: {  	_ =	strace s4  }
0x96: {  	s4 =	sld [smem:$0x3FFD];
	_ =	sdelay $0x3  }
0x97: {  	_ =	strace s4  }
0x98: {  	_ =	strace $0x8FFFFFFF  }
0x99: {  	s20 =	sld [smem:$0x3FDB];
	_ =	sdelay $0x1  }
0x9a: {  	s5 =	simm.s32 $_scs_section_size  }
0x9b: {  	s6 =	simm.s32 $_size__tile_overlayer_lowered;
	s7 =	simm.s32 $_tile_overlayer_lowered  }
0x9c: {  	s23 =	simm.s32 $0x1BFF;
	s22 =	sshll.u32 s7, $0x1;
	s4 =	sadd.s32 s5, s20  }
0x9d: {  	s8 =	simm.s32 $0x0;
	s21 =	sshll.u32 s6, $0x1;
	s6 =	sadd.s32 s22, s4  }
0x9e: {  	[timem:s8], [sflag:s23] =	dma.local [hbm:s6], s21  }
0x9f: {  	_ =	swait.ge [sflag:s23], s21  }
0xa0: {  	s5 =	ssub.s32 $0x0, s21;
	[sflag:s23] =	ssyncset.done $0x0  }
0xa1: {  	[sflag:s23] =	ssyncadd.s32 s5;
	_ =	sdelay $0x1  }
0xa2: {  	s24 =	simm.s32 $0x1B8B  }
0xa3: {  	_ =	swait.ge [sflag:s24], $0x1  }
0xa4: {  	[sflag:s24] =	ssyncset.done $0x0  }
0xa5: {  	s25 =	simm.s32 $0x1B8E;
	[sflag:s24] =	ssyncadd.s32 $0xFFFFFFFF  }
0xa6: {  	s26 =	simm.s32 $execute0_lowered;
	[smem:$0x3FD2] =	sst s25  }
0xa7: {  	s5 =	sshll.u32 s26, $0x1;
	_ =	strace $0x80000046;
	[dreg:$0x1] =	wrdreg $0xFFFFFFFF  }
0xa8: {  	s28 =	simm.s32 $_size_execute0_lowered;
	s4 =	sadd.s32 s4, s5;
	[dreg:$0x0] =	wrdreg $0x0  }
0xa9: {  	s5 =	sshll.u32 s28, $0x1;
	[dreg:$0x2] =	wrdreg s4  }
0xaa: {  	[dreg:$0x3] =	wrdreg s5  }
0xab: {  	[dreg:$0x4] =	wrdreg $0xC0  }
0xac: {  	_ =	task [dreg:s8], $0x5FFFF  }
0xad: {  	[dreg:$0x1] =	wrdreg $0xFFFFFFFF  }
0xae: {  	[dreg:$0x0] =	wrdreg $0x60  }
0xaf: {  	[dreg:$0x2] =	wrdreg s2  }
0xb0: {  	[dreg:$0x3] =	wrdreg s19  }
0xb1: {  	[dreg:$0x4] =	wrdreg $0x9  }
0xb2: {  	_ =	task.clear_ibuf [dreg:s8], $0x5FFFF;
	_ =	strace $0x90000046  }
0xb3: {  	s29 =	simm.s32 $0x9;
	_ =	strace $0x80000048  }
0xb4: {  	_ =	swait.ge [sflag:s29], $0x1  }
0xb5: {  	[sflag:s29] =	ssyncadd.s32 $0xFFFFFFFF  }
0xb6: {  	_ =	strace $0x90000048  }
0xb7: {  	_ =	sfence  }
0xb8: {  	s30 =	sld [smem:$0x0];
	_ =	sdelay $0x2  }
0xb9: {  	s31 =	sshll.u32 s1, $0xD;
	s1 =	sshrl.u32 s1, $0x2  }
0xba: {  	s3 =	sand.u32 $0x4000, s31;
	s1 =	sadd.s32 s1, s30  }
0xbb: {  	s0 =	sor.u32 s3, s0;
	s1 =	sshll.u32 s1, $0x11  }
0xbc: {  	s0 =	sor.u32 s1, s0  }
0xbd: {  	s0 =	sadd.s32 $0x8F2B, s0  }
0xbe: {  	[sflag:s0] =	ssyncadd.remote.s32 $0x1  }
0xbf: {  	_ =	sfence.sel $0xFFFF  }
0xc0: {  	[dreg:$0x0] =	wrdreg $0xFFFFFFFF;
	(pc) =	sbr.abs _section_cstart, $3  }
0xc1: {  	[dreg:$0x1] =	wrdreg $0xFFFFFFFF  }
0xc2: {  	_ =	task.clear_ibuf [dreg:s8], $0x2FFFF;
	_ =	strace $0x9FFFFFFF  }
0xc3: {  	(tm) =	ssettm $0x7FFFFFFF  }
tec
execute0_lowered:
.L_overlay_start_1:
0x0: {  	(tag) =	ssettag $0x1  }
0x1: {  	s2 =	rddreg [dreg:$0x0];
	s0 =	srdreg.scid  }
0x2: {  	s3 =	rddreg [dreg:$0x1];
	s1 =	stileid.u32;
	s4 =	simm.s32 $0x0  }
0x3: {  	s28 =	simm.s32 $0x2000;
	s29 =	simm.s32 $0x4000;
	s0 =	sand.u32 $0x1, s0  }
0x4: {  	s30 =	simm.s32 $0x6000;
	s1 =	sshll.u32 s1, $0xD;
	s5 =	sshll.u32 s0, $0xC  }
0x5: {  	s31 =	simm.s32 $0x1;
	s0 =	ssub.s32 $0x2, s0;
	s5 =	sor.u32 s5, s1  }
0x6: {  	[smem:$0x7FF] =	sst s4;
	s13 =	sshrl.u32 s0, $0x1;
	s6 =	sshll.u32 s5, $0x4  }
0x7: {  	_ =	strace $0x80000047;
	s0 =	ssub.s32 s0, s13;
	s9 =	sadd.s32 s2, s6  }
0x8: {  	s14 =	sor.u32 $0x400, s6;
	s0 =	smax.u32 s0, $0x1;
	[dreg:$0x3] =	wrdreg s9  }
0x9: {  	s7 =	sor.u32 $0x800, s6;
	s10 =	sadd.s32 s2, s14;
	[dreg:$0x11] =	wrdreg s0  }
0xa: {  	s8 =	sor.u32 $0xC00, s6;
	s15 =	sadd.s32 s2, s7;
	[dreg:$0x4] =	wrdreg s10  }
0xb: {  	s11 =	simm.s32 $0x4;
	s16 =	sadd.s32 s2, s8;
	[dreg:$0x5] =	wrdreg s15  }
0xc: {  	s12 =	simm.s32 $0xE000;
	s17 =	sadd.s32 $0x1000, s9;
	[dreg:$0x6] =	wrdreg s16  }
0xd: {  	v0 =	vimm.s32 $0xFEDCBA98;
	s13 =	simm.s32 $0x5;
	s1 =	sadd.s32 s3, s14;
	[dreg:$0x7] =	wrdreg s17  }
0xe: {  	v1 =	vimm.s32 $0x76543210;
	v2 =	vimm.s32 $0xBA98FEDC;
	s18 =	sadd.s32 $0x1400, s9;
	s19 =	sadd.s32 s3, s7;
	[dreg:$0x8] =	wrdreg s1  }
0xf: {  	v3 =	vimm.s32 $0x32107654;
	v4 =	vimm.s32 $0xDCFE98BA;
	s20 =	sadd.s32 $0x1800, s9;
	s21 =	sadd.s32 s3, s8;
	[dreg:$0x9] =	wrdreg s18  }
0x10: {  	v5 =	vimm.s32 $0x54761032;
	v6 =	vimm.s32 $0xEFCDAB89;
	s22 =	sadd.s32 $0x1C00, s9;
	s0 =	simm.s32 $0x8000;
	[dreg:$0xa] =	wrdreg s19  }
0x11: {  	v7 =	vimm.s32 $0x67452301;
	v0 =	vunpack.c.l.s4.s8 v0;
	v1 =	vunpack.c.l.s4.s8 v1;
	s7 =	simm.s32 $0xA000;
	s8 =	simm.s32 $0x3;
	[dreg:$0xb] =	wrdreg s20  }
0x12: {  	v2 =	vunpack.c.l.s4.s8 v2;
	v3 =	vunpack.c.l.s4.s8 v3;
	v4 =	vunpack.c.l.s4.s8 v4;
	s9 =	simm.s32 $0xC000;
	s14 =	simm.s32 $0x6;
	[dreg:$0xc] =	wrdreg s21  }
0x13: {  	v5 =	vunpack.c.l.s4.s8 v5;
	v6 =	vunpack.c.l.s4.s8 v6;
	v7 =	vunpack.c.l.s4.s8 v7;
	s10 =	sadd.s32 s3, s6;
	[dreg:$0xd] =	wrdreg s22;
	s18 =	sor.u32 $0x140, s5  }
0x14: {  	v0 =	vunpack.c.0.s8.s32 v0;
	v1 =	vunpack.c.0.s8.s32 v1;
	v2 =	vunpack.c.0.s8.s32 v2;
	s19 =	sor.u32 $0x100, s5;
	s20 =	sor.u32 $0x180, s5;
	s23 =	sadd.s32 $0xF000, s10  }
0x15: {  	v3 =	vunpack.c.0.s8.s32 v3;
	v4 =	vunpack.c.0.s8.s32 v4;
	v5 =	vunpack.c.0.s8.s32 v5;
	s21 =	sor.u32 $0x1C0, s5;
	s24 =	sadd.s32 $0xF400, s10;
	[dreg:$0xe] =	wrdreg s23  }
0x16: {  	v6 =	vunpack.c.0.s8.s32 v6;
	v7 =	vunpack.c.0.s8.s32 v7;
	v0 =	vand.u32 $0xF, v0;
	s1 =	simm.s32 $0x2;
	s25 =	sadd.s32 $0xF800, s10;
	[dreg:$0xf] =	wrdreg s24  }
0x17: {  	vm0 =	vmmov $0x1;
	v0 =	vcombine.low v0, v1;
	v1 =	vcombine.low v3, v2;
	s15 =	simm.s32 $0x7;
	s26 =	sadd.s32 $0xFC00, s10;
	[dreg:$0x10] =	wrdreg s25  }
0x18: {  	v2 =	vcombine.low v5, v4;
	v3 =	vlaneseq.u32;
	v4 =	vcombine.low v7, v6;
	s16 =	simm.s32 $0x8;
	s6 =	simm.s32 $0x0;
	[dreg:$0x12] =	wrdreg s26  }
.LBB2_1:
0x19: {  	[dreg:$0x13] =	wrdreg s6  }
0x1a: {  	s3 =	rddreg [dreg:$0x3]  }
0x1b: {  	[tilespmem:s4], [sflag:$0x1] =	stream.linear.gather [hbm4b:s3+s4], $0x2000, $0x38;
	[tilespmem:$0x10000] =	vst v63  }
0x1c: {  	s24 =	rddreg [dreg:$0x4]  }
0x1d: {  	[tilespmem:s28], [sflag:$0x2] =	stream.linear.gather [hbm4b:s24+s4], $0x2000, $0x38;
	[tilespmem:$0x10000] =	vst v63  }
0x1e: {  	s25 =	rddreg [dreg:$0x5]  }
0x1f: {  	[tilespmem:s29], [sflag:$0x3] =	stream.linear.gather [hbm4b:s25+s4], $0x2000, $0x38;
	[tilespmem:$0x10000] =	vst v63  }
0x20: {  	s26 =	rddreg [dreg:$0x6]  }
0x21: {  	[tilespmem:s30], [sflag:$0x4] =	stream.linear.gather [hbm4b:s26+s4], $0x2000, $0x38;
	[tilespmem:$0x10000] =	vst v63  }
0x22: {  	_ =	swait.ge [sflag:s31], $0x2000  }
0x23: {  	[sflag:s31] =	ssyncset.done $0x0  }
0x24: {  	s24 =	simm.s32 $0x0;
	[sflag:s31] =	ssyncadd.s32 $0xFFFFE000  }
0x25: {  	v7 =	vld [tilespmem:s24+$0x0]  }
0x26: {  	v22 =	vld [tilespmem:s24+$0x10]  }
0x27: {  	v23 =	vld [tilespmem:s24+$0x20]  }
0x28: {  	v10 =	vld [tilespmem:s24+$0x30]  }
0x29: {  	vm1 =	veq.s32 v3, $0x0;
	v20 =	vld [tilespmem:s24+$0x40]  }
0x2a: {  	v17 =	vld [tilespmem:s24+$0x50];
	v5 =	vsel vm1, $0xFF800000, v7  }
0x2b: {  	v27 =	vld [tilespmem:s24+$0x60];
	v5 =	vmax.f32 v5, v22  }
0x2c: {  	v28 =	vld [tilespmem:s24+$0x70];
	v5 =	vmax.f32 v5, v23  }
0x2d: {  	v5 =	vmax.f32 v5, v10  }
0x2e: {  	v5 =	vmax.f32 v5, v20  }
0x2f: {  	v5 =	vmax.f32 v5, v17  }
0x30: {  	v5 =	vmax.f32 v5, v27  }
0x31: {  	v5 =	vmax.f32 v5, v28  }
0x32: {  	v6 =	vperm.xlane v5, v0  }
0x33: {  	s22 =	simm.s32 $0x80  }
0x34: {  	v13 =	vld [tilespmem:s22+$0x0];
	v5 =	vmax.f32 v5, v6  }
0x35: {  	v11 =	vld [tilespmem:s22+$0x10];
	v8 =	vperm.xlane v5, v1  }
0x36: {  	v6 =	vld [tilespmem:s22+$0x20]  }
0x37: {  	v9 =	vld [tilespmem:s22+$0x30];
	v5 =	vmax.f32 v5, v8  }
0x38: {  	v15 =	vld [tilespmem:s22+$0x40];
	v12 =	vperm.xlane v5, v2  }
0x39: {  	v18 =	vld [tilespmem:s22+$0x50];
	v8 =	vsel vm1, $0xFF800000, v13  }
0x3a: {  	v19 =	vld [tilespmem:s22+$0x60];
	v8 =	vmax.f32 v8, v11;
	v5 =	vmax.f32 v5, v12  }
0x3b: {  	v14 =	vld [tilespmem:s22+$0x70];
	v8 =	vmax.f32 v8, v6;
	v12 =	vperm.xlane v5, v4  }
0x3c: {  	v8 =	vmax.f32 v8, v9  }
0x3d: {  	v8 =	vmax.f32 v8, v15;
	v5 =	vmax.f32 v5, v12  }
0x3e: {  	v8 =	vmax.f32 v8, v18;
	v30 =	vmul.f32 $1.270000000e+02, v5  }
0x3f: {  	s23 =	simm.s32 $0x100;
	v16 =	vadd.f32 $9.999899860e-01, v7;
	v8 =	vmax.f32 v8, v19;
	v29 =	vsub.f32 $9.999899860e-01, v5  }
0x40: {  	v26 =	vadd.f32 $9.999899860e-01, v13;
	v12 =	vld [tilespmem:s23+$0x0];
	v21 =	vmax.f32 v8, v14;
	v25 =	vadd.f32 $9.999999740e-06, v30  }
0x41: {  	v8 =	vld [tilespmem:s23+$0x10];
	v24 =	vperm.xlane v21, v0;
	v33 =	vadd.f32 v29, v7;
	v7 =	vadd.f32 v29, v17  }
0x42: {  	v16 =	vmax.f32 v16, $0.0e+00;
	v5 =	vld [tilespmem:s23+$0x20];
	v32 =	vadd.f32 v29, v10;
	v10 =	vadd.f32 v29, v20  }
0x43: {  	v31 =	vmax.f32 v21, v24;
	v24 =	vadd.f32 $1.000000000e+00, v16;
	v16 =	vld [tilespmem:s23+$0x30];
	(erf) = vrcp.f32 v25  }
0x44: {  	v17 =	vld [tilespmem:s23+$0x40];
	v36 =	vadd.f32 v29, v27;
	v22 =	vadd.f32 v29, v22  }
0x45: {  	v20 =	vld [tilespmem:s23+$0x50];
	v21 =	vmax.f32 v26, $0.0e+00;
	v26 =	vsel vm1, $0xFF800000, v12;
	v34 =	vperm.xlane v31, v1  }
0x46: {  	v60 =	vadd.f32 v29, v28;
	v25 =	vmax.f32 v7, $0.0e+00;
	v7 =	vld [tilespmem:s23+$0x60];
	v35 =	vmax.f32 v26, v8  }
0x47: {  	v26 =	vmax.f32 v10, $0.0e+00;
	v10 =	vld [tilespmem:s23+$0x70];
	v27 =	vmax.f32 v35, v5;
	v31 =	vmax.f32 v31, v34  }
0x48: {  	v37 =	vmax.f32 v22, $0.0e+00;
	v58 =	vperm.xlane v31, v2;
	v57 =	vmax.f32 v27, v16  }
0x49: {  	v22 =	vadd.f32 v29, v23;
	v29 =	vmax.f32 v36, $0.0e+00;
	v59 =	vmax.f32 v57, v17  }
0x4a: {  	v33 =	vmax.f32 v33, $0.0e+00;
	v31 =	vmax.f32 v31, v58;
	v23 =	vmax.f32 v59, v20  }
0x4b: {  	v24 =	vmul.f32 $9.999999740e-06, v24;
	v61 =	vperm.xlane v31, v4;
	v23 =	vmax.f32 v23, v7  }
0x4c: {  	v27 =	vmax.f32 v32, $0.0e+00;
	v32 =	vmax.f32 v22, $0.0e+00;
	v62 =	vmax.f32 v23, v10;
	v28 =	vpop (erf)  }
0x4d: {  	v23 =	vmax.f32 v31, v61;
	v63 =	vperm.xlane v62, v0;
	v28 =	vmul.f32 v28, v30  }
0x4e: {  	v22 =	vmul.f32 $1.270000000e+02, v23;
	v23 =	vsub.f32 $9.999899860e-01, v23;
	v30 =	vmax.f32 v60, $0.0e+00  }
0x4f: {  	s6 =	simm.s32 $0x600;
	v31 =	vmax.f32 v62, v63;
	v34 =	vmul.f32 v28, v33;
	v33 =	vmul.f32 v28, v37  }
.LBB2_2:
0x50: {  	s17 =	sshra.s32 s6, $0x2;
	p0 =	sne.s32 s6, $0x7E00;
	s6 =	sadd.s32 $0x200, s6;
	v35 =	vadd.f32 $9.999999740e-06, v22;
	v32 =	vmul.f32 v28, v32;
	v27 =	vmul.f32 v28, v27  }
0x51: {  	v26 =	vmul.f32 v28, v26;
	v25 =	vmul.f32 v28, v25;
	v36 =	vld [tilespmem:s17+$0x0];
	v24 =	vsel vm0, v24, v34;
	[tilespmem:s24+$0x8010] =	vst v33  }
0x52: {  	v29 =	vmul.f32 v28, v29;
	v34 =	vadd.f32 $9.999899860e-01, v12;
	v33 =	vld [tilespmem:s17+$0x10];
	(erf) = vrcp.f32 v35;
	[tilespmem:s24+$0x8000] =	vst v24  }
0x53: {  	v28 =	vmul.f32 v28, v30;
	v24 =	vadd.f32 $1.000000000e+00, v21;
	v35 =	vld [tilespmem:s17+$0x20];
	[tilespmem:s24+$0x8050] =	vst v25  }
0x54: {  	v41 =	vadd.f32 v23, v18;
	v21 =	vmax.f32 v34, $0.0e+00;
	v34 =	vadd.f32 v23, v13;
	v13 =	vmovc v12;
	v30 =	vld [tilespmem:s17+$0x30];
	[tilespmem:s24+$0x8020] =	vst v32  }
0x55: {  	v37 =	vadd.f32 v23, v9;
	v38 =	vadd.f32 v23, v15;
	v9 =	vmovc v16;
	v24 =	vmul.f32 $9.999999740e-06, v24;
	v32 =	vld [tilespmem:s17+$0x40];
	[tilespmem:s24+$0x8040] =	vst v26  }
0x56: {  	v40 =	vperm.xlane v31, v1;
	v15 =	vmovc v17;
	v25 =	vmax.f32 v41, $0.0e+00;
	v39 =	vld [tilespmem:s17+$0x50];
	v16 =	vsel vm1, $0xFF800000, v36;
	[tilespmem:s24+$0x8070] =	vst v28;
	v12 =	vmovc v36  }
0x57: {  	v17 =	vadd.f32 v23, v19;
	v18 =	vmovc v20;
	v26 =	vmax.f32 v38, $0.0e+00;
	v36 =	vld [tilespmem:s17+$0x60];
	v16 =	vmax.f32 v16, v33;
	[tilespmem:s24+$0x8030] =	vst v27  }
0x58: {  	v20 =	vadd.f32 v23, v11;
	v19 =	vmax.f32 v31, v40;
	v38 =	vld [tilespmem:s17+$0x70];
	v16 =	vmax.f32 v16, v35;
	[tilespmem:s24+$0x8060] =	vst v29;
	s24 =	smov.u32 s22;
	s22 =	smov.u32 s23;
	s23 =	smov.u32 s17  }
0x59: {  	v11 =	vmovc v8;
	v28 =	vperm.xlane v19, v2;
	v27 =	vmax.f32 v37, $0.0e+00;
	v8 =	vmovc v33;
	v16 =	vmax.f32 v16, v30  }
0x5a: {  	v31 =	vadd.f32 v23, v6;
	v6 =	vmovc v5;
	v33 =	vmax.f32 v20, $0.0e+00;
	v5 =	vmovc v35;
	v42 =	vmax.f32 v16, v32  }
0x5b: {  	v41 =	vadd.f32 v23, v14;
	v35 =	vmax.f32 v19, v28;
	v37 =	vmax.f32 v42, v39;
	v19 =	vpop (erf)  }
.Ltmp0:
0x5c: {  	v29 =	vmax.f32 v17, $0.0e+00;
	v23 =	vperm.xlane v35, v4;
	v17 =	vmovc v32;
	v40 =	vmax.f32 v37, v36;
	v16 =	vmovc v30;
	(pc) =	sbr.rel @p0 .LBB2_2-.Ltmp0, $4  }
0x5d: {  	v20 =	vmovc v39;
	v28 =	vmul.f32 v19, v22;
	v30 =	vmax.f32 v41, $0.0e+00;
	v19 =	vmovc v7;
	v37 =	vmax.f32 v40, v38  }
0x5e: {  	v14 =	vmovc v10;
	v32 =	vmax.f32 v31, $0.0e+00;
	v23 =	vmax.f32 v35, v23;
	v7 =	vmovc v36;
	v39 =	vperm.xlane v37, v0  }
0x5f: {  	v34 =	vmax.f32 v34, $0.0e+00;
	v22 =	vmul.f32 $1.270000000e+02, v23;
	v23 =	vsub.f32 $9.999899860e-01, v23;
	v10 =	vmovc v38  }
0x60: {  	v34 =	vmul.f32 v28, v34;
	v33 =	vmul.f32 v28, v33;
	v31 =	vmax.f32 v37, v39  }
0x61: {  	v35 =	vperm.xlane v31, v1;
	_ =	sdelay $0x1  }
0x62: {  	v31 =	vmax.f32 v31, v35  }
0x63: {  	v47 =	vadd.f32 $9.999999740e-06, v22;
	v36 =	vperm.xlane v31, v2;
	_ =	sdelay $0x1  }
0x64: {  	(erf) = vrcp.f32 v47;
	v31 =	vmax.f32 v31, v36  }
0x65: {  	v48 =	vperm.xlane v31, v4;
	_ =	sdelay $0x1  }
0x66: {  	v32 =	vmul.f32 v28, v32;
	v27 =	vmul.f32 v28, v27;
	v31 =	vmax.f32 v31, v48  }
0x67: {  	v26 =	vmul.f32 v28, v26;
	v50 =	vadd.f32 $9.999899860e-01, v12;
	v49 =	vmul.f32 $1.270000000e+02, v31  }
0x68: {  	v25 =	vmul.f32 v28, v25;
	v21 =	vadd.f32 $1.000000000e+00, v21;
	v13 =	vadd.f32 v23, v13  }
0x69: {  	v18 =	vadd.f32 v23, v18;
	v24 =	vsel vm0, v24, v34;
	[tilespmem:s24+$0x8010] =	vst v33;
	v51 =	vadd.f32 $9.999999740e-06, v49  }
0x6a: {  	v29 =	vmul.f32 v28, v29;
	v15 =	vadd.f32 v23, v15;
	v9 =	vadd.f32 v23, v9;
	[tilespmem:s24+$0x8000] =	vst v24  }
0x6b: {  	v11 =	vadd.f32 v23, v11;
	v19 =	vadd.f32 v23, v19;
	[tilespmem:s24+$0x8050] =	vst v25;
	(erf) = vrcp.f32 v51  }
0x6c: {  	v6 =	vadd.f32 v23, v6;
	v14 =	vadd.f32 v23, v14;
	v24 =	vmul.f32 v28, v30;
	[tilespmem:s24+$0x8020] =	vst v32;
	v25 =	vpop (erf)  }
0x6d: {  	v28 =	vmax.f32 v50, $0.0e+00;
	v21 =	vmul.f32 $9.999999740e-06, v21;
	[tilespmem:s24+$0x8040] =	vst v26;
	v22 =	vmul.f32 v25, v22  }
0x6e: {  	v18 =	vmax.f32 v18, $0.0e+00;
	v11 =	vmax.f32 v11, $0.0e+00;
	v13 =	vmax.f32 v13, $0.0e+00;
	[tilespmem:s24+$0x8030] =	vst v27  }
0x6f: {  	v15 =	vmax.f32 v15, $0.0e+00;
	[tilespmem:s24+$0x8060] =	vst v29;
	v13 =	vmul.f32 v22, v13;
	v11 =	vmul.f32 v22, v11  }
0x70: {  	v9 =	vmax.f32 v9, $0.0e+00;
	v19 =	vmax.f32 v19, $0.0e+00;
	v6 =	vmax.f32 v6, $0.0e+00;
	[tilespmem:s24+$0x8070] =	vst v24  }
0x71: {  	v14 =	vmax.f32 v14, $0.0e+00;
	v13 =	vsel vm0, v21, v13;
	[tilespmem:s22+$0x8010] =	vst v11;
	v11 =	vmul.f32 v22, v18  }
0x72: {  	v6 =	vmul.f32 v22, v6;
	v9 =	vmul.f32 v22, v9;
	v18 =	vsub.f32 $9.999899860e-01, v31;
	[tilespmem:s22+$0x8000] =	vst v13  }
0x73: {  	v13 =	vmul.f32 v22, v15;
	v15 =	vadd.f32 $1.000000000e+00, v28;
	[tilespmem:s22+$0x8050] =	vst v11;
	v11 =	vmul.f32 v22, v14  }
0x74: {  	[tilespmem:s22+$0x8020] =	vst v6;
	v12 =	vadd.f32 v18, v12;
	v6 =	vadd.f32 v18, v8;
	v14 =	vmul.f32 v22, v19;
	v8 =	vpop (erf)  }
0x75: {  	v19 =	vadd.f32 v18, v20;
	v5 =	vadd.f32 v18, v5;
	[tilespmem:s22+$0x8040] =	vst v13;
	v8 =	vmul.f32 v8, v49  }
0x76: {  	v13 =	vmul.f32 $9.999999740e-06, v15;
	[tilespmem:s22+$0x8070] =	vst v11;
	v6 =	vmax.f32 v6, $0.0e+00;
	v11 =	vmax.f32 v12, $0.0e+00  }
0x77: {  	[tilespmem:s22+$0x8030] =	vst v9;
	v5 =	vmax.f32 v5, $0.0e+00;
	v9 =	vmul.f32 v8, v11;
	v6 =	vmul.f32 v8, v6  }
0x78: {  	v10 =	vadd.f32 v18, v10;
	[tilespmem:s22+$0x8060] =	vst v14;
	v11 =	vadd.f32 v18, v17;
	v5 =	vmul.f32 v8, v5  }
0x79: {  	v7 =	vadd.f32 v18, v7;
	v12 =	vmax.f32 v19, $0.0e+00;
	v9 =	vsel vm0, v13, v9;
	[tilespmem:s23+$0x8010] =	vst v6  }
0x7a: {  	v6 =	vmul.f32 v8, v12;
	v12 =	vadd.f32 v18, v16;
	v11 =	vmax.f32 v11, $0.0e+00;
	[tilespmem:s23+$0x8020] =	vst v5  }
0x7b: {  	v5 =	vmax.f32 v7, $0.0e+00;
	[tilespmem:s23+$0x8000] =	vst v9;
	v9 =	vmax.f32 v10, $0.0e+00;
	v10 =	vmul.f32 v8, v11  }
0x7c: {  	v5 =	vmul.f32 v8, v5;
	[tilespmem:s23+$0x8050] =	vst v6  }
0x7d: {  	v6 =	vmax.f32 v12, $0.0e+00;
	v9 =	vmul.f32 v8, v9;
	[tilespmem:s23+$0x8040] =	vst v10  }
0x7e: {  	v6 =	vmul.f32 v8, v6;
	[tilespmem:s23+$0x8060] =	vst v5  }
0x7f: {  	[tilespmem:s23+$0x8070] =	vst v9  }
0x80: {  	s6 =	simm.s32 $0x0;
	[tilespmem:s23+$0x8030] =	vst v6  }
0x81: {  	[hbm4b:s10+s6] =	stream.linear.scatter [tilespmem:s0], [sflag:$0x5], $0x2000, $0x38;
	[tilespmem:$0x10000] =	vst v63  }
0x82: {  	s3 =	rddreg [dreg:$0x7]  }
0x83: {  	[tilespmem:s6], [sflag:$0x1] =	stream.linear.gather [hbm4b:s3+s6], $0x2000, $0x38;
	[tilespmem:$0x10000] =	vst v63  }
0x84: {  	_ =	swait.ge [sflag:s1], $0x2000  }
0x85: {  	[sflag:s1] =	ssyncset.done $0x0  }
0x86: {  	s24 =	simm.s32 $0x0;
	[sflag:s1] =	ssyncadd.s32 $0xFFFFE000  }
0x87: {  	v7 =	vld [tilespmem:s24+$0x2000]  }
0x88: {  	v22 =	vld [tilespmem:s24+$0x2010]  }
0x89: {  	v23 =	vld [tilespmem:s24+$0x2020]  }
0x8a: {  	v10 =	vld [tilespmem:s24+$0x2030]  }
0x8b: {  	vm1 =	veq.s32 v3, $0x0;
	v20 =	vld [tilespmem:s24+$0x2040]  }
0x8c: {  	v17 =	vld [tilespmem:s24+$0x2050];
	v5 =	vsel vm1, $0xFF800000, v7  }
0x8d: {  	v27 =	vld [tilespmem:s24+$0x2060];
	v5 =	vmax.f32 v5, v22  }
0x8e: {  	v28 =	vld [tilespmem:s24+$0x2070];
	v5 =	vmax.f32 v5, v23  }
0x8f: {  	v5 =	vmax.f32 v5, v10  }
0x90: {  	v5 =	vmax.f32 v5, v20  }
0x91: {  	v5 =	vmax.f32 v5, v17  }
0x92: {  	v5 =	vmax.f32 v5, v27  }
0x93: {  	v5 =	vmax.f32 v5, v28  }
0x94: {  	v6 =	vperm.xlane v5, v0  }
0x95: {  	s22 =	simm.s32 $0x80  }
0x96: {  	v13 =	vld [tilespmem:s22+$0x2000];
	v5 =	vmax.f32 v5, v6  }
0x97: {  	v11 =	vld [tilespmem:s22+$0x2010];
	v8 =	vperm.xlane v5, v1  }
0x98: {  	v6 =	vld [tilespmem:s22+$0x2020]  }
0x99: {  	v9 =	vld [tilespmem:s22+$0x2030];
	v5 =	vmax.f32 v5, v8  }
0x9a: {  	v15 =	vld [tilespmem:s22+$0x2040];
	v12 =	vperm.xlane v5, v2  }
0x9b: {  	v18 =	vld [tilespmem:s22+$0x2050];
	v8 =	vsel vm1, $0xFF800000, v13  }
0x9c: {  	v19 =	vld [tilespmem:s22+$0x2060];
	v8 =	vmax.f32 v8, v11;
	v5 =	vmax.f32 v5, v12  }
0x9d: {  	v14 =	vld [tilespmem:s22+$0x2070];
	v8 =	vmax.f32 v8, v6;
	v12 =	vperm.xlane v5, v4  }
0x9e: {  	v8 =	vmax.f32 v8, v9  }
0x9f: {  	v8 =	vmax.f32 v8, v15;
	v5 =	vmax.f32 v5, v12  }
0xa0: {  	v8 =	vmax.f32 v8, v18;
	v30 =	vmul.f32 $1.270000000e+02, v5  }
0xa1: {  	s23 =	simm.s32 $0x100;
	v16 =	vadd.f32 $9.999899860e-01, v7;
	v8 =	vmax.f32 v8, v19;
	v29 =	vsub.f32 $9.999899860e-01, v5  }
0xa2: {  	v26 =	vadd.f32 $9.999899860e-01, v13;
	v12 =	vld [tilespmem:s23+$0x2000];
	v21 =	vmax.f32 v8, v14;
	v25 =	vadd.f32 $9.999999740e-06, v30  }
0xa3: {  	v8 =	vld [tilespmem:s23+$0x2010];
	v24 =	vperm.xlane v21, v0;
	v52 =	vadd.f32 v29, v7;
	v7 =	vadd.f32 v29, v17  }
0xa4: {  	v16 =	vmax.f32 v16, $0.0e+00;
	v5 =	vld [tilespmem:s23+$0x2020];
	v53 =	vadd.f32 v29, v10;
	v10 =	vadd.f32 v29, v20  }
0xa5: {  	v31 =	vmax.f32 v21, v24;
	v24 =	vadd.f32 $1.000000000e+00, v16;
	v16 =	vld [tilespmem:s23+$0x2030];
	(erf) = vrcp.f32 v25  }
0xa6: {  	v17 =	vld [tilespmem:s23+$0x2040];
	v56 =	vadd.f32 v29, v27;
	v22 =	vadd.f32 v29, v22  }
0xa7: {  	v20 =	vld [tilespmem:s23+$0x2050];
	v21 =	vmax.f32 v26, $0.0e+00;
	v26 =	vsel vm1, $0xFF800000, v12;
	v54 =	vperm.xlane v31, v1  }
0xa8: {  	v60 =	vadd.f32 v29, v28;
	v25 =	vmax.f32 v7, $0.0e+00;
	v7 =	vld [tilespmem:s23+$0x2060];
	v55 =	vmax.f32 v26, v8  }
0xa9: {  	v26 =	vmax.f32 v10, $0.0e+00;
	v10 =	vld [tilespmem:s23+$0x2070];
	v27 =	vmax.f32 v55, v5;
	v31 =	vmax.f32 v31, v54  }
0xaa: {  	v37 =	vmax.f32 v22, $0.0e+00;
	v58 =	vperm.xlane v31, v2;
	v57 =	vmax.f32 v27, v16  }
0xab: {  	v22 =	vadd.f32 v29, v23;
	v29 =	vmax.f32 v56, $0.0e+00;
	v59 =	vmax.f32 v57, v17  }
0xac: {  	v33 =	vmax.f32 v52, $0.0e+00;
	v31 =	vmax.f32 v31, v58;
	v23 =	vmax.f32 v59, v20  }
0xad: {  	v24 =	vmul.f32 $9.999999740e-06, v24;
	v61 =	vperm.xlane v31, v4;
	v23 =	vmax.f32 v23, v7  }
0xae: {  	v32 =	vmax.f32 v22, $0.0e+00;
	v27 =	vmax.f32 v53, $0.0e+00;
	v62 =	vmax.f32 v23, v10;
	v28 =	vpop (erf)  }
0xaf: {  	v23 =	vmax.f32 v31, v61;
	v63 =	vperm.xlane v62, v0;
	v28 =	vmul.f32 v28, v30  }
0xb0: {  	v22 =	vmul.f32 $1.270000000e+02, v23;
	v23 =	vsub.f32 $9.999899860e-01, v23;
	v30 =	vmax.f32 v60, $0.0e+00  }
0xb1: {  	s6 =	simm.s32 $0x600;
	v31 =	vmax.f32 v62, v63;
	v34 =	vmul.f32 v28, v33;
	v33 =	vmul.f32 v28, v37  }
.LBB2_4:
0xb2: {  	s17 =	sshra.s32 s6, $0x2;
	p0 =	sne.s32 s6, $0x7E00;
	s6 =	sadd.s32 $0x200, s6;
	v35 =	vadd.f32 $9.999999740e-06, v22;
	v32 =	vmul.f32 v28, v32;
	v27 =	vmul.f32 v28, v27  }
0xb3: {  	v26 =	vmul.f32 v28, v26;
	v25 =	vmul.f32 v28, v25;
	v36 =	vld [tilespmem:s17+$0x2000];
	v24 =	vsel vm0, v24, v34;
	[tilespmem:s24+$0xA010] =	vst v33  }
0xb4: {  	v29 =	vmul.f32 v28, v29;
	v34 =	vadd.f32 $9.999899860e-01, v12;
	v33 =	vld [tilespmem:s17+$0x2010];
	(erf) = vrcp.f32 v35;
	[tilespmem:s24+$0xA000] =	vst v24  }
0xb5: {  	v28 =	vmul.f32 v28, v30;
	v24 =	vadd.f32 $1.000000000e+00, v21;
	v35 =	vld [tilespmem:s17+$0x2020];
	[tilespmem:s24+$0xA050] =	vst v25  }
0xb6: {  	v41 =	vadd.f32 v23, v18;
	v21 =	vmax.f32 v34, $0.0e+00;
	v34 =	vadd.f32 v23, v13;
	v13 =	vmovc v12;
	v30 =	vld [tilespmem:s17+$0x2030];
	[tilespmem:s24+$0xA020] =	vst v32  }
0xb7: {  	v37 =	vadd.f32 v23, v9;
	v38 =	vadd.f32 v23, v15;
	v9 =	vmovc v16;
	v24 =	vmul.f32 $9.999999740e-06, v24;
	v32 =	vld [tilespmem:s17+$0x2040];
	[tilespmem:s24+$0xA040] =	vst v26  }
0xb8: {  	v40 =	vperm.xlane v31, v1;
	v15 =	vmovc v17;
	v25 =	vmax.f32 v41, $0.0e+00;
	v39 =	vld [tilespmem:s17+$0x2050];
	v16 =	vsel vm1, $0xFF800000, v36;
	[tilespmem:s24+$0xA070] =	vst v28;
	v12 =	vmovc v36  }
0xb9: {  	v17 =	vadd.f32 v23, v19;
	v18 =	vmovc v20;
	v26 =	vmax.f32 v38, $0.0e+00;
	v36 =	vld [tilespmem:s17+$0x2060];
	v16 =	vmax.f32 v16, v33;
	[tilespmem:s24+$0xA030] =	vst v27  }
0xba: {  	v20 =	vadd.f32 v23, v11;
	v19 =	vmax.f32 v31, v40;
	v38 =	vld [tilespmem:s17+$0x2070];
	v16 =	vmax.f32 v16, v35;
	[tilespmem:s24+$0xA060] =	vst v29;
	s24 =	smov.u32 s22;
	s22 =	smov.u32 s23;
	s23 =	smov.u32 s17  }
0xbb: {  	v11 =	vmovc v8;
	v28 =	vperm.xlane v19, v2;
	v27 =	vmax.f32 v37, $0.0e+00;
	v8 =	vmovc v33;
	v16 =	vmax.f32 v16, v30  }
0xbc: {  	v31 =	vadd.f32 v23, v6;
	v6 =	vmovc v5;
	v33 =	vmax.f32 v20, $0.0e+00;
	v5 =	vmovc v35;
	v42 =	vmax.f32 v16, v32  }
0xbd: {  	v41 =	vadd.f32 v23, v14;
	v35 =	vmax.f32 v19, v28;
	v37 =	vmax.f32 v42, v39;
	v19 =	vpop (erf)  }
.Ltmp1:
0xbe: {  	v29 =	vmax.f32 v17, $0.0e+00;
	v23 =	vperm.xlane v35, v4;
	v17 =	vmovc v32;
	v40 =	vmax.f32 v37, v36;
	v16 =	vmovc v30;
	(pc) =	sbr.rel @p0 .LBB2_4-.Ltmp1, $4  }
0xbf: {  	v20 =	vmovc v39;
	v28 =	vmul.f32 v19, v22;
	v30 =	vmax.f32 v41, $0.0e+00;
	v19 =	vmovc v7;
	v37 =	vmax.f32 v40, v38  }
0xc0: {  	v14 =	vmovc v10;
	v32 =	vmax.f32 v31, $0.0e+00;
	v23 =	vmax.f32 v35, v23;
	v7 =	vmovc v36;
	v39 =	vperm.xlane v37, v0  }
0xc1: {  	v34 =	vmax.f32 v34, $0.0e+00;
	v22 =	vmul.f32 $1.270000000e+02, v23;
	v23 =	vsub.f32 $9.999899860e-01, v23;
	v10 =	vmovc v38  }
0xc2: {  	v34 =	vmul.f32 v28, v34;
	v33 =	vmul.f32 v28, v33;
	v31 =	vmax.f32 v37, v39  }
0xc3: {  	v35 =	vperm.xlane v31, v1;
	_ =	sdelay $0x1  }
0xc4: {  	v31 =	vmax.f32 v31, v35  }
0xc5: {  	v47 =	vadd.f32 $9.999999740e-06, v22;
	v36 =	vperm.xlane v31, v2;
	_ =	sdelay $0x1  }
0xc6: {  	(erf) = vrcp.f32 v47;
	v31 =	vmax.f32 v31, v36  }
0xc7: {  	v48 =	vperm.xlane v31, v4;
	_ =	sdelay $0x1  }
0xc8: {  	v32 =	vmul.f32 v28, v32;
	v27 =	vmul.f32 v28, v27;
	v31 =	vmax.f32 v31, v48  }
0xc9: {  	v26 =	vmul.f32 v28, v26;
	v50 =	vadd.f32 $9.999899860e-01, v12;
	v49 =	vmul.f32 $1.270000000e+02, v31  }
0xca: {  	v25 =	vmul.f32 v28, v25;
	v21 =	vadd.f32 $1.000000000e+00, v21;
	v13 =	vadd.f32 v23, v13  }
0xcb: {  	v18 =	vadd.f32 v23, v18;
	v24 =	vsel vm0, v24, v34;
	[tilespmem:s24+$0xA010] =	vst v33;
	v51 =	vadd.f32 $9.999999740e-06, v49  }
0xcc: {  	v29 =	vmul.f32 v28, v29;
	v15 =	vadd.f32 v23, v15;
	v9 =	vadd.f32 v23, v9;
	[tilespmem:s24+$0xA000] =	vst v24  }
0xcd: {  	v11 =	vadd.f32 v23, v11;
	v19 =	vadd.f32 v23, v19;
	[tilespmem:s24+$0xA050] =	vst v25;
	(erf) = vrcp.f32 v51  }
0xce: {  	v6 =	vadd.f32 v23, v6;
	v14 =	vadd.f32 v23, v14;
	v24 =	vmul.f32 v28, v30;
	[tilespmem:s24+$0xA020] =	vst v32;
	v25 =	vpop (erf)  }
0xcf: {  	v28 =	vmax.f32 v50, $0.0e+00;
	v21 =	vmul.f32 $9.999999740e-06, v21;
	[tilespmem:s24+$0xA040] =	vst v26;
	v22 =	vmul.f32 v25, v22  }
0xd0: {  	v18 =	vmax.f32 v18, $0.0e+00;
	v11 =	vmax.f32 v11, $0.0e+00;
	v13 =	vmax.f32 v13, $0.0e+00;
	[tilespmem:s24+$0xA030] =	vst v27  }
0xd1: {  	v15 =	vmax.f32 v15, $0.0e+00;
	[tilespmem:s24+$0xA060] =	vst v29;
	v13 =	vmul.f32 v22, v13;
	v11 =	vmul.f32 v22, v11  }
0xd2: {  	v9 =	vmax.f32 v9, $0.0e+00;
	v19 =	vmax.f32 v19, $0.0e+00;
	v6 =	vmax.f32 v6, $0.0e+00;
	[tilespmem:s24+$0xA070] =	vst v24  }
0xd3: {  	v14 =	vmax.f32 v14, $0.0e+00;
	v13 =	vsel vm0, v21, v13;
	[tilespmem:s22+$0xA010] =	vst v11;
	v11 =	vmul.f32 v22, v18  }
0xd4: {  	v6 =	vmul.f32 v22, v6;
	v9 =	vmul.f32 v22, v9;
	v18 =	vsub.f32 $9.999899860e-01, v31;
	[tilespmem:s22+$0xA000] =	vst v13  }
0xd5: {  	v13 =	vmul.f32 v22, v15;
	v15 =	vadd.f32 $1.000000000e+00, v28;
	[tilespmem:s22+$0xA050] =	vst v11;
	v11 =	vmul.f32 v22, v14  }
0xd6: {  	[tilespmem:s22+$0xA020] =	vst v6;
	v12 =	vadd.f32 v18, v12;
	v6 =	vadd.f32 v18, v8;
	v14 =	vmul.f32 v22, v19;
	v8 =	vpop (erf)  }
0xd7: {  	v19 =	vadd.f32 v18, v20;
	v5 =	vadd.f32 v18, v5;
	[tilespmem:s22+$0xA040] =	vst v13;
	v8 =	vmul.f32 v8, v49  }
0xd8: {  	v13 =	vmul.f32 $9.999999740e-06, v15;
	[tilespmem:s22+$0xA070] =	vst v11;
	v6 =	vmax.f32 v6, $0.0e+00;
	v11 =	vmax.f32 v12, $0.0e+00  }
0xd9: {  	[tilespmem:s22+$0xA030] =	vst v9;
	v5 =	vmax.f32 v5, $0.0e+00;
	v9 =	vmul.f32 v8, v11;
	v6 =	vmul.f32 v8, v6  }
0xda: {  	v10 =	vadd.f32 v18, v10;
	[tilespmem:s22+$0xA060] =	vst v14;
	v11 =	vadd.f32 v18, v17;
	v5 =	vmul.f32 v8, v5  }
0xdb: {  	v7 =	vadd.f32 v18, v7;
	v12 =	vmax.f32 v19, $0.0e+00;
	v9 =	vsel vm0, v13, v9;
	[tilespmem:s23+$0xA010] =	vst v6  }
0xdc: {  	v6 =	vmul.f32 v8, v12;
	v12 =	vadd.f32 v18, v16;
	v11 =	vmax.f32 v11, $0.0e+00;
	[tilespmem:s23+$0xA020] =	vst v5  }
0xdd: {  	v5 =	vmax.f32 v7, $0.0e+00;
	[tilespmem:s23+$0xA000] =	vst v9;
	v9 =	vmax.f32 v10, $0.0e+00;
	v10 =	vmul.f32 v8, v11  }
0xde: {  	v5 =	vmul.f32 v8, v5;
	[tilespmem:s23+$0xA050] =	vst v6  }
0xdf: {  	v6 =	vmax.f32 v12, $0.0e+00;
	v9 =	vmul.f32 v8, v9;
	[tilespmem:s23+$0xA040] =	vst v10  }
0xe0: {  	v6 =	vmul.f32 v8, v6;
	[tilespmem:s23+$0xA060] =	vst v5  }
0xe1: {  	[tilespmem:s23+$0xA070] =	vst v9  }
0xe2: {  	s6 =	simm.s32 $0x0;
	s3 =	rddreg [dreg:$0x8];
	[tilespmem:s23+$0xA030] =	vst v6  }
0xe3: {  	[hbm4b:s3+s6] =	stream.linear.scatter [tilespmem:s7], [sflag:$0x6], $0x2000, $0x38;
	[tilespmem:$0x10000] =	vst v63  }
0xe4: {  	s26 =	rddreg [dreg:$0x9]  }
0xe5: {  	[tilespmem:s28], [sflag:$0x2] =	stream.linear.gather [hbm4b:s26+s6], $0x2000, $0x38;
	[tilespmem:$0x10000] =	vst v63  }
0xe6: {  	_ =	swait.ge [sflag:s8], $0x2000  }
0xe7: {  	[sflag:s8] =	ssyncset.done $0x0  }
0xe8: {  	s24 =	simm.s32 $0x0;
	[sflag:s8] =	ssyncadd.s32 $0xFFFFE000  }
0xe9: {  	v7 =	vld [tilespmem:s24+$0x4000]  }
0xea: {  	v22 =	vld [tilespmem:s24+$0x4010]  }
0xeb: {  	v23 =	vld [tilespmem:s24+$0x4020]  }
0xec: {  	v10 =	vld [tilespmem:s24+$0x4030]  }
0xed: {  	vm1 =	veq.s32 v3, $0x0;
	v20 =	vld [tilespmem:s24+$0x4040]  }
0xee: {  	v17 =	vld [tilespmem:s24+$0x4050];
	v5 =	vsel vm1, $0xFF800000, v7  }
0xef: {  	v27 =	vld [tilespmem:s24+$0x4060];
	v5 =	vmax.f32 v5, v22  }
0xf0: {  	v28 =	vld [tilespmem:s24+$0x4070];
	v5 =	vmax.f32 v5, v23  }
0xf1: {  	v5 =	vmax.f32 v5, v10  }
0xf2: {  	v5 =	vmax.f32 v5, v20  }
0xf3: {  	v5 =	vmax.f32 v5, v17  }
0xf4: {  	v5 =	vmax.f32 v5, v27  }
0xf5: {  	v5 =	vmax.f32 v5, v28  }
0xf6: {  	v6 =	vperm.xlane v5, v0  }
0xf7: {  	s22 =	simm.s32 $0x80  }
0xf8: {  	v13 =	vld [tilespmem:s22+$0x4000];
	v5 =	vmax.f32 v5, v6  }
0xf9: {  	v11 =	vld [tilespmem:s22+$0x4010];
	v8 =	vperm.xlane v5, v1  }
0xfa: {  	v6 =	vld [tilespmem:s22+$0x4020]  }
0xfb: {  	v9 =	vld [tilespmem:s22+$0x4030];
	v5 =	vmax.f32 v5, v8  }
0xfc: {  	v15 =	vld [tilespmem:s22+$0x4040];
	v12 =	vperm.xlane v5, v2  }
0xfd: {  	v18 =	vld [tilespmem:s22+$0x4050];
	v8 =	vsel vm1, $0xFF800000, v13  }
0xfe: {  	v19 =	vld [tilespmem:s22+$0x4060];
	v8 =	vmax.f32 v8, v11;
	v5 =	vmax.f32 v5, v12  }
0xff: {  	v14 =	vld [tilespmem:s22+$0x4070];
	v8 =	vmax.f32 v8, v6;
	v12 =	vperm.xlane v5, v4  }
0x100: {  	v8 =	vmax.f32 v8, v9  }
0x101: {  	v8 =	vmax.f32 v8, v15;
	v5 =	vmax.f32 v5, v12  }
0x102: {  	v8 =	vmax.f32 v8, v18;
	v30 =	vmul.f32 $1.270000000e+02, v5  }
0x103: {  	s23 =	simm.s32 $0x100;
	v16 =	vadd.f32 $9.999899860e-01, v7;
	v8 =	vmax.f32 v8, v19;
	v29 =	vsub.f32 $9.999899860e-01, v5  }
0x104: {  	v26 =	vadd.f32 $9.999899860e-01, v13;
	v12 =	vld [tilespmem:s23+$0x4000];
	v21 =	vmax.f32 v8, v14;
	v25 =	vadd.f32 $9.999999740e-06, v30  }
0x105: {  	v8 =	vld [tilespmem:s23+$0x4010];
	v24 =	vperm.xlane v21, v0;
	v52 =	vadd.f32 v29, v7;
	v7 =	vadd.f32 v29, v17  }
0x106: {  	v16 =	vmax.f32 v16, $0.0e+00;
	v5 =	vld [tilespmem:s23+$0x4020];
	v53 =	vadd.f32 v29, v10;
	v10 =	vadd.f32 v29, v20  }
0x107: {  	v31 =	vmax.f32 v21, v24;
	v24 =	vadd.f32 $1.000000000e+00, v16;
	v16 =	vld [tilespmem:s23+$0x4030];
	(erf) = vrcp.f32 v25  }
0x108: {  	v17 =	vld [tilespmem:s23+$0x4040];
	v56 =	vadd.f32 v29, v27;
	v22 =	vadd.f32 v29, v22  }
0x109: {  	v20 =	vld [tilespmem:s23+$0x4050];
	v21 =	vmax.f32 v26, $0.0e+00;
	v26 =	vsel vm1, $0xFF800000, v12;
	v54 =	vperm.xlane v31, v1  }
0x10a: {  	v60 =	vadd.f32 v29, v28;
	v25 =	vmax.f32 v7, $0.0e+00;
	v7 =	vld [tilespmem:s23+$0x4060];
	v55 =	vmax.f32 v26, v8  }
0x10b: {  	v26 =	vmax.f32 v10, $0.0e+00;
	v10 =	vld [tilespmem:s23+$0x4070];
	v27 =	vmax.f32 v55, v5;
	v31 =	vmax.f32 v31, v54  }
0x10c: {  	v37 =	vmax.f32 v22, $0.0e+00;
	v58 =	vperm.xlane v31, v2;
	v57 =	vmax.f32 v27, v16  }
0x10d: {  	v22 =	vadd.f32 v29, v23;
	v29 =	vmax.f32 v56, $0.0e+00;
	v59 =	vmax.f32 v57, v17  }
0x10e: {  	v33 =	vmax.f32 v52, $0.0e+00;
	v31 =	vmax.f32 v31, v58;
	v23 =	vmax.f32 v59, v20  }
0x10f: {  	v24 =	vmul.f32 $9.999999740e-06, v24;
	v61 =	vperm.xlane v31, v4;
	v23 =	vmax.f32 v23, v7  }
0x110: {  	v32 =	vmax.f32 v22, $0.0e+00;
	v27 =	vmax.f32 v53, $0.0e+00;
	v62 =	vmax.f32 v23, v10;
	v28 =	vpop (erf)  }
0x111: {  	v23 =	vmax.f32 v31, v61;
	v63 =	vperm.xlane v62, v0;
	v28 =	vmul.f32 v28, v30  }
0x112: {  	v22 =	vmul.f32 $1.270000000e+02, v23;
	v23 =	vsub.f32 $9.999899860e-01, v23;
	v30 =	vmax.f32 v60, $0.0e+00  }
0x113: {  	s6 =	simm.s32 $0x600;
	v31 =	vmax.f32 v62, v63;
	v34 =	vmul.f32 v28, v33;
	v33 =	vmul.f32 v28, v37  }
.LBB2_6:
0x114: {  	s17 =	sshra.s32 s6, $0x2;
	p0 =	sne.s32 s6, $0x7E00;
	s6 =	sadd.s32 $0x200, s6;
	v35 =	vadd.f32 $9.999999740e-06, v22;
	v32 =	vmul.f32 v28, v32;
	v27 =	vmul.f32 v28, v27  }
0x115: {  	v26 =	vmul.f32 v28, v26;
	v25 =	vmul.f32 v28, v25;
	v36 =	vld [tilespmem:s17+$0x4000];
	v24 =	vsel vm0, v24, v34;
	[tilespmem:s24+$0xC010] =	vst v33  }
0x116: {  	v29 =	vmul.f32 v28, v29;
	v34 =	vadd.f32 $9.999899860e-01, v12;
	v33 =	vld [tilespmem:s17+$0x4010];
	(erf) = vrcp.f32 v35;
	[tilespmem:s24+$0xC000] =	vst v24  }
0x117: {  	v28 =	vmul.f32 v28, v30;
	v24 =	vadd.f32 $1.000000000e+00, v21;
	v35 =	vld [tilespmem:s17+$0x4020];
	[tilespmem:s24+$0xC050] =	vst v25  }
0x118: {  	v41 =	vadd.f32 v23, v18;
	v21 =	vmax.f32 v34, $0.0e+00;
	v34 =	vadd.f32 v23, v13;
	v13 =	vmovc v12;
	v30 =	vld [tilespmem:s17+$0x4030];
	[tilespmem:s24+$0xC020] =	vst v32  }
0x119: {  	v37 =	vadd.f32 v23, v9;
	v38 =	vadd.f32 v23, v15;
	v9 =	vmovc v16;
	v24 =	vmul.f32 $9.999999740e-06, v24;
	v32 =	vld [tilespmem:s17+$0x4040];
	[tilespmem:s24+$0xC040] =	vst v26  }
0x11a: {  	v40 =	vperm.xlane v31, v1;
	v15 =	vmovc v17;
	v25 =	vmax.f32 v41, $0.0e+00;
	v39 =	vld [tilespmem:s17+$0x4050];
	v16 =	vsel vm1, $0xFF800000, v36;
	[tilespmem:s24+$0xC070] =	vst v28;
	v12 =	vmovc v36  }
0x11b: {  	v17 =	vadd.f32 v23, v19;
	v18 =	vmovc v20;
	v26 =	vmax.f32 v38, $0.0e+00;
	v36 =	vld [tilespmem:s17+$0x4060];
	v16 =	vmax.f32 v16, v33;
	[tilespmem:s24+$0xC030] =	vst v27  }
0x11c: {  	v20 =	vadd.f32 v23, v11;
	v19 =	vmax.f32 v31, v40;
	v38 =	vld [tilespmem:s17+$0x4070];
	v16 =	vmax.f32 v16, v35;
	[tilespmem:s24+$0xC060] =	vst v29;
	s24 =	smov.u32 s22;
	s22 =	smov.u32 s23;
	s23 =	smov.u32 s17  }
0x11d: {  	v11 =	vmovc v8;
	v28 =	vperm.xlane v19, v2;
	v27 =	vmax.f32 v37, $0.0e+00;
	v8 =	vmovc v33;
	v16 =	vmax.f32 v16, v30  }
0x11e: {  	v31 =	vadd.f32 v23, v6;
	v6 =	vmovc v5;
	v33 =	vmax.f32 v20, $0.0e+00;
	v5 =	vmovc v35;
	v42 =	vmax.f32 v16, v32  }
0x11f: {  	v41 =	vadd.f32 v23, v14;
	v35 =	vmax.f32 v19, v28;
	v37 =	vmax.f32 v42, v39;
	v19 =	vpop (erf)  }
.Ltmp2:
0x120: {  	v29 =	vmax.f32 v17, $0.0e+00;
	v23 =	vperm.xlane v35, v4;
	v17 =	vmovc v32;
	v40 =	vmax.f32 v37, v36;
	v16 =	vmovc v30;
	(pc) =	sbr.rel @p0 .LBB2_6-.Ltmp2, $4  }
0x121: {  	v20 =	vmovc v39;
	v28 =	vmul.f32 v19, v22;
	v30 =	vmax.f32 v41, $0.0e+00;
	v19 =	vmovc v7;
	v37 =	vmax.f32 v40, v38  }
0x122: {  	v14 =	vmovc v10;
	v32 =	vmax.f32 v31, $0.0e+00;
	v23 =	vmax.f32 v35, v23;
	v7 =	vmovc v36;
	v39 =	vperm.xlane v37, v0  }
0x123: {  	v34 =	vmax.f32 v34, $0.0e+00;
	v22 =	vmul.f32 $1.270000000e+02, v23;
	v23 =	vsub.f32 $9.999899860e-01, v23;
	v10 =	vmovc v38  }
0x124: {  	v34 =	vmul.f32 v28, v34;
	v33 =	vmul.f32 v28, v33;
	v31 =	vmax.f32 v37, v39  }
0x125: {  	v35 =	vperm.xlane v31, v1;
	_ =	sdelay $0x1  }
0x126: {  	v31 =	vmax.f32 v31, v35  }
0x127: {  	v47 =	vadd.f32 $9.999999740e-06, v22;
	v36 =	vperm.xlane v31, v2;
	_ =	sdelay $0x1  }
0x128: {  	(erf) = vrcp.f32 v47;
	v31 =	vmax.f32 v31, v36  }
0x129: {  	v48 =	vperm.xlane v31, v4;
	_ =	sdelay $0x1  }
0x12a: {  	v32 =	vmul.f32 v28, v32;
	v27 =	vmul.f32 v28, v27;
	v31 =	vmax.f32 v31, v48  }
0x12b: {  	v26 =	vmul.f32 v28, v26;
	v50 =	vadd.f32 $9.999899860e-01, v12;
	v49 =	vmul.f32 $1.270000000e+02, v31  }
0x12c: {  	v25 =	vmul.f32 v28, v25;
	v21 =	vadd.f32 $1.000000000e+00, v21;
	v13 =	vadd.f32 v23, v13  }
0x12d: {  	v18 =	vadd.f32 v23, v18;
	v24 =	vsel vm0, v24, v34;
	[tilespmem:s24+$0xC010] =	vst v33;
	v51 =	vadd.f32 $9.999999740e-06, v49  }
0x12e: {  	v29 =	vmul.f32 v28, v29;
	v15 =	vadd.f32 v23, v15;
	v9 =	vadd.f32 v23, v9;
	[tilespmem:s24+$0xC000] =	vst v24  }
0x12f: {  	v11 =	vadd.f32 v23, v11;
	v19 =	vadd.f32 v23, v19;
	[tilespmem:s24+$0xC050] =	vst v25;
	(erf) = vrcp.f32 v51  }
0x130: {  	v6 =	vadd.f32 v23, v6;
	v14 =	vadd.f32 v23, v14;
	v24 =	vmul.f32 v28, v30;
	[tilespmem:s24+$0xC020] =	vst v32;
	v25 =	vpop (erf)  }
0x131: {  	v28 =	vmax.f32 v50, $0.0e+00;
	v21 =	vmul.f32 $9.999999740e-06, v21;
	[tilespmem:s24+$0xC040] =	vst v26;
	v22 =	vmul.f32 v25, v22  }
0x132: {  	v18 =	vmax.f32 v18, $0.0e+00;
	v11 =	vmax.f32 v11, $0.0e+00;
	v13 =	vmax.f32 v13, $0.0e+00;
	[tilespmem:s24+$0xC030] =	vst v27  }
0x133: {  	v15 =	vmax.f32 v15, $0.0e+00;
	[tilespmem:s24+$0xC060] =	vst v29;
	v13 =	vmul.f32 v22, v13;
	v11 =	vmul.f32 v22, v11  }
0x134: {  	v9 =	vmax.f32 v9, $0.0e+00;
	v19 =	vmax.f32 v19, $0.0e+00;
	v6 =	vmax.f32 v6, $0.0e+00;
	[tilespmem:s24+$0xC070] =	vst v24  }
0x135: {  	v14 =	vmax.f32 v14, $0.0e+00;
	v13 =	vsel vm0, v21, v13;
	[tilespmem:s22+$0xC010] =	vst v11;
	v11 =	vmul.f32 v22, v18  }
0x136: {  	v6 =	vmul.f32 v22, v6;
	v9 =	vmul.f32 v22, v9;
	v18 =	vsub.f32 $9.999899860e-01, v31;
	[tilespmem:s22+$0xC000] =	vst v13  }
0x137: {  	v13 =	vmul.f32 v22, v15;
	v15 =	vadd.f32 $1.000000000e+00, v28;
	[tilespmem:s22+$0xC050] =	vst v11;
	v11 =	vmul.f32 v22, v14  }
0x138: {  	[tilespmem:s22+$0xC020] =	vst v6;
	v12 =	vadd.f32 v18, v12;
	v6 =	vadd.f32 v18, v8;
	v14 =	vmul.f32 v22, v19;
	v8 =	vpop (erf)  }
0x139: {  	v19 =	vadd.f32 v18, v20;
	v5 =	vadd.f32 v18, v5;
	[tilespmem:s22+$0xC040] =	vst v13;
	v8 =	vmul.f32 v8, v49  }
0x13a: {  	v13 =	vmul.f32 $9.999999740e-06, v15;
	[tilespmem:s22+$0xC070] =	vst v11;
	v6 =	vmax.f32 v6, $0.0e+00;
	v11 =	vmax.f32 v12, $0.0e+00  }
0x13b: {  	[tilespmem:s22+$0xC030] =	vst v9;
	v5 =	vmax.f32 v5, $0.0e+00;
	v9 =	vmul.f32 v8, v11;
	v6 =	vmul.f32 v8, v6  }
0x13c: {  	v10 =	vadd.f32 v18, v10;
	[tilespmem:s22+$0xC060] =	vst v14;
	v11 =	vadd.f32 v18, v17;
	v5 =	vmul.f32 v8, v5  }
0x13d: {  	v7 =	vadd.f32 v18, v7;
	v12 =	vmax.f32 v19, $0.0e+00;
	v9 =	vsel vm0, v13, v9;
	[tilespmem:s23+$0xC010] =	vst v6  }
0x13e: {  	v6 =	vmul.f32 v8, v12;
	v12 =	vadd.f32 v18, v16;
	v11 =	vmax.f32 v11, $0.0e+00;
	[tilespmem:s23+$0xC020] =	vst v5  }
0x13f: {  	v5 =	vmax.f32 v7, $0.0e+00;
	[tilespmem:s23+$0xC000] =	vst v9;
	v9 =	vmax.f32 v10, $0.0e+00;
	v10 =	vmul.f32 v8, v11  }
0x140: {  	v5 =	vmul.f32 v8, v5;
	[tilespmem:s23+$0xC050] =	vst v6  }
0x141: {  	v6 =	vmax.f32 v12, $0.0e+00;
	v9 =	vmul.f32 v8, v9;
	[tilespmem:s23+$0xC040] =	vst v10  }
0x142: {  	v6 =	vmul.f32 v8, v6;
	[tilespmem:s23+$0xC060] =	vst v5  }
0x143: {  	[tilespmem:s23+$0xC070] =	vst v9  }
0x144: {  	s6 =	simm.s32 $0x0;
	s3 =	rddreg [dreg:$0xa];
	[tilespmem:s23+$0xC030] =	vst v6  }
0x145: {  	[hbm4b:s3+s6] =	stream.linear.scatter [tilespmem:s9], [sflag:$0x7], $0x2000, $0x38;
	[tilespmem:$0x10000] =	vst v63  }
0x146: {  	s26 =	rddreg [dreg:$0xb]  }
0x147: {  	[tilespmem:s29], [sflag:$0x3] =	stream.linear.gather [hbm4b:s26+s6], $0x2000, $0x38;
	[tilespmem:$0x10000] =	vst v63  }
0x148: {  	_ =	swait.ge [sflag:s11], $0x2000  }
0x149: {  	[sflag:s11] =	ssyncset.done $0x0  }
0x14a: {  	s24 =	simm.s32 $0x0;
	[sflag:s11] =	ssyncadd.s32 $0xFFFFE000  }
0x14b: {  	v7 =	vld [tilespmem:s24+$0x6000]  }
0x14c: {  	v22 =	vld [tilespmem:s24+$0x6010]  }
0x14d: {  	v23 =	vld [tilespmem:s24+$0x6020]  }
0x14e: {  	v10 =	vld [tilespmem:s24+$0x6030]  }
0x14f: {  	vm1 =	veq.s32 v3, $0x0;
	v20 =	vld [tilespmem:s24+$0x6040]  }
0x150: {  	v17 =	vld [tilespmem:s24+$0x6050];
	v5 =	vsel vm1, $0xFF800000, v7  }
0x151: {  	v27 =	vld [tilespmem:s24+$0x6060];
	v5 =	vmax.f32 v5, v22  }
0x152: {  	v28 =	vld [tilespmem:s24+$0x6070];
	v5 =	vmax.f32 v5, v23  }
0x153: {  	v5 =	vmax.f32 v5, v10  }
0x154: {  	v5 =	vmax.f32 v5, v20  }
0x155: {  	v5 =	vmax.f32 v5, v17  }
0x156: {  	v5 =	vmax.f32 v5, v27  }
0x157: {  	v5 =	vmax.f32 v5, v28  }
0x158: {  	v6 =	vperm.xlane v5, v0  }
0x159: {  	s22 =	simm.s32 $0x80  }
0x15a: {  	v13 =	vld [tilespmem:s22+$0x6000];
	v5 =	vmax.f32 v5, v6  }
0x15b: {  	v11 =	vld [tilespmem:s22+$0x6010];
	v8 =	vperm.xlane v5, v1  }
0x15c: {  	v6 =	vld [tilespmem:s22+$0x6020]  }
0x15d: {  	v9 =	vld [tilespmem:s22+$0x6030];
	v5 =	vmax.f32 v5, v8  }
0x15e: {  	v15 =	vld [tilespmem:s22+$0x6040];
	v12 =	vperm.xlane v5, v2  }
0x15f: {  	v18 =	vld [tilespmem:s22+$0x6050];
	v8 =	vsel vm1, $0xFF800000, v13  }
0x160: {  	v19 =	vld [tilespmem:s22+$0x6060];
	v8 =	vmax.f32 v8, v11;
	v5 =	vmax.f32 v5, v12  }
0x161: {  	v14 =	vld [tilespmem:s22+$0x6070];
	v8 =	vmax.f32 v8, v6;
	v12 =	vperm.xlane v5, v4  }
0x162: {  	v8 =	vmax.f32 v8, v9  }
0x163: {  	v8 =	vmax.f32 v8, v15;
	v5 =	vmax.f32 v5, v12  }
0x164: {  	v8 =	vmax.f32 v8, v18;
	v30 =	vmul.f32 $1.270000000e+02, v5  }
0x165: {  	s23 =	simm.s32 $0x100;
	v16 =	vadd.f32 $9.999899860e-01, v7;
	v8 =	vmax.f32 v8, v19;
	v29 =	vsub.f32 $9.999899860e-01, v5  }
0x166: {  	v26 =	vadd.f32 $9.999899860e-01, v13;
	v12 =	vld [tilespmem:s23+$0x6000];
	v21 =	vmax.f32 v8, v14;
	v25 =	vadd.f32 $9.999999740e-06, v30  }
0x167: {  	v8 =	vld [tilespmem:s23+$0x6010];
	v24 =	vperm.xlane v21, v0;
	v52 =	vadd.f32 v29, v7;
	v7 =	vadd.f32 v29, v17  }
0x168: {  	v16 =	vmax.f32 v16, $0.0e+00;
	v5 =	vld [tilespmem:s23+$0x6020];
	v53 =	vadd.f32 v29, v10;
	v10 =	vadd.f32 v29, v20  }
0x169: {  	v31 =	vmax.f32 v21, v24;
	v24 =	vadd.f32 $1.000000000e+00, v16;
	v16 =	vld [tilespmem:s23+$0x6030];
	(erf) = vrcp.f32 v25  }
0x16a: {  	v17 =	vld [tilespmem:s23+$0x6040];
	v56 =	vadd.f32 v29, v27;
	v22 =	vadd.f32 v29, v22  }
0x16b: {  	v20 =	vld [tilespmem:s23+$0x6050];
	v21 =	vmax.f32 v26, $0.0e+00;
	v26 =	vsel vm1, $0xFF800000, v12;
	v54 =	vperm.xlane v31, v1  }
0x16c: {  	v60 =	vadd.f32 v29, v28;
	v25 =	vmax.f32 v7, $0.0e+00;
	v7 =	vld [tilespmem:s23+$0x6060];
	v55 =	vmax.f32 v26, v8  }
0x16d: {  	v26 =	vmax.f32 v10, $0.0e+00;
	v10 =	vld [tilespmem:s23+$0x6070];
	v27 =	vmax.f32 v55, v5;
	v31 =	vmax.f32 v31, v54  }
0x16e: {  	v37 =	vmax.f32 v22, $0.0e+00;
	v58 =	vperm.xlane v31, v2;
	v57 =	vmax.f32 v27, v16  }
0x16f: {  	v22 =	vadd.f32 v29, v23;
	v29 =	vmax.f32 v56, $0.0e+00;
	v59 =	vmax.f32 v57, v17  }
0x170: {  	v33 =	vmax.f32 v52, $0.0e+00;
	v31 =	vmax.f32 v31, v58;
	v23 =	vmax.f32 v59, v20  }
0x171: {  	v24 =	vmul.f32 $9.999999740e-06, v24;
	v61 =	vperm.xlane v31, v4;
	v23 =	vmax.f32 v23, v7  }
0x172: {  	v32 =	vmax.f32 v22, $0.0e+00;
	v27 =	vmax.f32 v53, $0.0e+00;
	v62 =	vmax.f32 v23, v10;
	v28 =	vpop (erf)  }
0x173: {  	v23 =	vmax.f32 v31, v61;
	v63 =	vperm.xlane v62, v0;
	v28 =	vmul.f32 v28, v30  }
0x174: {  	v22 =	vmul.f32 $1.270000000e+02, v23;
	v23 =	vsub.f32 $9.999899860e-01, v23;
	v30 =	vmax.f32 v60, $0.0e+00  }
0x175: {  	s6 =	simm.s32 $0x600;
	v31 =	vmax.f32 v62, v63;
	v34 =	vmul.f32 v28, v33;
	v33 =	vmul.f32 v28, v37  }
.LBB2_8:
0x176: {  	s17 =	sshra.s32 s6, $0x2;
	p0 =	sne.s32 s6, $0x7E00;
	s6 =	sadd.s32 $0x200, s6;
	v35 =	vadd.f32 $9.999999740e-06, v22;
	v32 =	vmul.f32 v28, v32;
	v27 =	vmul.f32 v28, v27  }
0x177: {  	v26 =	vmul.f32 v28, v26;
	v25 =	vmul.f32 v28, v25;
	v36 =	vld [tilespmem:s17+$0x6000];
	v24 =	vsel vm0, v24, v34;
	[tilespmem:s24+$0xE010] =	vst v33  }
0x178: {  	v29 =	vmul.f32 v28, v29;
	v34 =	vadd.f32 $9.999899860e-01, v12;
	v33 =	vld [tilespmem:s17+$0x6010];
	(erf) = vrcp.f32 v35;
	[tilespmem:s24+$0xE000] =	vst v24  }
0x179: {  	v28 =	vmul.f32 v28, v30;
	v24 =	vadd.f32 $1.000000000e+00, v21;
	v35 =	vld [tilespmem:s17+$0x6020];
	[tilespmem:s24+$0xE050] =	vst v25  }
0x17a: {  	v41 =	vadd.f32 v23, v18;
	v21 =	vmax.f32 v34, $0.0e+00;
	v34 =	vadd.f32 v23, v13;
	v13 =	vmovc v12;
	v30 =	vld [tilespmem:s17+$0x6030];
	[tilespmem:s24+$0xE020] =	vst v32  }
0x17b: {  	v37 =	vadd.f32 v23, v9;
	v38 =	vadd.f32 v23, v15;
	v9 =	vmovc v16;
	v24 =	vmul.f32 $9.999999740e-06, v24;
	v32 =	vld [tilespmem:s17+$0x6040];
	[tilespmem:s24+$0xE040] =	vst v26  }
0x17c: {  	v40 =	vperm.xlane v31, v1;
	v15 =	vmovc v17;
	v25 =	vmax.f32 v41, $0.0e+00;
	v39 =	vld [tilespmem:s17+$0x6050];
	v16 =	vsel vm1, $0xFF800000, v36;
	[tilespmem:s24+$0xE070] =	vst v28;
	v12 =	vmovc v36  }
0x17d: {  	v17 =	vadd.f32 v23, v19;
	v18 =	vmovc v20;
	v26 =	vmax.f32 v38, $0.0e+00;
	v36 =	vld [tilespmem:s17+$0x6060];
	v16 =	vmax.f32 v16, v33;
	[tilespmem:s24+$0xE030] =	vst v27  }
0x17e: {  	v20 =	vadd.f32 v23, v11;
	v19 =	vmax.f32 v31, v40;
	v38 =	vld [tilespmem:s17+$0x6070];
	v16 =	vmax.f32 v16, v35;
	[tilespmem:s24+$0xE060] =	vst v29;
	s24 =	smov.u32 s22;
	s22 =	smov.u32 s23;
	s23 =	smov.u32 s17  }
0x17f: {  	v11 =	vmovc v8;
	v28 =	vperm.xlane v19, v2;
	v27 =	vmax.f32 v37, $0.0e+00;
	v8 =	vmovc v33;
	v16 =	vmax.f32 v16, v30  }
0x180: {  	v31 =	vadd.f32 v23, v6;
	v6 =	vmovc v5;
	v33 =	vmax.f32 v20, $0.0e+00;
	v5 =	vmovc v35;
	v42 =	vmax.f32 v16, v32  }
0x181: {  	v41 =	vadd.f32 v23, v14;
	v35 =	vmax.f32 v19, v28;
	v37 =	vmax.f32 v42, v39;
	v19 =	vpop (erf)  }
.Ltmp3:
0x182: {  	v29 =	vmax.f32 v17, $0.0e+00;
	v23 =	vperm.xlane v35, v4;
	v17 =	vmovc v32;
	v40 =	vmax.f32 v37, v36;
	v16 =	vmovc v30;
	(pc) =	sbr.rel @p0 .LBB2_8-.Ltmp3, $4  }
0x183: {  	v20 =	vmovc v39;
	v28 =	vmul.f32 v19, v22;
	v30 =	vmax.f32 v41, $0.0e+00;
	v19 =	vmovc v7;
	v37 =	vmax.f32 v40, v38  }
0x184: {  	v14 =	vmovc v10;
	v32 =	vmax.f32 v31, $0.0e+00;
	v23 =	vmax.f32 v35, v23;
	v7 =	vmovc v36;
	v39 =	vperm.xlane v37, v0  }
0x185: {  	v34 =	vmax.f32 v34, $0.0e+00;
	v22 =	vmul.f32 $1.270000000e+02, v23;
	v23 =	vsub.f32 $9.999899860e-01, v23;
	v10 =	vmovc v38  }
0x186: {  	v34 =	vmul.f32 v28, v34;
	v33 =	vmul.f32 v28, v33;
	v31 =	vmax.f32 v37, v39  }
0x187: {  	v35 =	vperm.xlane v31, v1;
	_ =	sdelay $0x1  }
0x188: {  	v31 =	vmax.f32 v31, v35  }
0x189: {  	v63 =	vadd.f32 $9.999999740e-06, v22;
	v36 =	vperm.xlane v31, v2;
	_ =	sdelay $0x1  }
0x18a: {  	(erf) = vrcp.f32 v63;
	v31 =	vmax.f32 v31, v36  }
0x18b: {  	v39 =	vperm.xlane v31, v4;
	_ =	sdelay $0x1  }
0x18c: {  	v32 =	vmul.f32 v28, v32;
	v27 =	vmul.f32 v28, v27;
	v31 =	vmax.f32 v31, v39  }
0x18d: {  	v26 =	vmul.f32 v28, v26;
	v40 =	vmul.f32 $1.270000000e+02, v31  }
0x18e: {  	v25 =	vmul.f32 v28, v25;
	v41 =	vadd.f32 $9.999899860e-01, v12;
	v21 =	vadd.f32 $1.000000000e+00, v21  }
0x18f: {  	v13 =	vadd.f32 v23, v13;
	v24 =	vsel vm0, v24, v34;
	[tilespmem:s24+$0xE010] =	vst v33;
	v42 =	vadd.f32 $9.999999740e-06, v40  }
0x190: {  	v29 =	vmul.f32 v28, v29;
	v18 =	vadd.f32 v23, v18;
	v15 =	vadd.f32 v23, v15;
	[tilespmem:s24+$0xE000] =	vst v24  }
0x191: {  	v9 =	vadd.f32 v23, v9;
	v11 =	vadd.f32 v23, v11;
	[tilespmem:s24+$0xE050] =	vst v25;
	(erf) = vrcp.f32 v42  }
0x192: {  	v43 =	vmul.f32 v28, v30;
	v19 =	vadd.f32 v23, v19;
	v6 =	vadd.f32 v23, v6;
	[tilespmem:s24+$0xE020] =	vst v32;
	v45 =	vpop (erf)  }
0x193: {  	v14 =	vadd.f32 v23, v14;
	v44 =	vmax.f32 v41, $0.0e+00;
	[tilespmem:s24+$0xE040] =	vst v26;
	v46 =	vmul.f32 v45, v22  }
0x194: {  	v21 =	vmul.f32 $9.999999740e-06, v21;
	v18 =	vmax.f32 v18, $0.0e+00;
	[tilespmem:s24+$0xE070] =	vst v43;
	v11 =	vmax.f32 v11, $0.0e+00  }
0x195: {  	v15 =	vmax.f32 v15, $0.0e+00;
	v13 =	vmax.f32 v13, $0.0e+00;
	[tilespmem:s24+$0xE030] =	vst v27;
	v11 =	vmul.f32 v46, v11  }
0x196: {  	[tilespmem:s24+$0xE060] =	vst v29;
	v9 =	vmax.f32 v9, $0.0e+00;
	v6 =	vmax.f32 v6, $0.0e+00;
	v47 =	vmul.f32 v46, v18  }
0x197: {  	v50 =	vadd.f32 $1.000000000e+00, v44;
	v48 =	vsub.f32 $9.999899860e-01, v31;
	v6 =	vmul.f32 v46, v6;
	[tilespmem:s22+$0xE010] =	vst v11  }
0x198: {  	v19 =	vmax.f32 v19, $0.0e+00;
	v14 =	vmax.f32 v14, $0.0e+00;
	v49 =	vmul.f32 v46, v15;
	[tilespmem:s22+$0xE050] =	vst v47  }
0x199: {  	v56 =	vmul.f32 $9.999999740e-06, v50;
	v52 =	vadd.f32 v48, v12;
	v51 =	vmul.f32 v46, v14;
	[tilespmem:s22+$0xE020] =	vst v6  }
0x19a: {  	v13 =	vmul.f32 v46, v13;
	v9 =	vmul.f32 v46, v9;
	v6 =	vadd.f32 v48, v8;
	[tilespmem:s22+$0xE040] =	vst v49;
	v53 =	vpop (erf)  }
0x19b: {  	v5 =	vadd.f32 v48, v5;
	v54 =	vmul.f32 v46, v19;
	[tilespmem:s22+$0xE070] =	vst v51;
	v8 =	vmul.f32 v53, v40  }
0x19c: {  	v55 =	vadd.f32 v48, v20;
	v59 =	vadd.f32 v48, v17;
	[tilespmem:s22+$0xE030] =	vst v9;
	v6 =	vmax.f32 v6, $0.0e+00  }
0x19d: {  	v5 =	vmax.f32 v5, $0.0e+00;
	v13 =	vsel vm0, v21, v13;
	[tilespmem:s22+$0xE060] =	vst v54;
	v6 =	vmul.f32 v8, v6  }
0x19e: {  	v57 =	vmax.f32 v52, $0.0e+00;
	v11 =	vmax.f32 v59, $0.0e+00;
	[tilespmem:s22+$0xE000] =	vst v13;
	v5 =	vmul.f32 v8, v5  }
0x19f: {  	v10 =	vadd.f32 v48, v10;
	v58 =	vmul.f32 v8, v57;
	v63 =	vmul.f32 v8, v11;
	[tilespmem:s23+$0xE010] =	vst v6  }
0x1a0: {  	v61 =	vadd.f32 v48, v16;
	v7 =	vadd.f32 v48, v7;
	v60 =	vmax.f32 v55, $0.0e+00;
	[tilespmem:s23+$0xE020] =	vst v5  }
0x1a1: {  	v62 =	vmax.f32 v10, $0.0e+00;
	v9 =	vsel vm0, v56, v58;
	v6 =	vmul.f32 v8, v60;
	[tilespmem:s23+$0xE040] =	vst v63  }
0x1a2: {  	v5 =	vmax.f32 v7, $0.0e+00;
	[tilespmem:s23+$0xE000] =	vst v9;
	v9 =	vmul.f32 v8, v62  }
0x1a3: {  	v5 =	vmul.f32 v8, v5;
	[tilespmem:s23+$0xE050] =	vst v6;
	v6 =	vmax.f32 v61, $0.0e+00  }
0x1a4: {  	v6 =	vmul.f32 v8, v6;
	[tilespmem:s23+$0xE070] =	vst v9  }
0x1a5: {  	[tilespmem:s23+$0xE060] =	vst v5  }
0x1a6: {  	s3 =	rddreg [dreg:$0xc];
	[tilespmem:s23+$0xE030] =	vst v6  }
0x1a7: {  	[hbm4b:s3+s4] =	stream.linear.scatter [tilespmem:s12], [sflag:$0x8], $0x2000, $0x38;
	[tilespmem:$0x10000] =	vst v63  }
0x1a8: {  	s26 =	rddreg [dreg:$0xd];
	s22 =	simm.s32 $0x1  }
0x1a9: {  	[tilespmem:s30], [sflag:$0x4] =	stream.linear.gather [hbm4b:s26+s4], $0x2000, $0x38;
	[tilespmem:$0x10000] =	vst v63  }
.LBB2_10:
0x1aa: {  	_ =	swait.ge [sflag:s31], $0x2000  }
0x1ab: {  	[sflag:s31] =	ssyncset.done $0x0  }
0x1ac: {  	[sflag:s31] =	ssyncadd.s32 $0xFFFFE000  }
0x1ad: {  	_ =	swait.ge [sflag:s13], $0x2000  }
0x1ae: {  	[sflag:s13] =	ssyncset.done $0x0  }
0x1af: {  	s25 =	simm.s32 $0x0;
	[sflag:s13] =	ssyncadd.s32 $0xFFFFE000  }
0x1b0: {  	v7 =	vld [tilespmem:s25+$0x0]  }
0x1b1: {  	v22 =	vld [tilespmem:s25+$0x10]  }
0x1b2: {  	v23 =	vld [tilespmem:s25+$0x20]  }
0x1b3: {  	v10 =	vld [tilespmem:s25+$0x30]  }
0x1b4: {  	vm1 =	veq.s32 v3, $0x0;
	v20 =	vld [tilespmem:s25+$0x40]  }
0x1b5: {  	v17 =	vld [tilespmem:s25+$0x50];
	v5 =	vsel vm1, $0xFF800000, v7  }
0x1b6: {  	v27 =	vld [tilespmem:s25+$0x60];
	v5 =	vmax.f32 v5, v22  }
0x1b7: {  	v28 =	vld [tilespmem:s25+$0x70];
	v5 =	vmax.f32 v5, v23  }
0x1b8: {  	v5 =	vmax.f32 v5, v10  }
0x1b9: {  	v5 =	vmax.f32 v5, v20  }
0x1ba: {  	v5 =	vmax.f32 v5, v17  }
0x1bb: {  	v5 =	vmax.f32 v5, v27  }
0x1bc: {  	v5 =	vmax.f32 v5, v28  }
0x1bd: {  	v6 =	vperm.xlane v5, v0  }
0x1be: {  	s23 =	simm.s32 $0x80  }
0x1bf: {  	v13 =	vld [tilespmem:s23+$0x0];
	v5 =	vmax.f32 v5, v6  }
0x1c0: {  	v11 =	vld [tilespmem:s23+$0x10];
	v8 =	vperm.xlane v5, v1  }
0x1c1: {  	v6 =	vld [tilespmem:s23+$0x20]  }
0x1c2: {  	v9 =	vld [tilespmem:s23+$0x30];
	v5 =	vmax.f32 v5, v8  }
0x1c3: {  	v15 =	vld [tilespmem:s23+$0x40];
	v12 =	vperm.xlane v5, v2  }
0x1c4: {  	v18 =	vld [tilespmem:s23+$0x50];
	v8 =	vsel vm1, $0xFF800000, v13  }
0x1c5: {  	v19 =	vld [tilespmem:s23+$0x60];
	v8 =	vmax.f32 v8, v11;
	v5 =	vmax.f32 v5, v12  }
0x1c6: {  	v14 =	vld [tilespmem:s23+$0x70];
	v8 =	vmax.f32 v8, v6;
	v12 =	vperm.xlane v5, v4  }
0x1c7: {  	v8 =	vmax.f32 v8, v9  }
0x1c8: {  	v8 =	vmax.f32 v8, v15;
	v5 =	vmax.f32 v5, v12  }
0x1c9: {  	v8 =	vmax.f32 v8, v18;
	v30 =	vmul.f32 $1.270000000e+02, v5  }
0x1ca: {  	s24 =	simm.s32 $0x100;
	v16 =	vadd.f32 $9.999899860e-01, v7;
	v8 =	vmax.f32 v8, v19;
	v29 =	vsub.f32 $9.999899860e-01, v5  }
0x1cb: {  	v26 =	vadd.f32 $9.999899860e-01, v13;
	v12 =	vld [tilespmem:s24+$0x0];
	v21 =	vmax.f32 v8, v14;
	v25 =	vadd.f32 $9.999999740e-06, v30  }
0x1cc: {  	v8 =	vld [tilespmem:s24+$0x10];
	v24 =	vperm.xlane v21, v0;
	v33 =	vadd.f32 v29, v7;
	v7 =	vadd.f32 v29, v17  }
0x1cd: {  	v16 =	vmax.f32 v16, $0.0e+00;
	v5 =	vld [tilespmem:s24+$0x20];
	v32 =	vadd.f32 v29, v10;
	v10 =	vadd.f32 v29, v20  }
0x1ce: {  	v31 =	vmax.f32 v21, v24;
	v24 =	vadd.f32 $1.000000000e+00, v16;
	v16 =	vld [tilespmem:s24+$0x30];
	(erf) = vrcp.f32 v25  }
0x1cf: {  	v17 =	vld [tilespmem:s24+$0x40];
	v36 =	vadd.f32 v29, v27;
	v22 =	vadd.f32 v29, v22  }
0x1d0: {  	v20 =	vld [tilespmem:s24+$0x50];
	v21 =	vmax.f32 v26, $0.0e+00;
	v26 =	vsel vm1, $0xFF800000, v12;
	v34 =	vperm.xlane v31, v1  }
0x1d1: {  	v60 =	vadd.f32 v29, v28;
	v25 =	vmax.f32 v7, $0.0e+00;
	v7 =	vld [tilespmem:s24+$0x60];
	v35 =	vmax.f32 v26, v8  }
0x1d2: {  	v26 =	vmax.f32 v10, $0.0e+00;
	v10 =	vld [tilespmem:s24+$0x70];
	v27 =	vmax.f32 v35, v5;
	v31 =	vmax.f32 v31, v34  }
0x1d3: {  	v37 =	vmax.f32 v22, $0.0e+00;
	v58 =	vperm.xlane v31, v2;
	v57 =	vmax.f32 v27, v16  }
0x1d4: {  	v22 =	vadd.f32 v29, v23;
	v29 =	vmax.f32 v36, $0.0e+00;
	v59 =	vmax.f32 v57, v17  }
0x1d5: {  	v33 =	vmax.f32 v33, $0.0e+00;
	v31 =	vmax.f32 v31, v58;
	v23 =	vmax.f32 v59, v20  }
0x1d6: {  	v24 =	vmul.f32 $9.999999740e-06, v24;
	v61 =	vperm.xlane v31, v4;
	v23 =	vmax.f32 v23, v7  }
0x1d7: {  	v27 =	vmax.f32 v32, $0.0e+00;
	v32 =	vmax.f32 v22, $0.0e+00;
	v62 =	vmax.f32 v23, v10;
	v28 =	vpop (erf)  }
0x1d8: {  	v23 =	vmax.f32 v31, v61;
	v63 =	vperm.xlane v62, v0;
	v28 =	vmul.f32 v28, v30  }
0x1d9: {  	v22 =	vmul.f32 $1.270000000e+02, v23;
	v23 =	vsub.f32 $9.999899860e-01, v23;
	v30 =	vmax.f32 v60, $0.0e+00  }
0x1da: {  	s6 =	simm.s32 $0x600;
	v31 =	vmax.f32 v62, v63;
	v34 =	vmul.f32 v28, v33;
	v33 =	vmul.f32 v28, v37  }
.LBB2_11:
0x1db: {  	s17 =	sshra.s32 s6, $0x2;
	p0 =	sne.s32 s6, $0x7E00;
	s6 =	sadd.s32 $0x200, s6;
	v35 =	vadd.f32 $9.999999740e-06, v22;
	v32 =	vmul.f32 v28, v32;
	v27 =	vmul.f32 v28, v27  }
0x1dc: {  	v26 =	vmul.f32 v28, v26;
	v25 =	vmul.f32 v28, v25;
	v36 =	vld [tilespmem:s17+$0x0];
	v24 =	vsel vm0, v24, v34;
	[tilespmem:s25+$0x8010] =	vst v33  }
0x1dd: {  	v29 =	vmul.f32 v28, v29;
	v34 =	vadd.f32 $9.999899860e-01, v12;
	v33 =	vld [tilespmem:s17+$0x10];
	(erf) = vrcp.f32 v35;
	[tilespmem:s25+$0x8000] =	vst v24  }
0x1de: {  	v28 =	vmul.f32 v28, v30;
	v24 =	vadd.f32 $1.000000000e+00, v21;
	v35 =	vld [tilespmem:s17+$0x20];
	[tilespmem:s25+$0x8050] =	vst v25  }
0x1df: {  	v41 =	vadd.f32 v23, v18;
	v21 =	vmax.f32 v34, $0.0e+00;
	v34 =	vadd.f32 v23, v13;
	v13 =	vmovc v12;
	v30 =	vld [tilespmem:s17+$0x30];
	[tilespmem:s25+$0x8020] =	vst v32  }
0x1e0: {  	v37 =	vadd.f32 v23, v9;
	v38 =	vadd.f32 v23, v15;
	v9 =	vmovc v16;
	v24 =	vmul.f32 $9.999999740e-06, v24;
	v32 =	vld [tilespmem:s17+$0x40];
	[tilespmem:s25+$0x8040] =	vst v26  }
0x1e1: {  	v40 =	vperm.xlane v31, v1;
	v15 =	vmovc v17;
	v25 =	vmax.f32 v41, $0.0e+00;
	v39 =	vld [tilespmem:s17+$0x50];
	v16 =	vsel vm1, $0xFF800000, v36;
	[tilespmem:s25+$0x8070] =	vst v28;
	v12 =	vmovc v36  }
0x1e2: {  	v17 =	vadd.f32 v23, v19;
	v18 =	vmovc v20;
	v26 =	vmax.f32 v38, $0.0e+00;
	v36 =	vld [tilespmem:s17+$0x60];
	v16 =	vmax.f32 v16, v33;
	[tilespmem:s25+$0x8030] =	vst v27  }
0x1e3: {  	v20 =	vadd.f32 v23, v11;
	v19 =	vmax.f32 v31, v40;
	v38 =	vld [tilespmem:s17+$0x70];
	v16 =	vmax.f32 v16, v35;
	[tilespmem:s25+$0x8060] =	vst v29;
	s25 =	smov.u32 s23;
	s23 =	smov.u32 s24;
	s24 =	smov.u32 s17  }
0x1e4: {  	v11 =	vmovc v8;
	v28 =	vperm.xlane v19, v2;
	v27 =	vmax.f32 v37, $0.0e+00;
	v8 =	vmovc v33;
	v16 =	vmax.f32 v16, v30  }
0x1e5: {  	v31 =	vadd.f32 v23, v6;
	v6 =	vmovc v5;
	v33 =	vmax.f32 v20, $0.0e+00;
	v5 =	vmovc v35;
	v42 =	vmax.f32 v16, v32  }
0x1e6: {  	v41 =	vadd.f32 v23, v14;
	v35 =	vmax.f32 v19, v28;
	v37 =	vmax.f32 v42, v39;
	v19 =	vpop (erf)  }
.Ltmp4:
0x1e7: {  	v29 =	vmax.f32 v17, $0.0e+00;
	v23 =	vperm.xlane v35, v4;
	v17 =	vmovc v32;
	v40 =	vmax.f32 v37, v36;
	v16 =	vmovc v30;
	(pc) =	sbr.rel @p0 .LBB2_11-.Ltmp4, $4  }
0x1e8: {  	v20 =	vmovc v39;
	v28 =	vmul.f32 v19, v22;
	v30 =	vmax.f32 v41, $0.0e+00;
	v19 =	vmovc v7;
	v37 =	vmax.f32 v40, v38  }
0x1e9: {  	v14 =	vmovc v10;
	v32 =	vmax.f32 v31, $0.0e+00;
	v23 =	vmax.f32 v35, v23;
	v7 =	vmovc v36;
	v39 =	vperm.xlane v37, v0  }
0x1ea: {  	v34 =	vmax.f32 v34, $0.0e+00;
	v22 =	vmul.f32 $1.270000000e+02, v23;
	v23 =	vsub.f32 $9.999899860e-01, v23;
	v10 =	vmovc v38  }
0x1eb: {  	v34 =	vmul.f32 v28, v34;
	v33 =	vmul.f32 v28, v33;
	v31 =	vmax.f32 v37, v39  }
0x1ec: {  	v35 =	vperm.xlane v31, v1;
	_ =	sdelay $0x1  }
0x1ed: {  	v31 =	vmax.f32 v31, v35  }
0x1ee: {  	v47 =	vadd.f32 $9.999999740e-06, v22;
	v36 =	vperm.xlane v31, v2;
	_ =	sdelay $0x1  }
0x1ef: {  	(erf) = vrcp.f32 v47;
	v31 =	vmax.f32 v31, v36  }
0x1f0: {  	v48 =	vperm.xlane v31, v4;
	_ =	sdelay $0x1  }
0x1f1: {  	v32 =	vmul.f32 v28, v32;
	v27 =	vmul.f32 v28, v27;
	v31 =	vmax.f32 v31, v48  }
0x1f2: {  	v26 =	vmul.f32 v28, v26;
	v50 =	vadd.f32 $9.999899860e-01, v12;
	v49 =	vmul.f32 $1.270000000e+02, v31  }
0x1f3: {  	v25 =	vmul.f32 v28, v25;
	v21 =	vadd.f32 $1.000000000e+00, v21;
	v13 =	vadd.f32 v23, v13  }
0x1f4: {  	v18 =	vadd.f32 v23, v18;
	v24 =	vsel vm0, v24, v34;
	[tilespmem:s25+$0x8010] =	vst v33;
	v51 =	vadd.f32 $9.999999740e-06, v49  }
0x1f5: {  	v29 =	vmul.f32 v28, v29;
	v15 =	vadd.f32 v23, v15;
	v9 =	vadd.f32 v23, v9;
	[tilespmem:s25+$0x8000] =	vst v24  }
0x1f6: {  	v11 =	vadd.f32 v23, v11;
	v19 =	vadd.f32 v23, v19;
	[tilespmem:s25+$0x8050] =	vst v25;
	(erf) = vrcp.f32 v51  }
0x1f7: {  	v6 =	vadd.f32 v23, v6;
	v14 =	vadd.f32 v23, v14;
	v24 =	vmul.f32 v28, v30;
	[tilespmem:s25+$0x8020] =	vst v32;
	v25 =	vpop (erf)  }
0x1f8: {  	v28 =	vmax.f32 v50, $0.0e+00;
	v21 =	vmul.f32 $9.999999740e-06, v21;
	[tilespmem:s25+$0x8040] =	vst v26;
	v22 =	vmul.f32 v25, v22  }
0x1f9: {  	v18 =	vmax.f32 v18, $0.0e+00;
	v11 =	vmax.f32 v11, $0.0e+00;
	v13 =	vmax.f32 v13, $0.0e+00;
	[tilespmem:s25+$0x8030] =	vst v27  }
0x1fa: {  	v15 =	vmax.f32 v15, $0.0e+00;
	[tilespmem:s25+$0x8060] =	vst v29;
	v13 =	vmul.f32 v22, v13;
	v11 =	vmul.f32 v22, v11  }
0x1fb: {  	v9 =	vmax.f32 v9, $0.0e+00;
	v19 =	vmax.f32 v19, $0.0e+00;
	v6 =	vmax.f32 v6, $0.0e+00;
	[tilespmem:s25+$0x8070] =	vst v24  }
0x1fc: {  	v14 =	vmax.f32 v14, $0.0e+00;
	v13 =	vsel vm0, v21, v13;
	[tilespmem:s23+$0x8010] =	vst v11;
	v11 =	vmul.f32 v22, v18  }
0x1fd: {  	v6 =	vmul.f32 v22, v6;
	v9 =	vmul.f32 v22, v9;
	v18 =	vsub.f32 $9.999899860e-01, v31;
	[tilespmem:s23+$0x8000] =	vst v13  }
0x1fe: {  	v13 =	vmul.f32 v22, v15;
	v15 =	vadd.f32 $1.000000000e+00, v28;
	[tilespmem:s23+$0x8050] =	vst v11;
	v11 =	vmul.f32 v22, v14  }
0x1ff: {  	[tilespmem:s23+$0x8020] =	vst v6;
	v12 =	vadd.f32 v18, v12;
	v6 =	vadd.f32 v18, v8;
	v14 =	vmul.f32 v22, v19;
	v8 =	vpop (erf)  }
0x200: {  	v19 =	vadd.f32 v18, v20;
	v5 =	vadd.f32 v18, v5;
	[tilespmem:s23+$0x8040] =	vst v13;
	v8 =	vmul.f32 v8, v49  }
0x201: {  	v13 =	vmul.f32 $9.999999740e-06, v15;
	[tilespmem:s23+$0x8070] =	vst v11;
	v6 =	vmax.f32 v6, $0.0e+00;
	v11 =	vmax.f32 v12, $0.0e+00  }
0x202: {  	[tilespmem:s23+$0x8030] =	vst v9;
	v5 =	vmax.f32 v5, $0.0e+00;
	v9 =	vmul.f32 v8, v11;
	v6 =	vmul.f32 v8, v6  }
0x203: {  	v10 =	vadd.f32 v18, v10;
	[tilespmem:s23+$0x8060] =	vst v14;
	v11 =	vadd.f32 v18, v17;
	v5 =	vmul.f32 v8, v5  }
0x204: {  	v7 =	vadd.f32 v18, v7;
	v12 =	vmax.f32 v19, $0.0e+00;
	v9 =	vsel vm0, v13, v9;
	[tilespmem:s24+$0x8010] =	vst v6  }
0x205: {  	v6 =	vmul.f32 v8, v12;
	v12 =	vadd.f32 v18, v16;
	v11 =	vmax.f32 v11, $0.0e+00;
	[tilespmem:s24+$0x8020] =	vst v5  }
0x206: {  	v5 =	vmax.f32 v7, $0.0e+00;
	[tilespmem:s24+$0x8000] =	vst v9;
	v9 =	vmax.f32 v10, $0.0e+00;
	v10 =	vmul.f32 v8, v11  }
0x207: {  	v5 =	vmul.f32 v8, v5;
	[tilespmem:s24+$0x8050] =	vst v6  }
0x208: {  	v6 =	vmax.f32 v12, $0.0e+00;
	v9 =	vmul.f32 v8, v9;
	[tilespmem:s24+$0x8040] =	vst v10  }
0x209: {  	v6 =	vmul.f32 v8, v6;
	[tilespmem:s24+$0x8060] =	vst v5  }
0x20a: {  	s6 =	sshll.u32 s22, $0xC;
	s23 =	sshll.u32 s22, $0x8;
	[tilespmem:s24+$0x8070] =	vst v9  }
0x20b: {  	s17 =	simm.s32 $0x0;
	s6 =	sadd.s32 s6, s10;
	s26 =	sadd.s32 s23, s19;
	[tilespmem:s24+$0x8030] =	vst v6  }
0x20c: {  	[hbm4b:s6+s17] =	stream.linear.scatter [tilespmem:s0], [sflag:$0x5], $0x2000, $0x38;
	[tilespmem:$0x10000] =	vst v63  }
0x20d: {  	s6 =	sshll.u32 s26, $0x4  }
0x20e: {  	s6 =	sadd.s32 s2, s6  }
0x20f: {  	[tilespmem:s17], [sflag:$0x1] =	stream.linear.gather [hbm4b:s6+s17], $0x2000, $0x38;
	[tilespmem:$0x10000] =	vst v63  }
0x210: {  	_ =	swait.ge [sflag:s1], $0x2000  }
0x211: {  	[sflag:s1] =	ssyncset.done $0x0  }
0x212: {  	[sflag:s1] =	ssyncadd.s32 $0xFFFFE000  }
0x213: {  	_ =	swait.ge [sflag:s14], $0x2000  }
0x214: {  	[sflag:s14] =	ssyncset.done $0x0  }
0x215: {  	s26 =	simm.s32 $0x0;
	[sflag:s14] =	ssyncadd.s32 $0xFFFFE000  }
0x216: {  	v7 =	vld [tilespmem:s26+$0x2000]  }
0x217: {  	v22 =	vld [tilespmem:s26+$0x2010]  }
0x218: {  	v23 =	vld [tilespmem:s26+$0x2020]  }
0x219: {  	v10 =	vld [tilespmem:s26+$0x2030]  }
0x21a: {  	vm1 =	veq.s32 v3, $0x0;
	v20 =	vld [tilespmem:s26+$0x2040]  }
0x21b: {  	v17 =	vld [tilespmem:s26+$0x2050];
	v5 =	vsel vm1, $0xFF800000, v7  }
0x21c: {  	v27 =	vld [tilespmem:s26+$0x2060];
	v5 =	vmax.f32 v5, v22  }
0x21d: {  	v28 =	vld [tilespmem:s26+$0x2070];
	v5 =	vmax.f32 v5, v23  }
0x21e: {  	v5 =	vmax.f32 v5, v10  }
0x21f: {  	v5 =	vmax.f32 v5, v20  }
0x220: {  	v5 =	vmax.f32 v5, v17  }
0x221: {  	v5 =	vmax.f32 v5, v27  }
0x222: {  	v5 =	vmax.f32 v5, v28  }
0x223: {  	v6 =	vperm.xlane v5, v0  }
0x224: {  	s24 =	simm.s32 $0x80  }
0x225: {  	v13 =	vld [tilespmem:s24+$0x2000];
	v5 =	vmax.f32 v5, v6  }
0x226: {  	v11 =	vld [tilespmem:s24+$0x2010];
	v8 =	vperm.xlane v5, v1  }
0x227: {  	v6 =	vld [tilespmem:s24+$0x2020]  }
0x228: {  	v9 =	vld [tilespmem:s24+$0x2030];
	v5 =	vmax.f32 v5, v8  }
0x229: {  	v15 =	vld [tilespmem:s24+$0x2040];
	v12 =	vperm.xlane v5, v2  }
0x22a: {  	v18 =	vld [tilespmem:s24+$0x2050];
	v8 =	vsel vm1, $0xFF800000, v13  }
0x22b: {  	v19 =	vld [tilespmem:s24+$0x2060];
	v8 =	vmax.f32 v8, v11;
	v5 =	vmax.f32 v5, v12  }
0x22c: {  	v14 =	vld [tilespmem:s24+$0x2070];
	v8 =	vmax.f32 v8, v6;
	v12 =	vperm.xlane v5, v4  }
0x22d: {  	v8 =	vmax.f32 v8, v9  }
0x22e: {  	v8 =	vmax.f32 v8, v15;
	v5 =	vmax.f32 v5, v12  }
0x22f: {  	v8 =	vmax.f32 v8, v18;
	v30 =	vmul.f32 $1.270000000e+02, v5  }
0x230: {  	s25 =	simm.s32 $0x100;
	v16 =	vadd.f32 $9.999899860e-01, v7;
	v8 =	vmax.f32 v8, v19;
	v29 =	vsub.f32 $9.999899860e-01, v5  }
0x231: {  	v26 =	vadd.f32 $9.999899860e-01, v13;
	v12 =	vld [tilespmem:s25+$0x2000];
	v21 =	vmax.f32 v8, v14;
	v25 =	vadd.f32 $9.999999740e-06, v30  }
0x232: {  	v8 =	vld [tilespmem:s25+$0x2010];
	v24 =	vperm.xlane v21, v0;
	v52 =	vadd.f32 v29, v7;
	v7 =	vadd.f32 v29, v17  }
0x233: {  	v16 =	vmax.f32 v16, $0.0e+00;
	v5 =	vld [tilespmem:s25+$0x2020];
	v53 =	vadd.f32 v29, v10;
	v10 =	vadd.f32 v29, v20  }
0x234: {  	v31 =	vmax.f32 v21, v24;
	v24 =	vadd.f32 $1.000000000e+00, v16;
	v16 =	vld [tilespmem:s25+$0x2030];
	(erf) = vrcp.f32 v25  }
0x235: {  	v17 =	vld [tilespmem:s25+$0x2040];
	v56 =	vadd.f32 v29, v27;
	v22 =	vadd.f32 v29, v22  }
0x236: {  	v20 =	vld [tilespmem:s25+$0x2050];
	v21 =	vmax.f32 v26, $0.0e+00;
	v26 =	vsel vm1, $0xFF800000, v12;
	v54 =	vperm.xlane v31, v1  }
0x237: {  	v60 =	vadd.f32 v29, v28;
	v25 =	vmax.f32 v7, $0.0e+00;
	v7 =	vld [tilespmem:s25+$0x2060];
	v55 =	vmax.f32 v26, v8  }
0x238: {  	v26 =	vmax.f32 v10, $0.0e+00;
	v10 =	vld [tilespmem:s25+$0x2070];
	v27 =	vmax.f32 v55, v5;
	v31 =	vmax.f32 v31, v54  }
0x239: {  	v37 =	vmax.f32 v22, $0.0e+00;
	v58 =	vperm.xlane v31, v2;
	v57 =	vmax.f32 v27, v16  }
0x23a: {  	v22 =	vadd.f32 v29, v23;
	v29 =	vmax.f32 v56, $0.0e+00;
	v59 =	vmax.f32 v57, v17  }
0x23b: {  	v33 =	vmax.f32 v52, $0.0e+00;
	v31 =	vmax.f32 v31, v58;
	v23 =	vmax.f32 v59, v20  }
0x23c: {  	v24 =	vmul.f32 $9.999999740e-06, v24;
	v61 =	vperm.xlane v31, v4;
	v23 =	vmax.f32 v23, v7  }
0x23d: {  	v32 =	vmax.f32 v22, $0.0e+00;
	v27 =	vmax.f32 v53, $0.0e+00;
	v62 =	vmax.f32 v23, v10;
	v28 =	vpop (erf)  }
0x23e: {  	v23 =	vmax.f32 v31, v61;
	v63 =	vperm.xlane v62, v0;
	v28 =	vmul.f32 v28, v30  }
0x23f: {  	v22 =	vmul.f32 $1.270000000e+02, v23;
	v23 =	vsub.f32 $9.999899860e-01, v23;
	v30 =	vmax.f32 v60, $0.0e+00  }
0x240: {  	s6 =	simm.s32 $0x600;
	v31 =	vmax.f32 v62, v63;
	v34 =	vmul.f32 v28, v33;
	v33 =	vmul.f32 v28, v37  }
.LBB2_13:
0x241: {  	s17 =	sshra.s32 s6, $0x2;
	p0 =	sne.s32 s6, $0x7E00;
	s6 =	sadd.s32 $0x200, s6;
	v35 =	vadd.f32 $9.999999740e-06, v22;
	v32 =	vmul.f32 v28, v32;
	v27 =	vmul.f32 v28, v27  }
0x242: {  	v26 =	vmul.f32 v28, v26;
	v25 =	vmul.f32 v28, v25;
	v36 =	vld [tilespmem:s17+$0x2000];
	v24 =	vsel vm0, v24, v34;
	[tilespmem:s26+$0xA010] =	vst v33  }
0x243: {  	v29 =	vmul.f32 v28, v29;
	v34 =	vadd.f32 $9.999899860e-01, v12;
	v33 =	vld [tilespmem:s17+$0x2010];
	(erf) = vrcp.f32 v35;
	[tilespmem:s26+$0xA000] =	vst v24  }
0x244: {  	v28 =	vmul.f32 v28, v30;
	v24 =	vadd.f32 $1.000000000e+00, v21;
	v35 =	vld [tilespmem:s17+$0x2020];
	[tilespmem:s26+$0xA050] =	vst v25  }
0x245: {  	v41 =	vadd.f32 v23, v18;
	v21 =	vmax.f32 v34, $0.0e+00;
	v34 =	vadd.f32 v23, v13;
	v13 =	vmovc v12;
	v30 =	vld [tilespmem:s17+$0x2030];
	[tilespmem:s26+$0xA020] =	vst v32  }
0x246: {  	v37 =	vadd.f32 v23, v9;
	v38 =	vadd.f32 v23, v15;
	v9 =	vmovc v16;
	v24 =	vmul.f32 $9.999999740e-06, v24;
	v32 =	vld [tilespmem:s17+$0x2040];
	[tilespmem:s26+$0xA040] =	vst v26  }
0x247: {  	v40 =	vperm.xlane v31, v1;
	v15 =	vmovc v17;
	v25 =	vmax.f32 v41, $0.0e+00;
	v39 =	vld [tilespmem:s17+$0x2050];
	v16 =	vsel vm1, $0xFF800000, v36;
	[tilespmem:s26+$0xA070] =	vst v28;
	v12 =	vmovc v36  }
0x248: {  	v17 =	vadd.f32 v23, v19;
	v18 =	vmovc v20;
	v26 =	vmax.f32 v38, $0.0e+00;
	v36 =	vld [tilespmem:s17+$0x2060];
	v16 =	vmax.f32 v16, v33;
	[tilespmem:s26+$0xA030] =	vst v27  }
0x249: {  	v20 =	vadd.f32 v23, v11;
	v19 =	vmax.f32 v31, v40;
	v38 =	vld [tilespmem:s17+$0x2070];
	v16 =	vmax.f32 v16, v35;
	[tilespmem:s26+$0xA060] =	vst v29;
	s26 =	smov.u32 s24;
	s24 =	smov.u32 s25;
	s25 =	smov.u32 s17  }
0x24a: {  	v11 =	vmovc v8;
	v28 =	vperm.xlane v19, v2;
	v27 =	vmax.f32 v37, $0.0e+00;
	v8 =	vmovc v33;
	v16 =	vmax.f32 v16, v30  }
0x24b: {  	v31 =	vadd.f32 v23, v6;
	v6 =	vmovc v5;
	v33 =	vmax.f32 v20, $0.0e+00;
	v5 =	vmovc v35;
	v42 =	vmax.f32 v16, v32  }
0x24c: {  	v41 =	vadd.f32 v23, v14;
	v35 =	vmax.f32 v19, v28;
	v37 =	vmax.f32 v42, v39;
	v19 =	vpop (erf)  }
.Ltmp5:
0x24d: {  	v29 =	vmax.f32 v17, $0.0e+00;
	v23 =	vperm.xlane v35, v4;
	v17 =	vmovc v32;
	v40 =	vmax.f32 v37, v36;
	v16 =	vmovc v30;
	(pc) =	sbr.rel @p0 .LBB2_13-.Ltmp5, $4  }
0x24e: {  	v20 =	vmovc v39;
	v28 =	vmul.f32 v19, v22;
	v30 =	vmax.f32 v41, $0.0e+00;
	v19 =	vmovc v7;
	v37 =	vmax.f32 v40, v38  }
0x24f: {  	v14 =	vmovc v10;
	v32 =	vmax.f32 v31, $0.0e+00;
	v23 =	vmax.f32 v35, v23;
	v7 =	vmovc v36;
	v39 =	vperm.xlane v37, v0  }
0x250: {  	v34 =	vmax.f32 v34, $0.0e+00;
	v22 =	vmul.f32 $1.270000000e+02, v23;
	v23 =	vsub.f32 $9.999899860e-01, v23;
	v10 =	vmovc v38  }
0x251: {  	v34 =	vmul.f32 v28, v34;
	v33 =	vmul.f32 v28, v33;
	v31 =	vmax.f32 v37, v39  }
0x252: {  	v35 =	vperm.xlane v31, v1;
	_ =	sdelay $0x1  }
0x253: {  	v31 =	vmax.f32 v31, v35  }
0x254: {  	v47 =	vadd.f32 $9.999999740e-06, v22;
	v36 =	vperm.xlane v31, v2;
	_ =	sdelay $0x1  }
0x255: {  	(erf) = vrcp.f32 v47;
	v31 =	vmax.f32 v31, v36  }
0x256: {  	v48 =	vperm.xlane v31, v4;
	_ =	sdelay $0x1  }
0x257: {  	v32 =	vmul.f32 v28, v32;
	v27 =	vmul.f32 v28, v27;
	v31 =	vmax.f32 v31, v48  }
0x258: {  	v26 =	vmul.f32 v28, v26;
	v50 =	vadd.f32 $9.999899860e-01, v12;
	v49 =	vmul.f32 $1.270000000e+02, v31  }
0x259: {  	v25 =	vmul.f32 v28, v25;
	v21 =	vadd.f32 $1.000000000e+00, v21;
	v13 =	vadd.f32 v23, v13  }
0x25a: {  	v18 =	vadd.f32 v23, v18;
	v24 =	vsel vm0, v24, v34;
	[tilespmem:s26+$0xA010] =	vst v33;
	v51 =	vadd.f32 $9.999999740e-06, v49  }
0x25b: {  	v29 =	vmul.f32 v28, v29;
	v15 =	vadd.f32 v23, v15;
	v9 =	vadd.f32 v23, v9;
	[tilespmem:s26+$0xA000] =	vst v24  }
0x25c: {  	v11 =	vadd.f32 v23, v11;
	v19 =	vadd.f32 v23, v19;
	[tilespmem:s26+$0xA050] =	vst v25;
	(erf) = vrcp.f32 v51  }
0x25d: {  	v6 =	vadd.f32 v23, v6;
	v14 =	vadd.f32 v23, v14;
	v24 =	vmul.f32 v28, v30;
	[tilespmem:s26+$0xA020] =	vst v32;
	v25 =	vpop (erf)  }
0x25e: {  	v28 =	vmax.f32 v50, $0.0e+00;
	v21 =	vmul.f32 $9.999999740e-06, v21;
	[tilespmem:s26+$0xA040] =	vst v26;
	v22 =	vmul.f32 v25, v22  }
0x25f: {  	v18 =	vmax.f32 v18, $0.0e+00;
	v11 =	vmax.f32 v11, $0.0e+00;
	v13 =	vmax.f32 v13, $0.0e+00;
	[tilespmem:s26+$0xA030] =	vst v27  }
0x260: {  	v15 =	vmax.f32 v15, $0.0e+00;
	[tilespmem:s26+$0xA060] =	vst v29;
	v13 =	vmul.f32 v22, v13;
	v11 =	vmul.f32 v22, v11  }
0x261: {  	v9 =	vmax.f32 v9, $0.0e+00;
	v19 =	vmax.f32 v19, $0.0e+00;
	v6 =	vmax.f32 v6, $0.0e+00;
	[tilespmem:s26+$0xA070] =	vst v24  }
0x262: {  	v14 =	vmax.f32 v14, $0.0e+00;
	v13 =	vsel vm0, v21, v13;
	[tilespmem:s24+$0xA010] =	vst v11;
	v11 =	vmul.f32 v22, v18  }
0x263: {  	v6 =	vmul.f32 v22, v6;
	v9 =	vmul.f32 v22, v9;
	v18 =	vsub.f32 $9.999899860e-01, v31;
	[tilespmem:s24+$0xA000] =	vst v13  }
0x264: {  	v13 =	vmul.f32 v22, v15;
	v15 =	vadd.f32 $1.000000000e+00, v28;
	[tilespmem:s24+$0xA050] =	vst v11;
	v11 =	vmul.f32 v22, v14  }
0x265: {  	[tilespmem:s24+$0xA020] =	vst v6;
	v12 =	vadd.f32 v18, v12;
	v6 =	vadd.f32 v18, v8;
	v14 =	vmul.f32 v22, v19;
	v8 =	vpop (erf)  }
0x266: {  	v19 =	vadd.f32 v18, v20;
	v5 =	vadd.f32 v18, v5;
	[tilespmem:s24+$0xA040] =	vst v13;
	v8 =	vmul.f32 v8, v49  }
0x267: {  	v13 =	vmul.f32 $9.999999740e-06, v15;
	[tilespmem:s24+$0xA070] =	vst v11;
	v6 =	vmax.f32 v6, $0.0e+00;
	v11 =	vmax.f32 v12, $0.0e+00  }
0x268: {  	[tilespmem:s24+$0xA030] =	vst v9;
	v5 =	vmax.f32 v5, $0.0e+00;
	v9 =	vmul.f32 v8, v11;
	v6 =	vmul.f32 v8, v6  }
0x269: {  	v10 =	vadd.f32 v18, v10;
	[tilespmem:s24+$0xA060] =	vst v14;
	v11 =	vadd.f32 v18, v17;
	v5 =	vmul.f32 v8, v5  }
0x26a: {  	v7 =	vadd.f32 v18, v7;
	v12 =	vmax.f32 v19, $0.0e+00;
	v9 =	vsel vm0, v13, v9;
	[tilespmem:s25+$0xA010] =	vst v6  }
0x26b: {  	v6 =	vmul.f32 v8, v12;
	v12 =	vadd.f32 v18, v16;
	v11 =	vmax.f32 v11, $0.0e+00;
	[tilespmem:s25+$0xA020] =	vst v5  }
0x26c: {  	v5 =	vmax.f32 v7, $0.0e+00;
	[tilespmem:s25+$0xA000] =	vst v9;
	v9 =	vmax.f32 v10, $0.0e+00;
	v10 =	vmul.f32 v8, v11  }
0x26d: {  	v5 =	vmul.f32 v8, v5;
	[tilespmem:s25+$0xA050] =	vst v6  }
0x26e: {  	s6 =	sadd.s32 s23, s5;
	v6 =	vmax.f32 v12, $0.0e+00;
	v9 =	vmul.f32 v8, v9;
	[tilespmem:s25+$0xA040] =	vst v10  }
0x26f: {  	s3 =	rddreg [dreg:$0x1];
	s6 =	sshll.u32 s6, $0x4;
	v6 =	vmul.f32 v8, v6;
	[tilespmem:s25+$0xA060] =	vst v5  }
0x270: {  	s24 =	sadd.s32 s3, s6;
	[tilespmem:s25+$0xA070] =	vst v9  }
0x271: {  	s17 =	simm.s32 $0x0;
	s26 =	sadd.s32 s23, s18;
	s6 =	sadd.s32 $0x400, s24;
	[tilespmem:s25+$0xA030] =	vst v6  }
0x272: {  	[hbm4b:s6+s17] =	stream.linear.scatter [tilespmem:s7], [sflag:$0x6], $0x2000, $0x38;
	[tilespmem:$0x10000] =	vst v63  }
0x273: {  	s6 =	sshll.u32 s26, $0x4  }
0x274: {  	s6 =	sadd.s32 s2, s6  }
0x275: {  	[tilespmem:s28], [sflag:$0x2] =	stream.linear.gather [hbm4b:s6+s17], $0x2000, $0x38;
	[tilespmem:$0x10000] =	vst v63  }
0x276: {  	_ =	swait.ge [sflag:s8], $0x2000  }
0x277: {  	[sflag:s8] =	ssyncset.done $0x0  }
0x278: {  	[sflag:s8] =	ssyncadd.s32 $0xFFFFE000  }
0x279: {  	_ =	swait.ge [sflag:s15], $0x2000  }
0x27a: {  	[sflag:s15] =	ssyncset.done $0x0  }
0x27b: {  	s6 =	simm.s32 $0x0;
	[sflag:s15] =	ssyncadd.s32 $0xFFFFE000  }
0x27c: {  	v7 =	vld [tilespmem:s6+$0x4000]  }
0x27d: {  	v22 =	vld [tilespmem:s6+$0x4010]  }
0x27e: {  	v23 =	vld [tilespmem:s6+$0x4020]  }
0x27f: {  	v10 =	vld [tilespmem:s6+$0x4030]  }
0x280: {  	vm1 =	veq.s32 v3, $0x0;
	v20 =	vld [tilespmem:s6+$0x4040]  }
0x281: {  	v17 =	vld [tilespmem:s6+$0x4050];
	v5 =	vsel vm1, $0xFF800000, v7  }
0x282: {  	v27 =	vld [tilespmem:s6+$0x4060];
	v5 =	vmax.f32 v5, v22  }
0x283: {  	v28 =	vld [tilespmem:s6+$0x4070];
	v5 =	vmax.f32 v5, v23  }
0x284: {  	v5 =	vmax.f32 v5, v10  }
0x285: {  	v5 =	vmax.f32 v5, v20  }
0x286: {  	v5 =	vmax.f32 v5, v17  }
0x287: {  	v5 =	vmax.f32 v5, v27  }
0x288: {  	v5 =	vmax.f32 v5, v28  }
0x289: {  	v6 =	vperm.xlane v5, v0  }
0x28a: {  	s25 =	simm.s32 $0x80  }
0x28b: {  	v13 =	vld [tilespmem:s25+$0x4000];
	v5 =	vmax.f32 v5, v6  }
0x28c: {  	v11 =	vld [tilespmem:s25+$0x4010];
	v8 =	vperm.xlane v5, v1  }
0x28d: {  	v6 =	vld [tilespmem:s25+$0x4020]  }
0x28e: {  	v9 =	vld [tilespmem:s25+$0x4030];
	v5 =	vmax.f32 v5, v8  }
0x28f: {  	v15 =	vld [tilespmem:s25+$0x4040];
	v12 =	vperm.xlane v5, v2  }
0x290: {  	v18 =	vld [tilespmem:s25+$0x4050];
	v8 =	vsel vm1, $0xFF800000, v13  }
0x291: {  	v19 =	vld [tilespmem:s25+$0x4060];
	v8 =	vmax.f32 v8, v11;
	v5 =	vmax.f32 v5, v12  }
0x292: {  	v14 =	vld [tilespmem:s25+$0x4070];
	v8 =	vmax.f32 v8, v6;
	v12 =	vperm.xlane v5, v4  }
0x293: {  	v8 =	vmax.f32 v8, v9  }
0x294: {  	v8 =	vmax.f32 v8, v15;
	v5 =	vmax.f32 v5, v12  }
0x295: {  	v8 =	vmax.f32 v8, v18;
	v30 =	vmul.f32 $1.270000000e+02, v5  }
0x296: {  	s26 =	simm.s32 $0x100;
	v16 =	vadd.f32 $9.999899860e-01, v7;
	v8 =	vmax.f32 v8, v19;
	v29 =	vsub.f32 $9.999899860e-01, v5  }
0x297: {  	v26 =	vadd.f32 $9.999899860e-01, v13;
	v12 =	vld [tilespmem:s26+$0x4000];
	v21 =	vmax.f32 v8, v14;
	v25 =	vadd.f32 $9.999999740e-06, v30  }
0x298: {  	v8 =	vld [tilespmem:s26+$0x4010];
	v24 =	vperm.xlane v21, v0;
	v52 =	vadd.f32 v29, v7;
	v7 =	vadd.f32 v29, v17  }
0x299: {  	v16 =	vmax.f32 v16, $0.0e+00;
	v5 =	vld [tilespmem:s26+$0x4020];
	v53 =	vadd.f32 v29, v10;
	v10 =	vadd.f32 v29, v20  }
0x29a: {  	v31 =	vmax.f32 v21, v24;
	v24 =	vadd.f32 $1.000000000e+00, v16;
	v16 =	vld [tilespmem:s26+$0x4030];
	(erf) = vrcp.f32 v25  }
0x29b: {  	v17 =	vld [tilespmem:s26+$0x4040];
	v56 =	vadd.f32 v29, v27;
	v22 =	vadd.f32 v29, v22  }
0x29c: {  	v20 =	vld [tilespmem:s26+$0x4050];
	v21 =	vmax.f32 v26, $0.0e+00;
	v26 =	vsel vm1, $0xFF800000, v12;
	v54 =	vperm.xlane v31, v1  }
0x29d: {  	v60 =	vadd.f32 v29, v28;
	v25 =	vmax.f32 v7, $0.0e+00;
	v7 =	vld [tilespmem:s26+$0x4060];
	v55 =	vmax.f32 v26, v8  }
0x29e: {  	v26 =	vmax.f32 v10, $0.0e+00;
	v10 =	vld [tilespmem:s26+$0x4070];
	v27 =	vmax.f32 v55, v5;
	v31 =	vmax.f32 v31, v54  }
0x29f: {  	v37 =	vmax.f32 v22, $0.0e+00;
	v58 =	vperm.xlane v31, v2;
	v57 =	vmax.f32 v27, v16  }
0x2a0: {  	v22 =	vadd.f32 v29, v23;
	v29 =	vmax.f32 v56, $0.0e+00;
	v59 =	vmax.f32 v57, v17  }
0x2a1: {  	v33 =	vmax.f32 v52, $0.0e+00;
	v31 =	vmax.f32 v31, v58;
	v23 =	vmax.f32 v59, v20  }
0x2a2: {  	v24 =	vmul.f32 $9.999999740e-06, v24;
	v61 =	vperm.xlane v31, v4;
	v23 =	vmax.f32 v23, v7  }
0x2a3: {  	v32 =	vmax.f32 v22, $0.0e+00;
	v27 =	vmax.f32 v53, $0.0e+00;
	v62 =	vmax.f32 v23, v10;
	v28 =	vpop (erf)  }
0x2a4: {  	v23 =	vmax.f32 v31, v61;
	v63 =	vperm.xlane v62, v0;
	v28 =	vmul.f32 v28, v30  }
0x2a5: {  	v22 =	vmul.f32 $1.270000000e+02, v23;
	v23 =	vsub.f32 $9.999899860e-01, v23;
	v30 =	vmax.f32 v60, $0.0e+00  }
0x2a6: {  	s17 =	simm.s32 $0x600;
	v31 =	vmax.f32 v62, v63;
	v34 =	vmul.f32 v28, v33;
	v33 =	vmul.f32 v28, v37  }
.LBB2_15:
0x2a7: {  	s3 =	sshra.s32 s17, $0x2;
	p0 =	sne.s32 s17, $0x7E00;
	s17 =	sadd.s32 $0x200, s17;
	v35 =	vadd.f32 $9.999999740e-06, v22;
	v32 =	vmul.f32 v28, v32;
	v27 =	vmul.f32 v28, v27  }
0x2a8: {  	v26 =	vmul.f32 v28, v26;
	v25 =	vmul.f32 v28, v25;
	v36 =	vld [tilespmem:s3+$0x4000];
	v24 =	vsel vm0, v24, v34;
	[tilespmem:s6+$0xC010] =	vst v33  }
0x2a9: {  	v29 =	vmul.f32 v28, v29;
	v34 =	vadd.f32 $9.999899860e-01, v12;
	v33 =	vld [tilespmem:s3+$0x4010];
	(erf) = vrcp.f32 v35;
	[tilespmem:s6+$0xC000] =	vst v24  }
0x2aa: {  	v28 =	vmul.f32 v28, v30;
	v24 =	vadd.f32 $1.000000000e+00, v21;
	v35 =	vld [tilespmem:s3+$0x4020];
	[tilespmem:s6+$0xC050] =	vst v25  }
0x2ab: {  	v41 =	vadd.f32 v23, v18;
	v21 =	vmax.f32 v34, $0.0e+00;
	v34 =	vadd.f32 v23, v13;
	v13 =	vmovc v12;
	v30 =	vld [tilespmem:s3+$0x4030];
	[tilespmem:s6+$0xC020] =	vst v32  }
0x2ac: {  	v37 =	vadd.f32 v23, v9;
	v38 =	vadd.f32 v23, v15;
	v9 =	vmovc v16;
	v24 =	vmul.f32 $9.999999740e-06, v24;
	v32 =	vld [tilespmem:s3+$0x4040];
	[tilespmem:s6+$0xC040] =	vst v26  }
0x2ad: {  	v40 =	vperm.xlane v31, v1;
	v15 =	vmovc v17;
	v25 =	vmax.f32 v41, $0.0e+00;
	v39 =	vld [tilespmem:s3+$0x4050];
	v16 =	vsel vm1, $0xFF800000, v36;
	[tilespmem:s6+$0xC070] =	vst v28;
	v12 =	vmovc v36  }
0x2ae: {  	v17 =	vadd.f32 v23, v19;
	v18 =	vmovc v20;
	v26 =	vmax.f32 v38, $0.0e+00;
	v36 =	vld [tilespmem:s3+$0x4060];
	v16 =	vmax.f32 v16, v33;
	[tilespmem:s6+$0xC030] =	vst v27  }
0x2af: {  	v20 =	vadd.f32 v23, v11;
	v19 =	vmax.f32 v31, v40;
	v38 =	vld [tilespmem:s3+$0x4070];
	v16 =	vmax.f32 v16, v35;
	[tilespmem:s6+$0xC060] =	vst v29;
	s6 =	smov.u32 s25;
	s25 =	smov.u32 s26;
	s26 =	smov.u32 s3  }
0x2b0: {  	v11 =	vmovc v8;
	v28 =	vperm.xlane v19, v2;
	v27 =	vmax.f32 v37, $0.0e+00;
	v8 =	vmovc v33;
	v16 =	vmax.f32 v16, v30  }
0x2b1: {  	v31 =	vadd.f32 v23, v6;
	v6 =	vmovc v5;
	v33 =	vmax.f32 v20, $0.0e+00;
	v5 =	vmovc v35;
	v42 =	vmax.f32 v16, v32  }
0x2b2: {  	v41 =	vadd.f32 v23, v14;
	v35 =	vmax.f32 v19, v28;
	v37 =	vmax.f32 v42, v39;
	v19 =	vpop (erf)  }
.Ltmp6:
0x2b3: {  	v29 =	vmax.f32 v17, $0.0e+00;
	v23 =	vperm.xlane v35, v4;
	v17 =	vmovc v32;
	v40 =	vmax.f32 v37, v36;
	v16 =	vmovc v30;
	(pc) =	sbr.rel @p0 .LBB2_15-.Ltmp6, $4  }
0x2b4: {  	v20 =	vmovc v39;
	v28 =	vmul.f32 v19, v22;
	v30 =	vmax.f32 v41, $0.0e+00;
	v19 =	vmovc v7;
	v37 =	vmax.f32 v40, v38  }
0x2b5: {  	v14 =	vmovc v10;
	v32 =	vmax.f32 v31, $0.0e+00;
	v23 =	vmax.f32 v35, v23;
	v7 =	vmovc v36;
	v39 =	vperm.xlane v37, v0  }
0x2b6: {  	v34 =	vmax.f32 v34, $0.0e+00;
	v22 =	vmul.f32 $1.270000000e+02, v23;
	v23 =	vsub.f32 $9.999899860e-01, v23;
	v10 =	vmovc v38  }
0x2b7: {  	v34 =	vmul.f32 v28, v34;
	v33 =	vmul.f32 v28, v33;
	v31 =	vmax.f32 v37, v39  }
0x2b8: {  	v35 =	vperm.xlane v31, v1;
	_ =	sdelay $0x1  }
0x2b9: {  	v31 =	vmax.f32 v31, v35  }
0x2ba: {  	v47 =	vadd.f32 $9.999999740e-06, v22;
	v36 =	vperm.xlane v31, v2;
	_ =	sdelay $0x1  }
0x2bb: {  	(erf) = vrcp.f32 v47;
	v31 =	vmax.f32 v31, v36  }
0x2bc: {  	v48 =	vperm.xlane v31, v4;
	_ =	sdelay $0x1  }
0x2bd: {  	v32 =	vmul.f32 v28, v32;
	v27 =	vmul.f32 v28, v27;
	v31 =	vmax.f32 v31, v48  }
0x2be: {  	v26 =	vmul.f32 v28, v26;
	v50 =	vadd.f32 $9.999899860e-01, v12;
	v49 =	vmul.f32 $1.270000000e+02, v31  }
0x2bf: {  	v25 =	vmul.f32 v28, v25;
	v21 =	vadd.f32 $1.000000000e+00, v21;
	v13 =	vadd.f32 v23, v13  }
0x2c0: {  	v18 =	vadd.f32 v23, v18;
	v24 =	vsel vm0, v24, v34;
	[tilespmem:s6+$0xC010] =	vst v33;
	v51 =	vadd.f32 $9.999999740e-06, v49  }
0x2c1: {  	v29 =	vmul.f32 v28, v29;
	v15 =	vadd.f32 v23, v15;
	v9 =	vadd.f32 v23, v9;
	[tilespmem:s6+$0xC000] =	vst v24  }
0x2c2: {  	v11 =	vadd.f32 v23, v11;
	v19 =	vadd.f32 v23, v19;
	[tilespmem:s6+$0xC050] =	vst v25;
	(erf) = vrcp.f32 v51  }
0x2c3: {  	v6 =	vadd.f32 v23, v6;
	v14 =	vadd.f32 v23, v14;
	v24 =	vmul.f32 v28, v30;
	[tilespmem:s6+$0xC020] =	vst v32;
	v25 =	vpop (erf)  }
0x2c4: {  	v28 =	vmax.f32 v50, $0.0e+00;
	v21 =	vmul.f32 $9.999999740e-06, v21;
	[tilespmem:s6+$0xC040] =	vst v26;
	v22 =	vmul.f32 v25, v22  }
0x2c5: {  	v18 =	vmax.f32 v18, $0.0e+00;
	v11 =	vmax.f32 v11, $0.0e+00;
	v13 =	vmax.f32 v13, $0.0e+00;
	[tilespmem:s6+$0xC030] =	vst v27  }
0x2c6: {  	v15 =	vmax.f32 v15, $0.0e+00;
	[tilespmem:s6+$0xC060] =	vst v29;
	v13 =	vmul.f32 v22, v13;
	v11 =	vmul.f32 v22, v11  }
0x2c7: {  	v9 =	vmax.f32 v9, $0.0e+00;
	v19 =	vmax.f32 v19, $0.0e+00;
	v6 =	vmax.f32 v6, $0.0e+00;
	[tilespmem:s6+$0xC070] =	vst v24  }
0x2c8: {  	v14 =	vmax.f32 v14, $0.0e+00;
	v13 =	vsel vm0, v21, v13;
	[tilespmem:s25+$0xC010] =	vst v11;
	v11 =	vmul.f32 v22, v18  }
0x2c9: {  	v6 =	vmul.f32 v22, v6;
	v9 =	vmul.f32 v22, v9;
	v18 =	vsub.f32 $9.999899860e-01, v31;
	[tilespmem:s25+$0xC000] =	vst v13  }
0x2ca: {  	v13 =	vmul.f32 v22, v15;
	v15 =	vadd.f32 $1.000000000e+00, v28;
	[tilespmem:s25+$0xC050] =	vst v11;
	v11 =	vmul.f32 v22, v14  }
0x2cb: {  	[tilespmem:s25+$0xC020] =	vst v6;
	v12 =	vadd.f32 v18, v12;
	v6 =	vadd.f32 v18, v8;
	v14 =	vmul.f32 v22, v19;
	v8 =	vpop (erf)  }
0x2cc: {  	v19 =	vadd.f32 v18, v20;
	v5 =	vadd.f32 v18, v5;
	[tilespmem:s25+$0xC040] =	vst v13;
	v8 =	vmul.f32 v8, v49  }
0x2cd: {  	v13 =	vmul.f32 $9.999999740e-06, v15;
	[tilespmem:s25+$0xC070] =	vst v11;
	v6 =	vmax.f32 v6, $0.0e+00;
	v11 =	vmax.f32 v12, $0.0e+00  }
0x2ce: {  	[tilespmem:s25+$0xC030] =	vst v9;
	v5 =	vmax.f32 v5, $0.0e+00;
	v9 =	vmul.f32 v8, v11;
	v6 =	vmul.f32 v8, v6  }
0x2cf: {  	v10 =	vadd.f32 v18, v10;
	[tilespmem:s25+$0xC060] =	vst v14;
	v11 =	vadd.f32 v18, v17;
	v5 =	vmul.f32 v8, v5  }
0x2d0: {  	v7 =	vadd.f32 v18, v7;
	v12 =	vmax.f32 v19, $0.0e+00;
	v9 =	vsel vm0, v13, v9;
	[tilespmem:s26+$0xC010] =	vst v6  }
0x2d1: {  	v6 =	vmul.f32 v8, v12;
	v12 =	vadd.f32 v18, v16;
	v11 =	vmax.f32 v11, $0.0e+00;
	[tilespmem:s26+$0xC020] =	vst v5  }
0x2d2: {  	v5 =	vmax.f32 v7, $0.0e+00;
	[tilespmem:s26+$0xC000] =	vst v9;
	v9 =	vmax.f32 v10, $0.0e+00;
	v10 =	vmul.f32 v8, v11  }
0x2d3: {  	v5 =	vmul.f32 v8, v5;
	[tilespmem:s26+$0xC050] =	vst v6  }
0x2d4: {  	v6 =	vmax.f32 v12, $0.0e+00;
	v9 =	vmul.f32 v8, v9;
	[tilespmem:s26+$0xC040] =	vst v10  }
0x2d5: {  	v6 =	vmul.f32 v8, v6;
	[tilespmem:s26+$0xC060] =	vst v5  }
0x2d6: {  	[tilespmem:s26+$0xC070] =	vst v9  }
0x2d7: {  	s3 =	sadd.s32 $0x800, s24;
	s25 =	simm.s32 $0x0;
	[tilespmem:s26+$0xC030] =	vst v6;
	s26 =	sadd.s32 s23, s20  }
0x2d8: {  	[hbm4b:s3+s25] =	stream.linear.scatter [tilespmem:s9], [sflag:$0x7], $0x2000, $0x38;
	[tilespmem:$0x10000] =	vst v63  }
0x2d9: {  	s3 =	sshll.u32 s26, $0x4  }
0x2da: {  	s3 =	sadd.s32 s2, s3  }
0x2db: {  	[tilespmem:s29], [sflag:$0x3] =	stream.linear.gather [hbm4b:s3+s25], $0x2000, $0x38;
	[tilespmem:$0x10000] =	vst v63  }
0x2dc: {  	_ =	swait.ge [sflag:s11], $0x2000  }
0x2dd: {  	[sflag:s11] =	ssyncset.done $0x0  }
0x2de: {  	[sflag:s11] =	ssyncadd.s32 $0xFFFFE000  }
0x2df: {  	_ =	swait.ge [sflag:s16], $0x2000  }
0x2e0: {  	[sflag:s16] =	ssyncset.done $0x0  }
0x2e1: {  	s6 =	simm.s32 $0x0;
	[sflag:s16] =	ssyncadd.s32 $0xFFFFE000  }
0x2e2: {  	v7 =	vld [tilespmem:s6+$0x6000]  }
0x2e3: {  	v22 =	vld [tilespmem:s6+$0x6010]  }
0x2e4: {  	v23 =	vld [tilespmem:s6+$0x6020]  }
0x2e5: {  	v10 =	vld [tilespmem:s6+$0x6030]  }
0x2e6: {  	vm1 =	veq.s32 v3, $0x0;
	v20 =	vld [tilespmem:s6+$0x6040]  }
0x2e7: {  	v17 =	vld [tilespmem:s6+$0x6050];
	v5 =	vsel vm1, $0xFF800000, v7  }
0x2e8: {  	v27 =	vld [tilespmem:s6+$0x6060];
	v5 =	vmax.f32 v5, v22  }
0x2e9: {  	v28 =	vld [tilespmem:s6+$0x6070];
	v5 =	vmax.f32 v5, v23  }
0x2ea: {  	v5 =	vmax.f32 v5, v10  }
0x2eb: {  	v5 =	vmax.f32 v5, v20  }
0x2ec: {  	v5 =	vmax.f32 v5, v17  }
0x2ed: {  	v5 =	vmax.f32 v5, v27  }
0x2ee: {  	v5 =	vmax.f32 v5, v28  }
0x2ef: {  	v6 =	vperm.xlane v5, v0  }
0x2f0: {  	s25 =	simm.s32 $0x80  }
0x2f1: {  	v13 =	vld [tilespmem:s25+$0x6000];
	v5 =	vmax.f32 v5, v6  }
0x2f2: {  	v11 =	vld [tilespmem:s25+$0x6010];
	v8 =	vperm.xlane v5, v1  }
0x2f3: {  	v6 =	vld [tilespmem:s25+$0x6020]  }
0x2f4: {  	v9 =	vld [tilespmem:s25+$0x6030];
	v5 =	vmax.f32 v5, v8  }
0x2f5: {  	v15 =	vld [tilespmem:s25+$0x6040];
	v12 =	vperm.xlane v5, v2  }
0x2f6: {  	v18 =	vld [tilespmem:s25+$0x6050];
	v8 =	vsel vm1, $0xFF800000, v13  }
0x2f7: {  	v19 =	vld [tilespmem:s25+$0x6060];
	v8 =	vmax.f32 v8, v11;
	v5 =	vmax.f32 v5, v12  }
0x2f8: {  	v14 =	vld [tilespmem:s25+$0x6070];
	v8 =	vmax.f32 v8, v6;
	v12 =	vperm.xlane v5, v4  }
0x2f9: {  	v8 =	vmax.f32 v8, v9  }
0x2fa: {  	v8 =	vmax.f32 v8, v15;
	v5 =	vmax.f32 v5, v12  }
0x2fb: {  	v8 =	vmax.f32 v8, v18;
	v30 =	vmul.f32 $1.270000000e+02, v5  }
0x2fc: {  	s26 =	simm.s32 $0x100;
	v16 =	vadd.f32 $9.999899860e-01, v7;
	v8 =	vmax.f32 v8, v19;
	v29 =	vsub.f32 $9.999899860e-01, v5  }
0x2fd: {  	v26 =	vadd.f32 $9.999899860e-01, v13;
	v12 =	vld [tilespmem:s26+$0x6000];
	v21 =	vmax.f32 v8, v14;
	v25 =	vadd.f32 $9.999999740e-06, v30  }
0x2fe: {  	v8 =	vld [tilespmem:s26+$0x6010];
	v24 =	vperm.xlane v21, v0;
	v52 =	vadd.f32 v29, v7;
	v7 =	vadd.f32 v29, v17  }
0x2ff: {  	v16 =	vmax.f32 v16, $0.0e+00;
	v5 =	vld [tilespmem:s26+$0x6020];
	v53 =	vadd.f32 v29, v10;
	v10 =	vadd.f32 v29, v20  }
0x300: {  	v31 =	vmax.f32 v21, v24;
	v24 =	vadd.f32 $1.000000000e+00, v16;
	v16 =	vld [tilespmem:s26+$0x6030];
	(erf) = vrcp.f32 v25  }
0x301: {  	v17 =	vld [tilespmem:s26+$0x6040];
	v56 =	vadd.f32 v29, v27;
	v22 =	vadd.f32 v29, v22  }
0x302: {  	v20 =	vld [tilespmem:s26+$0x6050];
	v21 =	vmax.f32 v26, $0.0e+00;
	v26 =	vsel vm1, $0xFF800000, v12;
	v54 =	vperm.xlane v31, v1  }
0x303: {  	v60 =	vadd.f32 v29, v28;
	v25 =	vmax.f32 v7, $0.0e+00;
	v7 =	vld [tilespmem:s26+$0x6060];
	v55 =	vmax.f32 v26, v8  }
0x304: {  	v26 =	vmax.f32 v10, $0.0e+00;
	v10 =	vld [tilespmem:s26+$0x6070];
	v27 =	vmax.f32 v55, v5;
	v31 =	vmax.f32 v31, v54  }
0x305: {  	v37 =	vmax.f32 v22, $0.0e+00;
	v58 =	vperm.xlane v31, v2;
	v57 =	vmax.f32 v27, v16  }
0x306: {  	v22 =	vadd.f32 v29, v23;
	v29 =	vmax.f32 v56, $0.0e+00;
	v59 =	vmax.f32 v57, v17  }
0x307: {  	v33 =	vmax.f32 v52, $0.0e+00;
	v31 =	vmax.f32 v31, v58;
	v23 =	vmax.f32 v59, v20  }
0x308: {  	v24 =	vmul.f32 $9.999999740e-06, v24;
	v61 =	vperm.xlane v31, v4;
	v23 =	vmax.f32 v23, v7  }
0x309: {  	v32 =	vmax.f32 v22, $0.0e+00;
	v27 =	vmax.f32 v53, $0.0e+00;
	v62 =	vmax.f32 v23, v10;
	v28 =	vpop (erf)  }
0x30a: {  	v23 =	vmax.f32 v31, v61;
	v63 =	vperm.xlane v62, v0;
	v28 =	vmul.f32 v28, v30  }
0x30b: {  	v22 =	vmul.f32 $1.270000000e+02, v23;
	v23 =	vsub.f32 $9.999899860e-01, v23;
	v30 =	vmax.f32 v60, $0.0e+00  }
0x30c: {  	s17 =	simm.s32 $0x600;
	v31 =	vmax.f32 v62, v63;
	v34 =	vmul.f32 v28, v33;
	v33 =	vmul.f32 v28, v37  }
.LBB2_17:
0x30d: {  	s3 =	sshra.s32 s17, $0x2;
	p0 =	sne.s32 s17, $0x7E00;
	s17 =	sadd.s32 $0x200, s17;
	v35 =	vadd.f32 $9.999999740e-06, v22;
	v32 =	vmul.f32 v28, v32;
	v27 =	vmul.f32 v28, v27  }
0x30e: {  	v26 =	vmul.f32 v28, v26;
	v25 =	vmul.f32 v28, v25;
	v36 =	vld [tilespmem:s3+$0x6000];
	v24 =	vsel vm0, v24, v34;
	[tilespmem:s6+$0xE010] =	vst v33  }
0x30f: {  	v29 =	vmul.f32 v28, v29;
	v34 =	vadd.f32 $9.999899860e-01, v12;
	v33 =	vld [tilespmem:s3+$0x6010];
	(erf) = vrcp.f32 v35;
	[tilespmem:s6+$0xE000] =	vst v24  }
0x310: {  	v28 =	vmul.f32 v28, v30;
	v24 =	vadd.f32 $1.000000000e+00, v21;
	v35 =	vld [tilespmem:s3+$0x6020];
	[tilespmem:s6+$0xE050] =	vst v25  }
0x311: {  	v41 =	vadd.f32 v23, v18;
	v21 =	vmax.f32 v34, $0.0e+00;
	v34 =	vadd.f32 v23, v13;
	v13 =	vmovc v12;
	v30 =	vld [tilespmem:s3+$0x6030];
	[tilespmem:s6+$0xE020] =	vst v32  }
0x312: {  	v37 =	vadd.f32 v23, v9;
	v38 =	vadd.f32 v23, v15;
	v9 =	vmovc v16;
	v24 =	vmul.f32 $9.999999740e-06, v24;
	v32 =	vld [tilespmem:s3+$0x6040];
	[tilespmem:s6+$0xE040] =	vst v26  }
0x313: {  	v40 =	vperm.xlane v31, v1;
	v15 =	vmovc v17;
	v25 =	vmax.f32 v41, $0.0e+00;
	v39 =	vld [tilespmem:s3+$0x6050];
	v16 =	vsel vm1, $0xFF800000, v36;
	[tilespmem:s6+$0xE070] =	vst v28;
	v12 =	vmovc v36  }
0x314: {  	v17 =	vadd.f32 v23, v19;
	v18 =	vmovc v20;
	v26 =	vmax.f32 v38, $0.0e+00;
	v36 =	vld [tilespmem:s3+$0x6060];
	v16 =	vmax.f32 v16, v33;
	[tilespmem:s6+$0xE030] =	vst v27  }
0x315: {  	v20 =	vadd.f32 v23, v11;
	v19 =	vmax.f32 v31, v40;
	v38 =	vld [tilespmem:s3+$0x6070];
	v16 =	vmax.f32 v16, v35;
	[tilespmem:s6+$0xE060] =	vst v29;
	s6 =	smov.u32 s25;
	s25 =	smov.u32 s26;
	s26 =	smov.u32 s3  }
0x316: {  	v11 =	vmovc v8;
	v28 =	vperm.xlane v19, v2;
	v27 =	vmax.f32 v37, $0.0e+00;
	v8 =	vmovc v33;
	v16 =	vmax.f32 v16, v30  }
0x317: {  	v31 =	vadd.f32 v23, v6;
	v6 =	vmovc v5;
	v33 =	vmax.f32 v20, $0.0e+00;
	v5 =	vmovc v35;
	v42 =	vmax.f32 v16, v32  }
0x318: {  	v41 =	vadd.f32 v23, v14;
	v35 =	vmax.f32 v19, v28;
	v37 =	vmax.f32 v42, v39;
	v19 =	vpop (erf)  }
.Ltmp7:
0x319: {  	v29 =	vmax.f32 v17, $0.0e+00;
	v23 =	vperm.xlane v35, v4;
	v17 =	vmovc v32;
	v40 =	vmax.f32 v37, v36;
	v16 =	vmovc v30;
	(pc) =	sbr.rel @p0 .LBB2_17-.Ltmp7, $4  }
0x31a: {  	v20 =	vmovc v39;
	v28 =	vmul.f32 v19, v22;
	v30 =	vmax.f32 v41, $0.0e+00;
	v19 =	vmovc v7;
	v37 =	vmax.f32 v40, v38  }
0x31b: {  	v14 =	vmovc v10;
	v32 =	vmax.f32 v31, $0.0e+00;
	v23 =	vmax.f32 v35, v23;
	v7 =	vmovc v36;
	v39 =	vperm.xlane v37, v0  }
0x31c: {  	v34 =	vmax.f32 v34, $0.0e+00;
	v22 =	vmul.f32 $1.270000000e+02, v23;
	v23 =	vsub.f32 $9.999899860e-01, v23;
	v10 =	vmovc v38  }
0x31d: {  	v34 =	vmul.f32 v28, v34;
	v33 =	vmul.f32 v28, v33;
	v31 =	vmax.f32 v37, v39  }
0x31e: {  	v35 =	vperm.xlane v31, v1;
	_ =	sdelay $0x1  }
0x31f: {  	v31 =	vmax.f32 v31, v35  }
0x320: {  	v63 =	vadd.f32 $9.999999740e-06, v22;
	v36 =	vperm.xlane v31, v2;
	_ =	sdelay $0x1  }
0x321: {  	(erf) = vrcp.f32 v63;
	v31 =	vmax.f32 v31, v36  }
0x322: {  	v39 =	vperm.xlane v31, v4;
	_ =	sdelay $0x1  }
0x323: {  	v32 =	vmul.f32 v28, v32;
	v27 =	vmul.f32 v28, v27;
	v31 =	vmax.f32 v31, v39  }
0x324: {  	v26 =	vmul.f32 v28, v26;
	v40 =	vmul.f32 $1.270000000e+02, v31  }
0x325: {  	v25 =	vmul.f32 v28, v25;
	v41 =	vadd.f32 $9.999899860e-01, v12;
	v21 =	vadd.f32 $1.000000000e+00, v21  }
0x326: {  	v13 =	vadd.f32 v23, v13;
	v24 =	vsel vm0, v24, v34;
	[tilespmem:s6+$0xE010] =	vst v33;
	v42 =	vadd.f32 $9.999999740e-06, v40  }
0x327: {  	v29 =	vmul.f32 v28, v29;
	v18 =	vadd.f32 v23, v18;
	v15 =	vadd.f32 v23, v15;
	[tilespmem:s6+$0xE000] =	vst v24  }
0x328: {  	v9 =	vadd.f32 v23, v9;
	v11 =	vadd.f32 v23, v11;
	[tilespmem:s6+$0xE050] =	vst v25;
	(erf) = vrcp.f32 v42  }
0x329: {  	v43 =	vmul.f32 v28, v30;
	v19 =	vadd.f32 v23, v19;
	v6 =	vadd.f32 v23, v6;
	[tilespmem:s6+$0xE020] =	vst v32;
	v45 =	vpop (erf)  }
0x32a: {  	v14 =	vadd.f32 v23, v14;
	v44 =	vmax.f32 v41, $0.0e+00;
	[tilespmem:s6+$0xE040] =	vst v26;
	v46 =	vmul.f32 v45, v22  }
0x32b: {  	v21 =	vmul.f32 $9.999999740e-06, v21;
	v18 =	vmax.f32 v18, $0.0e+00;
	[tilespmem:s6+$0xE070] =	vst v43;
	v11 =	vmax.f32 v11, $0.0e+00  }
0x32c: {  	v15 =	vmax.f32 v15, $0.0e+00;
	v13 =	vmax.f32 v13, $0.0e+00;
	[tilespmem:s6+$0xE030] =	vst v27;
	v11 =	vmul.f32 v46, v11  }
0x32d: {  	[tilespmem:s6+$0xE060] =	vst v29;
	v9 =	vmax.f32 v9, $0.0e+00;
	v6 =	vmax.f32 v6, $0.0e+00;
	v47 =	vmul.f32 v46, v18  }
0x32e: {  	v50 =	vadd.f32 $1.000000000e+00, v44;
	v48 =	vsub.f32 $9.999899860e-01, v31;
	v6 =	vmul.f32 v46, v6;
	[tilespmem:s25+$0xE010] =	vst v11  }
0x32f: {  	v19 =	vmax.f32 v19, $0.0e+00;
	v14 =	vmax.f32 v14, $0.0e+00;
	v49 =	vmul.f32 v46, v15;
	[tilespmem:s25+$0xE050] =	vst v47  }
0x330: {  	v56 =	vmul.f32 $9.999999740e-06, v50;
	v52 =	vadd.f32 v48, v12;
	v51 =	vmul.f32 v46, v14;
	[tilespmem:s25+$0xE020] =	vst v6  }
0x331: {  	v13 =	vmul.f32 v46, v13;
	v9 =	vmul.f32 v46, v9;
	v6 =	vadd.f32 v48, v8;
	[tilespmem:s25+$0xE040] =	vst v49;
	v53 =	vpop (erf)  }
0x332: {  	v5 =	vadd.f32 v48, v5;
	v54 =	vmul.f32 v46, v19;
	[tilespmem:s25+$0xE070] =	vst v51;
	v8 =	vmul.f32 v53, v40  }
0x333: {  	v55 =	vadd.f32 v48, v20;
	v59 =	vadd.f32 v48, v17;
	[tilespmem:s25+$0xE030] =	vst v9;
	v6 =	vmax.f32 v6, $0.0e+00  }
0x334: {  	v5 =	vmax.f32 v5, $0.0e+00;
	v13 =	vsel vm0, v21, v13;
	[tilespmem:s25+$0xE060] =	vst v54;
	v6 =	vmul.f32 v8, v6  }
0x335: {  	v57 =	vmax.f32 v52, $0.0e+00;
	v11 =	vmax.f32 v59, $0.0e+00;
	[tilespmem:s25+$0xE000] =	vst v13;
	v5 =	vmul.f32 v8, v5  }
0x336: {  	v10 =	vadd.f32 v48, v10;
	v58 =	vmul.f32 v8, v57;
	v63 =	vmul.f32 v8, v11;
	[tilespmem:s26+$0xE010] =	vst v6  }
0x337: {  	v61 =	vadd.f32 v48, v16;
	v7 =	vadd.f32 v48, v7;
	v60 =	vmax.f32 v55, $0.0e+00;
	[tilespmem:s26+$0xE020] =	vst v5  }
0x338: {  	v62 =	vmax.f32 v10, $0.0e+00;
	v9 =	vsel vm0, v56, v58;
	v6 =	vmul.f32 v8, v60;
	[tilespmem:s26+$0xE040] =	vst v63  }
0x339: {  	v5 =	vmax.f32 v7, $0.0e+00;
	[tilespmem:s26+$0xE000] =	vst v9;
	v9 =	vmul.f32 v8, v62  }
0x33a: {  	v5 =	vmul.f32 v8, v5;
	[tilespmem:s26+$0xE050] =	vst v6;
	v6 =	vmax.f32 v61, $0.0e+00  }
0x33b: {  	s22 =	sadd.s32 $0x1, s22;
	v6 =	vmul.f32 v8, v6;
	[tilespmem:s26+$0xE070] =	vst v9  }
0x33c: {  	p0 =	sne.s32 s22, $0xF;
	[tilespmem:s26+$0xE060] =	vst v5  }
.Ltmp8:
0x33d: {  	s3 =	sadd.s32 $0xC00, s24;
	[tilespmem:s26+$0xE030] =	vst v6;
	s26 =	sadd.s32 s23, s21;
	(pc) =	sbr.rel @p0 .LBB2_10-.Ltmp8, $4  }
0x33e: {  	[hbm4b:s3+s4] =	stream.linear.scatter [tilespmem:s12], [sflag:$0x8], $0x2000, $0x38;
	[tilespmem:$0x10000] =	vst v63  }
0x33f: {  	s3 =	sshll.u32 s26, $0x4  }
0x340: {  	s3 =	sadd.s32 s2, s3  }
0x341: {  	[tilespmem:s30], [sflag:$0x4] =	stream.linear.gather [hbm4b:s3+s4], $0x2000, $0x38;
	[tilespmem:$0x10000] =	vst v63  }
0x342: {  	_ =	swait.ge [sflag:s31], $0x2000  }
0x343: {  	[sflag:s31] =	ssyncset.done $0x0  }
0x344: {  	[sflag:s31] =	ssyncadd.s32 $0xFFFFE000  }
0x345: {  	_ =	swait.ge [sflag:s13], $0x2000  }
0x346: {  	[sflag:s13] =	ssyncset.done $0x0  }
0x347: {  	s6 =	simm.s32 $0x0;
	[sflag:s13] =	ssyncadd.s32 $0xFFFFE000  }
0x348: {  	v7 =	vld [tilespmem:s6+$0x0]  }
0x349: {  	v22 =	vld [tilespmem:s6+$0x10]  }
0x34a: {  	v23 =	vld [tilespmem:s6+$0x20]  }
0x34b: {  	v10 =	vld [tilespmem:s6+$0x30]  }
0x34c: {  	vm1 =	veq.s32 v3, $0x0;
	v20 =	vld [tilespmem:s6+$0x40]  }
0x34d: {  	v17 =	vld [tilespmem:s6+$0x50];
	v5 =	vsel vm1, $0xFF800000, v7  }
0x34e: {  	v27 =	vld [tilespmem:s6+$0x60];
	v5 =	vmax.f32 v5, v22  }
0x34f: {  	v28 =	vld [tilespmem:s6+$0x70];
	v5 =	vmax.f32 v5, v23  }
0x350: {  	v5 =	vmax.f32 v5, v10  }
0x351: {  	v5 =	vmax.f32 v5, v20  }
0x352: {  	v5 =	vmax.f32 v5, v17  }
0x353: {  	v5 =	vmax.f32 v5, v27  }
0x354: {  	v5 =	vmax.f32 v5, v28  }
0x355: {  	v6 =	vperm.xlane v5, v0  }
0x356: {  	s22 =	simm.s32 $0x80  }
0x357: {  	v13 =	vld [tilespmem:s22+$0x0];
	v5 =	vmax.f32 v5, v6  }
0x358: {  	v11 =	vld [tilespmem:s22+$0x10];
	v8 =	vperm.xlane v5, v1  }
0x359: {  	v6 =	vld [tilespmem:s22+$0x20]  }
0x35a: {  	v9 =	vld [tilespmem:s22+$0x30];
	v5 =	vmax.f32 v5, v8  }
0x35b: {  	v15 =	vld [tilespmem:s22+$0x40];
	v12 =	vperm.xlane v5, v2  }
0x35c: {  	v18 =	vld [tilespmem:s22+$0x50];
	v8 =	vsel vm1, $0xFF800000, v13  }
0x35d: {  	v19 =	vld [tilespmem:s22+$0x60];
	v8 =	vmax.f32 v8, v11;
	v5 =	vmax.f32 v5, v12  }
0x35e: {  	v14 =	vld [tilespmem:s22+$0x70];
	v8 =	vmax.f32 v8, v6;
	v12 =	vperm.xlane v5, v4  }
0x35f: {  	v8 =	vmax.f32 v8, v9  }
0x360: {  	v8 =	vmax.f32 v8, v15;
	v5 =	vmax.f32 v5, v12  }
0x361: {  	v8 =	vmax.f32 v8, v18;
	v30 =	vmul.f32 $1.270000000e+02, v5  }
0x362: {  	s23 =	simm.s32 $0x100;
	v16 =	vadd.f32 $9.999899860e-01, v7;
	v8 =	vmax.f32 v8, v19;
	v29 =	vsub.f32 $9.999899860e-01, v5  }
0x363: {  	v26 =	vadd.f32 $9.999899860e-01, v13;
	v12 =	vld [tilespmem:s23+$0x0];
	v21 =	vmax.f32 v8, v14;
	v25 =	vadd.f32 $9.999999740e-06, v30  }
0x364: {  	v8 =	vld [tilespmem:s23+$0x10];
	v24 =	vperm.xlane v21, v0;
	v33 =	vadd.f32 v29, v7;
	v7 =	vadd.f32 v29, v17  }
0x365: {  	v16 =	vmax.f32 v16, $0.0e+00;
	v5 =	vld [tilespmem:s23+$0x20];
	v32 =	vadd.f32 v29, v10;
	v10 =	vadd.f32 v29, v20  }
0x366: {  	v31 =	vmax.f32 v21, v24;
	v24 =	vadd.f32 $1.000000000e+00, v16;
	v16 =	vld [tilespmem:s23+$0x30];
	(erf) = vrcp.f32 v25  }
0x367: {  	v17 =	vld [tilespmem:s23+$0x40];
	v36 =	vadd.f32 v29, v27;
	v22 =	vadd.f32 v29, v22  }
0x368: {  	v20 =	vld [tilespmem:s23+$0x50];
	v21 =	vmax.f32 v26, $0.0e+00;
	v26 =	vsel vm1, $0xFF800000, v12;
	v34 =	vperm.xlane v31, v1  }
0x369: {  	v60 =	vadd.f32 v29, v28;
	v25 =	vmax.f32 v7, $0.0e+00;
	v7 =	vld [tilespmem:s23+$0x60];
	v35 =	vmax.f32 v26, v8  }
0x36a: {  	v26 =	vmax.f32 v10, $0.0e+00;
	v10 =	vld [tilespmem:s23+$0x70];
	v27 =	vmax.f32 v35, v5;
	v31 =	vmax.f32 v31, v34  }
0x36b: {  	v37 =	vmax.f32 v22, $0.0e+00;
	v58 =	vperm.xlane v31, v2;
	v57 =	vmax.f32 v27, v16  }
0x36c: {  	v22 =	vadd.f32 v29, v23;
	v29 =	vmax.f32 v36, $0.0e+00;
	v59 =	vmax.f32 v57, v17  }
0x36d: {  	v33 =	vmax.f32 v33, $0.0e+00;
	v31 =	vmax.f32 v31, v58;
	v23 =	vmax.f32 v59, v20  }
0x36e: {  	v24 =	vmul.f32 $9.999999740e-06, v24;
	v61 =	vperm.xlane v31, v4;
	v23 =	vmax.f32 v23, v7  }
0x36f: {  	v27 =	vmax.f32 v32, $0.0e+00;
	v32 =	vmax.f32 v22, $0.0e+00;
	v62 =	vmax.f32 v23, v10;
	v28 =	vpop (erf)  }
0x370: {  	v23 =	vmax.f32 v31, v61;
	v63 =	vperm.xlane v62, v0;
	v28 =	vmul.f32 v28, v30  }
0x371: {  	v22 =	vmul.f32 $1.270000000e+02, v23;
	v23 =	vsub.f32 $9.999899860e-01, v23;
	v30 =	vmax.f32 v60, $0.0e+00  }
0x372: {  	s17 =	simm.s32 $0x600;
	v31 =	vmax.f32 v62, v63;
	v34 =	vmul.f32 v28, v33;
	v33 =	vmul.f32 v28, v37  }
.LBB2_20:
0x373: {  	s3 =	sshra.s32 s17, $0x2;
	p0 =	sne.s32 s17, $0x7E00;
	s17 =	sadd.s32 $0x200, s17;
	v35 =	vadd.f32 $9.999999740e-06, v22;
	v32 =	vmul.f32 v28, v32;
	v27 =	vmul.f32 v28, v27  }
0x374: {  	v26 =	vmul.f32 v28, v26;
	v25 =	vmul.f32 v28, v25;
	v36 =	vld [tilespmem:s3+$0x0];
	v24 =	vsel vm0, v24, v34;
	[tilespmem:s6+$0x8010] =	vst v33  }
0x375: {  	v29 =	vmul.f32 v28, v29;
	v34 =	vadd.f32 $9.999899860e-01, v12;
	v33 =	vld [tilespmem:s3+$0x10];
	(erf) = vrcp.f32 v35;
	[tilespmem:s6+$0x8000] =	vst v24  }
0x376: {  	v28 =	vmul.f32 v28, v30;
	v24 =	vadd.f32 $1.000000000e+00, v21;
	v35 =	vld [tilespmem:s3+$0x20];
	[tilespmem:s6+$0x8050] =	vst v25  }
0x377: {  	v41 =	vadd.f32 v23, v18;
	v21 =	vmax.f32 v34, $0.0e+00;
	v34 =	vadd.f32 v23, v13;
	v13 =	vmovc v12;
	v30 =	vld [tilespmem:s3+$0x30];
	[tilespmem:s6+$0x8020] =	vst v32  }
0x378: {  	v37 =	vadd.f32 v23, v9;
	v38 =	vadd.f32 v23, v15;
	v9 =	vmovc v16;
	v24 =	vmul.f32 $9.999999740e-06, v24;
	v32 =	vld [tilespmem:s3+$0x40];
	[tilespmem:s6+$0x8040] =	vst v26  }
0x379: {  	v40 =	vperm.xlane v31, v1;
	v15 =	vmovc v17;
	v25 =	vmax.f32 v41, $0.0e+00;
	v39 =	vld [tilespmem:s3+$0x50];
	v16 =	vsel vm1, $0xFF800000, v36;
	[tilespmem:s6+$0x8070] =	vst v28;
	v12 =	vmovc v36  }
0x37a: {  	v17 =	vadd.f32 v23, v19;
	v18 =	vmovc v20;
	v26 =	vmax.f32 v38, $0.0e+00;
	v36 =	vld [tilespmem:s3+$0x60];
	v16 =	vmax.f32 v16, v33;
	[tilespmem:s6+$0x8030] =	vst v27  }
0x37b: {  	v20 =	vadd.f32 v23, v11;
	v19 =	vmax.f32 v31, v40;
	v38 =	vld [tilespmem:s3+$0x70];
	v16 =	vmax.f32 v16, v35;
	[tilespmem:s6+$0x8060] =	vst v29;
	s6 =	smov.u32 s22;
	s22 =	smov.u32 s23;
	s23 =	smov.u32 s3  }
0x37c: {  	v11 =	vmovc v8;
	v28 =	vperm.xlane v19, v2;
	v27 =	vmax.f32 v37, $0.0e+00;
	v8 =	vmovc v33;
	v16 =	vmax.f32 v16, v30  }
0x37d: {  	v31 =	vadd.f32 v23, v6;
	v6 =	vmovc v5;
	v33 =	vmax.f32 v20, $0.0e+00;
	v5 =	vmovc v35;
	v42 =	vmax.f32 v16, v32  }
0x37e: {  	v41 =	vadd.f32 v23, v14;
	v35 =	vmax.f32 v19, v28;
	v37 =	vmax.f32 v42, v39;
	v19 =	vpop (erf)  }
.Ltmp9:
0x37f: {  	v29 =	vmax.f32 v17, $0.0e+00;
	v23 =	vperm.xlane v35, v4;
	v17 =	vmovc v32;
	v40 =	vmax.f32 v37, v36;
	v16 =	vmovc v30;
	(pc) =	sbr.rel @p0 .LBB2_20-.Ltmp9, $4  }
0x380: {  	v20 =	vmovc v39;
	v28 =	vmul.f32 v19, v22;
	v30 =	vmax.f32 v41, $0.0e+00;
	v19 =	vmovc v7;
	v37 =	vmax.f32 v40, v38  }
0x381: {  	v14 =	vmovc v10;
	v32 =	vmax.f32 v31, $0.0e+00;
	v23 =	vmax.f32 v35, v23;
	v7 =	vmovc v36;
	v39 =	vperm.xlane v37, v0  }
0x382: {  	v34 =	vmax.f32 v34, $0.0e+00;
	v22 =	vmul.f32 $1.270000000e+02, v23;
	v23 =	vsub.f32 $9.999899860e-01, v23;
	v10 =	vmovc v38  }
0x383: {  	v34 =	vmul.f32 v28, v34;
	v33 =	vmul.f32 v28, v33;
	v31 =	vmax.f32 v37, v39  }
0x384: {  	v35 =	vperm.xlane v31, v1;
	_ =	sdelay $0x1  }
0x385: {  	v31 =	vmax.f32 v31, v35  }
0x386: {  	v47 =	vadd.f32 $9.999999740e-06, v22;
	v36 =	vperm.xlane v31, v2;
	_ =	sdelay $0x1  }
0x387: {  	(erf) = vrcp.f32 v47;
	v31 =	vmax.f32 v31, v36  }
0x388: {  	v48 =	vperm.xlane v31, v4;
	_ =	sdelay $0x1  }
0x389: {  	v32 =	vmul.f32 v28, v32;
	v27 =	vmul.f32 v28, v27;
	v31 =	vmax.f32 v31, v48  }
0x38a: {  	v26 =	vmul.f32 v28, v26;
	v50 =	vadd.f32 $9.999899860e-01, v12;
	v49 =	vmul.f32 $1.270000000e+02, v31  }
0x38b: {  	v25 =	vmul.f32 v28, v25;
	v21 =	vadd.f32 $1.000000000e+00, v21;
	v13 =	vadd.f32 v23, v13  }
0x38c: {  	v18 =	vadd.f32 v23, v18;
	v24 =	vsel vm0, v24, v34;
	[tilespmem:s6+$0x8010] =	vst v33;
	v51 =	vadd.f32 $9.999999740e-06, v49  }
0x38d: {  	v29 =	vmul.f32 v28, v29;
	v15 =	vadd.f32 v23, v15;
	v9 =	vadd.f32 v23, v9;
	[tilespmem:s6+$0x8000] =	vst v24  }
0x38e: {  	v11 =	vadd.f32 v23, v11;
	v19 =	vadd.f32 v23, v19;
	[tilespmem:s6+$0x8050] =	vst v25;
	(erf) = vrcp.f32 v51  }
0x38f: {  	v6 =	vadd.f32 v23, v6;
	v14 =	vadd.f32 v23, v14;
	v24 =	vmul.f32 v28, v30;
	[tilespmem:s6+$0x8020] =	vst v32;
	v25 =	vpop (erf)  }
0x390: {  	v28 =	vmax.f32 v50, $0.0e+00;
	v21 =	vmul.f32 $9.999999740e-06, v21;
	[tilespmem:s6+$0x8040] =	vst v26;
	v22 =	vmul.f32 v25, v22  }
0x391: {  	v18 =	vmax.f32 v18, $0.0e+00;
	v11 =	vmax.f32 v11, $0.0e+00;
	v13 =	vmax.f32 v13, $0.0e+00;
	[tilespmem:s6+$0x8030] =	vst v27  }
0x392: {  	v15 =	vmax.f32 v15, $0.0e+00;
	[tilespmem:s6+$0x8060] =	vst v29;
	v13 =	vmul.f32 v22, v13;
	v11 =	vmul.f32 v22, v11  }
0x393: {  	v9 =	vmax.f32 v9, $0.0e+00;
	v19 =	vmax.f32 v19, $0.0e+00;
	v6 =	vmax.f32 v6, $0.0e+00;
	[tilespmem:s6+$0x8070] =	vst v24  }
0x394: {  	v14 =	vmax.f32 v14, $0.0e+00;
	v13 =	vsel vm0, v21, v13;
	[tilespmem:s22+$0x8010] =	vst v11;
	v11 =	vmul.f32 v22, v18  }
0x395: {  	v6 =	vmul.f32 v22, v6;
	v9 =	vmul.f32 v22, v9;
	v18 =	vsub.f32 $9.999899860e-01, v31;
	[tilespmem:s22+$0x8000] =	vst v13  }
0x396: {  	v13 =	vmul.f32 v22, v15;
	v15 =	vadd.f32 $1.000000000e+00, v28;
	[tilespmem:s22+$0x8050] =	vst v11;
	v11 =	vmul.f32 v22, v14  }
0x397: {  	[tilespmem:s22+$0x8020] =	vst v6;
	v12 =	vadd.f32 v18, v12;
	v6 =	vadd.f32 v18, v8;
	v14 =	vmul.f32 v22, v19;
	v8 =	vpop (erf)  }
0x398: {  	v19 =	vadd.f32 v18, v20;
	v5 =	vadd.f32 v18, v5;
	[tilespmem:s22+$0x8040] =	vst v13;
	v8 =	vmul.f32 v8, v49  }
0x399: {  	v13 =	vmul.f32 $9.999999740e-06, v15;
	[tilespmem:s22+$0x8070] =	vst v11;
	v6 =	vmax.f32 v6, $0.0e+00;
	v11 =	vmax.f32 v12, $0.0e+00  }
0x39a: {  	[tilespmem:s22+$0x8030] =	vst v9;
	v5 =	vmax.f32 v5, $0.0e+00;
	v9 =	vmul.f32 v8, v11;
	v6 =	vmul.f32 v8, v6  }
0x39b: {  	v10 =	vadd.f32 v18, v10;
	[tilespmem:s22+$0x8060] =	vst v14;
	v11 =	vadd.f32 v18, v17;
	v5 =	vmul.f32 v8, v5  }
0x39c: {  	v7 =	vadd.f32 v18, v7;
	v12 =	vmax.f32 v19, $0.0e+00;
	v9 =	vsel vm0, v13, v9;
	[tilespmem:s23+$0x8010] =	vst v6  }
0x39d: {  	v6 =	vmul.f32 v8, v12;
	v12 =	vadd.f32 v18, v16;
	v11 =	vmax.f32 v11, $0.0e+00;
	[tilespmem:s23+$0x8020] =	vst v5  }
0x39e: {  	v5 =	vmax.f32 v7, $0.0e+00;
	[tilespmem:s23+$0x8000] =	vst v9;
	v9 =	vmax.f32 v10, $0.0e+00;
	v10 =	vmul.f32 v8, v11  }
0x39f: {  	v5 =	vmul.f32 v8, v5;
	[tilespmem:s23+$0x8050] =	vst v6  }
0x3a0: {  	v6 =	vmax.f32 v12, $0.0e+00;
	v9 =	vmul.f32 v8, v9;
	[tilespmem:s23+$0x8040] =	vst v10  }
0x3a1: {  	v6 =	vmul.f32 v8, v6;
	[tilespmem:s23+$0x8060] =	vst v5  }
0x3a2: {  	[tilespmem:s23+$0x8070] =	vst v9  }
0x3a3: {  	s3 =	simm.s32 $0x0;
	s26 =	rddreg [dreg:$0xe];
	[tilespmem:s23+$0x8030] =	vst v6  }
0x3a4: {  	[hbm4b:s26+s3] =	stream.linear.scatter [tilespmem:s0], [sflag:$0x5], $0x2000, $0x38;
	[tilespmem:$0x10000] =	vst v63  }
0x3a5: {  	_ =	swait.ge [sflag:s1], $0x2000  }
0x3a6: {  	[sflag:s1] =	ssyncset.done $0x0  }
0x3a7: {  	[sflag:s1] =	ssyncadd.s32 $0xFFFFE000  }
0x3a8: {  	_ =	swait.ge [sflag:s14], $0x2000  }
0x3a9: {  	[sflag:s14] =	ssyncset.done $0x0  }
0x3aa: {  	s6 =	simm.s32 $0x0;
	[sflag:s14] =	ssyncadd.s32 $0xFFFFE000  }
0x3ab: {  	v7 =	vld [tilespmem:s6+$0x2000]  }
0x3ac: {  	v22 =	vld [tilespmem:s6+$0x2010]  }
0x3ad: {  	v23 =	vld [tilespmem:s6+$0x2020]  }
0x3ae: {  	v10 =	vld [tilespmem:s6+$0x2030]  }
0x3af: {  	vm1 =	veq.s32 v3, $0x0;
	v20 =	vld [tilespmem:s6+$0x2040]  }
0x3b0: {  	v17 =	vld [tilespmem:s6+$0x2050];
	v5 =	vsel vm1, $0xFF800000, v7  }
0x3b1: {  	v27 =	vld [tilespmem:s6+$0x2060];
	v5 =	vmax.f32 v5, v22  }
0x3b2: {  	v28 =	vld [tilespmem:s6+$0x2070];
	v5 =	vmax.f32 v5, v23  }
0x3b3: {  	v5 =	vmax.f32 v5, v10  }
0x3b4: {  	v5 =	vmax.f32 v5, v20  }
0x3b5: {  	v5 =	vmax.f32 v5, v17  }
0x3b6: {  	v5 =	vmax.f32 v5, v27  }
0x3b7: {  	v5 =	vmax.f32 v5, v28  }
0x3b8: {  	v6 =	vperm.xlane v5, v0  }
0x3b9: {  	s22 =	simm.s32 $0x80  }
0x3ba: {  	v13 =	vld [tilespmem:s22+$0x2000];
	v5 =	vmax.f32 v5, v6  }
0x3bb: {  	v11 =	vld [tilespmem:s22+$0x2010];
	v8 =	vperm.xlane v5, v1  }
0x3bc: {  	v6 =	vld [tilespmem:s22+$0x2020]  }
0x3bd: {  	v9 =	vld [tilespmem:s22+$0x2030];
	v5 =	vmax.f32 v5, v8  }
0x3be: {  	v15 =	vld [tilespmem:s22+$0x2040];
	v12 =	vperm.xlane v5, v2  }
0x3bf: {  	v18 =	vld [tilespmem:s22+$0x2050];
	v8 =	vsel vm1, $0xFF800000, v13  }
0x3c0: {  	v19 =	vld [tilespmem:s22+$0x2060];
	v8 =	vmax.f32 v8, v11;
	v5 =	vmax.f32 v5, v12  }
0x3c1: {  	v14 =	vld [tilespmem:s22+$0x2070];
	v8 =	vmax.f32 v8, v6;
	v12 =	vperm.xlane v5, v4  }
0x3c2: {  	v8 =	vmax.f32 v8, v9  }
0x3c3: {  	v8 =	vmax.f32 v8, v15;
	v5 =	vmax.f32 v5, v12  }
0x3c4: {  	v8 =	vmax.f32 v8, v18;
	v30 =	vmul.f32 $1.270000000e+02, v5  }
0x3c5: {  	s23 =	simm.s32 $0x100;
	v16 =	vadd.f32 $9.999899860e-01, v7;
	v8 =	vmax.f32 v8, v19;
	v29 =	vsub.f32 $9.999899860e-01, v5  }
0x3c6: {  	v26 =	vadd.f32 $9.999899860e-01, v13;
	v12 =	vld [tilespmem:s23+$0x2000];
	v21 =	vmax.f32 v8, v14;
	v25 =	vadd.f32 $9.999999740e-06, v30  }
0x3c7: {  	v8 =	vld [tilespmem:s23+$0x2010];
	v24 =	vperm.xlane v21, v0;
	v52 =	vadd.f32 v29, v7;
	v7 =	vadd.f32 v29, v17  }
0x3c8: {  	v16 =	vmax.f32 v16, $0.0e+00;
	v5 =	vld [tilespmem:s23+$0x2020];
	v53 =	vadd.f32 v29, v10;
	v10 =	vadd.f32 v29, v20  }
0x3c9: {  	v31 =	vmax.f32 v21, v24;
	v24 =	vadd.f32 $1.000000000e+00, v16;
	v16 =	vld [tilespmem:s23+$0x2030];
	(erf) = vrcp.f32 v25  }
0x3ca: {  	v17 =	vld [tilespmem:s23+$0x2040];
	v56 =	vadd.f32 v29, v27;
	v22 =	vadd.f32 v29, v22  }
0x3cb: {  	v20 =	vld [tilespmem:s23+$0x2050];
	v21 =	vmax.f32 v26, $0.0e+00;
	v26 =	vsel vm1, $0xFF800000, v12;
	v54 =	vperm.xlane v31, v1  }
0x3cc: {  	v60 =	vadd.f32 v29, v28;
	v25 =	vmax.f32 v7, $0.0e+00;
	v7 =	vld [tilespmem:s23+$0x2060];
	v55 =	vmax.f32 v26, v8  }
0x3cd: {  	v26 =	vmax.f32 v10, $0.0e+00;
	v10 =	vld [tilespmem:s23+$0x2070];
	v27 =	vmax.f32 v55, v5;
	v31 =	vmax.f32 v31, v54  }
0x3ce: {  	v37 =	vmax.f32 v22, $0.0e+00;
	v58 =	vperm.xlane v31, v2;
	v57 =	vmax.f32 v27, v16  }
0x3cf: {  	v22 =	vadd.f32 v29, v23;
	v29 =	vmax.f32 v56, $0.0e+00;
	v59 =	vmax.f32 v57, v17  }
0x3d0: {  	v33 =	vmax.f32 v52, $0.0e+00;
	v31 =	vmax.f32 v31, v58;
	v23 =	vmax.f32 v59, v20  }
0x3d1: {  	v24 =	vmul.f32 $9.999999740e-06, v24;
	v61 =	vperm.xlane v31, v4;
	v23 =	vmax.f32 v23, v7  }
0x3d2: {  	v32 =	vmax.f32 v22, $0.0e+00;
	v27 =	vmax.f32 v53, $0.0e+00;
	v62 =	vmax.f32 v23, v10;
	v28 =	vpop (erf)  }
0x3d3: {  	v23 =	vmax.f32 v31, v61;
	v63 =	vperm.xlane v62, v0;
	v28 =	vmul.f32 v28, v30  }
0x3d4: {  	v22 =	vmul.f32 $1.270000000e+02, v23;
	v23 =	vsub.f32 $9.999899860e-01, v23;
	v30 =	vmax.f32 v60, $0.0e+00  }
0x3d5: {  	s17 =	simm.s32 $0x600;
	v31 =	vmax.f32 v62, v63;
	v34 =	vmul.f32 v28, v33;
	v33 =	vmul.f32 v28, v37  }
.LBB2_22:
0x3d6: {  	s3 =	sshra.s32 s17, $0x2;
	p0 =	sne.s32 s17, $0x7E00;
	s17 =	sadd.s32 $0x200, s17;
	v35 =	vadd.f32 $9.999999740e-06, v22;
	v32 =	vmul.f32 v28, v32;
	v27 =	vmul.f32 v28, v27  }
0x3d7: {  	v26 =	vmul.f32 v28, v26;
	v25 =	vmul.f32 v28, v25;
	v36 =	vld [tilespmem:s3+$0x2000];
	v24 =	vsel vm0, v24, v34;
	[tilespmem:s6+$0xA010] =	vst v33  }
0x3d8: {  	v29 =	vmul.f32 v28, v29;
	v34 =	vadd.f32 $9.999899860e-01, v12;
	v33 =	vld [tilespmem:s3+$0x2010];
	(erf) = vrcp.f32 v35;
	[tilespmem:s6+$0xA000] =	vst v24  }
0x3d9: {  	v28 =	vmul.f32 v28, v30;
	v24 =	vadd.f32 $1.000000000e+00, v21;
	v35 =	vld [tilespmem:s3+$0x2020];
	[tilespmem:s6+$0xA050] =	vst v25  }
0x3da: {  	v41 =	vadd.f32 v23, v18;
	v21 =	vmax.f32 v34, $0.0e+00;
	v34 =	vadd.f32 v23, v13;
	v13 =	vmovc v12;
	v30 =	vld [tilespmem:s3+$0x2030];
	[tilespmem:s6+$0xA020] =	vst v32  }
0x3db: {  	v37 =	vadd.f32 v23, v9;
	v38 =	vadd.f32 v23, v15;
	v9 =	vmovc v16;
	v24 =	vmul.f32 $9.999999740e-06, v24;
	v32 =	vld [tilespmem:s3+$0x2040];
	[tilespmem:s6+$0xA040] =	vst v26  }
0x3dc: {  	v40 =	vperm.xlane v31, v1;
	v15 =	vmovc v17;
	v25 =	vmax.f32 v41, $0.0e+00;
	v39 =	vld [tilespmem:s3+$0x2050];
	v16 =	vsel vm1, $0xFF800000, v36;
	[tilespmem:s6+$0xA070] =	vst v28;
	v12 =	vmovc v36  }
0x3dd: {  	v17 =	vadd.f32 v23, v19;
	v18 =	vmovc v20;
	v26 =	vmax.f32 v38, $0.0e+00;
	v36 =	vld [tilespmem:s3+$0x2060];
	v16 =	vmax.f32 v16, v33;
	[tilespmem:s6+$0xA030] =	vst v27  }
0x3de: {  	v20 =	vadd.f32 v23, v11;
	v19 =	vmax.f32 v31, v40;
	v38 =	vld [tilespmem:s3+$0x2070];
	v16 =	vmax.f32 v16, v35;
	[tilespmem:s6+$0xA060] =	vst v29;
	s6 =	smov.u32 s22;
	s22 =	smov.u32 s23;
	s23 =	smov.u32 s3  }
0x3df: {  	v11 =	vmovc v8;
	v28 =	vperm.xlane v19, v2;
	v27 =	vmax.f32 v37, $0.0e+00;
	v8 =	vmovc v33;
	v16 =	vmax.f32 v16, v30  }
0x3e0: {  	v31 =	vadd.f32 v23, v6;
	v6 =	vmovc v5;
	v33 =	vmax.f32 v20, $0.0e+00;
	v5 =	vmovc v35;
	v42 =	vmax.f32 v16, v32  }
0x3e1: {  	v41 =	vadd.f32 v23, v14;
	v35 =	vmax.f32 v19, v28;
	v37 =	vmax.f32 v42, v39;
	v19 =	vpop (erf)  }
.Ltmp10:
0x3e2: {  	v29 =	vmax.f32 v17, $0.0e+00;
	v23 =	vperm.xlane v35, v4;
	v17 =	vmovc v32;
	v40 =	vmax.f32 v37, v36;
	v16 =	vmovc v30;
	(pc) =	sbr.rel @p0 .LBB2_22-.Ltmp10, $4  }
0x3e3: {  	v20 =	vmovc v39;
	v28 =	vmul.f32 v19, v22;
	v30 =	vmax.f32 v41, $0.0e+00;
	v19 =	vmovc v7;
	v37 =	vmax.f32 v40, v38  }
0x3e4: {  	v14 =	vmovc v10;
	v32 =	vmax.f32 v31, $0.0e+00;
	v23 =	vmax.f32 v35, v23;
	v7 =	vmovc v36;
	v39 =	vperm.xlane v37, v0  }
0x3e5: {  	v34 =	vmax.f32 v34, $0.0e+00;
	v22 =	vmul.f32 $1.270000000e+02, v23;
	v23 =	vsub.f32 $9.999899860e-01, v23;
	v10 =	vmovc v38  }
0x3e6: {  	v34 =	vmul.f32 v28, v34;
	v33 =	vmul.f32 v28, v33;
	v31 =	vmax.f32 v37, v39  }
0x3e7: {  	v35 =	vperm.xlane v31, v1;
	_ =	sdelay $0x1  }
0x3e8: {  	v31 =	vmax.f32 v31, v35  }
0x3e9: {  	v47 =	vadd.f32 $9.999999740e-06, v22;
	v36 =	vperm.xlane v31, v2;
	_ =	sdelay $0x1  }
0x3ea: {  	(erf) = vrcp.f32 v47;
	v31 =	vmax.f32 v31, v36  }
0x3eb: {  	v48 =	vperm.xlane v31, v4;
	_ =	sdelay $0x1  }
0x3ec: {  	v32 =	vmul.f32 v28, v32;
	v27 =	vmul.f32 v28, v27;
	v31 =	vmax.f32 v31, v48  }
0x3ed: {  	v26 =	vmul.f32 v28, v26;
	v50 =	vadd.f32 $9.999899860e-01, v12;
	v49 =	vmul.f32 $1.270000000e+02, v31  }
0x3ee: {  	v25 =	vmul.f32 v28, v25;
	v21 =	vadd.f32 $1.000000000e+00, v21;
	v13 =	vadd.f32 v23, v13  }
0x3ef: {  	v18 =	vadd.f32 v23, v18;
	v24 =	vsel vm0, v24, v34;
	[tilespmem:s6+$0xA010] =	vst v33;
	v51 =	vadd.f32 $9.999999740e-06, v49  }
0x3f0: {  	v29 =	vmul.f32 v28, v29;
	v15 =	vadd.f32 v23, v15;
	v9 =	vadd.f32 v23, v9;
	[tilespmem:s6+$0xA000] =	vst v24  }
0x3f1: {  	v11 =	vadd.f32 v23, v11;
	v19 =	vadd.f32 v23, v19;
	[tilespmem:s6+$0xA050] =	vst v25;
	(erf) = vrcp.f32 v51  }
0x3f2: {  	v6 =	vadd.f32 v23, v6;
	v14 =	vadd.f32 v23, v14;
	v24 =	vmul.f32 v28, v30;
	[tilespmem:s6+$0xA020] =	vst v32;
	v25 =	vpop (erf)  }
0x3f3: {  	v28 =	vmax.f32 v50, $0.0e+00;
	v21 =	vmul.f32 $9.999999740e-06, v21;
	[tilespmem:s6+$0xA040] =	vst v26;
	v22 =	vmul.f32 v25, v22  }
0x3f4: {  	v18 =	vmax.f32 v18, $0.0e+00;
	v11 =	vmax.f32 v11, $0.0e+00;
	v13 =	vmax.f32 v13, $0.0e+00;
	[tilespmem:s6+$0xA030] =	vst v27  }
0x3f5: {  	v15 =	vmax.f32 v15, $0.0e+00;
	[tilespmem:s6+$0xA060] =	vst v29;
	v13 =	vmul.f32 v22, v13;
	v11 =	vmul.f32 v22, v11  }
0x3f6: {  	v9 =	vmax.f32 v9, $0.0e+00;
	v19 =	vmax.f32 v19, $0.0e+00;
	v6 =	vmax.f32 v6, $0.0e+00;
	[tilespmem:s6+$0xA070] =	vst v24  }
0x3f7: {  	v14 =	vmax.f32 v14, $0.0e+00;
	v13 =	vsel vm0, v21, v13;
	[tilespmem:s22+$0xA010] =	vst v11;
	v11 =	vmul.f32 v22, v18  }
0x3f8: {  	v6 =	vmul.f32 v22, v6;
	v9 =	vmul.f32 v22, v9;
	v18 =	vsub.f32 $9.999899860e-01, v31;
	[tilespmem:s22+$0xA000] =	vst v13  }
0x3f9: {  	v13 =	vmul.f32 v22, v15;
	v15 =	vadd.f32 $1.000000000e+00, v28;
	[tilespmem:s22+$0xA050] =	vst v11;
	v11 =	vmul.f32 v22, v14  }
0x3fa: {  	[tilespmem:s22+$0xA020] =	vst v6;
	v12 =	vadd.f32 v18, v12;
	v6 =	vadd.f32 v18, v8;
	v14 =	vmul.f32 v22, v19;
	v8 =	vpop (erf)  }
0x3fb: {  	v19 =	vadd.f32 v18, v20;
	v5 =	vadd.f32 v18, v5;
	[tilespmem:s22+$0xA040] =	vst v13;
	v8 =	vmul.f32 v8, v49  }
0x3fc: {  	v13 =	vmul.f32 $9.999999740e-06, v15;
	[tilespmem:s22+$0xA070] =	vst v11;
	v6 =	vmax.f32 v6, $0.0e+00;
	v11 =	vmax.f32 v12, $0.0e+00  }
0x3fd: {  	[tilespmem:s22+$0xA030] =	vst v9;
	v5 =	vmax.f32 v5, $0.0e+00;
	v9 =	vmul.f32 v8, v11;
	v6 =	vmul.f32 v8, v6  }
0x3fe: {  	v10 =	vadd.f32 v18, v10;
	[tilespmem:s22+$0xA060] =	vst v14;
	v11 =	vadd.f32 v18, v17;
	v5 =	vmul.f32 v8, v5  }
0x3ff: {  	v7 =	vadd.f32 v18, v7;
	v12 =	vmax.f32 v19, $0.0e+00;
	v9 =	vsel vm0, v13, v9;
	[tilespmem:s23+$0xA010] =	vst v6  }
0x400: {  	v6 =	vmul.f32 v8, v12;
	v12 =	vadd.f32 v18, v16;
	v11 =	vmax.f32 v11, $0.0e+00;
	[tilespmem:s23+$0xA020] =	vst v5  }
0x401: {  	v5 =	vmax.f32 v7, $0.0e+00;
	[tilespmem:s23+$0xA000] =	vst v9;
	v9 =	vmax.f32 v10, $0.0e+00;
	v10 =	vmul.f32 v8, v11  }
0x402: {  	v5 =	vmul.f32 v8, v5;
	[tilespmem:s23+$0xA050] =	vst v6  }
0x403: {  	v6 =	vmax.f32 v12, $0.0e+00;
	v9 =	vmul.f32 v8, v9;
	[tilespmem:s23+$0xA040] =	vst v10  }
0x404: {  	v6 =	vmul.f32 v8, v6;
	[tilespmem:s23+$0xA060] =	vst v5  }
0x405: {  	[tilespmem:s23+$0xA070] =	vst v9  }
0x406: {  	s3 =	simm.s32 $0x0;
	s26 =	rddreg [dreg:$0xf];
	[tilespmem:s23+$0xA030] =	vst v6  }
0x407: {  	[hbm4b:s26+s3] =	stream.linear.scatter [tilespmem:s7], [sflag:$0x6], $0x2000, $0x38;
	[tilespmem:$0x10000] =	vst v63  }
0x408: {  	_ =	swait.ge [sflag:s8], $0x2000  }
0x409: {  	[sflag:s8] =	ssyncset.done $0x0  }
0x40a: {  	[sflag:s8] =	ssyncadd.s32 $0xFFFFE000  }
0x40b: {  	_ =	swait.ge [sflag:s15], $0x2000  }
0x40c: {  	[sflag:s15] =	ssyncset.done $0x0  }
0x40d: {  	s6 =	simm.s32 $0x0;
	[sflag:s15] =	ssyncadd.s32 $0xFFFFE000  }
0x40e: {  	v7 =	vld [tilespmem:s6+$0x4000]  }
0x40f: {  	v22 =	vld [tilespmem:s6+$0x4010]  }
0x410: {  	v23 =	vld [tilespmem:s6+$0x4020]  }
0x411: {  	v10 =	vld [tilespmem:s6+$0x4030]  }
0x412: {  	vm1 =	veq.s32 v3, $0x0;
	v20 =	vld [tilespmem:s6+$0x4040]  }
0x413: {  	v17 =	vld [tilespmem:s6+$0x4050];
	v5 =	vsel vm1, $0xFF800000, v7  }
0x414: {  	v27 =	vld [tilespmem:s6+$0x4060];
	v5 =	vmax.f32 v5, v22  }
0x415: {  	v28 =	vld [tilespmem:s6+$0x4070];
	v5 =	vmax.f32 v5, v23  }
0x416: {  	v5 =	vmax.f32 v5, v10  }
0x417: {  	v5 =	vmax.f32 v5, v20  }
0x418: {  	v5 =	vmax.f32 v5, v17  }
0x419: {  	v5 =	vmax.f32 v5, v27  }
0x41a: {  	v5 =	vmax.f32 v5, v28  }
0x41b: {  	v6 =	vperm.xlane v5, v0  }
0x41c: {  	s22 =	simm.s32 $0x80  }
0x41d: {  	v13 =	vld [tilespmem:s22+$0x4000];
	v5 =	vmax.f32 v5, v6  }
0x41e: {  	v11 =	vld [tilespmem:s22+$0x4010];
	v8 =	vperm.xlane v5, v1  }
0x41f: {  	v6 =	vld [tilespmem:s22+$0x4020]  }
0x420: {  	v9 =	vld [tilespmem:s22+$0x4030];
	v5 =	vmax.f32 v5, v8  }
0x421: {  	v15 =	vld [tilespmem:s22+$0x4040];
	v12 =	vperm.xlane v5, v2  }
0x422: {  	v18 =	vld [tilespmem:s22+$0x4050];
	v8 =	vsel vm1, $0xFF800000, v13  }
0x423: {  	v19 =	vld [tilespmem:s22+$0x4060];
	v8 =	vmax.f32 v8, v11;
	v5 =	vmax.f32 v5, v12  }
0x424: {  	v14 =	vld [tilespmem:s22+$0x4070];
	v8 =	vmax.f32 v8, v6;
	v12 =	vperm.xlane v5, v4  }
0x425: {  	v8 =	vmax.f32 v8, v9  }
0x426: {  	v8 =	vmax.f32 v8, v15;
	v5 =	vmax.f32 v5, v12  }
0x427: {  	v8 =	vmax.f32 v8, v18;
	v30 =	vmul.f32 $1.270000000e+02, v5  }
0x428: {  	s23 =	simm.s32 $0x100;
	v16 =	vadd.f32 $9.999899860e-01, v7;
	v8 =	vmax.f32 v8, v19;
	v29 =	vsub.f32 $9.999899860e-01, v5  }
0x429: {  	v26 =	vadd.f32 $9.999899860e-01, v13;
	v12 =	vld [tilespmem:s23+$0x4000];
	v21 =	vmax.f32 v8, v14;
	v25 =	vadd.f32 $9.999999740e-06, v30  }
0x42a: {  	v8 =	vld [tilespmem:s23+$0x4010];
	v24 =	vperm.xlane v21, v0;
	v52 =	vadd.f32 v29, v7;
	v7 =	vadd.f32 v29, v17  }
0x42b: {  	v16 =	vmax.f32 v16, $0.0e+00;
	v5 =	vld [tilespmem:s23+$0x4020];
	v53 =	vadd.f32 v29, v10;
	v10 =	vadd.f32 v29, v20  }
0x42c: {  	v31 =	vmax.f32 v21, v24;
	v24 =	vadd.f32 $1.000000000e+00, v16;
	v16 =	vld [tilespmem:s23+$0x4030];
	(erf) = vrcp.f32 v25  }
0x42d: {  	v17 =	vld [tilespmem:s23+$0x4040];
	v56 =	vadd.f32 v29, v27;
	v22 =	vadd.f32 v29, v22  }
0x42e: {  	v20 =	vld [tilespmem:s23+$0x4050];
	v21 =	vmax.f32 v26, $0.0e+00;
	v26 =	vsel vm1, $0xFF800000, v12;
	v54 =	vperm.xlane v31, v1  }
0x42f: {  	v60 =	vadd.f32 v29, v28;
	v25 =	vmax.f32 v7, $0.0e+00;
	v7 =	vld [tilespmem:s23+$0x4060];
	v55 =	vmax.f32 v26, v8  }
0x430: {  	v26 =	vmax.f32 v10, $0.0e+00;
	v10 =	vld [tilespmem:s23+$0x4070];
	v27 =	vmax.f32 v55, v5;
	v31 =	vmax.f32 v31, v54  }
0x431: {  	v37 =	vmax.f32 v22, $0.0e+00;
	v58 =	vperm.xlane v31, v2;
	v57 =	vmax.f32 v27, v16  }
0x432: {  	v22 =	vadd.f32 v29, v23;
	v29 =	vmax.f32 v56, $0.0e+00;
	v59 =	vmax.f32 v57, v17  }
0x433: {  	v33 =	vmax.f32 v52, $0.0e+00;
	v31 =	vmax.f32 v31, v58;
	v23 =	vmax.f32 v59, v20  }
0x434: {  	v24 =	vmul.f32 $9.999999740e-06, v24;
	v61 =	vperm.xlane v31, v4;
	v23 =	vmax.f32 v23, v7  }
0x435: {  	v32 =	vmax.f32 v22, $0.0e+00;
	v27 =	vmax.f32 v53, $0.0e+00;
	v62 =	vmax.f32 v23, v10;
	v28 =	vpop (erf)  }
0x436: {  	v23 =	vmax.f32 v31, v61;
	v63 =	vperm.xlane v62, v0;
	v28 =	vmul.f32 v28, v30  }
0x437: {  	v22 =	vmul.f32 $1.270000000e+02, v23;
	v23 =	vsub.f32 $9.999899860e-01, v23;
	v30 =	vmax.f32 v60, $0.0e+00  }
0x438: {  	s17 =	simm.s32 $0x600;
	v31 =	vmax.f32 v62, v63;
	v34 =	vmul.f32 v28, v33;
	v33 =	vmul.f32 v28, v37  }
.LBB2_24:
0x439: {  	s3 =	sshra.s32 s17, $0x2;
	p0 =	sne.s32 s17, $0x7E00;
	s17 =	sadd.s32 $0x200, s17;
	v35 =	vadd.f32 $9.999999740e-06, v22;
	v32 =	vmul.f32 v28, v32;
	v27 =	vmul.f32 v28, v27  }
0x43a: {  	v26 =	vmul.f32 v28, v26;
	v25 =	vmul.f32 v28, v25;
	v36 =	vld [tilespmem:s3+$0x4000];
	v24 =	vsel vm0, v24, v34;
	[tilespmem:s6+$0xC010] =	vst v33  }
0x43b: {  	v29 =	vmul.f32 v28, v29;
	v34 =	vadd.f32 $9.999899860e-01, v12;
	v33 =	vld [tilespmem:s3+$0x4010];
	(erf) = vrcp.f32 v35;
	[tilespmem:s6+$0xC000] =	vst v24  }
0x43c: {  	v28 =	vmul.f32 v28, v30;
	v24 =	vadd.f32 $1.000000000e+00, v21;
	v35 =	vld [tilespmem:s3+$0x4020];
	[tilespmem:s6+$0xC050] =	vst v25  }
0x43d: {  	v41 =	vadd.f32 v23, v18;
	v21 =	vmax.f32 v34, $0.0e+00;
	v34 =	vadd.f32 v23, v13;
	v13 =	vmovc v12;
	v30 =	vld [tilespmem:s3+$0x4030];
	[tilespmem:s6+$0xC020] =	vst v32  }
0x43e: {  	v37 =	vadd.f32 v23, v9;
	v38 =	vadd.f32 v23, v15;
	v9 =	vmovc v16;
	v24 =	vmul.f32 $9.999999740e-06, v24;
	v32 =	vld [tilespmem:s3+$0x4040];
	[tilespmem:s6+$0xC040] =	vst v26  }
0x43f: {  	v40 =	vperm.xlane v31, v1;
	v15 =	vmovc v17;
	v25 =	vmax.f32 v41, $0.0e+00;
	v39 =	vld [tilespmem:s3+$0x4050];
	v16 =	vsel vm1, $0xFF800000, v36;
	[tilespmem:s6+$0xC070] =	vst v28;
	v12 =	vmovc v36  }
0x440: {  	v17 =	vadd.f32 v23, v19;
	v18 =	vmovc v20;
	v26 =	vmax.f32 v38, $0.0e+00;
	v36 =	vld [tilespmem:s3+$0x4060];
	v16 =	vmax.f32 v16, v33;
	[tilespmem:s6+$0xC030] =	vst v27  }
0x441: {  	v20 =	vadd.f32 v23, v11;
	v19 =	vmax.f32 v31, v40;
	v38 =	vld [tilespmem:s3+$0x4070];
	v16 =	vmax.f32 v16, v35;
	[tilespmem:s6+$0xC060] =	vst v29;
	s6 =	smov.u32 s22;
	s22 =	smov.u32 s23;
	s23 =	smov.u32 s3  }
0x442: {  	v11 =	vmovc v8;
	v28 =	vperm.xlane v19, v2;
	v27 =	vmax.f32 v37, $0.0e+00;
	v8 =	vmovc v33;
	v16 =	vmax.f32 v16, v30  }
0x443: {  	v31 =	vadd.f32 v23, v6;
	v6 =	vmovc v5;
	v33 =	vmax.f32 v20, $0.0e+00;
	v5 =	vmovc v35;
	v42 =	vmax.f32 v16, v32  }
0x444: {  	v41 =	vadd.f32 v23, v14;
	v35 =	vmax.f32 v19, v28;
	v37 =	vmax.f32 v42, v39;
	v19 =	vpop (erf)  }
.Ltmp11:
0x445: {  	v29 =	vmax.f32 v17, $0.0e+00;
	v23 =	vperm.xlane v35, v4;
	v17 =	vmovc v32;
	v40 =	vmax.f32 v37, v36;
	v16 =	vmovc v30;
	(pc) =	sbr.rel @p0 .LBB2_24-.Ltmp11, $4  }
0x446: {  	v20 =	vmovc v39;
	v28 =	vmul.f32 v19, v22;
	v30 =	vmax.f32 v41, $0.0e+00;
	v19 =	vmovc v7;
	v37 =	vmax.f32 v40, v38  }
0x447: {  	v14 =	vmovc v10;
	v32 =	vmax.f32 v31, $0.0e+00;
	v23 =	vmax.f32 v35, v23;
	v7 =	vmovc v36;
	v39 =	vperm.xlane v37, v0  }
0x448: {  	v34 =	vmax.f32 v34, $0.0e+00;
	v22 =	vmul.f32 $1.270000000e+02, v23;
	v23 =	vsub.f32 $9.999899860e-01, v23;
	v10 =	vmovc v38  }
0x449: {  	v34 =	vmul.f32 v28, v34;
	v33 =	vmul.f32 v28, v33;
	v31 =	vmax.f32 v37, v39  }
0x44a: {  	v35 =	vperm.xlane v31, v1;
	_ =	sdelay $0x1  }
0x44b: {  	v31 =	vmax.f32 v31, v35  }
0x44c: {  	v47 =	vadd.f32 $9.999999740e-06, v22;
	v36 =	vperm.xlane v31, v2;
	_ =	sdelay $0x1  }
0x44d: {  	(erf) = vrcp.f32 v47;
	v31 =	vmax.f32 v31, v36  }
0x44e: {  	v48 =	vperm.xlane v31, v4;
	_ =	sdelay $0x1  }
0x44f: {  	v32 =	vmul.f32 v28, v32;
	v27 =	vmul.f32 v28, v27;
	v31 =	vmax.f32 v31, v48  }
0x450: {  	v26 =	vmul.f32 v28, v26;
	v50 =	vadd.f32 $9.999899860e-01, v12;
	v49 =	vmul.f32 $1.270000000e+02, v31  }
0x451: {  	v25 =	vmul.f32 v28, v25;
	v21 =	vadd.f32 $1.000000000e+00, v21;
	v13 =	vadd.f32 v23, v13  }
0x452: {  	v18 =	vadd.f32 v23, v18;
	v24 =	vsel vm0, v24, v34;
	[tilespmem:s6+$0xC010] =	vst v33;
	v51 =	vadd.f32 $9.999999740e-06, v49  }
0x453: {  	v29 =	vmul.f32 v28, v29;
	v15 =	vadd.f32 v23, v15;
	v9 =	vadd.f32 v23, v9;
	[tilespmem:s6+$0xC000] =	vst v24  }
0x454: {  	v11 =	vadd.f32 v23, v11;
	v19 =	vadd.f32 v23, v19;
	[tilespmem:s6+$0xC050] =	vst v25;
	(erf) = vrcp.f32 v51  }
0x455: {  	v6 =	vadd.f32 v23, v6;
	v14 =	vadd.f32 v23, v14;
	v24 =	vmul.f32 v28, v30;
	[tilespmem:s6+$0xC020] =	vst v32;
	v25 =	vpop (erf)  }
0x456: {  	v28 =	vmax.f32 v50, $0.0e+00;
	v21 =	vmul.f32 $9.999999740e-06, v21;
	[tilespmem:s6+$0xC040] =	vst v26;
	v22 =	vmul.f32 v25, v22  }
0x457: {  	v18 =	vmax.f32 v18, $0.0e+00;
	v11 =	vmax.f32 v11, $0.0e+00;
	v13 =	vmax.f32 v13, $0.0e+00;
	[tilespmem:s6+$0xC030] =	vst v27  }
0x458: {  	v15 =	vmax.f32 v15, $0.0e+00;
	[tilespmem:s6+$0xC060] =	vst v29;
	v13 =	vmul.f32 v22, v13;
	v11 =	vmul.f32 v22, v11  }
0x459: {  	v9 =	vmax.f32 v9, $0.0e+00;
	v19 =	vmax.f32 v19, $0.0e+00;
	v6 =	vmax.f32 v6, $0.0e+00;
	[tilespmem:s6+$0xC070] =	vst v24  }
0x45a: {  	v14 =	vmax.f32 v14, $0.0e+00;
	v13 =	vsel vm0, v21, v13;
	[tilespmem:s22+$0xC010] =	vst v11;
	v11 =	vmul.f32 v22, v18  }
0x45b: {  	v6 =	vmul.f32 v22, v6;
	v9 =	vmul.f32 v22, v9;
	v18 =	vsub.f32 $9.999899860e-01, v31;
	[tilespmem:s22+$0xC000] =	vst v13  }
0x45c: {  	v13 =	vmul.f32 v22, v15;
	v15 =	vadd.f32 $1.000000000e+00, v28;
	[tilespmem:s22+$0xC050] =	vst v11;
	v11 =	vmul.f32 v22, v14  }
0x45d: {  	[tilespmem:s22+$0xC020] =	vst v6;
	v12 =	vadd.f32 v18, v12;
	v6 =	vadd.f32 v18, v8;
	v14 =	vmul.f32 v22, v19;
	v8 =	vpop (erf)  }
0x45e: {  	v19 =	vadd.f32 v18, v20;
	v5 =	vadd.f32 v18, v5;
	[tilespmem:s22+$0xC040] =	vst v13;
	v8 =	vmul.f32 v8, v49  }
0x45f: {  	v13 =	vmul.f32 $9.999999740e-06, v15;
	[tilespmem:s22+$0xC070] =	vst v11;
	v6 =	vmax.f32 v6, $0.0e+00;
	v11 =	vmax.f32 v12, $0.0e+00  }
0x460: {  	[tilespmem:s22+$0xC030] =	vst v9;
	v5 =	vmax.f32 v5, $0.0e+00;
	v9 =	vmul.f32 v8, v11;
	v6 =	vmul.f32 v8, v6  }
0x461: {  	v10 =	vadd.f32 v18, v10;
	[tilespmem:s22+$0xC060] =	vst v14;
	v11 =	vadd.f32 v18, v17;
	v5 =	vmul.f32 v8, v5  }
0x462: {  	v7 =	vadd.f32 v18, v7;
	v12 =	vmax.f32 v19, $0.0e+00;
	v9 =	vsel vm0, v13, v9;
	[tilespmem:s23+$0xC010] =	vst v6  }
0x463: {  	v6 =	vmul.f32 v8, v12;
	v12 =	vadd.f32 v18, v16;
	v11 =	vmax.f32 v11, $0.0e+00;
	[tilespmem:s23+$0xC020] =	vst v5  }
0x464: {  	v5 =	vmax.f32 v7, $0.0e+00;
	[tilespmem:s23+$0xC000] =	vst v9;
	v9 =	vmax.f32 v10, $0.0e+00;
	v10 =	vmul.f32 v8, v11  }
0x465: {  	v5 =	vmul.f32 v8, v5;
	[tilespmem:s23+$0xC050] =	vst v6  }
0x466: {  	v6 =	vmax.f32 v12, $0.0e+00;
	v9 =	vmul.f32 v8, v9;
	[tilespmem:s23+$0xC040] =	vst v10  }
0x467: {  	v6 =	vmul.f32 v8, v6;
	[tilespmem:s23+$0xC060] =	vst v5  }
0x468: {  	[tilespmem:s23+$0xC070] =	vst v9  }
0x469: {  	s3 =	simm.s32 $0x0;
	s26 =	rddreg [dreg:$0x10];
	[tilespmem:s23+$0xC030] =	vst v6  }
0x46a: {  	[hbm4b:s26+s3] =	stream.linear.scatter [tilespmem:s9], [sflag:$0x7], $0x2000, $0x38;
	[tilespmem:$0x10000] =	vst v63  }
0x46b: {  	_ =	swait.ge [sflag:s11], $0x2000  }
0x46c: {  	[sflag:s11] =	ssyncset.done $0x0  }
0x46d: {  	[sflag:s11] =	ssyncadd.s32 $0xFFFFE000  }
0x46e: {  	_ =	swait.ge [sflag:s16], $0x2000  }
0x46f: {  	[sflag:s16] =	ssyncset.done $0x0  }
0x470: {  	s6 =	simm.s32 $0x0;
	[sflag:s16] =	ssyncadd.s32 $0xFFFFE000  }
0x471: {  	v7 =	vld [tilespmem:s6+$0x6000]  }
0x472: {  	v22 =	vld [tilespmem:s6+$0x6010]  }
0x473: {  	v23 =	vld [tilespmem:s6+$0x6020]  }
0x474: {  	v10 =	vld [tilespmem:s6+$0x6030]  }
0x475: {  	vm1 =	veq.s32 v3, $0x0;
	v20 =	vld [tilespmem:s6+$0x6040]  }
0x476: {  	v17 =	vld [tilespmem:s6+$0x6050];
	v5 =	vsel vm1, $0xFF800000, v7  }
0x477: {  	v27 =	vld [tilespmem:s6+$0x6060];
	v5 =	vmax.f32 v5, v22  }
0x478: {  	v28 =	vld [tilespmem:s6+$0x6070];
	v5 =	vmax.f32 v5, v23  }
0x479: {  	v5 =	vmax.f32 v5, v10  }
0x47a: {  	v5 =	vmax.f32 v5, v20  }
0x47b: {  	v5 =	vmax.f32 v5, v17  }
0x47c: {  	v5 =	vmax.f32 v5, v27  }
0x47d: {  	v5 =	vmax.f32 v5, v28  }
0x47e: {  	v6 =	vperm.xlane v5, v0  }
0x47f: {  	s22 =	simm.s32 $0x80  }
0x480: {  	v13 =	vld [tilespmem:s22+$0x6000];
	v5 =	vmax.f32 v5, v6  }
0x481: {  	v11 =	vld [tilespmem:s22+$0x6010];
	v8 =	vperm.xlane v5, v1  }
0x482: {  	v6 =	vld [tilespmem:s22+$0x6020]  }
0x483: {  	v9 =	vld [tilespmem:s22+$0x6030];
	v5 =	vmax.f32 v5, v8  }
0x484: {  	v15 =	vld [tilespmem:s22+$0x6040];
	v12 =	vperm.xlane v5, v2  }
0x485: {  	v18 =	vld [tilespmem:s22+$0x6050];
	v8 =	vsel vm1, $0xFF800000, v13  }
0x486: {  	v19 =	vld [tilespmem:s22+$0x6060];
	v8 =	vmax.f32 v8, v11;
	v5 =	vmax.f32 v5, v12  }
0x487: {  	v14 =	vld [tilespmem:s22+$0x6070];
	v8 =	vmax.f32 v8, v6;
	v12 =	vperm.xlane v5, v4  }
0x488: {  	v8 =	vmax.f32 v8, v9  }
0x489: {  	v8 =	vmax.f32 v8, v15;
	v5 =	vmax.f32 v5, v12  }
0x48a: {  	v8 =	vmax.f32 v8, v18;
	v30 =	vmul.f32 $1.270000000e+02, v5  }
0x48b: {  	s23 =	simm.s32 $0x100;
	v16 =	vadd.f32 $9.999899860e-01, v7;
	v8 =	vmax.f32 v8, v19;
	v29 =	vsub.f32 $9.999899860e-01, v5  }
0x48c: {  	v26 =	vadd.f32 $9.999899860e-01, v13;
	v12 =	vld [tilespmem:s23+$0x6000];
	v21 =	vmax.f32 v8, v14;
	v25 =	vadd.f32 $9.999999740e-06, v30  }
0x48d: {  	v8 =	vld [tilespmem:s23+$0x6010];
	v24 =	vperm.xlane v21, v0;
	v52 =	vadd.f32 v29, v7;
	v7 =	vadd.f32 v29, v17  }
0x48e: {  	v16 =	vmax.f32 v16, $0.0e+00;
	v5 =	vld [tilespmem:s23+$0x6020];
	v53 =	vadd.f32 v29, v10;
	v10 =	vadd.f32 v29, v20  }
0x48f: {  	v31 =	vmax.f32 v21, v24;
	v24 =	vadd.f32 $1.000000000e+00, v16;
	v16 =	vld [tilespmem:s23+$0x6030];
	(erf) = vrcp.f32 v25  }
0x490: {  	v17 =	vld [tilespmem:s23+$0x6040];
	v56 =	vadd.f32 v29, v27;
	v22 =	vadd.f32 v29, v22  }
0x491: {  	v20 =	vld [tilespmem:s23+$0x6050];
	v21 =	vmax.f32 v26, $0.0e+00;
	v26 =	vsel vm1, $0xFF800000, v12;
	v54 =	vperm.xlane v31, v1  }
0x492: {  	v60 =	vadd.f32 v29, v28;
	v25 =	vmax.f32 v7, $0.0e+00;
	v7 =	vld [tilespmem:s23+$0x6060];
	v55 =	vmax.f32 v26, v8  }
0x493: {  	v26 =	vmax.f32 v10, $0.0e+00;
	v10 =	vld [tilespmem:s23+$0x6070];
	v27 =	vmax.f32 v55, v5;
	v31 =	vmax.f32 v31, v54  }
0x494: {  	v37 =	vmax.f32 v22, $0.0e+00;
	v58 =	vperm.xlane v31, v2;
	v57 =	vmax.f32 v27, v16  }
0x495: {  	v22 =	vadd.f32 v29, v23;
	v29 =	vmax.f32 v56, $0.0e+00;
	v59 =	vmax.f32 v57, v17  }
0x496: {  	v33 =	vmax.f32 v52, $0.0e+00;
	v31 =	vmax.f32 v31, v58;
	v23 =	vmax.f32 v59, v20  }
0x497: {  	v24 =	vmul.f32 $9.999999740e-06, v24;
	v61 =	vperm.xlane v31, v4;
	v23 =	vmax.f32 v23, v7  }
0x498: {  	v32 =	vmax.f32 v22, $0.0e+00;
	v27 =	vmax.f32 v53, $0.0e+00;
	v62 =	vmax.f32 v23, v10;
	v28 =	vpop (erf)  }
0x499: {  	v23 =	vmax.f32 v31, v61;
	v63 =	vperm.xlane v62, v0;
	v28 =	vmul.f32 v28, v30  }
0x49a: {  	v22 =	vmul.f32 $1.270000000e+02, v23;
	v23 =	vsub.f32 $9.999899860e-01, v23;
	v30 =	vmax.f32 v60, $0.0e+00  }
0x49b: {  	s17 =	simm.s32 $0x600;
	v31 =	vmax.f32 v62, v63;
	v34 =	vmul.f32 v28, v33;
	v33 =	vmul.f32 v28, v37  }
.LBB2_26:
0x49c: {  	s3 =	sshra.s32 s17, $0x2;
	p0 =	sne.s32 s17, $0x7E00;
	s17 =	sadd.s32 $0x200, s17;
	v35 =	vadd.f32 $9.999999740e-06, v22;
	v32 =	vmul.f32 v28, v32;
	v27 =	vmul.f32 v28, v27  }
0x49d: {  	v26 =	vmul.f32 v28, v26;
	v25 =	vmul.f32 v28, v25;
	v36 =	vld [tilespmem:s3+$0x6000];
	v24 =	vsel vm0, v24, v34;
	[tilespmem:s6+$0xE010] =	vst v33  }
0x49e: {  	v29 =	vmul.f32 v28, v29;
	v34 =	vadd.f32 $9.999899860e-01, v12;
	v33 =	vld [tilespmem:s3+$0x6010];
	(erf) = vrcp.f32 v35;
	[tilespmem:s6+$0xE000] =	vst v24  }
0x49f: {  	v28 =	vmul.f32 v28, v30;
	v24 =	vadd.f32 $1.000000000e+00, v21;
	v35 =	vld [tilespmem:s3+$0x6020];
	[tilespmem:s6+$0xE050] =	vst v25  }
0x4a0: {  	v41 =	vadd.f32 v23, v18;
	v21 =	vmax.f32 v34, $0.0e+00;
	v34 =	vadd.f32 v23, v13;
	v13 =	vmovc v12;
	v30 =	vld [tilespmem:s3+$0x6030];
	[tilespmem:s6+$0xE020] =	vst v32  }
0x4a1: {  	v37 =	vadd.f32 v23, v9;
	v38 =	vadd.f32 v23, v15;
	v9 =	vmovc v16;
	v24 =	vmul.f32 $9.999999740e-06, v24;
	v32 =	vld [tilespmem:s3+$0x6040];
	[tilespmem:s6+$0xE040] =	vst v26  }
0x4a2: {  	v40 =	vperm.xlane v31, v1;
	v15 =	vmovc v17;
	v25 =	vmax.f32 v41, $0.0e+00;
	v39 =	vld [tilespmem:s3+$0x6050];
	v16 =	vsel vm1, $0xFF800000, v36;
	[tilespmem:s6+$0xE070] =	vst v28;
	v12 =	vmovc v36  }
0x4a3: {  	v17 =	vadd.f32 v23, v19;
	v18 =	vmovc v20;
	v26 =	vmax.f32 v38, $0.0e+00;
	v36 =	vld [tilespmem:s3+$0x6060];
	v16 =	vmax.f32 v16, v33;
	[tilespmem:s6+$0xE030] =	vst v27  }
0x4a4: {  	v20 =	vadd.f32 v23, v11;
	v19 =	vmax.f32 v31, v40;
	v38 =	vld [tilespmem:s3+$0x6070];
	v16 =	vmax.f32 v16, v35;
	[tilespmem:s6+$0xE060] =	vst v29;
	s6 =	smov.u32 s22;
	s22 =	smov.u32 s23;
	s23 =	smov.u32 s3  }
0x4a5: {  	v11 =	vmovc v8;
	v28 =	vperm.xlane v19, v2;
	v27 =	vmax.f32 v37, $0.0e+00;
	v8 =	vmovc v33;
	v16 =	vmax.f32 v16, v30  }
0x4a6: {  	v31 =	vadd.f32 v23, v6;
	v6 =	vmovc v5;
	v33 =	vmax.f32 v20, $0.0e+00;
	v5 =	vmovc v35;
	v42 =	vmax.f32 v16, v32  }
0x4a7: {  	v41 =	vadd.f32 v23, v14;
	v35 =	vmax.f32 v19, v28;
	v37 =	vmax.f32 v42, v39;
	v19 =	vpop (erf)  }
.Ltmp12:
0x4a8: {  	v29 =	vmax.f32 v17, $0.0e+00;
	v23 =	vperm.xlane v35, v4;
	v17 =	vmovc v32;
	v40 =	vmax.f32 v37, v36;
	v16 =	vmovc v30;
	(pc) =	sbr.rel @p0 .LBB2_26-.Ltmp12, $4  }
0x4a9: {  	v20 =	vmovc v39;
	v28 =	vmul.f32 v19, v22;
	v30 =	vmax.f32 v41, $0.0e+00;
	v19 =	vmovc v7;
	v37 =	vmax.f32 v40, v38  }
0x4aa: {  	v14 =	vmovc v10;
	v32 =	vmax.f32 v31, $0.0e+00;
	v23 =	vmax.f32 v35, v23;
	v7 =	vmovc v36;
	v39 =	vperm.xlane v37, v0  }
0x4ab: {  	v34 =	vmax.f32 v34, $0.0e+00;
	v22 =	vmul.f32 $1.270000000e+02, v23;
	v23 =	vsub.f32 $9.999899860e-01, v23;
	v10 =	vmovc v38  }
0x4ac: {  	v34 =	vmul.f32 v28, v34;
	v33 =	vmul.f32 v28, v33;
	v31 =	vmax.f32 v37, v39  }
0x4ad: {  	v35 =	vperm.xlane v31, v1;
	_ =	sdelay $0x1  }
0x4ae: {  	v31 =	vmax.f32 v31, v35  }
0x4af: {  	v63 =	vadd.f32 $9.999999740e-06, v22;
	v36 =	vperm.xlane v31, v2;
	_ =	sdelay $0x1  }
0x4b0: {  	(erf) = vrcp.f32 v63;
	v31 =	vmax.f32 v31, v36  }
0x4b1: {  	v39 =	vperm.xlane v31, v4;
	_ =	sdelay $0x1  }
0x4b2: {  	v32 =	vmul.f32 v28, v32;
	v27 =	vmul.f32 v28, v27;
	v31 =	vmax.f32 v31, v39  }
0x4b3: {  	v26 =	vmul.f32 v28, v26;
	v40 =	vmul.f32 $1.270000000e+02, v31  }
0x4b4: {  	v25 =	vmul.f32 v28, v25;
	v41 =	vadd.f32 $9.999899860e-01, v12;
	v21 =	vadd.f32 $1.000000000e+00, v21  }
0x4b5: {  	v13 =	vadd.f32 v23, v13;
	v24 =	vsel vm0, v24, v34;
	[tilespmem:s6+$0xE010] =	vst v33;
	v42 =	vadd.f32 $9.999999740e-06, v40  }
0x4b6: {  	v29 =	vmul.f32 v28, v29;
	v18 =	vadd.f32 v23, v18;
	v15 =	vadd.f32 v23, v15;
	[tilespmem:s6+$0xE000] =	vst v24  }
0x4b7: {  	v9 =	vadd.f32 v23, v9;
	v11 =	vadd.f32 v23, v11;
	[tilespmem:s6+$0xE050] =	vst v25;
	(erf) = vrcp.f32 v42  }
0x4b8: {  	v43 =	vmul.f32 v28, v30;
	v19 =	vadd.f32 v23, v19;
	v6 =	vadd.f32 v23, v6;
	[tilespmem:s6+$0xE020] =	vst v32;
	v45 =	vpop (erf)  }
0x4b9: {  	v14 =	vadd.f32 v23, v14;
	v44 =	vmax.f32 v41, $0.0e+00;
	[tilespmem:s6+$0xE040] =	vst v26;
	v46 =	vmul.f32 v45, v22  }
0x4ba: {  	v21 =	vmul.f32 $9.999999740e-06, v21;
	v18 =	vmax.f32 v18, $0.0e+00;
	[tilespmem:s6+$0xE070] =	vst v43;
	v11 =	vmax.f32 v11, $0.0e+00  }
0x4bb: {  	v15 =	vmax.f32 v15, $0.0e+00;
	v13 =	vmax.f32 v13, $0.0e+00;
	[tilespmem:s6+$0xE030] =	vst v27;
	v11 =	vmul.f32 v46, v11  }
0x4bc: {  	[tilespmem:s6+$0xE060] =	vst v29;
	v9 =	vmax.f32 v9, $0.0e+00;
	v6 =	vmax.f32 v6, $0.0e+00;
	v47 =	vmul.f32 v46, v18  }
0x4bd: {  	v50 =	vadd.f32 $1.000000000e+00, v44;
	v48 =	vsub.f32 $9.999899860e-01, v31;
	v6 =	vmul.f32 v46, v6;
	[tilespmem:s22+$0xE010] =	vst v11  }
0x4be: {  	v19 =	vmax.f32 v19, $0.0e+00;
	v14 =	vmax.f32 v14, $0.0e+00;
	v49 =	vmul.f32 v46, v15;
	[tilespmem:s22+$0xE050] =	vst v47  }
0x4bf: {  	v56 =	vmul.f32 $9.999999740e-06, v50;
	v52 =	vadd.f32 v48, v12;
	v51 =	vmul.f32 v46, v14;
	[tilespmem:s22+$0xE020] =	vst v6  }
0x4c0: {  	v13 =	vmul.f32 v46, v13;
	v9 =	vmul.f32 v46, v9;
	v6 =	vadd.f32 v48, v8;
	[tilespmem:s22+$0xE040] =	vst v49;
	v53 =	vpop (erf)  }
0x4c1: {  	v5 =	vadd.f32 v48, v5;
	v54 =	vmul.f32 v46, v19;
	[tilespmem:s22+$0xE070] =	vst v51;
	v8 =	vmul.f32 v53, v40  }
0x4c2: {  	v55 =	vadd.f32 v48, v20;
	v59 =	vadd.f32 v48, v17;
	[tilespmem:s22+$0xE030] =	vst v9;
	v6 =	vmax.f32 v6, $0.0e+00  }
0x4c3: {  	v5 =	vmax.f32 v5, $0.0e+00;
	v13 =	vsel vm0, v21, v13;
	[tilespmem:s22+$0xE060] =	vst v54;
	v6 =	vmul.f32 v8, v6  }
0x4c4: {  	v57 =	vmax.f32 v52, $0.0e+00;
	v11 =	vmax.f32 v59, $0.0e+00;
	[tilespmem:s22+$0xE000] =	vst v13;
	v5 =	vmul.f32 v8, v5  }
0x4c5: {  	v10 =	vadd.f32 v48, v10;
	v58 =	vmul.f32 v8, v57;
	v63 =	vmul.f32 v8, v11;
	[tilespmem:s23+$0xE010] =	vst v6  }
0x4c6: {  	v61 =	vadd.f32 v48, v16;
	v7 =	vadd.f32 v48, v7;
	v60 =	vmax.f32 v55, $0.0e+00;
	[tilespmem:s23+$0xE020] =	vst v5  }
0x4c7: {  	v62 =	vmax.f32 v10, $0.0e+00;
	v9 =	vsel vm0, v56, v58;
	v6 =	vmul.f32 v8, v60;
	[tilespmem:s23+$0xE040] =	vst v63  }
0x4c8: {  	v5 =	vmax.f32 v7, $0.0e+00;
	[tilespmem:s23+$0xE000] =	vst v9;
	v9 =	vmul.f32 v8, v62  }
0x4c9: {  	v5 =	vmul.f32 v8, v5;
	[tilespmem:s23+$0xE050] =	vst v6;
	v6 =	vmax.f32 v61, $0.0e+00  }
0x4ca: {  	v6 =	vmul.f32 v8, v6;
	[tilespmem:s23+$0xE070] =	vst v9  }
0x4cb: {  	[tilespmem:s23+$0xE060] =	vst v5  }
0x4cc: {  	s3 =	rddreg [dreg:$0x12];
	[tilespmem:s23+$0xE030] =	vst v6  }
0x4cd: {  	[hbm4b:s3+s4] =	stream.linear.scatter [tilespmem:s12], [sflag:$0x8], $0x2000, $0x38;
	[tilespmem:$0x10000] =	vst v63  }
0x4ce: {  	_ =	swait.ge [sflag:s13], $0x2000  }
0x4cf: {  	[sflag:s13] =	ssyncset.done $0x0  }
0x4d0: {  	[sflag:s13] =	ssyncadd.s32 $0xFFFFE000  }
0x4d1: {  	_ =	swait.ge [sflag:s14], $0x2000  }
0x4d2: {  	[sflag:s14] =	ssyncset.done $0x0  }
0x4d3: {  	[sflag:s14] =	ssyncadd.s32 $0xFFFFE000  }
0x4d4: {  	_ =	swait.ge [sflag:s15], $0x2000  }
0x4d5: {  	[sflag:s15] =	ssyncset.done $0x0  }
0x4d6: {  	[sflag:s15] =	ssyncadd.s32 $0xFFFFE000  }
0x4d7: {  	_ =	swait.ge [sflag:s16], $0x2000  }
0x4d8: {  	s25 =	rddreg [dreg:$0x13]  }
0x4d9: {  	s26 =	rddreg [dreg:$0x11];
	s6 =	sadd.s32 $0x1, s25  }
0x4da: {  	p0 =	sne.s32 s6, s26  }
.Ltmp13:
0x4db: {  	_ = 	snop;
	(pc) =	sbr.rel @p0 .LBB2_1-.Ltmp13, $3  }
0x4dc: {  	_ =	sdelay $0x1  }
0x4dd: {  	[sflag:s16] =	ssyncset.done $0x0  }
0x4de: {  	[sflag:s16] =	ssyncadd.s32 $0xFFFFE000  }
0x4df: {  	_ =	sfence.sel $0x180000  }
0x4e0: {  	[bflag:$0x0] =	sbarrier.arrive $0xFFFF  }
0x4e1: {  	_ =	strace $0x90000047  }
0x4e2: {  	s0 =	stileid.u32;
	[bflag:$0x2] =	sbarrier.arrive $0xFFFF  }
0x4e3: {  	p0 =	sne.s32 s0, $0x0;
	s0 =	rddreg [dreg:$0x2]  }
0x4e4: {  	s0 =	sadd.s32 @!p0 $0x100000, s0  }
0x4e5: {  	[sflag:s0] =	ssyncadd.tile.s32 @!p0 $0x1;
	_ =	shalt  }
.Lfunc_end2:
_tile_overlayer_lowered:
.L_overlay_start_2:
0x4e6: {  	(tag) =	ssettag $0x2  }
0x4e7: {  	s0 =	rddreg [dreg:$0x0];
	s2 =	stileid.u32  }
0x4e8: {  	s1 =	rddreg [dreg:$0x1];
	p0 =	sne.s32 s2, $0x0  }
0x4e9: {  	s3 =	rddreg [dreg:$0x2];
	[bflag:$0x3] =	sbarrier.arrive $0xFFFF;
	s2 =	simm.s32 @!p0 $0x1C09  }
0x4ea: {  	[timem:s3], [sflag:s2] =	dma.local @!p0 [hbm:s0], s1  }
0x4eb: {  	s0 =	simm.s32 @!p0 $0x9  }
0x4ec: {  	_ =	swait.ge @!p0 [sflag:s0], s1  }
0x4ed: {  	s1 =	ssub.s32 @!p0 $0x0, s1;
	[sflag:s0] =	ssyncset.done @!p0 $0x0  }
0x4ee: {  	[sflag:s0] =	ssyncadd.s32 @!p0 s1  }
0x4ef: {  	[bflag:$0x3] =	sbarrier.arrive $0xFFFF  }
0x4f0: {  	_ =	shalt  }

</sc_bundles>
